<compile_context>
chip_gen: v7x
topology: tpu7x:2x2x1
jax: 0.10.2.dev20260603
libtpu: 0.0.44.dev20260713+nightly
codegen_flags: <defaults>
</compile_context>

<pallas_src>
import functools

import jax
import jax.numpy as jnp
from jax import lax
from jax.experimental import pallas as pl
from jax.experimental.pallas import tpu as pltpu
from jax.experimental.pallas import tpu_sc as plsc

B, N, E = 8, 1024, 32768
NODE_DIM, EDGE_DIM, HIDDEN, HEADS = 128, 16, 128, 4
HEAD_DIM = HIDDEN // HEADS

NSUB = 16
NCORE = 2
EPT = E // NSUB
CHUNK = 128
NCHUNK = EPT // CHUNK
ROWS = N // NSUB
BPC = B // NCORE
DTOT = HEADS * N
DSL = DTOT // NSUB
HW = HIDDEN // 2



def _prep_nodes_body(nf_ref, wnt_ref, asd_ref, h_ref, sd_ref):
    h = jnp.dot(nf_ref[0], wnt_ref[...], preferred_element_type=jnp.float32)
    bits = lax.bitcast_convert_type(h, jnp.uint32)
    r = (bits + jnp.uint32(0x7FFF) + ((bits >> 16) & jnp.uint32(1))) >> 16
    word = r[:, :HW] | (r[:, HW:] << 16)
    h_ref[:, 0:HW] = lax.bitcast_convert_type(word, jnp.float32)
    sd_ref[0] = lax.dot_general(asd_ref[...], h, (((0,), (1,)), ((), ())),
                                preferred_element_type=jnp.float32)


def _prep_edges_body(eat_ref, wet_ref, ae_ref, e_ref, el_ref):
    e = lax.dot_general(eat_ref[0], wet_ref[...], (((0,), (0,)), ((), ())),
                        preferred_element_type=jnp.float32)
    bits = lax.bitcast_convert_type(e, jnp.uint32)
    r = (bits + jnp.uint32(0x7FFF) + ((bits >> 16) & jnp.uint32(1))) >> 16
    word = r[:, :HW] | (r[:, HW:] << 16)
    e_ref[0] = lax.bitcast_convert_type(word, jnp.int32)
    el_ref[0] = lax.dot_general(ae_ref[...], e, (((0,), (1,)), ((), ())),
                                preferred_element_type=jnp.float32)


def _finish_body(agg_ref, den_ref, nf_ref, g_ref, b_ref, o_ref):
    den = den_ref[0, :HEADS].T
    inv = 1.0 / jnp.where(den > 0, den, 1.0)
    invr = jnp.reshape(
        jnp.broadcast_to(inv[:, :, None], (N, HEADS, HEAD_DIM)), (N, HIDDEN))
    res = agg_ref[0] * invr + nf_ref[0]
    mean = jnp.mean(res, axis=1, keepdims=True)
    xc = res - mean
    var = jnp.mean(xc * xc, axis=1, keepdims=True)
    y = xc * lax.rsqrt(var + 1e-5) * g_ref[...] + b_ref[...]
    o_ref[0] = jnp.where(y > 0, y, jnp.exp(y) - 1.0)



_sc_mesh = plsc.VectorSubcoreMesh(core_axis_name="c", subcore_axis_name="s")


@functools.partial(
    pl.kernel,
    out_type=(
        jax.ShapeDtypeStruct((B, N, HIDDEN), jnp.float32),
        jax.ShapeDtypeStruct((B, 8, N), jnp.float32),
    ),
    mesh=_sc_mesh,
    compiler_params=pltpu.CompilerParams(needs_layout_passes=False),
    scratch_types=[
        pltpu.VMEM((NCHUNK, CHUNK), jnp.int32),
        pltpu.VMEM((NCHUNK, CHUNK), jnp.int32),
        pltpu.VMEM((CHUNK,), jnp.int32),
        pltpu.VMEM((CHUNK,), jnp.int32),
        pltpu.VMEM((CHUNK,), jnp.int32),
        pltpu.VMEM((CHUNK,), jnp.int32),
        pltpu.VMEM((N * 8,), jnp.float32),
        pltpu.VMEM((EPT * HEADS,), jnp.float32),
        pltpu.VMEM((EPT * HEADS + 16,), jnp.float32),
        pltpu.VMEM((DTOT,), jnp.float32),
        pltpu.VMEM((NSUB * DSL,), jnp.float32),
        pltpu.VMEM((DSL,), jnp.float32),
        pltpu.VMEM((CHUNK, HW), jnp.int32),
        pltpu.VMEM((CHUNK, HW), jnp.int32),
        pltpu.VMEM((CHUNK, HIDDEN), jnp.float32),
        pltpu.VMEM((CHUNK, HIDDEN), jnp.float32),
        pltpu.VMEM((ROWS, HIDDEN), jnp.float32),
        pltpu.VMEM_SHARED((N, HIDDEN), jnp.float32),
        pltpu.VMEM_SHARED((NSUB * DTOT,), jnp.float32),
        pltpu.SemaphoreType.DMA,
        pltpu.SemaphoreType.DMA,
        pltpu.SemaphoreType.DMA,
        pltpu.SemaphoreType.DMA,
        pltpu.SemaphoreType.DMA,
        pltpu.SemaphoreType.DMA,
    ],
)
def _sc_gat(h_hbm, sd_hbm, e_hbm, el_hbm, src_hbm, dst_hbm,
            agg_hbm, den_hbm,
            src_c_v, dst_c_v, gidx0, gidx1, didx0, didx1, sd_v, el_v, w_v,
            den_v, red_v, dsum_v, e_v0, e_v1, hg_v0, hg_v1, z_v,
            agg_sh, den_all_sh,
            sem_e0, sem_e1, sem_g0, sem_g1, sem_s0, sem_s1):
    gidx = (gidx0, gidx1)
    didx = (didx0, didx1)
    e_v = (e_v0, e_v1)
    hg_v = (hg_v0, hg_v1)
    sem_e = (sem_e0, sem_e1)
    sem_g = (sem_g0, sem_g1)
    cid = lax.axis_index("c")
    sid = lax.axis_index("s")

    pltpu.sync_copy(src_hbm.at[sid], src_c_v)
    pltpu.sync_copy(dst_hbm.at[sid], dst_c_v)

    def _zz(i, _):
        for j in range(HIDDEN // 16):
            z_v[i, pl.ds(j * 16, 16)] = jnp.zeros((16,), jnp.float32)
        return 0
    lax.fori_loop(0, ROWS, _zz, 0)

    def batch_body(bl, _):
        b = cid * BPC + bl

        pltpu.sync_copy(sd_hbm.at[b], sd_v)
        for h in range(HEADS):
            pltpu.sync_copy(el_hbm.at[b, h, pl.ds(sid * EPT, EPT)],
                            el_v.at[pl.ds(h * EPT, EPT)])

        def _zd(i, _):
            den_v[pl.ds(i * 16, 16)] = jnp.zeros((16,), jnp.float32)
            return 0
        lax.fori_loop(0, DTOT // 16, _zd, 0)
        pltpu.sync_copy(z_v, agg_sh.at[pl.ds(sid * ROWS, ROWS)])
        plsc.subcore_barrier()

        def phase_a(g, _):
            c = g // (CHUNK // 16)
            o = (g % (CHUNK // 16)) * 16
            src16 = src_c_v[c, pl.ds(o, 16)]
            dst16 = dst_c_v[c, pl.ds(o, 16)]
            k16 = g * 16 + lax.iota(jnp.int32, 16)
            for h in range(HEADS):
                sv = plsc.load_gather(sd_v, [src16 + h * N])
                dv = plsc.load_gather(sd_v, [dst16 + (HEADS + h) * N])
                ev = el_v[pl.ds(h * EPT + g * 16, 16)]
                l = sv + dv + ev
                l = jnp.where(l >= 0, l, l * jnp.float32(0.2))
                w = jnp.exp(l)
                plsc.store_scatter(w_v, [k16 * HEADS + h], w)
                plsc.addupdate_scatter(den_v, [dst16 + h * N], w)
            return 0
        lax.fori_loop(0, EPT // 16, phase_a, 0)

        base = b * N

        def _issue(s, p):
            for j in range(CHUNK // 16):
                gidx[p][pl.ds(j * 16, 16)] = src_c_v[s, pl.ds(j * 16, 16)] + base
                didx[p][pl.ds(j * 16, 16)] = dst_c_v[s, pl.ds(j * 16, 16)]
            pltpu.async_copy(
                e_hbm.at[b, pl.ds(sid * EPT + s * CHUNK, CHUNK)], e_v[p], sem_e[p])
            pltpu.async_copy(h_hbm.at[gidx[p]], hg_v[p], sem_g[p])

        def _wait_in(p):
            pltpu.make_async_copy(
                e_hbm.at[b, pl.ds(sid * EPT, CHUNK)], e_v[p], sem_e[p]).wait()
            pltpu.make_async_copy(h_hbm.at[gidx[p]], hg_v[p], sem_g[p]).wait()

        def _compute_scatter(s, p):
            def edge_body(k, _):
                wrow = w_v[pl.ds((s * CHUNK + k) * HEADS, 16)]
                ws = [jnp.full((16,), wrow[h]) for h in range(HEADS)]
                for g in range(HW // 16):
                    hb = plsc.bitcast(hg_v[p][k, pl.ds(g * 16, 16)],
                                      jnp.bfloat16)
                    eb = plsc.bitcast(e_v[p][k, pl.ds(g * 16, 16)],
                                      jnp.bfloat16)
                    lo, hi = plsc.unpack(hb + eb,
                                         format=plsc.PackFormat.INTERLEAVED)
                    cl = g * 16
                    ch = HW + g * 16
                    hg_v[p][k, pl.ds(cl, 16)] = lo * ws[cl // HEAD_DIM]
                    hg_v[p][k, pl.ds(ch, 16)] = hi * ws[ch // HEAD_DIM]
                return 0
            lax.fori_loop(0, CHUNK, edge_body, 0)
            pltpu.sync_copy(hg_v[p], agg_sh.at[didx[p]], add=True)

        _issue(0, 0)

        def super_body(t, _):
            _issue(2 * t + 1, 1)
            _wait_in(0)
            _compute_scatter(2 * t, 0)

            @pl.when(t < NCHUNK // 2 - 1)
            def _():
                _issue(2 * t + 2, 0)
            _wait_in(1)
            _compute_scatter(2 * t + 1, 1)
            return 0
        lax.fori_loop(0, NCHUNK // 2, super_body, 0)

        pltpu.sync_copy(den_v, den_all_sh.at[pl.ds(sid * DTOT, DTOT)])
        plsc.subcore_barrier()

        pltpu.sync_copy(agg_sh.at[pl.ds(sid * ROWS, ROWS)],
                        agg_hbm.at[b, pl.ds(sid * ROWS, ROWS)])
        for t in range(NSUB):
            pltpu.sync_copy(den_all_sh.at[pl.ds(t * DTOT + sid * DSL, DSL)],
                            red_v.at[pl.ds(t * DSL, DSL)])
        for j in range(DSL // 16):
            acc = red_v[pl.ds(j * 16, 16)]
            for t in range(1, NSUB):
                acc = acc + red_v[pl.ds(t * DSL + j * 16, 16)]
            dsum_v[pl.ds(j * 16, 16)] = acc
        pltpu.sync_copy(dsum_v,
                        den_hbm.at[b, sid // (N // DSL),
                                   pl.ds((sid % (N // DSL)) * DSL, DSL)])
        plsc.subcore_barrier()
        return 0

    lax.fori_loop(0, BPC, batch_body, 0)



def kernel(node_feat, edge_index, edge_attr, W_node, W_edge,
           att_src, att_dst, att_edge, ln_gamma, ln_beta):
    f32 = jnp.float32
    eye = jnp.eye(HEADS, dtype=f32)
    a_src = (eye[:, None, :] * att_src[:, :, None]).reshape(HIDDEN, HEADS)
    a_dst = (eye[:, None, :] * att_dst[:, :, None]).reshape(HIDDEN, HEADS)
    a_edge = (eye[:, None, :] * att_edge[:, :, None]).reshape(HIDDEN, HEADS)
    a_sd = jnp.concatenate([a_src, a_dst], axis=1)
    a_edge8 = jnp.concatenate([a_edge, jnp.zeros((HIDDEN, HEADS), f32)], axis=1)

    h, sd = pl.pallas_call(
        _prep_nodes_body,
        grid=(B,),
        in_specs=[
            pl.BlockSpec((1, N, NODE_DIM), lambda b: (b, 0, 0)),
            pl.BlockSpec((NODE_DIM, HIDDEN), lambda b: (0, 0)),
            pl.BlockSpec((HIDDEN, 2 * HEADS), lambda b: (0, 0)),
        ],
        out_specs=[
            pl.BlockSpec((N, HIDDEN), lambda b: (b, 0)),
            pl.BlockSpec((1, 2 * HEADS, N), lambda b: (b, 0, 0)),
        ],
        out_shape=[
            jax.ShapeDtypeStruct((B * N, HIDDEN), f32),
            jax.ShapeDtypeStruct((B, 2 * HEADS, N), f32),
        ],
    )(node_feat, W_node.T, a_sd)
    sd = sd.reshape(B, 2 * HEADS * N)

    ECH = 4096
    edge_attr_t = jnp.transpose(edge_attr, (0, 2, 1))
    e, el = pl.pallas_call(
        _prep_edges_body,
        grid=(B, E // ECH),
        in_specs=[
            pl.BlockSpec((1, EDGE_DIM, ECH), lambda b, c: (b, 0, c)),
            pl.BlockSpec((EDGE_DIM, HIDDEN), lambda b, c: (0, 0)),
            pl.BlockSpec((HIDDEN, 2 * HEADS), lambda b, c: (0, 0)),
        ],
        out_specs=[
            pl.BlockSpec((1, ECH, HW), lambda b, c: (b, c, 0)),
            pl.BlockSpec((1, 2 * HEADS, ECH), lambda b, c: (b, 0, c)),
        ],
        out_shape=[
            jax.ShapeDtypeStruct((B, E, HW), jnp.int32),
            jax.ShapeDtypeStruct((B, 2 * HEADS, E), f32),
        ],
    )(edge_attr_t, W_edge.T, a_edge8)

    src_r = edge_index[0].reshape(NSUB, NCHUNK, CHUNK)
    dst_r = edge_index[1].reshape(NSUB, NCHUNK, CHUNK)

    agg, den = _sc_gat(h, sd, e, el, src_r, dst_r)

    out = pl.pallas_call(
        _finish_body,
        grid=(B,),
        in_specs=[
            pl.BlockSpec((1, N, HIDDEN), lambda b: (b, 0, 0)),
            pl.BlockSpec((1, 8, N), lambda b: (b, 0, 0)),
            pl.BlockSpec((1, N, HIDDEN), lambda b: (b, 0, 0)),
            pl.BlockSpec((1, HIDDEN), lambda b: (0, 0)),
            pl.BlockSpec((1, HIDDEN), lambda b: (0, 0)),
        ],
        out_specs=pl.BlockSpec((1, N, HIDDEN), lambda b: (b, 0, 0)),
        out_shape=jax.ShapeDtypeStruct((B, N, HIDDEN), f32),
    )(agg, den, node_feat, ln_gamma.reshape(1, HIDDEN), ln_beta.reshape(1, HIDDEN))
    return out

# --- scband reference (transcript-rebuilt; emitter-appended) ---
"""Pipeline reference for scband-batched-edge-gatlayer-53936199303547 (READ-ONLY COPY).

The authoritative reference and input builder live on the scoring server;
editing this copy changes nothing except your own understanding.
"""

import jax, jax.numpy as jnp
import numpy as np

B, N, E = 8, 1024, 32768
NODE_DIM, EDGE_DIM, HIDDEN, HEADS = 128, 16, 128, 4
HEAD_DIM = HIDDEN // HEADS


def setup_inputs(seed: int = 0) -> dict:
    key = jax.random.key(seed)
    ks = jax.random.split(key, 10)
    node_feat = jax.random.normal(ks[0], (B, N, NODE_DIM), dtype=jnp.float32)
    edge_index = jax.random.randint(ks[1], (2, E), 0, N, dtype=jnp.int32)
    edge_attr = jax.random.normal(ks[2], (B, E, EDGE_DIM), dtype=jnp.float32)
    # Learned parameters (torch Linear weight layout: [out_features, in_features])
    W_node = jax.random.normal(ks[3], (HIDDEN, NODE_DIM), dtype=jnp.float32) * 0.06
    W_edge = jax.random.normal(ks[4], (HIDDEN, EDGE_DIM), dtype=jnp.float32) * 0.12
    att_src = jax.random.normal(ks[5], (HEADS, HEAD_DIM), dtype=jnp.float32) * 0.2
    att_dst = jax.random.normal(ks[6], (HEADS, HEAD_DIM), dtype=jnp.float32) * 0.2
    att_edge = jax.random.normal(ks[7], (HEADS, HEAD_DIM), dtype=jnp.float32) * 0.2
    ln_gamma = jnp.ones((HIDDEN,), dtype=jnp.float32)
    ln_beta = jnp.zeros((HIDDEN,), dtype=jnp.float32)
    return {
        "node_feat": node_feat,
        "edge_index": edge_index,
        "edge_attr": edge_attr,
        "W_node": W_node,
        "W_edge": W_edge,
        "att_src": att_src,
        "att_dst": att_dst,
        "att_edge": att_edge,
        "ln_gamma": ln_gamma,
        "ln_beta": ln_beta,
    }


def reference(node_feat, edge_index, edge_attr, W_node, W_edge, att_src, att_dst, att_edge, ln_gamma, ln_beta):
    src = edge_index[0]
    dst = edge_index[1]
    h = (node_feat @ W_node.T).reshape(B, N, HEADS, HEAD_DIM)
    e = (edge_attr @ W_edge.T).reshape(B, E, HEADS, HEAD_DIM)
    h_src = h[:, src]  # [B, E, H, D] gather
    h_dst = h[:, dst]  # [B, E, H, D] gather
    logits = (
        (h_src * att_src[None, None]).sum(-1)
        + (h_dst * att_dst[None, None]).sum(-1)
        + (e * att_edge[None, None]).sum(-1)
    )  # [B, E, H]
    logits = jax.nn.leaky_relu(logits, negative_slope=0.2)
    # Per-dst-node softmax over incoming edges (per batch, per head),
    # equivalent to the torch per-node masked softmax loop.
    lt = jnp.transpose(logits, (1, 0, 2))  # [E, B, H]
    seg_max = jax.ops.segment_max(lt, dst, num_segments=N)  # [N, B, H]
    seg_max = jnp.where(jnp.isfinite(seg_max), seg_max, 0.0)
    ex = jnp.exp(lt - jax.lax.stop_gradient(seg_max)[dst])
    denom = jax.ops.segment_sum(ex, dst, num_segments=N)  # [N, B, H]
    alpha = ex / denom[dst]  # [E, B, H]
    alpha = jnp.transpose(alpha, (1, 0, 2))  # [B, E, H]
    messages = alpha[..., None] * (h_src + e)  # [B, E, H, D]
    mt = jnp.transpose(messages, (1, 0, 2, 3))  # [E, B, H, D]
    agg = jax.ops.segment_sum(mt, dst, num_segments=N)  # [N, B, H, D] scatter-add
    out = jnp.transpose(agg, (1, 0, 2, 3)).reshape(B, N, HIDDEN)
    # residual: node_dim == hidden_dim -> Identity
    res = out + node_feat
    mean = res.mean(axis=-1, keepdims=True)
    var = res.var(axis=-1, keepdims=True)
    normed = (res - mean) / jnp.sqrt(var + 1e-5) * ln_gamma + ln_beta
    return jax.nn.elu(normed)

if __name__ == "__main__":
    import jax
    _d = setup_inputs()
    print(jax.jit(kernel)(*tuple(_d.values())))

</pallas_src>

<mosaic_0001>
#map = affine_map<(d0, d1) -> (0, 0)>
#map1 = affine_map<(d0, d1) -> (0, 0, 0)>
module attributes {stable_mosaic.version = 14 : i64} {
  func.func @_sc_gat(%arg0: i32, %arg1: i32, %arg2: memref<8192x128xf32, #tpu.memory_space<hbm>>, %arg3: memref<8x8192xf32, #tpu.memory_space<hbm>>, %arg4: memref<8x32768x64xi32, #tpu.memory_space<hbm>>, %arg5: memref<8x8x32768xf32, #tpu.memory_space<hbm>>, %arg6: memref<16x16x128xi32, #tpu.memory_space<hbm>>, %arg7: memref<16x16x128xi32, #tpu.memory_space<hbm>>, %arg8: memref<8x1024x128xf32, #tpu.memory_space<hbm>>, %arg9: memref<8x8x1024xf32, #tpu.memory_space<hbm>>, %arg10: memref<16x128xi32, #tpu.memory_space<vmem>>, %arg11: memref<16x128xi32, #tpu.memory_space<vmem>>, %arg12: memref<128xi32, #tpu.memory_space<vmem>>, %arg13: memref<128xi32, #tpu.memory_space<vmem>>, %arg14: memref<128xi32, #tpu.memory_space<vmem>>, %arg15: memref<128xi32, #tpu.memory_space<vmem>>, %arg16: memref<8192xf32, #tpu.memory_space<vmem>>, %arg17: memref<8192xf32, #tpu.memory_space<vmem>>, %arg18: memref<8208xf32, #tpu.memory_space<vmem>>, %arg19: memref<4096xf32, #tpu.memory_space<vmem>>, %arg20: memref<4096xf32, #tpu.memory_space<vmem>>, %arg21: memref<256xf32, #tpu.memory_space<vmem>>, %arg22: memref<128x64xi32, #tpu.memory_space<vmem>>, %arg23: memref<128x64xi32, #tpu.memory_space<vmem>>, %arg24: memref<128x128xf32, #tpu.memory_space<vmem>>, %arg25: memref<128x128xf32, #tpu.memory_space<vmem>>, %arg26: memref<64x128xf32, #tpu.memory_space<vmem>>, %arg27: memref<1024x128xf32, #tpu.memory_space<vmem_shared>>, %arg28: memref<65536xf32, #tpu.memory_space<vmem_shared>>, %arg29: memref<!tpu.dma_semaphore, #tpu.memory_space<semaphore_mem>>, %arg30: memref<!tpu.dma_semaphore, #tpu.memory_space<semaphore_mem>>, %arg31: memref<!tpu.dma_semaphore, #tpu.memory_space<semaphore_mem>>, %arg32: memref<!tpu.dma_semaphore, #tpu.memory_space<semaphore_mem>>, %arg33: memref<!tpu.dma_semaphore, #tpu.memory_space<semaphore_mem>>, %arg34: memref<!tpu.dma_semaphore, #tpu.memory_space<semaphore_mem>>) attributes {dimension_semantics = [#tpu.dimension_semantics<core_parallel>, #tpu.dimension_semantics<subcore_parallel>], iteration_bounds = array<i64: 2, 16>, scalar_prefetch = 0 : i64, scratch_operands = 25 : i64, tpu.core_type = #tpu.core_type<sc_vector_subcore>, window_params = [{transform_indices = #map}, {transform_indices = #map}, {transform_indices = #map1}, {transform_indices = #map1}, {transform_indices = #map1}, {transform_indices = #map1}, {transform_indices = #map1}, {transform_indices = #map1}]} {
    "tpu.region"() ({
      %run_scoped3A = tpu.sem_alloc : memref<!tpu.dma_semaphore, #tpu.memory_space<semaphore_mem>>
      %dma_start3A = arith.constant 0 : i32
      %dma_start3A_13 = arith.constant 0 : i32
      %dma_start3A_14 = tpu.memref_slice %arg6[%arg1, %dma_start3A, %dma_start3A_13] : memref<16x16x128xi32, #tpu.memory_space<hbm>> -> memref<1x16x128xi32, #tpu.memory_space<hbm>>
      %dma_start3A_15 = tpu.memref_squeeze %dma_start3A_14 : memref<1x16x128xi32, #tpu.memory_space<hbm>> -> memref<16x128xi32, #tpu.memory_space<hbm>>
      %dma_start3A_16 = arith.constant 0 : i32
      %dma_start3A_17 = arith.constant 0 : i32
      %dma_start3A_18 = tpu.memref_slice %arg6[%arg1, %dma_start3A_16, %dma_start3A_17] : memref<16x16x128xi32, #tpu.memory_space<hbm>> -> memref<1x16x128xi32, #tpu.memory_space<hbm>>
      %dma_start3A_19 = tpu.memref_squeeze %dma_start3A_18 : memref<1x16x128xi32, #tpu.memory_space<hbm>> -> memref<16x128xi32, #tpu.memory_space<hbm>>
      tpu.enqueue_dma source(%dma_start3A_19 : memref<16x128xi32, #tpu.memory_space<hbm>>) target(%arg10 : memref<16x128xi32, #tpu.memory_space<vmem>>) target_semaphore(%run_scoped3A : memref<!tpu.dma_semaphore, #tpu.memory_space<semaphore_mem>>)
      %dma_wait3A = arith.constant 0 : i32
      %dma_wait3A_20 = arith.constant 0 : i32
      %dma_wait3A_21 = tpu.memref_slice %arg6[%arg1, %dma_wait3A, %dma_wait3A_20] : memref<16x16x128xi32, #tpu.memory_space<hbm>> -> memref<1x16x128xi32, #tpu.memory_space<hbm>>
      %dma_wait3A_22 = tpu.memref_squeeze %dma_wait3A_21 : memref<1x16x128xi32, #tpu.memory_space<hbm>> -> memref<16x128xi32, #tpu.memory_space<hbm>>
      %dma_wait3A_23 = arith.constant 0 : i32
      %dma_wait3A_24 = arith.constant 0 : i32
      %dma_wait3A_25 = tpu.memref_slice %arg6[%arg1, %dma_wait3A_23, %dma_wait3A_24] : memref<16x16x128xi32, #tpu.memory_space<hbm>> -> memref<1x16x128xi32, #tpu.memory_space<hbm>>
      %dma_wait3A_26 = tpu.memref_squeeze %dma_wait3A_25 : memref<1x16x128xi32, #tpu.memory_space<hbm>> -> memref<16x128xi32, #tpu.memory_space<hbm>>
      tpu.wait_dma2 semaphore(%run_scoped3A : memref<!tpu.dma_semaphore, #tpu.memory_space<semaphore_mem>>) src(%dma_wait3A_26 : memref<16x128xi32, #tpu.memory_space<hbm>>) dst(%arg10 : memref<16x128xi32, #tpu.memory_space<vmem>>)
      tpu.yield
    }) : () -> ()
    "tpu.region"() ({
      %run_scoped3A = tpu.sem_alloc : memref<!tpu.dma_semaphore, #tpu.memory_space<semaphore_mem>>
      %dma_start3A = arith.constant 0 : i32
      %dma_start3A_13 = arith.constant 0 : i32
      %dma_start3A_14 = tpu.memref_slice %arg7[%arg1, %dma_start3A, %dma_start3A_13] : memref<16x16x128xi32, #tpu.memory_space<hbm>> -> memref<1x16x128xi32, #tpu.memory_space<hbm>>
      %dma_start3A_15 = tpu.memref_squeeze %dma_start3A_14 : memref<1x16x128xi32, #tpu.memory_space<hbm>> -> memref<16x128xi32, #tpu.memory_space<hbm>>
      %dma_start3A_16 = arith.constant 0 : i32
      %dma_start3A_17 = arith.constant 0 : i32
      %dma_start3A_18 = tpu.memref_slice %arg7[%arg1, %dma_start3A_16, %dma_start3A_17] : memref<16x16x128xi32, #tpu.memory_space<hbm>> -> memref<1x16x128xi32, #tpu.memory_space<hbm>>
      %dma_start3A_19 = tpu.memref_squeeze %dma_start3A_18 : memref<1x16x128xi32, #tpu.memory_space<hbm>> -> memref<16x128xi32, #tpu.memory_space<hbm>>
      tpu.enqueue_dma source(%dma_start3A_19 : memref<16x128xi32, #tpu.memory_space<hbm>>) target(%arg11 : memref<16x128xi32, #tpu.memory_space<vmem>>) target_semaphore(%run_scoped3A : memref<!tpu.dma_semaphore, #tpu.memory_space<semaphore_mem>>)
      %dma_wait3A = arith.constant 0 : i32
      %dma_wait3A_20 = arith.constant 0 : i32
      %dma_wait3A_21 = tpu.memref_slice %arg7[%arg1, %dma_wait3A, %dma_wait3A_20] : memref<16x16x128xi32, #tpu.memory_space<hbm>> -> memref<1x16x128xi32, #tpu.memory_space<hbm>>
      %dma_wait3A_22 = tpu.memref_squeeze %dma_wait3A_21 : memref<1x16x128xi32, #tpu.memory_space<hbm>> -> memref<16x128xi32, #tpu.memory_space<hbm>>
      %dma_wait3A_23 = arith.constant 0 : i32
      %dma_wait3A_24 = arith.constant 0 : i32
      %dma_wait3A_25 = tpu.memref_slice %arg7[%arg1, %dma_wait3A_23, %dma_wait3A_24] : memref<16x16x128xi32, #tpu.memory_space<hbm>> -> memref<1x16x128xi32, #tpu.memory_space<hbm>>
      %dma_wait3A_26 = tpu.memref_squeeze %dma_wait3A_25 : memref<1x16x128xi32, #tpu.memory_space<hbm>> -> memref<16x128xi32, #tpu.memory_space<hbm>>
      tpu.wait_dma2 semaphore(%run_scoped3A : memref<!tpu.dma_semaphore, #tpu.memory_space<semaphore_mem>>) src(%dma_wait3A_26 : memref<16x128xi32, #tpu.memory_space<hbm>>) dst(%arg11 : memref<16x128xi32, #tpu.memory_space<vmem>>)
      tpu.yield
    }) : () -> ()
    %scan3A = arith.constant 0 : i32
    %scan3A_0 = arith.constant 0 : i32
    %scan3A_1 = arith.constant 64 : i32
    %scan3A_2 = arith.addi %scan3A_0, %scan3A_1 : i32
    %scan3A_3 = arith.constant 1 : i32
    %scan3A_4 = scf.for %scan3A_13 = %scan3A_0 to %scan3A_2 step %scan3A_3 iter_args(%scan3A_14 = %scan3A) -> (i32)  : i32 {
      %broadcast_in_dim3A = arith.constant 0.000000e+00 : f32
      %broadcast_in_dim3A_15 = vector.broadcast %broadcast_in_dim3A : f32 to vector<16xf32>
      %swap3A = arith.index_cast %scan3A_13 : i32 to index
      %swap3A_16 = arith.constant 0 : index
      %swap3A_17 = tpu.vector_load %arg26[%swap3A, %swap3A_16] {strides = array<i32>} : memref<64x128xf32, #tpu.memory_space<vmem>>, vector<16xf32>,
      tpu.vector_store %arg26[%swap3A, %swap3A_16], %broadcast_in_dim3A_15 {strides = array<i32>} : memref<64x128xf32, #tpu.memory_space<vmem>>, vector<16xf32>,
      %broadcast_in_dim3A_18 = arith.constant 0.000000e+00 : f32
      %broadcast_in_dim3A_19 = vector.broadcast %broadcast_in_dim3A_18 : f32 to vector<16xf32>
      %swap3A_20 = arith.index_cast %scan3A_13 : i32 to index
      %swap3A_21 = arith.constant 16 : index
      %swap3A_22 = tpu.vector_load %arg26[%swap3A_20, %swap3A_21] {strides = array<i32>} : memref<64x128xf32, #tpu.memory_space<vmem>>, vector<16xf32>,
      tpu.vector_store %arg26[%swap3A_20, %swap3A_21], %broadcast_in_dim3A_19 {strides = array<i32>} : memref<64x128xf32, #tpu.memory_space<vmem>>, vector<16xf32>,
      %broadcast_in_dim3A_23 = arith.constant 0.000000e+00 : f32
      %broadcast_in_dim3A_24 = vector.broadcast %broadcast_in_dim3A_23 : f32 to vector<16xf32>
      %swap3A_25 = arith.index_cast %scan3A_13 : i32 to index
      %swap3A_26 = arith.constant 32 : index
      %swap3A_27 = tpu.vector_load %arg26[%swap3A_25, %swap3A_26] {strides = array<i32>} : memref<64x128xf32, #tpu.memory_space<vmem>>, vector<16xf32>,
      tpu.vector_store %arg26[%swap3A_25, %swap3A_26], %broadcast_in_dim3A_24 {strides = array<i32>} : memref<64x128xf32, #tpu.memory_space<vmem>>, vector<16xf32>,
      %broadcast_in_dim3A_28 = arith.constant 0.000000e+00 : f32
      %broadcast_in_dim3A_29 = vector.broadcast %broadcast_in_dim3A_28 : f32 to vector<16xf32>
      %swap3A_30 = arith.index_cast %scan3A_13 : i32 to index
      %swap3A_31 = arith.constant 48 : index
      %swap3A_32 = tpu.vector_load %arg26[%swap3A_30, %swap3A_31] {strides = array<i32>} : memref<64x128xf32, #tpu.memory_space<vmem>>, vector<16xf32>,
      tpu.vector_store %arg26[%swap3A_30, %swap3A_31], %broadcast_in_dim3A_29 {strides = array<i32>} : memref<64x128xf32, #tpu.memory_space<vmem>>, vector<16xf32>,
      %broadcast_in_dim3A_33 = arith.constant 0.000000e+00 : f32
      %broadcast_in_dim3A_34 = vector.broadcast %broadcast_in_dim3A_33 : f32 to vector<16xf32>
      %swap3A_35 = arith.index_cast %scan3A_13 : i32 to index
      %swap3A_36 = arith.constant 64 : index
      %swap3A_37 = tpu.vector_load %arg26[%swap3A_35, %swap3A_36] {strides = array<i32>} : memref<64x128xf32, #tpu.memory_space<vmem>>, vector<16xf32>,
      tpu.vector_store %arg26[%swap3A_35, %swap3A_36], %broadcast_in_dim3A_34 {strides = array<i32>} : memref<64x128xf32, #tpu.memory_space<vmem>>, vector<16xf32>,
      %broadcast_in_dim3A_38 = arith.constant 0.000000e+00 : f32
      %broadcast_in_dim3A_39 = vector.broadcast %broadcast_in_dim3A_38 : f32 to vector<16xf32>
      %swap3A_40 = arith.index_cast %scan3A_13 : i32 to index
      %swap3A_41 = arith.constant 80 : index
      %swap3A_42 = tpu.vector_load %arg26[%swap3A_40, %swap3A_41] {strides = array<i32>} : memref<64x128xf32, #tpu.memory_space<vmem>>, vector<16xf32>,
      tpu.vector_store %arg26[%swap3A_40, %swap3A_41], %broadcast_in_dim3A_39 {strides = array<i32>} : memref<64x128xf32, #tpu.memory_space<vmem>>, vector<16xf32>,
      %broadcast_in_dim3A_43 = arith.constant 0.000000e+00 : f32
      %broadcast_in_dim3A_44 = vector.broadcast %broadcast_in_dim3A_43 : f32 to vector<16xf32>
      %swap3A_45 = arith.index_cast %scan3A_13 : i32 to index
      %swap3A_46 = arith.constant 96 : index
      %swap3A_47 = tpu.vector_load %arg26[%swap3A_45, %swap3A_46] {strides = array<i32>} : memref<64x128xf32, #tpu.memory_space<vmem>>, vector<16xf32>,
      tpu.vector_store %arg26[%swap3A_45, %swap3A_46], %broadcast_in_dim3A_44 {strides = array<i32>} : memref<64x128xf32, #tpu.memory_space<vmem>>, vector<16xf32>,
      %broadcast_in_dim3A_48 = arith.constant 0.000000e+00 : f32
      %broadcast_in_dim3A_49 = vector.broadcast %broadcast_in_dim3A_48 : f32 to vector<16xf32>
      %swap3A_50 = arith.index_cast %scan3A_13 : i32 to index
      %swap3A_51 = arith.constant 112 : index
      %swap3A_52 = tpu.vector_load %arg26[%swap3A_50, %swap3A_51] {strides = array<i32>} : memref<64x128xf32, #tpu.memory_space<vmem>>, vector<16xf32>,
      tpu.vector_store %arg26[%swap3A_50, %swap3A_51], %broadcast_in_dim3A_49 {strides = array<i32>} : memref<64x128xf32, #tpu.memory_space<vmem>>, vector<16xf32>,
      %scan3A_53 = arith.constant 0 : i32
      scf.yield %scan3A_53 : i32
    }
    %scan3A_5 = arith.constant 64 : i32
    %scan3A_6 = arith.constant 0 : i32
    %scan3A_7 = arith.constant 0 : i32
    %scan3A_8 = arith.constant 4 : i32
    %scan3A_9 = arith.addi %scan3A_7, %scan3A_8 : i32
    %scan3A_10 = arith.constant 1 : i32
    %scan3A_11 = scf.for %scan3A_13 = %scan3A_7 to %scan3A_9 step %scan3A_10 iter_args(%scan3A_14 = %scan3A_6) -> (i32)  : i32 {
      %mul3A = arith.constant 4 : i32
      %mul3A_15 = arith.muli %arg0, %mul3A : i32
      %add3A = arith.addi %mul3A_15, %scan3A_13 : i32
      "tpu.region"() ({
        %run_scoped3A_1063 = tpu.sem_alloc : memref<!tpu.dma_semaphore, #tpu.memory_space<semaphore_mem>>
        %dma_start3A_1064 = arith.constant 0 : i32
        %dma_start3A_1065 = tpu.memref_slice %arg3[%add3A, %dma_start3A_1064] : memref<8x8192xf32, #tpu.memory_space<hbm>> -> memref<1x8192xf32, #tpu.memory_space<hbm>>
        %dma_start3A_1066 = tpu.memref_squeeze %dma_start3A_1065 : memref<1x8192xf32, #tpu.memory_space<hbm>> -> memref<8192xf32, #tpu.memory_space<hbm>>
        %dma_start3A_1067 = arith.constant 0 : i32
        %dma_start3A_1068 = tpu.memref_slice %arg3[%add3A, %dma_start3A_1067] : memref<8x8192xf32, #tpu.memory_space<hbm>> -> memref<1x8192xf32, #tpu.memory_space<hbm>>
        %dma_start3A_1069 = tpu.memref_squeeze %dma_start3A_1068 : memref<1x8192xf32, #tpu.memory_space<hbm>> -> memref<8192xf32, #tpu.memory_space<hbm>>
        tpu.enqueue_dma source(%dma_start3A_1069 : memref<8192xf32, #tpu.memory_space<hbm>>) target(%arg16 : memref<8192xf32, #tpu.memory_space<vmem>>) target_semaphore(%run_scoped3A_1063 : memref<!tpu.dma_semaphore, #tpu.memory_space<semaphore_mem>>)
        %dma_wait3A = arith.constant 0 : i32
        %dma_wait3A_1070 = tpu.memref_slice %arg3[%add3A, %dma_wait3A] : memref<8x8192xf32, #tpu.memory_space<hbm>> -> memref<1x8192xf32, #tpu.memory_space<hbm>>
        %dma_wait3A_1071 = tpu.memref_squeeze %dma_wait3A_1070 : memref<1x8192xf32, #tpu.memory_space<hbm>> -> memref<8192xf32, #tpu.memory_space<hbm>>
        %dma_wait3A_1072 = arith.constant 0 : i32
        %dma_wait3A_1073 = tpu.memref_slice %arg3[%add3A, %dma_wait3A_1072] : memref<8x8192xf32, #tpu.memory_space<hbm>> -> memref<1x8192xf32, #tpu.memory_space<hbm>>
        %dma_wait3A_1074 = tpu.memref_squeeze %dma_wait3A_1073 : memref<1x8192xf32, #tpu.memory_space<hbm>> -> memref<8192xf32, #tpu.memory_space<hbm>>
        tpu.wait_dma2 semaphore(%run_scoped3A_1063 : memref<!tpu.dma_semaphore, #tpu.memory_space<semaphore_mem>>) src(%dma_wait3A_1074 : memref<8192xf32, #tpu.memory_space<hbm>>) dst(%arg16 : memref<8192xf32, #tpu.memory_space<vmem>>)
        tpu.yield
      }) : () -> ()
      %mul3A_16 = arith.constant 2048 : i32
      %mul3A_17 = arith.muli %arg1, %mul3A_16 : i32
      %run_scoped3A = arith.constant 0 : i32
      "tpu.region"() ({
        %run_scoped3A_1063 = tpu.sem_alloc : memref<!tpu.dma_semaphore, #tpu.memory_space<semaphore_mem>>
        %dma_start3A_1064 = arith.constant 0 : i32
        %dma_start3A_1065 = tpu.memref_slice %arg17[%dma_start3A_1064] : memref<8192xf32, #tpu.memory_space<vmem>> -> memref<2048xf32, #tpu.memory_space<vmem>>
        %dma_start3A_1066 = tpu.memref_slice %arg5[%add3A, %run_scoped3A, %mul3A_17] : memref<8x8x32768xf32, #tpu.memory_space<hbm>> -> memref<1x1x2048xf32, #tpu.memory_space<hbm>>
        %dma_start3A_1067 = tpu.memref_squeeze %dma_start3A_1066 : memref<1x1x2048xf32, #tpu.memory_space<hbm>> -> memref<2048xf32, #tpu.memory_space<hbm>>
        %dma_start3A_1068 = arith.constant 0 : i32
        %dma_start3A_1069 = tpu.memref_slice %arg17[%dma_start3A_1068] : memref<8192xf32, #tpu.memory_space<vmem>> -> memref<2048xf32, #tpu.memory_space<vmem>>
        %dma_start3A_1070 = tpu.memref_slice %arg5[%add3A, %run_scoped3A, %mul3A_17] : memref<8x8x32768xf32, #tpu.memory_space<hbm>> -> memref<1x1x2048xf32, #tpu.memory_space<hbm>>
        %dma_start3A_1071 = tpu.memref_squeeze %dma_start3A_1070 : memref<1x1x2048xf32, #tpu.memory_space<hbm>> -> memref<2048xf32, #tpu.memory_space<hbm>>
        tpu.enqueue_dma source(%dma_start3A_1071 : memref<2048xf32, #tpu.memory_space<hbm>>) target(%dma_start3A_1069 : memref<2048xf32, #tpu.memory_space<vmem>>) target_semaphore(%run_scoped3A_1063 : memref<!tpu.dma_semaphore, #tpu.memory_space<semaphore_mem>>)
        %dma_wait3A = arith.constant 0 : i32
        %dma_wait3A_1072 = tpu.memref_slice %arg17[%dma_wait3A] : memref<8192xf32, #tpu.memory_space<vmem>> -> memref<2048xf32, #tpu.memory_space<vmem>>
        %dma_wait3A_1073 = tpu.memref_slice %arg5[%add3A, %run_scoped3A, %mul3A_17] : memref<8x8x32768xf32, #tpu.memory_space<hbm>> -> memref<1x1x2048xf32, #tpu.memory_space<hbm>>
        %dma_wait3A_1074 = tpu.memref_squeeze %dma_wait3A_1073 : memref<1x1x2048xf32, #tpu.memory_space<hbm>> -> memref<2048xf32, #tpu.memory_space<hbm>>
        %dma_wait3A_1075 = arith.constant 0 : i32
        %dma_wait3A_1076 = tpu.memref_slice %arg17[%dma_wait3A_1075] : memref<8192xf32, #tpu.memory_space<vmem>> -> memref<2048xf32, #tpu.memory_space<vmem>>
        %dma_wait3A_1077 = tpu.memref_slice %arg5[%add3A, %run_scoped3A, %mul3A_17] : memref<8x8x32768xf32, #tpu.memory_space<hbm>> -> memref<1x1x2048xf32, #tpu.memory_space<hbm>>
        %dma_wait3A_1078 = tpu.memref_squeeze %dma_wait3A_1077 : memref<1x1x2048xf32, #tpu.memory_space<hbm>> -> memref<2048xf32, #tpu.memory_space<hbm>>
        tpu.wait_dma2 semaphore(%run_scoped3A_1063 : memref<!tpu.dma_semaphore, #tpu.memory_space<semaphore_mem>>) src(%dma_wait3A_1078 : memref<2048xf32, #tpu.memory_space<hbm>>) dst(%dma_wait3A_1076 : memref<2048xf32, #tpu.memory_space<vmem>>)
        tpu.yield
      }) : () -> ()
      %mul3A_18 = arith.constant 2048 : i32
      %mul3A_19 = arith.muli %arg1, %mul3A_18 : i32
      %run_scoped3A_20 = arith.constant 1 : i32
      "tpu.region"() ({
        %run_scoped3A_1063 = tpu.sem_alloc : memref<!tpu.dma_semaphore, #tpu.memory_space<semaphore_mem>>
        %dma_start3A_1064 = arith.constant 2048 : i32
        %dma_start3A_1065 = tpu.memref_slice %arg17[%dma_start3A_1064] : memref<8192xf32, #tpu.memory_space<vmem>> -> memref<2048xf32, #tpu.memory_space<vmem>>
        %dma_start3A_1066 = tpu.memref_slice %arg5[%add3A, %run_scoped3A_20, %mul3A_19] : memref<8x8x32768xf32, #tpu.memory_space<hbm>> -> memref<1x1x2048xf32, #tpu.memory_space<hbm>>
        %dma_start3A_1067 = tpu.memref_squeeze %dma_start3A_1066 : memref<1x1x2048xf32, #tpu.memory_space<hbm>> -> memref<2048xf32, #tpu.memory_space<hbm>>
        %dma_start3A_1068 = arith.constant 2048 : i32
        %dma_start3A_1069 = tpu.memref_slice %arg17[%dma_start3A_1068] : memref<8192xf32, #tpu.memory_space<vmem>> -> memref<2048xf32, #tpu.memory_space<vmem>>
        %dma_start3A_1070 = tpu.memref_slice %arg5[%add3A, %run_scoped3A_20, %mul3A_19] : memref<8x8x32768xf32, #tpu.memory_space<hbm>> -> memref<1x1x2048xf32, #tpu.memory_space<hbm>>
        %dma_start3A_1071 = tpu.memref_squeeze %dma_start3A_1070 : memref<1x1x2048xf32, #tpu.memory_space<hbm>> -> memref<2048xf32, #tpu.memory_space<hbm>>
        tpu.enqueue_dma source(%dma_start3A_1071 : memref<2048xf32, #tpu.memory_space<hbm>>) target(%dma_start3A_1069 : memref<2048xf32, #tpu.memory_space<vmem>>) target_semaphore(%run_scoped3A_1063 : memref<!tpu.dma_semaphore, #tpu.memory_space<semaphore_mem>>)
        %dma_wait3A = arith.constant 2048 : i32
        %dma_wait3A_1072 = tpu.memref_slice %arg17[%dma_wait3A] : memref<8192xf32, #tpu.memory_space<vmem>> -> memref<2048xf32, #tpu.memory_space<vmem>>
        %dma_wait3A_1073 = tpu.memref_slice %arg5[%add3A, %run_scoped3A_20, %mul3A_19] : memref<8x8x32768xf32, #tpu.memory_space<hbm>> -> memref<1x1x2048xf32, #tpu.memory_space<hbm>>
        %dma_wait3A_1074 = tpu.memref_squeeze %dma_wait3A_1073 : memref<1x1x2048xf32, #tpu.memory_space<hbm>> -> memref<2048xf32, #tpu.memory_space<hbm>>
        %dma_wait3A_1075 = arith.constant 2048 : i32
        %dma_wait3A_1076 = tpu.memref_slice %arg17[%dma_wait3A_1075] : memref<8192xf32, #tpu.memory_space<vmem>> -> memref<2048xf32, #tpu.memory_space<vmem>>
        %dma_wait3A_1077 = tpu.memref_slice %arg5[%add3A, %run_scoped3A_20, %mul3A_19] : memref<8x8x32768xf32, #tpu.memory_space<hbm>> -> memref<1x1x2048xf32, #tpu.memory_space<hbm>>
        %dma_wait3A_1078 = tpu.memref_squeeze %dma_wait3A_1077 : memref<1x1x2048xf32, #tpu.memory_space<hbm>> -> memref<2048xf32, #tpu.memory_space<hbm>>
        tpu.wait_dma2 semaphore(%run_scoped3A_1063 : memref<!tpu.dma_semaphore, #tpu.memory_space<semaphore_mem>>) src(%dma_wait3A_1078 : memref<2048xf32, #tpu.memory_space<hbm>>) dst(%dma_wait3A_1076 : memref<2048xf32, #tpu.memory_space<vmem>>)
        tpu.yield
      }) : () -> ()
      %mul3A_21 = arith.constant 2048 : i32
      %mul3A_22 = arith.muli %arg1, %mul3A_21 : i32
      %run_scoped3A_23 = arith.constant 2 : i32
      "tpu.region"() ({
        %run_scoped3A_1063 = tpu.sem_alloc : memref<!tpu.dma_semaphore, #tpu.memory_space<semaphore_mem>>
        %dma_start3A_1064 = arith.constant 4096 : i32
        %dma_start3A_1065 = tpu.memref_slice %arg17[%dma_start3A_1064] : memref<8192xf32, #tpu.memory_space<vmem>> -> memref<2048xf32, #tpu.memory_space<vmem>>
        %dma_start3A_1066 = tpu.memref_slice %arg5[%add3A, %run_scoped3A_23, %mul3A_22] : memref<8x8x32768xf32, #tpu.memory_space<hbm>> -> memref<1x1x2048xf32, #tpu.memory_space<hbm>>
        %dma_start3A_1067 = tpu.memref_squeeze %dma_start3A_1066 : memref<1x1x2048xf32, #tpu.memory_space<hbm>> -> memref<2048xf32, #tpu.memory_space<hbm>>
        %dma_start3A_1068 = arith.constant 4096 : i32
        %dma_start3A_1069 = tpu.memref_slice %arg17[%dma_start3A_1068] : memref<8192xf32, #tpu.memory_space<vmem>> -> memref<2048xf32, #tpu.memory_space<vmem>>
        %dma_start3A_1070 = tpu.memref_slice %arg5[%add3A, %run_scoped3A_23, %mul3A_22] : memref<8x8x32768xf32, #tpu.memory_space<hbm>> -> memref<1x1x2048xf32, #tpu.memory_space<hbm>>
        %dma_start3A_1071 = tpu.memref_squeeze %dma_start3A_1070 : memref<1x1x2048xf32, #tpu.memory_space<hbm>> -> memref<2048xf32, #tpu.memory_space<hbm>>
        tpu.enqueue_dma source(%dma_start3A_1071 : memref<2048xf32, #tpu.memory_space<hbm>>) target(%dma_start3A_1069 : memref<2048xf32, #tpu.memory_space<vmem>>) target_semaphore(%run_scoped3A_1063 : memref<!tpu.dma_semaphore, #tpu.memory_space<semaphore_mem>>)
        %dma_wait3A = arith.constant 4096 : i32
        %dma_wait3A_1072 = tpu.memref_slice %arg17[%dma_wait3A] : memref<8192xf32, #tpu.memory_space<vmem>> -> memref<2048xf32, #tpu.memory_space<vmem>>
        %dma_wait3A_1073 = tpu.memref_slice %arg5[%add3A, %run_scoped3A_23, %mul3A_22] : memref<8x8x32768xf32, #tpu.memory_space<hbm>> -> memref<1x1x2048xf32, #tpu.memory_space<hbm>>
        %dma_wait3A_1074 = tpu.memref_squeeze %dma_wait3A_1073 : memref<1x1x2048xf32, #tpu.memory_space<hbm>> -> memref<2048xf32, #tpu.memory_space<hbm>>
        %dma_wait3A_1075 = arith.constant 4096 : i32
        %dma_wait3A_1076 = tpu.memref_slice %arg17[%dma_wait3A_1075] : memref<8192xf32, #tpu.memory_space<vmem>> -> memref<2048xf32, #tpu.memory_space<vmem>>
        %dma_wait3A_1077 = tpu.memref_slice %arg5[%add3A, %run_scoped3A_23, %mul3A_22] : memref<8x8x32768xf32, #tpu.memory_space<hbm>> -> memref<1x1x2048xf32, #tpu.memory_space<hbm>>
        %dma_wait3A_1078 = tpu.memref_squeeze %dma_wait3A_1077 : memref<1x1x2048xf32, #tpu.memory_space<hbm>> -> memref<2048xf32, #tpu.memory_space<hbm>>
        tpu.wait_dma2 semaphore(%run_scoped3A_1063 : memref<!tpu.dma_semaphore, #tpu.memory_space<semaphore_mem>>) src(%dma_wait3A_1078 : memref<2048xf32, #tpu.memory_space<hbm>>) dst(%dma_wait3A_1076 : memref<2048xf32, #tpu.memory_space<vmem>>)
        tpu.yield
      }) : () -> ()
      %mul3A_24 = arith.constant 2048 : i32
      %mul3A_25 = arith.muli %arg1, %mul3A_24 : i32
      %run_scoped3A_26 = arith.constant 3 : i32
      "tpu.region"() ({
        %run_scoped3A_1063 = tpu.sem_alloc : memref<!tpu.dma_semaphore, #tpu.memory_space<semaphore_mem>>
        %dma_start3A_1064 = arith.constant 6144 : i32
        %dma_start3A_1065 = tpu.memref_slice %arg17[%dma_start3A_1064] : memref<8192xf32, #tpu.memory_space<vmem>> -> memref<2048xf32, #tpu.memory_space<vmem>>
        %dma_start3A_1066 = tpu.memref_slice %arg5[%add3A, %run_scoped3A_26, %mul3A_25] : memref<8x8x32768xf32, #tpu.memory_space<hbm>> -> memref<1x1x2048xf32, #tpu.memory_space<hbm>>
        %dma_start3A_1067 = tpu.memref_squeeze %dma_start3A_1066 : memref<1x1x2048xf32, #tpu.memory_space<hbm>> -> memref<2048xf32, #tpu.memory_space<hbm>>
        %dma_start3A_1068 = arith.constant 6144 : i32
        %dma_start3A_1069 = tpu.memref_slice %arg17[%dma_start3A_1068] : memref<8192xf32, #tpu.memory_space<vmem>> -> memref<2048xf32, #tpu.memory_space<vmem>>
        %dma_start3A_1070 = tpu.memref_slice %arg5[%add3A, %run_scoped3A_26, %mul3A_25] : memref<8x8x32768xf32, #tpu.memory_space<hbm>> -> memref<1x1x2048xf32, #tpu.memory_space<hbm>>
        %dma_start3A_1071 = tpu.memref_squeeze %dma_start3A_1070 : memref<1x1x2048xf32, #tpu.memory_space<hbm>> -> memref<2048xf32, #tpu.memory_space<hbm>>
        tpu.enqueue_dma source(%dma_start3A_1071 : memref<2048xf32, #tpu.memory_space<hbm>>) target(%dma_start3A_1069 : memref<2048xf32, #tpu.memory_space<vmem>>) target_semaphore(%run_scoped3A_1063 : memref<!tpu.dma_semaphore, #tpu.memory_space<semaphore_mem>>)
        %dma_wait3A = arith.constant 6144 : i32
        %dma_wait3A_1072 = tpu.memref_slice %arg17[%dma_wait3A] : memref<8192xf32, #tpu.memory_space<vmem>> -> memref<2048xf32, #tpu.memory_space<vmem>>
        %dma_wait3A_1073 = tpu.memref_slice %arg5[%add3A, %run_scoped3A_26, %mul3A_25] : memref<8x8x32768xf32, #tpu.memory_space<hbm>> -> memref<1x1x2048xf32, #tpu.memory_space<hbm>>
        %dma_wait3A_1074 = tpu.memref_squeeze %dma_wait3A_1073 : memref<1x1x2048xf32, #tpu.memory_space<hbm>> -> memref<2048xf32, #tpu.memory_space<hbm>>
        %dma_wait3A_1075 = arith.constant 6144 : i32
        %dma_wait3A_1076 = tpu.memref_slice %arg17[%dma_wait3A_1075] : memref<8192xf32, #tpu.memory_space<vmem>> -> memref<2048xf32, #tpu.memory_space<vmem>>
        %dma_wait3A_1077 = tpu.memref_slice %arg5[%add3A, %run_scoped3A_26, %mul3A_25] : memref<8x8x32768xf32, #tpu.memory_space<hbm>> -> memref<1x1x2048xf32, #tpu.memory_space<hbm>>
        %dma_wait3A_1078 = tpu.memref_squeeze %dma_wait3A_1077 : memref<1x1x2048xf32, #tpu.memory_space<hbm>> -> memref<2048xf32, #tpu.memory_space<hbm>>
        tpu.wait_dma2 semaphore(%run_scoped3A_1063 : memref<!tpu.dma_semaphore, #tpu.memory_space<semaphore_mem>>) src(%dma_wait3A_1078 : memref<2048xf32, #tpu.memory_space<hbm>>) dst(%dma_wait3A_1076 : memref<2048xf32, #tpu.memory_space<vmem>>)
        tpu.yield
      }) : () -> ()
      %scan3A_27 = arith.constant 0 : i32
      %scan3A_28 = arith.constant 0 : i32
      %scan3A_29 = arith.constant 256 : i32
      %scan3A_30 = arith.addi %scan3A_28, %scan3A_29 : i32
      %scan3A_31 = arith.constant 1 : i32
      %scan3A_32 = scf.for %scan3A_1063 = %scan3A_28 to %scan3A_30 step %scan3A_31 iter_args(%scan3A_1064 = %scan3A_27) -> (i32)  : i32 {
        %broadcast_in_dim3A = arith.constant 0.000000e+00 : f32
        %broadcast_in_dim3A_1065 = vector.broadcast %broadcast_in_dim3A : f32 to vector<16xf32>
        %mul3A_1066 = arith.constant 16 : i32
        %mul3A_1067 = arith.muli %scan3A_1063, %mul3A_1066 : i32
        %swap3A_1068 = arith.index_cast %mul3A_1067 : i32 to index
        %swap3A_1069 = tpu.vector_load %arg19[%swap3A_1068] {strides = array<i32>} : memref<4096xf32, #tpu.memory_space<vmem>>, vector<16xf32>,
        tpu.vector_store %arg19[%swap3A_1068], %broadcast_in_dim3A_1065 {strides = array<i32>} : memref<4096xf32, #tpu.memory_space<vmem>>, vector<16xf32>,
        %scan3A_1070 = arith.constant 0 : i32
        scf.yield %scan3A_1070 : i32
      }
      %scan3A_33 = arith.constant 256 : i32
      %mul3A_34 = arith.constant 64 : i32
      %mul3A_35 = arith.muli %arg1, %mul3A_34 : i32
      "tpu.region"() ({
        %run_scoped3A_1063 = tpu.sem_alloc : memref<!tpu.dma_semaphore, #tpu.memory_space<semaphore_mem>>
        %dma_start3A_1064 = arith.constant 0 : i32
        %dma_start3A_1065 = tpu.memref_slice %arg27[%mul3A_35, %dma_start3A_1064] : memref<1024x128xf32, #tpu.memory_space<vmem_shared>> -> memref<64x128xf32, #tpu.memory_space<vmem_shared>>
        %dma_start3A_1066 = arith.constant 0 : i32
        %dma_start3A_1067 = tpu.memref_slice %arg27[%mul3A_35, %dma_start3A_1066] : memref<1024x128xf32, #tpu.memory_space<vmem_shared>> -> memref<64x128xf32, #tpu.memory_space<vmem_shared>>
        tpu.enqueue_dma source(%arg26 : memref<64x128xf32, #tpu.memory_space<vmem>>) target(%dma_start3A_1067 : memref<64x128xf32, #tpu.memory_space<vmem_shared>>) target_semaphore(%run_scoped3A_1063 : memref<!tpu.dma_semaphore, #tpu.memory_space<semaphore_mem>>)
        %dma_wait3A = arith.constant 0 : i32
        %dma_wait3A_1068 = tpu.memref_slice %arg27[%mul3A_35, %dma_wait3A] : memref<1024x128xf32, #tpu.memory_space<vmem_shared>> -> memref<64x128xf32, #tpu.memory_space<vmem_shared>>
        %dma_wait3A_1069 = arith.constant 0 : i32
        %dma_wait3A_1070 = tpu.memref_slice %arg27[%mul3A_35, %dma_wait3A_1069] : memref<1024x128xf32, #tpu.memory_space<vmem_shared>> -> memref<64x128xf32, #tpu.memory_space<vmem_shared>>
        tpu.wait_dma2 semaphore(%run_scoped3A_1063 : memref<!tpu.dma_semaphore, #tpu.memory_space<semaphore_mem>>) src(%arg26 : memref<64x128xf32, #tpu.memory_space<vmem>>) dst(%dma_wait3A_1070 : memref<64x128xf32, #tpu.memory_space<vmem_shared>>)
        tpu.yield
      }) : () -> ()
      %barrier3A = arith.constant 0 : index
      tpu.barrier barrier_id(%barrier3A)
      %scan3A_36 = arith.constant 0 : i32
      %scan3A_37 = arith.constant 0 : i32
      %scan3A_38 = arith.constant 128 : i32
      %scan3A_39 = arith.addi %scan3A_37, %scan3A_38 : i32
      %scan3A_40 = arith.constant 1 : i32
      %scan3A_41 = scf.for %scan3A_1063 = %scan3A_37 to %scan3A_39 step %scan3A_40 iter_args(%scan3A_1064 = %scan3A_36) -> (i32)  : i32 {
        %jit3A_1065 = arith.constant 8 : i32
        %div3A_1066 = arith.divsi %scan3A_1063, %jit3A_1065 : i32
        %sign3A_1067 = arith.constant 0 : i32
        %sign3A_1068 = arith.cmpi sgt, %scan3A_1063, %sign3A_1067 : i32
        %sign3A_1069 = arith.extui %sign3A_1068 : i1 to i32
        %sign3A_1070 = arith.constant 0 : i32
        %sign3A_1071 = arith.cmpi slt, %scan3A_1063, %sign3A_1070 : i32
        %sign3A_1072 = arith.extui %sign3A_1071 : i1 to i32
        %sign3A_1073 = arith.subi %sign3A_1069, %sign3A_1072 : i32
        %sign3A_1074 = arith.constant 0 : i32
        %sign3A_1075 = arith.cmpi sgt, %jit3A_1065, %sign3A_1074 : i32
        %sign3A_1076 = arith.extui %sign3A_1075 : i1 to i32
        %sign3A_1077 = arith.constant 0 : i32
        %sign3A_1078 = arith.cmpi slt, %jit3A_1065, %sign3A_1077 : i32
        %sign3A_1079 = arith.extui %sign3A_1078 : i1 to i32
        %sign3A_1080 = arith.subi %sign3A_1076, %sign3A_1079 : i32
        %ne3A_1081 = arith.cmpi ne, %sign3A_1073, %sign3A_1080 : i32
        %rem3A_1082 = arith.remsi %scan3A_1063, %jit3A_1065 : i32
        %ne3A_1083 = arith.constant 0 : i32
        %ne3A_1084 = arith.cmpi ne, %rem3A_1082, %ne3A_1083 : i32
        %and3A_1085 = arith.andi %ne3A_1081, %ne3A_1084 : i1
        %sub3A_1086 = arith.constant 1 : i32
        %sub3A_1087 = arith.subi %div3A_1066, %sub3A_1086 : i32
        %select_n3A_1088 = arith.select %and3A_1085, %sub3A_1087, %div3A_1066 : i32
        %jit3A_1089 = arith.constant 8 : i32
        %eq3A_1090 = arith.constant 0 : i32
        %eq3A_1091 = arith.cmpi eq, %jit3A_1089, %eq3A_1090 : i32
        %jit3A_1092 = arith.constant 1 : i32
        %select_n3A_1093 = arith.select %eq3A_1091, %jit3A_1092, %jit3A_1089 : i32
        %rem3A_1094 = arith.remsi %scan3A_1063, %select_n3A_1093 : i32
        %ne3A_1095 = arith.constant 0 : i32
        %ne3A_1096 = arith.cmpi ne, %rem3A_1094, %ne3A_1095 : i32
        %lt3A_1097 = arith.constant 0 : i32
        %lt3A_1098 = arith.cmpi slt, %rem3A_1094, %lt3A_1097 : i32
        %lt3A_1099 = arith.constant 0 : i32
        %lt3A_1100 = arith.cmpi slt, %select_n3A_1093, %lt3A_1099 : i32
        %ne3A_1101 = arith.xori %lt3A_1098, %lt3A_1100 : i1
        %and3A_1102 = arith.andi %ne3A_1101, %ne3A_1096 : i1
        %add3A_1103 = arith.addi %rem3A_1094, %select_n3A_1093 : i32
        %select_n3A_1104 = arith.select %and3A_1102, %add3A_1103, %rem3A_1094 : i32
        %mul3A_1105 = arith.constant 16 : i32
        %mul3A_1106 = arith.muli %select_n3A_1104, %mul3A_1105 : i32
        %get3A_1107 = arith.index_cast %select_n3A_1088 : i32 to index
        %get3A_1108 = arith.index_cast %mul3A_1106 : i32 to index
        %get3A_1109 = tpu.vector_load %arg10[%get3A_1107, %get3A_1108] {strides = array<i32>} : memref<16x128xi32, #tpu.memory_space<vmem>>, vector<16xi32>,
        %get3A_1110 = arith.index_cast %select_n3A_1088 : i32 to index
        %get3A_1111 = arith.index_cast %mul3A_1106 : i32 to index
        %get3A_1112 = tpu.vector_load %arg11[%get3A_1110, %get3A_1111] {strides = array<i32>} : memref<16x128xi32, #tpu.memory_space<vmem>>, vector<16xi32>,
        %mul3A_1113 = arith.constant 16 : i32
        %mul3A_1114 = arith.muli %scan3A_1063, %mul3A_1113 : i32
        %iota3A = tpu.iota {dimensions = array<i32: 0>} : vector<16xi32>
        %add3A_1115 = vector.broadcast %mul3A_1114 : i32 to vector<16xi32>
        %add3A_1116 = arith.addi %add3A_1115, %iota3A : vector<16xi32>
        %add3A_1117 = arith.constant 0 : i32
        %add3A_1118 = vector.broadcast %add3A_1117 : i32 to vector<16xi32>
        %add3A_1119 = arith.addi %get3A_1109, %add3A_1118 : vector<16xi32>
        %gather3A = tpu.vector_load_idx %arg16[%add3A_1119] : memref<8192xf32, #tpu.memory_space<vmem>>[vector<16xi32>], vector<16xf32>,
        %add3A_1120 = arith.constant 4096 : i32
        %add3A_1121 = vector.broadcast %add3A_1120 : i32 to vector<16xi32>
        %add3A_1122 = arith.addi %get3A_1112, %add3A_1121 : vector<16xi32>
        %gather3A_1123 = tpu.vector_load_idx %arg16[%add3A_1122] : memref<8192xf32, #tpu.memory_space<vmem>>[vector<16xi32>], vector<16xf32>,
        %mul3A_1124 = arith.constant 16 : i32
        %mul3A_1125 = arith.muli %scan3A_1063, %mul3A_1124 : i32
        %add3A_1126 = arith.constant 0 : i32
        %add3A_1127 = arith.addi %add3A_1126, %mul3A_1125 : i32
        %get3A_1128 = arith.index_cast %add3A_1127 : i32 to index
        %get3A_1129 = tpu.vector_load %arg17[%get3A_1128] {strides = array<i32>} : memref<8192xf32, #tpu.memory_space<vmem>>, vector<16xf32>,
        %add3A_1130 = arith.addf %gather3A, %gather3A_1123 : vector<16xf32>
        %add3A_1131 = arith.addf %add3A_1130, %get3A_1129 : vector<16xf32>
        %ge3A = arith.constant 0.000000e+00 : f32
        %ge3A_1132 = vector.broadcast %ge3A : f32 to vector<16xf32>
        %ge3A_1133 = arith.cmpf oge, %add3A_1131, %ge3A_1132 : vector<16xf32>
        %mul3A_1134 = arith.constant 2.000000e-01 : f32
        %mul3A_1135 = vector.broadcast %mul3A_1134 : f32 to vector<16xf32>
        %mul3A_1136 = arith.mulf %add3A_1131, %mul3A_1135 : vector<16xf32>
        %select_n3A_1137 = arith.select %ge3A_1133, %add3A_1131, %mul3A_1136 : vector<16xi1>, vector<16xf32>
        %exp3A = math.exp %select_n3A_1137 : vector<16xf32>
        %mul3A_1138 = arith.constant 4 : i32
        %mul3A_1139 = vector.broadcast %mul3A_1138 : i32 to vector<16xi32>
        %mul3A_1140 = arith.muli %add3A_1116, %mul3A_1139 : vector<16xi32>
        %add3A_1141 = arith.constant 0 : i32
        %add3A_1142 = vector.broadcast %add3A_1141 : i32 to vector<16xi32>
        %add3A_1143 = arith.addi %mul3A_1140, %add3A_1142 : vector<16xi32>
        tpu.vector_store_idx %arg18[%add3A_1143], %exp3A : memref<8208xf32, #tpu.memory_space<vmem>>[vector<16xi32>], vector<16xf32>,
        %add3A_1144 = arith.constant 0 : i32
        %add3A_1145 = vector.broadcast %add3A_1144 : i32 to vector<16xi32>
        %add3A_1146 = arith.addi %get3A_1112, %add3A_1145 : vector<16xi32>
        tpu.vector_store_idx %arg19[%add3A_1146], %exp3A {add = true} : memref<4096xf32, #tpu.memory_space<vmem>>[vector<16xi32>], vector<16xf32>,
        %add3A_1147 = arith.constant 1024 : i32
        %add3A_1148 = vector.broadcast %add3A_1147 : i32 to vector<16xi32>
        %add3A_1149 = arith.addi %get3A_1109, %add3A_1148 : vector<16xi32>
        %gather3A_1150 = tpu.vector_load_idx %arg16[%add3A_1149] : memref<8192xf32, #tpu.memory_space<vmem>>[vector<16xi32>], vector<16xf32>,
        %add3A_1151 = arith.constant 5120 : i32
        %add3A_1152 = vector.broadcast %add3A_1151 : i32 to vector<16xi32>
        %add3A_1153 = arith.addi %get3A_1112, %add3A_1152 : vector<16xi32>
        %gather3A_1154 = tpu.vector_load_idx %arg16[%add3A_1153] : memref<8192xf32, #tpu.memory_space<vmem>>[vector<16xi32>], vector<16xf32>,
        %mul3A_1155 = arith.constant 16 : i32
        %mul3A_1156 = arith.muli %scan3A_1063, %mul3A_1155 : i32
        %add3A_1157 = arith.constant 2048 : i32
        %add3A_1158 = arith.addi %add3A_1157, %mul3A_1156 : i32
        %get3A_1159 = arith.index_cast %add3A_1158 : i32 to index
        %get3A_1160 = tpu.vector_load %arg17[%get3A_1159] {strides = array<i32>} : memref<8192xf32, #tpu.memory_space<vmem>>, vector<16xf32>,
        %add3A_1161 = arith.addf %gather3A_1150, %gather3A_1154 : vector<16xf32>
        %add3A_1162 = arith.addf %add3A_1161, %get3A_1160 : vector<16xf32>
        %ge3A_1163 = arith.constant 0.000000e+00 : f32
        %ge3A_1164 = vector.broadcast %ge3A_1163 : f32 to vector<16xf32>
        %ge3A_1165 = arith.cmpf oge, %add3A_1162, %ge3A_1164 : vector<16xf32>
        %mul3A_1166 = arith.constant 2.000000e-01 : f32
        %mul3A_1167 = vector.broadcast %mul3A_1166 : f32 to vector<16xf32>
        %mul3A_1168 = arith.mulf %add3A_1162, %mul3A_1167 : vector<16xf32>
        %select_n3A_1169 = arith.select %ge3A_1165, %add3A_1162, %mul3A_1168 : vector<16xi1>, vector<16xf32>
        %exp3A_1170 = math.exp %select_n3A_1169 : vector<16xf32>
        %mul3A_1171 = arith.constant 4 : i32
        %mul3A_1172 = vector.broadcast %mul3A_1171 : i32 to vector<16xi32>
        %mul3A_1173 = arith.muli %add3A_1116, %mul3A_1172 : vector<16xi32>
        %add3A_1174 = arith.constant 1 : i32
        %add3A_1175 = vector.broadcast %add3A_1174 : i32 to vector<16xi32>
        %add3A_1176 = arith.addi %mul3A_1173, %add3A_1175 : vector<16xi32>
        tpu.vector_store_idx %arg18[%add3A_1176], %exp3A_1170 : memref<8208xf32, #tpu.memory_space<vmem>>[vector<16xi32>], vector<16xf32>,
        %add3A_1177 = arith.constant 1024 : i32
        %add3A_1178 = vector.broadcast %add3A_1177 : i32 to vector<16xi32>
        %add3A_1179 = arith.addi %get3A_1112, %add3A_1178 : vector<16xi32>
        tpu.vector_store_idx %arg19[%add3A_1179], %exp3A_1170 {add = true} : memref<4096xf32, #tpu.memory_space<vmem>>[vector<16xi32>], vector<16xf32>,
        %add3A_1180 = arith.constant 2048 : i32
        %add3A_1181 = vector.broadcast %add3A_1180 : i32 to vector<16xi32>
        %add3A_1182 = arith.addi %get3A_1109, %add3A_1181 : vector<16xi32>
        %gather3A_1183 = tpu.vector_load_idx %arg16[%add3A_1182] : memref<8192xf32, #tpu.memory_space<vmem>>[vector<16xi32>], vector<16xf32>,
        %add3A_1184 = arith.constant 6144 : i32
        %add3A_1185 = vector.broadcast %add3A_1184 : i32 to vector<16xi32>
        %add3A_1186 = arith.addi %get3A_1112, %add3A_1185 : vector<16xi32>
        %gather3A_1187 = tpu.vector_load_idx %arg16[%add3A_1186] : memref<8192xf32, #tpu.memory_space<vmem>>[vector<16xi32>], vector<16xf32>,
        %mul3A_1188 = arith.constant 16 : i32
        %mul3A_1189 = arith.muli %scan3A_1063, %mul3A_1188 : i32
        %add3A_1190 = arith.constant 4096 : i32
        %add3A_1191 = arith.addi %add3A_1190, %mul3A_1189 : i32
        %get3A_1192 = arith.index_cast %add3A_1191 : i32 to index
        %get3A_1193 = tpu.vector_load %arg17[%get3A_1192] {strides = array<i32>} : memref<8192xf32, #tpu.memory_space<vmem>>, vector<16xf32>,
        %add3A_1194 = arith.addf %gather3A_1183, %gather3A_1187 : vector<16xf32>
        %add3A_1195 = arith.addf %add3A_1194, %get3A_1193 : vector<16xf32>
        %ge3A_1196 = arith.constant 0.000000e+00 : f32
        %ge3A_1197 = vector.broadcast %ge3A_1196 : f32 to vector<16xf32>
        %ge3A_1198 = arith.cmpf oge, %add3A_1195, %ge3A_1197 : vector<16xf32>
        %mul3A_1199 = arith.constant 2.000000e-01 : f32
        %mul3A_1200 = vector.broadcast %mul3A_1199 : f32 to vector<16xf32>
        %mul3A_1201 = arith.mulf %add3A_1195, %mul3A_1200 : vector<16xf32>
        %select_n3A_1202 = arith.select %ge3A_1198, %add3A_1195, %mul3A_1201 : vector<16xi1>, vector<16xf32>
        %exp3A_1203 = math.exp %select_n3A_1202 : vector<16xf32>
        %mul3A_1204 = arith.constant 4 : i32
        %mul3A_1205 = vector.broadcast %mul3A_1204 : i32 to vector<16xi32>
        %mul3A_1206 = arith.muli %add3A_1116, %mul3A_1205 : vector<16xi32>
        %add3A_1207 = arith.constant 2 : i32
        %add3A_1208 = vector.broadcast %add3A_1207 : i32 to vector<16xi32>
        %add3A_1209 = arith.addi %mul3A_1206, %add3A_1208 : vector<16xi32>
        tpu.vector_store_idx %arg18[%add3A_1209], %exp3A_1203 : memref<8208xf32, #tpu.memory_space<vmem>>[vector<16xi32>], vector<16xf32>,
        %add3A_1210 = arith.constant 2048 : i32
        %add3A_1211 = vector.broadcast %add3A_1210 : i32 to vector<16xi32>
        %add3A_1212 = arith.addi %get3A_1112, %add3A_1211 : vector<16xi32>
        tpu.vector_store_idx %arg19[%add3A_1212], %exp3A_1203 {add = true} : memref<4096xf32, #tpu.memory_space<vmem>>[vector<16xi32>], vector<16xf32>,
        %add3A_1213 = arith.constant 3072 : i32
        %add3A_1214 = vector.broadcast %add3A_1213 : i32 to vector<16xi32>
        %add3A_1215 = arith.addi %get3A_1109, %add3A_1214 : vector<16xi32>
        %gather3A_1216 = tpu.vector_load_idx %arg16[%add3A_1215] : memref<8192xf32, #tpu.memory_space<vmem>>[vector<16xi32>], vector<16xf32>,
        %add3A_1217 = arith.constant 7168 : i32
        %add3A_1218 = vector.broadcast %add3A_1217 : i32 to vector<16xi32>
        %add3A_1219 = arith.addi %get3A_1112, %add3A_1218 : vector<16xi32>
        %gather3A_1220 = tpu.vector_load_idx %arg16[%add3A_1219] : memref<8192xf32, #tpu.memory_space<vmem>>[vector<16xi32>], vector<16xf32>,
        %mul3A_1221 = arith.constant 16 : i32
        %mul3A_1222 = arith.muli %scan3A_1063, %mul3A_1221 : i32
        %add3A_1223 = arith.constant 6144 : i32
        %add3A_1224 = arith.addi %add3A_1223, %mul3A_1222 : i32
        %get3A_1225 = arith.index_cast %add3A_1224 : i32 to index
        %get3A_1226 = tpu.vector_load %arg17[%get3A_1225] {strides = array<i32>} : memref<8192xf32, #tpu.memory_space<vmem>>, vector<16xf32>,
        %add3A_1227 = arith.addf %gather3A_1216, %gather3A_1220 : vector<16xf32>
        %add3A_1228 = arith.addf %add3A_1227, %get3A_1226 : vector<16xf32>
        %ge3A_1229 = arith.constant 0.000000e+00 : f32
        %ge3A_1230 = vector.broadcast %ge3A_1229 : f32 to vector<16xf32>
        %ge3A_1231 = arith.cmpf oge, %add3A_1228, %ge3A_1230 : vector<16xf32>
        %mul3A_1232 = arith.constant 2.000000e-01 : f32
        %mul3A_1233 = vector.broadcast %mul3A_1232 : f32 to vector<16xf32>
        %mul3A_1234 = arith.mulf %add3A_1228, %mul3A_1233 : vector<16xf32>
        %select_n3A_1235 = arith.select %ge3A_1231, %add3A_1228, %mul3A_1234 : vector<16xi1>, vector<16xf32>
        %exp3A_1236 = math.exp %select_n3A_1235 : vector<16xf32>
        %mul3A_1237 = arith.constant 4 : i32
        %mul3A_1238 = vector.broadcast %mul3A_1237 : i32 to vector<16xi32>
        %mul3A_1239 = arith.muli %add3A_1116, %mul3A_1238 : vector<16xi32>
        %add3A_1240 = arith.constant 3 : i32
        %add3A_1241 = vector.broadcast %add3A_1240 : i32 to vector<16xi32>
        %add3A_1242 = arith.addi %mul3A_1239, %add3A_1241 : vector<16xi32>
        tpu.vector_store_idx %arg18[%add3A_1242], %exp3A_1236 : memref<8208xf32, #tpu.memory_space<vmem>>[vector<16xi32>], vector<16xf32>,
        %add3A_1243 = arith.constant 3072 : i32
        %add3A_1244 = vector.broadcast %add3A_1243 : i32 to vector<16xi32>
        %add3A_1245 = arith.addi %get3A_1112, %add3A_1244 : vector<16xi32>
        tpu.vector_store_idx %arg19[%add3A_1245], %exp3A_1236 {add = true} : memref<4096xf32, #tpu.memory_space<vmem>>[vector<16xi32>], vector<16xf32>,
        %scan3A_1246 = arith.constant 0 : i32
        scf.yield %scan3A_1246 : i32
      }
      %scan3A_42 = arith.constant 128 : i32
      %mul3A_43 = arith.constant 1024 : i32
      %mul3A_44 = arith.muli %add3A, %mul3A_43 : i32
      %get3A = arith.constant 0 : i32
      %get3A_45 = arith.index_cast %get3A : i32 to index
      %get3A_46 = arith.constant 0 : index
      %get3A_47 = tpu.vector_load %arg10[%get3A_45, %get3A_46] {strides = array<i32>} : memref<16x128xi32, #tpu.memory_space<vmem>>, vector<16xi32>,
      %add3A_48 = vector.broadcast %mul3A_44 : i32 to vector<16xi32>
      %add3A_49 = arith.addi %get3A_47, %add3A_48 : vector<16xi32>
      %swap3A = arith.constant 0 : index
      %swap3A_50 = tpu.vector_load %arg12[%swap3A] {strides = array<i32>} : memref<128xi32, #tpu.memory_space<vmem>>, vector<16xi32>,
      tpu.vector_store %arg12[%swap3A], %add3A_49 {strides = array<i32>} : memref<128xi32, #tpu.memory_space<vmem>>, vector<16xi32>,
      %get3A_51 = arith.constant 0 : i32
      %get3A_52 = arith.index_cast %get3A_51 : i32 to index
      %get3A_53 = arith.constant 0 : index
      %get3A_54 = tpu.vector_load %arg11[%get3A_52, %get3A_53] {strides = array<i32>} : memref<16x128xi32, #tpu.memory_space<vmem>>, vector<16xi32>,
      %swap3A_55 = arith.constant 0 : index
      %swap3A_56 = tpu.vector_load %arg14[%swap3A_55] {strides = array<i32>} : memref<128xi32, #tpu.memory_space<vmem>>, vector<16xi32>,
      tpu.vector_store %arg14[%swap3A_55], %get3A_54 {strides = array<i32>} : memref<128xi32, #tpu.memory_space<vmem>>, vector<16xi32>,
      %get3A_57 = arith.constant 0 : i32
      %get3A_58 = arith.index_cast %get3A_57 : i32 to index
      %get3A_59 = arith.constant 16 : index
      %get3A_60 = tpu.vector_load %arg10[%get3A_58, %get3A_59] {strides = array<i32>} : memref<16x128xi32, #tpu.memory_space<vmem>>, vector<16xi32>,
      %add3A_61 = vector.broadcast %mul3A_44 : i32 to vector<16xi32>
      %add3A_62 = arith.addi %get3A_60, %add3A_61 : vector<16xi32>
      %swap3A_63 = arith.constant 16 : index
      %swap3A_64 = tpu.vector_load %arg12[%swap3A_63] {strides = array<i32>} : memref<128xi32, #tpu.memory_space<vmem>>, vector<16xi32>,
      tpu.vector_store %arg12[%swap3A_63], %add3A_62 {strides = array<i32>} : memref<128xi32, #tpu.memory_space<vmem>>, vector<16xi32>,
      %get3A_65 = arith.constant 0 : i32
      %get3A_66 = arith.index_cast %get3A_65 : i32 to index
      %get3A_67 = arith.constant 16 : index
      %get3A_68 = tpu.vector_load %arg11[%get3A_66, %get3A_67] {strides = array<i32>} : memref<16x128xi32, #tpu.memory_space<vmem>>, vector<16xi32>,
      %swap3A_69 = arith.constant 16 : index
      %swap3A_70 = tpu.vector_load %arg14[%swap3A_69] {strides = array<i32>} : memref<128xi32, #tpu.memory_space<vmem>>, vector<16xi32>,
      tpu.vector_store %arg14[%swap3A_69], %get3A_68 {strides = array<i32>} : memref<128xi32, #tpu.memory_space<vmem>>, vector<16xi32>,
      %get3A_71 = arith.constant 0 : i32
      %get3A_72 = arith.index_cast %get3A_71 : i32 to index
      %get3A_73 = arith.constant 32 : index
      %get3A_74 = tpu.vector_load %arg10[%get3A_72, %get3A_73] {strides = array<i32>} : memref<16x128xi32, #tpu.memory_space<vmem>>, vector<16xi32>,
      %add3A_75 = vector.broadcast %mul3A_44 : i32 to vector<16xi32>
      %add3A_76 = arith.addi %get3A_74, %add3A_75 : vector<16xi32>
      %swap3A_77 = arith.constant 32 : index
      %swap3A_78 = tpu.vector_load %arg12[%swap3A_77] {strides = array<i32>} : memref<128xi32, #tpu.memory_space<vmem>>, vector<16xi32>,
      tpu.vector_store %arg12[%swap3A_77], %add3A_76 {strides = array<i32>} : memref<128xi32, #tpu.memory_space<vmem>>, vector<16xi32>,
      %get3A_79 = arith.constant 0 : i32
      %get3A_80 = arith.index_cast %get3A_79 : i32 to index
      %get3A_81 = arith.constant 32 : index
      %get3A_82 = tpu.vector_load %arg11[%get3A_80, %get3A_81] {strides = array<i32>} : memref<16x128xi32, #tpu.memory_space<vmem>>, vector<16xi32>,
      %swap3A_83 = arith.constant 32 : index
      %swap3A_84 = tpu.vector_load %arg14[%swap3A_83] {strides = array<i32>} : memref<128xi32, #tpu.memory_space<vmem>>, vector<16xi32>,
      tpu.vector_store %arg14[%swap3A_83], %get3A_82 {strides = array<i32>} : memref<128xi32, #tpu.memory_space<vmem>>, vector<16xi32>,
      %get3A_85 = arith.constant 0 : i32
      %get3A_86 = arith.index_cast %get3A_85 : i32 to index
      %get3A_87 = arith.constant 48 : index
      %get3A_88 = tpu.vector_load %arg10[%get3A_86, %get3A_87] {strides = array<i32>} : memref<16x128xi32, #tpu.memory_space<vmem>>, vector<16xi32>,
      %add3A_89 = vector.broadcast %mul3A_44 : i32 to vector<16xi32>
      %add3A_90 = arith.addi %get3A_88, %add3A_89 : vector<16xi32>
      %swap3A_91 = arith.constant 48 : index
      %swap3A_92 = tpu.vector_load %arg12[%swap3A_91] {strides = array<i32>} : memref<128xi32, #tpu.memory_space<vmem>>, vector<16xi32>,
      tpu.vector_store %arg12[%swap3A_91], %add3A_90 {strides = array<i32>} : memref<128xi32, #tpu.memory_space<vmem>>, vector<16xi32>,
      %get3A_93 = arith.constant 0 : i32
      %get3A_94 = arith.index_cast %get3A_93 : i32 to index
      %get3A_95 = arith.constant 48 : index
      %get3A_96 = tpu.vector_load %arg11[%get3A_94, %get3A_95] {strides = array<i32>} : memref<16x128xi32, #tpu.memory_space<vmem>>, vector<16xi32>,
      %swap3A_97 = arith.constant 48 : index
      %swap3A_98 = tpu.vector_load %arg14[%swap3A_97] {strides = array<i32>} : memref<128xi32, #tpu.memory_space<vmem>>, vector<16xi32>,
      tpu.vector_store %arg14[%swap3A_97], %get3A_96 {strides = array<i32>} : memref<128xi32, #tpu.memory_space<vmem>>, vector<16xi32>,
      %get3A_99 = arith.constant 0 : i32
      %get3A_100 = arith.index_cast %get3A_99 : i32 to index
      %get3A_101 = arith.constant 64 : index
      %get3A_102 = tpu.vector_load %arg10[%get3A_100, %get3A_101] {strides = array<i32>} : memref<16x128xi32, #tpu.memory_space<vmem>>, vector<16xi32>,
      %add3A_103 = vector.broadcast %mul3A_44 : i32 to vector<16xi32>
      %add3A_104 = arith.addi %get3A_102, %add3A_103 : vector<16xi32>
      %swap3A_105 = arith.constant 64 : index
      %swap3A_106 = tpu.vector_load %arg12[%swap3A_105] {strides = array<i32>} : memref<128xi32, #tpu.memory_space<vmem>>, vector<16xi32>,
      tpu.vector_store %arg12[%swap3A_105], %add3A_104 {strides = array<i32>} : memref<128xi32, #tpu.memory_space<vmem>>, vector<16xi32>,
      %get3A_107 = arith.constant 0 : i32
      %get3A_108 = arith.index_cast %get3A_107 : i32 to index
      %get3A_109 = arith.constant 64 : index
      %get3A_110 = tpu.vector_load %arg11[%get3A_108, %get3A_109] {strides = array<i32>} : memref<16x128xi32, #tpu.memory_space<vmem>>, vector<16xi32>,
      %swap3A_111 = arith.constant 64 : index
      %swap3A_112 = tpu.vector_load %arg14[%swap3A_111] {strides = array<i32>} : memref<128xi32, #tpu.memory_space<vmem>>, vector<16xi32>,
      tpu.vector_store %arg14[%swap3A_111], %get3A_110 {strides = array<i32>} : memref<128xi32, #tpu.memory_space<vmem>>, vector<16xi32>,
      %get3A_113 = arith.constant 0 : i32
      %get3A_114 = arith.index_cast %get3A_113 : i32 to index
      %get3A_115 = arith.constant 80 : index
      %get3A_116 = tpu.vector_load %arg10[%get3A_114, %get3A_115] {strides = array<i32>} : memref<16x128xi32, #tpu.memory_space<vmem>>, vector<16xi32>,
      %add3A_117 = vector.broadcast %mul3A_44 : i32 to vector<16xi32>
      %add3A_118 = arith.addi %get3A_116, %add3A_117 : vector<16xi32>
      %swap3A_119 = arith.constant 80 : index
      %swap3A_120 = tpu.vector_load %arg12[%swap3A_119] {strides = array<i32>} : memref<128xi32, #tpu.memory_space<vmem>>, vector<16xi32>,
      tpu.vector_store %arg12[%swap3A_119], %add3A_118 {strides = array<i32>} : memref<128xi32, #tpu.memory_space<vmem>>, vector<16xi32>,
      %get3A_121 = arith.constant 0 : i32
      %get3A_122 = arith.index_cast %get3A_121 : i32 to index
      %get3A_123 = arith.constant 80 : index
      %get3A_124 = tpu.vector_load %arg11[%get3A_122, %get3A_123] {strides = array<i32>} : memref<16x128xi32, #tpu.memory_space<vmem>>, vector<16xi32>,
      %swap3A_125 = arith.constant 80 : index
      %swap3A_126 = tpu.vector_load %arg14[%swap3A_125] {strides = array<i32>} : memref<128xi32, #tpu.memory_space<vmem>>, vector<16xi32>,
      tpu.vector_store %arg14[%swap3A_125], %get3A_124 {strides = array<i32>} : memref<128xi32, #tpu.memory_space<vmem>>, vector<16xi32>,
      %get3A_127 = arith.constant 0 : i32
      %get3A_128 = arith.index_cast %get3A_127 : i32 to index
      %get3A_129 = arith.constant 96 : index
      %get3A_130 = tpu.vector_load %arg10[%get3A_128, %get3A_129] {strides = array<i32>} : memref<16x128xi32, #tpu.memory_space<vmem>>, vector<16xi32>,
      %add3A_131 = vector.broadcast %mul3A_44 : i32 to vector<16xi32>
      %add3A_132 = arith.addi %get3A_130, %add3A_131 : vector<16xi32>
      %swap3A_133 = arith.constant 96 : index
      %swap3A_134 = tpu.vector_load %arg12[%swap3A_133] {strides = array<i32>} : memref<128xi32, #tpu.memory_space<vmem>>, vector<16xi32>,
      tpu.vector_store %arg12[%swap3A_133], %add3A_132 {strides = array<i32>} : memref<128xi32, #tpu.memory_space<vmem>>, vector<16xi32>,
      %get3A_135 = arith.constant 0 : i32
      %get3A_136 = arith.index_cast %get3A_135 : i32 to index
      %get3A_137 = arith.constant 96 : index
      %get3A_138 = tpu.vector_load %arg11[%get3A_136, %get3A_137] {strides = array<i32>} : memref<16x128xi32, #tpu.memory_space<vmem>>, vector<16xi32>,
      %swap3A_139 = arith.constant 96 : index
      %swap3A_140 = tpu.vector_load %arg14[%swap3A_139] {strides = array<i32>} : memref<128xi32, #tpu.memory_space<vmem>>, vector<16xi32>,
      tpu.vector_store %arg14[%swap3A_139], %get3A_138 {strides = array<i32>} : memref<128xi32, #tpu.memory_space<vmem>>, vector<16xi32>,
      %get3A_141 = arith.constant 0 : i32
      %get3A_142 = arith.index_cast %get3A_141 : i32 to index
      %get3A_143 = arith.constant 112 : index
      %get3A_144 = tpu.vector_load %arg10[%get3A_142, %get3A_143] {strides = array<i32>} : memref<16x128xi32, #tpu.memory_space<vmem>>, vector<16xi32>,
      %add3A_145 = vector.broadcast %mul3A_44 : i32 to vector<16xi32>
      %add3A_146 = arith.addi %get3A_144, %add3A_145 : vector<16xi32>
      %swap3A_147 = arith.constant 112 : index
      %swap3A_148 = tpu.vector_load %arg12[%swap3A_147] {strides = array<i32>} : memref<128xi32, #tpu.memory_space<vmem>>, vector<16xi32>,
      tpu.vector_store %arg12[%swap3A_147], %add3A_146 {strides = array<i32>} : memref<128xi32, #tpu.memory_space<vmem>>, vector<16xi32>,
      %get3A_149 = arith.constant 0 : i32
      %get3A_150 = arith.index_cast %get3A_149 : i32 to index
      %get3A_151 = arith.constant 112 : index
      %get3A_152 = tpu.vector_load %arg11[%get3A_150, %get3A_151] {strides = array<i32>} : memref<16x128xi32, #tpu.memory_space<vmem>>, vector<16xi32>,
      %swap3A_153 = arith.constant 112 : index
      %swap3A_154 = tpu.vector_load %arg14[%swap3A_153] {strides = array<i32>} : memref<128xi32, #tpu.memory_space<vmem>>, vector<16xi32>,
      tpu.vector_store %arg14[%swap3A_153], %get3A_152 {strides = array<i32>} : memref<128xi32, #tpu.memory_space<vmem>>, vector<16xi32>,
      %mul3A_155 = arith.constant 2048 : i32
      %mul3A_156 = arith.muli %arg1, %mul3A_155 : i32
      %add3A_157 = arith.constant 0 : i32
      %add3A_158 = arith.addi %mul3A_156, %add3A_157 : i32
      %dma_start3A = arith.constant 0 : i32
      %dma_start3A_159 = tpu.memref_slice %arg4[%add3A, %add3A_158, %dma_start3A] : memref<8x32768x64xi32, #tpu.memory_space<hbm>> -> memref<1x128x64xi32, #tpu.memory_space<hbm>>
      %dma_start3A_160 = tpu.memref_squeeze %dma_start3A_159 : memref<1x128x64xi32, #tpu.memory_space<hbm>> -> memref<128x64xi32, #tpu.memory_space<hbm>>
      %dma_start3A_161 = arith.constant 0 : i32
      %dma_start3A_162 = tpu.memref_slice %arg4[%add3A, %add3A_158, %dma_start3A_161] : memref<8x32768x64xi32, #tpu.memory_space<hbm>> -> memref<1x128x64xi32, #tpu.memory_space<hbm>>
      %dma_start3A_163 = tpu.memref_squeeze %dma_start3A_162 : memref<1x128x64xi32, #tpu.memory_space<hbm>> -> memref<128x64xi32, #tpu.memory_space<hbm>>
      tpu.enqueue_dma source(%dma_start3A_163 : memref<128x64xi32, #tpu.memory_space<hbm>>) target(%arg22 : memref<128x64xi32, #tpu.memory_space<vmem>>) target_semaphore(%arg29 : memref<!tpu.dma_semaphore, #tpu.memory_space<semaphore_mem>>)
      %dma_start3A_164 = arith.constant 0 : i32
      %dma_start3A_165 = arith.constant 0 : i32
      %dma_start3A_166 = tpu.memref_slice %arg2[%dma_start3A_164, %dma_start3A_165] : memref<8192x128xf32, #tpu.memory_space<hbm>> -> memref<8192x128xf32, #tpu.memory_space<hbm>>
      tpu.enqueue_indirect_dma source(%dma_start3A_166 : memref<8192x128xf32, #tpu.memory_space<hbm>>) target(%arg24 : memref<128x128xf32, #tpu.memory_space<vmem>>) offsets(%arg12 : memref<128xi32, #tpu.memory_space<vmem>>) semaphore(%arg31 : memref<!tpu.dma_semaphore, #tpu.memory_space<semaphore_mem>>)
      %scan3A_167 = arith.constant 0 : i32
      %scan3A_168 = arith.constant 0 : i32
      %scan3A_169 = arith.constant 8 : i32
      %scan3A_170 = arith.addi %scan3A_168, %scan3A_169 : i32
      %scan3A_171 = arith.constant 1 : i32
      %scan3A_172 = scf.for %scan3A_1063 = %scan3A_168 to %scan3A_170 step %scan3A_171 iter_args(%scan3A_1064 = %scan3A_167) -> (i32)  : i32 {
        %mul3A_1065 = arith.constant 2 : i32
        %mul3A_1066 = arith.muli %mul3A_1065, %scan3A_1063 : i32
        %add3A_1067 = arith.constant 1 : i32
        %add3A_1068 = arith.addi %mul3A_1066, %add3A_1067 : i32
        %get3A_1069 = arith.index_cast %add3A_1068 : i32 to index
        %get3A_1070 = arith.constant 0 : index
        %get3A_1071 = tpu.vector_load %arg10[%get3A_1069, %get3A_1070] {strides = array<i32>} : memref<16x128xi32, #tpu.memory_space<vmem>>, vector<16xi32>,
        %add3A_1072 = vector.broadcast %mul3A_44 : i32 to vector<16xi32>
        %add3A_1073 = arith.addi %get3A_1071, %add3A_1072 : vector<16xi32>
        %swap3A_1074 = arith.constant 0 : index
        %swap3A_1075 = tpu.vector_load %arg13[%swap3A_1074] {strides = array<i32>} : memref<128xi32, #tpu.memory_space<vmem>>, vector<16xi32>,
        tpu.vector_store %arg13[%swap3A_1074], %add3A_1073 {strides = array<i32>} : memref<128xi32, #tpu.memory_space<vmem>>, vector<16xi32>,
        %get3A_1076 = arith.index_cast %add3A_1068 : i32 to index
        %get3A_1077 = arith.constant 0 : index
        %get3A_1078 = tpu.vector_load %arg11[%get3A_1076, %get3A_1077] {strides = array<i32>} : memref<16x128xi32, #tpu.memory_space<vmem>>, vector<16xi32>,
        %swap3A_1079 = arith.constant 0 : index
        %swap3A_1080 = tpu.vector_load %arg15[%swap3A_1079] {strides = array<i32>} : memref<128xi32, #tpu.memory_space<vmem>>, vector<16xi32>,
        tpu.vector_store %arg15[%swap3A_1079], %get3A_1078 {strides = array<i32>} : memref<128xi32, #tpu.memory_space<vmem>>, vector<16xi32>,
        %get3A_1081 = arith.index_cast %add3A_1068 : i32 to index
        %get3A_1082 = arith.constant 16 : index
        %get3A_1083 = tpu.vector_load %arg10[%get3A_1081, %get3A_1082] {strides = array<i32>} : memref<16x128xi32, #tpu.memory_space<vmem>>, vector<16xi32>,
        %add3A_1084 = vector.broadcast %mul3A_44 : i32 to vector<16xi32>
        %add3A_1085 = arith.addi %get3A_1083, %add3A_1084 : vector<16xi32>
        %swap3A_1086 = arith.constant 16 : index
        %swap3A_1087 = tpu.vector_load %arg13[%swap3A_1086] {strides = array<i32>} : memref<128xi32, #tpu.memory_space<vmem>>, vector<16xi32>,
        tpu.vector_store %arg13[%swap3A_1086], %add3A_1085 {strides = array<i32>} : memref<128xi32, #tpu.memory_space<vmem>>, vector<16xi32>,
        %get3A_1088 = arith.index_cast %add3A_1068 : i32 to index
        %get3A_1089 = arith.constant 16 : index
        %get3A_1090 = tpu.vector_load %arg11[%get3A_1088, %get3A_1089] {strides = array<i32>} : memref<16x128xi32, #tpu.memory_space<vmem>>, vector<16xi32>,
        %swap3A_1091 = arith.constant 16 : index
        %swap3A_1092 = tpu.vector_load %arg15[%swap3A_1091] {strides = array<i32>} : memref<128xi32, #tpu.memory_space<vmem>>, vector<16xi32>,
        tpu.vector_store %arg15[%swap3A_1091], %get3A_1090 {strides = array<i32>} : memref<128xi32, #tpu.memory_space<vmem>>, vector<16xi32>,
        %get3A_1093 = arith.index_cast %add3A_1068 : i32 to index
        %get3A_1094 = arith.constant 32 : index
        %get3A_1095 = tpu.vector_load %arg10[%get3A_1093, %get3A_1094] {strides = array<i32>} : memref<16x128xi32, #tpu.memory_space<vmem>>, vector<16xi32>,
        %add3A_1096 = vector.broadcast %mul3A_44 : i32 to vector<16xi32>
        %add3A_1097 = arith.addi %get3A_1095, %add3A_1096 : vector<16xi32>
        %swap3A_1098 = arith.constant 32 : index
        %swap3A_1099 = tpu.vector_load %arg13[%swap3A_1098] {strides = array<i32>} : memref<128xi32, #tpu.memory_space<vmem>>, vector<16xi32>,
        tpu.vector_store %arg13[%swap3A_1098], %add3A_1097 {strides = array<i32>} : memref<128xi32, #tpu.memory_space<vmem>>, vector<16xi32>,
        %get3A_1100 = arith.index_cast %add3A_1068 : i32 to index
        %get3A_1101 = arith.constant 32 : index
        %get3A_1102 = tpu.vector_load %arg11[%get3A_1100, %get3A_1101] {strides = array<i32>} : memref<16x128xi32, #tpu.memory_space<vmem>>, vector<16xi32>,
        %swap3A_1103 = arith.constant 32 : index
        %swap3A_1104 = tpu.vector_load %arg15[%swap3A_1103] {strides = array<i32>} : memref<128xi32, #tpu.memory_space<vmem>>, vector<16xi32>,
        tpu.vector_store %arg15[%swap3A_1103], %get3A_1102 {strides = array<i32>} : memref<128xi32, #tpu.memory_space<vmem>>, vector<16xi32>,
        %get3A_1105 = arith.index_cast %add3A_1068 : i32 to index
        %get3A_1106 = arith.constant 48 : index
        %get3A_1107 = tpu.vector_load %arg10[%get3A_1105, %get3A_1106] {strides = array<i32>} : memref<16x128xi32, #tpu.memory_space<vmem>>, vector<16xi32>,
        %add3A_1108 = vector.broadcast %mul3A_44 : i32 to vector<16xi32>
        %add3A_1109 = arith.addi %get3A_1107, %add3A_1108 : vector<16xi32>
        %swap3A_1110 = arith.constant 48 : index
        %swap3A_1111 = tpu.vector_load %arg13[%swap3A_1110] {strides = array<i32>} : memref<128xi32, #tpu.memory_space<vmem>>, vector<16xi32>,
        tpu.vector_store %arg13[%swap3A_1110], %add3A_1109 {strides = array<i32>} : memref<128xi32, #tpu.memory_space<vmem>>, vector<16xi32>,
        %get3A_1112 = arith.index_cast %add3A_1068 : i32 to index
        %get3A_1113 = arith.constant 48 : index
        %get3A_1114 = tpu.vector_load %arg11[%get3A_1112, %get3A_1113] {strides = array<i32>} : memref<16x128xi32, #tpu.memory_space<vmem>>, vector<16xi32>,
        %swap3A_1115 = arith.constant 48 : index
        %swap3A_1116 = tpu.vector_load %arg15[%swap3A_1115] {strides = array<i32>} : memref<128xi32, #tpu.memory_space<vmem>>, vector<16xi32>,
        tpu.vector_store %arg15[%swap3A_1115], %get3A_1114 {strides = array<i32>} : memref<128xi32, #tpu.memory_space<vmem>>, vector<16xi32>,
        %get3A_1117 = arith.index_cast %add3A_1068 : i32 to index
        %get3A_1118 = arith.constant 64 : index
        %get3A_1119 = tpu.vector_load %arg10[%get3A_1117, %get3A_1118] {strides = array<i32>} : memref<16x128xi32, #tpu.memory_space<vmem>>, vector<16xi32>,
        %add3A_1120 = vector.broadcast %mul3A_44 : i32 to vector<16xi32>
        %add3A_1121 = arith.addi %get3A_1119, %add3A_1120 : vector<16xi32>
        %swap3A_1122 = arith.constant 64 : index
        %swap3A_1123 = tpu.vector_load %arg13[%swap3A_1122] {strides = array<i32>} : memref<128xi32, #tpu.memory_space<vmem>>, vector<16xi32>,
        tpu.vector_store %arg13[%swap3A_1122], %add3A_1121 {strides = array<i32>} : memref<128xi32, #tpu.memory_space<vmem>>, vector<16xi32>,
        %get3A_1124 = arith.index_cast %add3A_1068 : i32 to index
        %get3A_1125 = arith.constant 64 : index
        %get3A_1126 = tpu.vector_load %arg11[%get3A_1124, %get3A_1125] {strides = array<i32>} : memref<16x128xi32, #tpu.memory_space<vmem>>, vector<16xi32>,
        %swap3A_1127 = arith.constant 64 : index
        %swap3A_1128 = tpu.vector_load %arg15[%swap3A_1127] {strides = array<i32>} : memref<128xi32, #tpu.memory_space<vmem>>, vector<16xi32>,
        tpu.vector_store %arg15[%swap3A_1127], %get3A_1126 {strides = array<i32>} : memref<128xi32, #tpu.memory_space<vmem>>, vector<16xi32>,
        %get3A_1129 = arith.index_cast %add3A_1068 : i32 to index
        %get3A_1130 = arith.constant 80 : index
        %get3A_1131 = tpu.vector_load %arg10[%get3A_1129, %get3A_1130] {strides = array<i32>} : memref<16x128xi32, #tpu.memory_space<vmem>>, vector<16xi32>,
        %add3A_1132 = vector.broadcast %mul3A_44 : i32 to vector<16xi32>
        %add3A_1133 = arith.addi %get3A_1131, %add3A_1132 : vector<16xi32>
        %swap3A_1134 = arith.constant 80 : index
        %swap3A_1135 = tpu.vector_load %arg13[%swap3A_1134] {strides = array<i32>} : memref<128xi32, #tpu.memory_space<vmem>>, vector<16xi32>,
        tpu.vector_store %arg13[%swap3A_1134], %add3A_1133 {strides = array<i32>} : memref<128xi32, #tpu.memory_space<vmem>>, vector<16xi32>,
        %get3A_1136 = arith.index_cast %add3A_1068 : i32 to index
        %get3A_1137 = arith.constant 80 : index
        %get3A_1138 = tpu.vector_load %arg11[%get3A_1136, %get3A_1137] {strides = array<i32>} : memref<16x128xi32, #tpu.memory_space<vmem>>, vector<16xi32>,
        %swap3A_1139 = arith.constant 80 : index
        %swap3A_1140 = tpu.vector_load %arg15[%swap3A_1139] {strides = array<i32>} : memref<128xi32, #tpu.memory_space<vmem>>, vector<16xi32>,
        tpu.vector_store %arg15[%swap3A_1139], %get3A_1138 {strides = array<i32>} : memref<128xi32, #tpu.memory_space<vmem>>, vector<16xi32>,
        %get3A_1141 = arith.index_cast %add3A_1068 : i32 to index
        %get3A_1142 = arith.constant 96 : index
        %get3A_1143 = tpu.vector_load %arg10[%get3A_1141, %get3A_1142] {strides = array<i32>} : memref<16x128xi32, #tpu.memory_space<vmem>>, vector<16xi32>,
        %add3A_1144 = vector.broadcast %mul3A_44 : i32 to vector<16xi32>
        %add3A_1145 = arith.addi %get3A_1143, %add3A_1144 : vector<16xi32>
        %swap3A_1146 = arith.constant 96 : index
        %swap3A_1147 = tpu.vector_load %arg13[%swap3A_1146] {strides = array<i32>} : memref<128xi32, #tpu.memory_space<vmem>>, vector<16xi32>,
        tpu.vector_store %arg13[%swap3A_1146], %add3A_1145 {strides = array<i32>} : memref<128xi32, #tpu.memory_space<vmem>>, vector<16xi32>,
        %get3A_1148 = arith.index_cast %add3A_1068 : i32 to index
        %get3A_1149 = arith.constant 96 : index
        %get3A_1150 = tpu.vector_load %arg11[%get3A_1148, %get3A_1149] {strides = array<i32>} : memref<16x128xi32, #tpu.memory_space<vmem>>, vector<16xi32>,
        %swap3A_1151 = arith.constant 96 : index
        %swap3A_1152 = tpu.vector_load %arg15[%swap3A_1151] {strides = array<i32>} : memref<128xi32, #tpu.memory_space<vmem>>, vector<16xi32>,
        tpu.vector_store %arg15[%swap3A_1151], %get3A_1150 {strides = array<i32>} : memref<128xi32, #tpu.memory_space<vmem>>, vector<16xi32>,
        %get3A_1153 = arith.index_cast %add3A_1068 : i32 to index
        %get3A_1154 = arith.constant 112 : index
        %get3A_1155 = tpu.vector_load %arg10[%get3A_1153, %get3A_1154] {strides = array<i32>} : memref<16x128xi32, #tpu.memory_space<vmem>>, vector<16xi32>,
        %add3A_1156 = vector.broadcast %mul3A_44 : i32 to vector<16xi32>
        %add3A_1157 = arith.addi %get3A_1155, %add3A_1156 : vector<16xi32>
        %swap3A_1158 = arith.constant 112 : index
        %swap3A_1159 = tpu.vector_load %arg13[%swap3A_1158] {strides = array<i32>} : memref<128xi32, #tpu.memory_space<vmem>>, vector<16xi32>,
        tpu.vector_store %arg13[%swap3A_1158], %add3A_1157 {strides = array<i32>} : memref<128xi32, #tpu.memory_space<vmem>>, vector<16xi32>,
        %get3A_1160 = arith.index_cast %add3A_1068 : i32 to index
        %get3A_1161 = arith.constant 112 : index
        %get3A_1162 = tpu.vector_load %arg11[%get3A_1160, %get3A_1161] {strides = array<i32>} : memref<16x128xi32, #tpu.memory_space<vmem>>, vector<16xi32>,
        %swap3A_1163 = arith.constant 112 : index
        %swap3A_1164 = tpu.vector_load %arg15[%swap3A_1163] {strides = array<i32>} : memref<128xi32, #tpu.memory_space<vmem>>, vector<16xi32>,
        tpu.vector_store %arg15[%swap3A_1163], %get3A_1162 {strides = array<i32>} : memref<128xi32, #tpu.memory_space<vmem>>, vector<16xi32>,
        %mul3A_1165 = arith.constant 2048 : i32
        %mul3A_1166 = arith.muli %arg1, %mul3A_1165 : i32
        %mul3A_1167 = arith.constant 128 : i32
        %mul3A_1168 = arith.muli %add3A_1068, %mul3A_1167 : i32
        %add3A_1169 = arith.addi %mul3A_1166, %mul3A_1168 : i32
        %dma_start3A_1170 = arith.constant 0 : i32
        %dma_start3A_1171 = tpu.memref_slice %arg4[%add3A, %add3A_1169, %dma_start3A_1170] : memref<8x32768x64xi32, #tpu.memory_space<hbm>> -> memref<1x128x64xi32, #tpu.memory_space<hbm>>
        %dma_start3A_1172 = tpu.memref_squeeze %dma_start3A_1171 : memref<1x128x64xi32, #tpu.memory_space<hbm>> -> memref<128x64xi32, #tpu.memory_space<hbm>>
        %dma_start3A_1173 = arith.constant 0 : i32
        %dma_start3A_1174 = tpu.memref_slice %arg4[%add3A, %add3A_1169, %dma_start3A_1173] : memref<8x32768x64xi32, #tpu.memory_space<hbm>> -> memref<1x128x64xi32, #tpu.memory_space<hbm>>
        %dma_start3A_1175 = tpu.memref_squeeze %dma_start3A_1174 : memref<1x128x64xi32, #tpu.memory_space<hbm>> -> memref<128x64xi32, #tpu.memory_space<hbm>>
        tpu.enqueue_dma source(%dma_start3A_1175 : memref<128x64xi32, #tpu.memory_space<hbm>>) target(%arg23 : memref<128x64xi32, #tpu.memory_space<vmem>>) target_semaphore(%arg30 : memref<!tpu.dma_semaphore, #tpu.memory_space<semaphore_mem>>)
        %dma_start3A_1176 = arith.constant 0 : i32
        %dma_start3A_1177 = arith.constant 0 : i32
        %dma_start3A_1178 = tpu.memref_slice %arg2[%dma_start3A_1176, %dma_start3A_1177] : memref<8192x128xf32, #tpu.memory_space<hbm>> -> memref<8192x128xf32, #tpu.memory_space<hbm>>
        tpu.enqueue_indirect_dma source(%dma_start3A_1178 : memref<8192x128xf32, #tpu.memory_space<hbm>>) target(%arg25 : memref<128x128xf32, #tpu.memory_space<vmem>>) offsets(%arg13 : memref<128xi32, #tpu.memory_space<vmem>>) semaphore(%arg32 : memref<!tpu.dma_semaphore, #tpu.memory_space<semaphore_mem>>)
        %mul3A_1179 = arith.constant 2048 : i32
        %mul3A_1180 = arith.muli %arg1, %mul3A_1179 : i32
        %dma_wait3A = arith.constant 0 : i32
        %dma_wait3A_1181 = tpu.memref_slice %arg4[%add3A, %mul3A_1180, %dma_wait3A] : memref<8x32768x64xi32, #tpu.memory_space<hbm>> -> memref<1x128x64xi32, #tpu.memory_space<hbm>>
        %dma_wait3A_1182 = tpu.memref_squeeze %dma_wait3A_1181 : memref<1x128x64xi32, #tpu.memory_space<hbm>> -> memref<128x64xi32, #tpu.memory_space<hbm>>
        %dma_wait3A_1183 = arith.constant 0 : i32
        %dma_wait3A_1184 = tpu.memref_slice %arg4[%add3A, %mul3A_1180, %dma_wait3A_1183] : memref<8x32768x64xi32, #tpu.memory_space<hbm>> -> memref<1x128x64xi32, #tpu.memory_space<hbm>>
        %dma_wait3A_1185 = tpu.memref_squeeze %dma_wait3A_1184 : memref<1x128x64xi32, #tpu.memory_space<hbm>> -> memref<128x64xi32, #tpu.memory_space<hbm>>
        tpu.wait_dma2 semaphore(%arg29 : memref<!tpu.dma_semaphore, #tpu.memory_space<semaphore_mem>>) src(%dma_wait3A_1185 : memref<128x64xi32, #tpu.memory_space<hbm>>) dst(%arg22 : memref<128x64xi32, #tpu.memory_space<vmem>>)
        %dma_wait3A_1186 = arith.constant 0 : i32
        %dma_wait3A_1187 = arith.constant 0 : i32
        %dma_wait3A_1188 = tpu.memref_slice %arg2[%dma_wait3A_1186, %dma_wait3A_1187] : memref<8192x128xf32, #tpu.memory_space<hbm>> -> memref<8192x128xf32, #tpu.memory_space<hbm>>
        tpu.wait_indirect_dma semaphore(%arg31 : memref<!tpu.dma_semaphore, #tpu.memory_space<semaphore_mem>>) src(%dma_wait3A_1188 : memref<8192x128xf32, #tpu.memory_space<hbm>>) dst(%arg24 : memref<128x128xf32, #tpu.memory_space<vmem>>)
        %mul3A_1189 = arith.constant 2 : i32
        %mul3A_1190 = arith.muli %mul3A_1189, %scan3A_1063 : i32
        %scan3A_1191 = arith.constant 0 : i32
        %scan3A_1192 = arith.constant 0 : i32
        %scan3A_1193 = arith.constant 128 : i32
        %scan3A_1194 = arith.addi %scan3A_1192, %scan3A_1193 : i32
        %scan3A_1195 = arith.constant 1 : i32
        %scan3A_1196 = scf.for %scan3A_1224 = %scan3A_1192 to %scan3A_1194 step %scan3A_1195 iter_args(%scan3A_1225 = %scan3A_1191) -> (i32)  : i32 {
          %mul3A_1226 = arith.constant 128 : i32
          %mul3A_1227 = arith.muli %mul3A_1190, %mul3A_1226 : i32
          %add3A_1228 = arith.addi %mul3A_1227, %scan3A_1224 : i32
          %mul3A_1229 = arith.constant 4 : i32
          %mul3A_1230 = arith.muli %add3A_1228, %mul3A_1229 : i32
          %get3A_1231 = arith.index_cast %mul3A_1230 : i32 to index
          %get3A_1232 = tpu.vector_load %arg18[%get3A_1231] {strides = array<i32>} : memref<8208xf32, #tpu.memory_space<vmem>>, vector<16xf32>,
          %slice3A = vector.extract_strided_slice %get3A_1232 {offsets = [0], sizes = [1], strides = [1]} : vector<16xf32> to vector<1xf32>
          %squeeze3A = vector.extract %slice3A[0] : f32 from vector<1xf32>
          %broadcast_in_dim3A = vector.broadcast %squeeze3A : f32 to vector<16xf32>
          %slice3A_1233 = vector.extract_strided_slice %get3A_1232 {offsets = [1], sizes = [1], strides = [1]} : vector<16xf32> to vector<1xf32>
          %squeeze3A_1234 = vector.extract %slice3A_1233[0] : f32 from vector<1xf32>
          %broadcast_in_dim3A_1235 = vector.broadcast %squeeze3A_1234 : f32 to vector<16xf32>
          %slice3A_1236 = vector.extract_strided_slice %get3A_1232 {offsets = [2], sizes = [1], strides = [1]} : vector<16xf32> to vector<1xf32>
          %squeeze3A_1237 = vector.extract %slice3A_1236[0] : f32 from vector<1xf32>
          %broadcast_in_dim3A_1238 = vector.broadcast %squeeze3A_1237 : f32 to vector<16xf32>
          %slice3A_1239 = vector.extract_strided_slice %get3A_1232 {offsets = [3], sizes = [1], strides = [1]} : vector<16xf32> to vector<1xf32>
          %squeeze3A_1240 = vector.extract %slice3A_1239[0] : f32 from vector<1xf32>
          %broadcast_in_dim3A_1241 = vector.broadcast %squeeze3A_1240 : f32 to vector<16xf32>
          %get3A_1242 = arith.index_cast %scan3A_1224 : i32 to index
          %get3A_1243 = arith.constant 0 : index
          %get3A_1244 = tpu.vector_load %arg24[%get3A_1242, %get3A_1243] {strides = array<i32>} : memref<128x128xf32, #tpu.memory_space<vmem>>, vector<16xf32>,
          %bitcast3A = vector.bitcast %get3A_1244 : vector<16xf32> to vector<32xbf16>
          %get3A_1245 = arith.index_cast %scan3A_1224 : i32 to index
          %get3A_1246 = arith.constant 0 : index
          %get3A_1247 = tpu.vector_load %arg22[%get3A_1245, %get3A_1246] {strides = array<i32>} : memref<128x64xi32, #tpu.memory_space<vmem>>, vector<16xi32>,
          %bitcast3A_1248 = vector.bitcast %get3A_1247 : vector<16xi32> to vector<32xbf16>
          %add3A_1249 = arith.addf %bitcast3A, %bitcast3A_1248 : vector<32xbf16>
          %unpack3A = tpu.unpack_subelements %add3A_1249, 0 {pack_format = #tpu.pack_format<interleaved>} : vector<32xbf16> -> vector<16xf32>
          %unpack3A_1250 = tpu.unpack_subelements %add3A_1249, 1 {pack_format = #tpu.pack_format<interleaved>} : vector<32xbf16> -> vector<16xf32>
          %mul3A_1251 = arith.mulf %unpack3A, %broadcast_in_dim3A : vector<16xf32>
          %swap3A_1252 = arith.index_cast %scan3A_1224 : i32 to index
          %swap3A_1253 = arith.constant 0 : index
          %swap3A_1254 = tpu.vector_load %arg24[%swap3A_1252, %swap3A_1253] {strides = array<i32>} : memref<128x128xf32, #tpu.memory_space<vmem>>, vector<16xf32>,
          tpu.vector_store %arg24[%swap3A_1252, %swap3A_1253], %mul3A_1251 {strides = array<i32>} : memref<128x128xf32, #tpu.memory_space<vmem>>, vector<16xf32>,
          %mul3A_1255 = arith.mulf %unpack3A_1250, %broadcast_in_dim3A_1238 : vector<16xf32>
          %swap3A_1256 = arith.index_cast %scan3A_1224 : i32 to index
          %swap3A_1257 = arith.constant 64 : index
          %swap3A_1258 = tpu.vector_load %arg24[%swap3A_1256, %swap3A_1257] {strides = array<i32>} : memref<128x128xf32, #tpu.memory_space<vmem>>, vector<16xf32>,
          tpu.vector_store %arg24[%swap3A_1256, %swap3A_1257], %mul3A_1255 {strides = array<i32>} : memref<128x128xf32, #tpu.memory_space<vmem>>, vector<16xf32>,
          %get3A_1259 = arith.index_cast %scan3A_1224 : i32 to index
          %get3A_1260 = arith.constant 16 : index
          %get3A_1261 = tpu.vector_load %arg24[%get3A_1259, %get3A_1260] {strides = array<i32>} : memref<128x128xf32, #tpu.memory_space<vmem>>, vector<16xf32>,
          %bitcast3A_1262 = vector.bitcast %get3A_1261 : vector<16xf32> to vector<32xbf16>
          %get3A_1263 = arith.index_cast %scan3A_1224 : i32 to index
          %get3A_1264 = arith.constant 16 : index
          %get3A_1265 = tpu.vector_load %arg22[%get3A_1263, %get3A_1264] {strides = array<i32>} : memref<128x64xi32, #tpu.memory_space<vmem>>, vector<16xi32>,
          %bitcast3A_1266 = vector.bitcast %get3A_1265 : vector<16xi32> to vector<32xbf16>
          %add3A_1267 = arith.addf %bitcast3A_1262, %bitcast3A_1266 : vector<32xbf16>
          %unpack3A_1268 = tpu.unpack_subelements %add3A_1267, 0 {pack_format = #tpu.pack_format<interleaved>} : vector<32xbf16> -> vector<16xf32>
          %unpack3A_1269 = tpu.unpack_subelements %add3A_1267, 1 {pack_format = #tpu.pack_format<interleaved>} : vector<32xbf16> -> vector<16xf32>
          %mul3A_1270 = arith.mulf %unpack3A_1268, %broadcast_in_dim3A : vector<16xf32>
          %swap3A_1271 = arith.index_cast %scan3A_1224 : i32 to index
          %swap3A_1272 = arith.constant 16 : index
          %swap3A_1273 = tpu.vector_load %arg24[%swap3A_1271, %swap3A_1272] {strides = array<i32>} : memref<128x128xf32, #tpu.memory_space<vmem>>, vector<16xf32>,
          tpu.vector_store %arg24[%swap3A_1271, %swap3A_1272], %mul3A_1270 {strides = array<i32>} : memref<128x128xf32, #tpu.memory_space<vmem>>, vector<16xf32>,
          %mul3A_1274 = arith.mulf %unpack3A_1269, %broadcast_in_dim3A_1238 : vector<16xf32>
          %swap3A_1275 = arith.index_cast %scan3A_1224 : i32 to index
          %swap3A_1276 = arith.constant 80 : index
          %swap3A_1277 = tpu.vector_load %arg24[%swap3A_1275, %swap3A_1276] {strides = array<i32>} : memref<128x128xf32, #tpu.memory_space<vmem>>, vector<16xf32>,
          tpu.vector_store %arg24[%swap3A_1275, %swap3A_1276], %mul3A_1274 {strides = array<i32>} : memref<128x128xf32, #tpu.memory_space<vmem>>, vector<16xf32>,
          %get3A_1278 = arith.index_cast %scan3A_1224 : i32 to index
          %get3A_1279 = arith.constant 32 : index
          %get3A_1280 = tpu.vector_load %arg24[%get3A_1278, %get3A_1279] {strides = array<i32>} : memref<128x128xf32, #tpu.memory_space<vmem>>, vector<16xf32>,
          %bitcast3A_1281 = vector.bitcast %get3A_1280 : vector<16xf32> to vector<32xbf16>
          %get3A_1282 = arith.index_cast %scan3A_1224 : i32 to index
          %get3A_1283 = arith.constant 32 : index
          %get3A_1284 = tpu.vector_load %arg22[%get3A_1282, %get3A_1283] {strides = array<i32>} : memref<128x64xi32, #tpu.memory_space<vmem>>, vector<16xi32>,
          %bitcast3A_1285 = vector.bitcast %get3A_1284 : vector<16xi32> to vector<32xbf16>
          %add3A_1286 = arith.addf %bitcast3A_1281, %bitcast3A_1285 : vector<32xbf16>
          %unpack3A_1287 = tpu.unpack_subelements %add3A_1286, 0 {pack_format = #tpu.pack_format<interleaved>} : vector<32xbf16> -> vector<16xf32>
          %unpack3A_1288 = tpu.unpack_subelements %add3A_1286, 1 {pack_format = #tpu.pack_format<interleaved>} : vector<32xbf16> -> vector<16xf32>
          %mul3A_1289 = arith.mulf %unpack3A_1287, %broadcast_in_dim3A_1235 : vector<16xf32>
          %swap3A_1290 = arith.index_cast %scan3A_1224 : i32 to index
          %swap3A_1291 = arith.constant 32 : index
          %swap3A_1292 = tpu.vector_load %arg24[%swap3A_1290, %swap3A_1291] {strides = array<i32>} : memref<128x128xf32, #tpu.memory_space<vmem>>, vector<16xf32>,
          tpu.vector_store %arg24[%swap3A_1290, %swap3A_1291], %mul3A_1289 {strides = array<i32>} : memref<128x128xf32, #tpu.memory_space<vmem>>, vector<16xf32>,
          %mul3A_1293 = arith.mulf %unpack3A_1288, %broadcast_in_dim3A_1241 : vector<16xf32>
          %swap3A_1294 = arith.index_cast %scan3A_1224 : i32 to index
          %swap3A_1295 = arith.constant 96 : index
          %swap3A_1296 = tpu.vector_load %arg24[%swap3A_1294, %swap3A_1295] {strides = array<i32>} : memref<128x128xf32, #tpu.memory_space<vmem>>, vector<16xf32>,
          tpu.vector_store %arg24[%swap3A_1294, %swap3A_1295], %mul3A_1293 {strides = array<i32>} : memref<128x128xf32, #tpu.memory_space<vmem>>, vector<16xf32>,
          %get3A_1297 = arith.index_cast %scan3A_1224 : i32 to index
          %get3A_1298 = arith.constant 48 : index
          %get3A_1299 = tpu.vector_load %arg24[%get3A_1297, %get3A_1298] {strides = array<i32>} : memref<128x128xf32, #tpu.memory_space<vmem>>, vector<16xf32>,
          %bitcast3A_1300 = vector.bitcast %get3A_1299 : vector<16xf32> to vector<32xbf16>
          %get3A_1301 = arith.index_cast %scan3A_1224 : i32 to index
          %get3A_1302 = arith.constant 48 : index
          %get3A_1303 = tpu.vector_load %arg22[%get3A_1301, %get3A_1302] {strides = array<i32>} : memref<128x64xi32, #tpu.memory_space<vmem>>, vector<16xi32>,
          %bitcast3A_1304 = vector.bitcast %get3A_1303 : vector<16xi32> to vector<32xbf16>
          %add3A_1305 = arith.addf %bitcast3A_1300, %bitcast3A_1304 : vector<32xbf16>
          %unpack3A_1306 = tpu.unpack_subelements %add3A_1305, 0 {pack_format = #tpu.pack_format<interleaved>} : vector<32xbf16> -> vector<16xf32>
          %unpack3A_1307 = tpu.unpack_subelements %add3A_1305, 1 {pack_format = #tpu.pack_format<interleaved>} : vector<32xbf16> -> vector<16xf32>
          %mul3A_1308 = arith.mulf %unpack3A_1306, %broadcast_in_dim3A_1235 : vector<16xf32>
          %swap3A_1309 = arith.index_cast %scan3A_1224 : i32 to index
          %swap3A_1310 = arith.constant 48 : index
          %swap3A_1311 = tpu.vector_load %arg24[%swap3A_1309, %swap3A_1310] {strides = array<i32>} : memref<128x128xf32, #tpu.memory_space<vmem>>, vector<16xf32>,
          tpu.vector_store %arg24[%swap3A_1309, %swap3A_1310], %mul3A_1308 {strides = array<i32>} : memref<128x128xf32, #tpu.memory_space<vmem>>, vector<16xf32>,
          %mul3A_1312 = arith.mulf %unpack3A_1307, %broadcast_in_dim3A_1241 : vector<16xf32>
          %swap3A_1313 = arith.index_cast %scan3A_1224 : i32 to index
          %swap3A_1314 = arith.constant 112 : index
          %swap3A_1315 = tpu.vector_load %arg24[%swap3A_1313, %swap3A_1314] {strides = array<i32>} : memref<128x128xf32, #tpu.memory_space<vmem>>, vector<16xf32>,
          tpu.vector_store %arg24[%swap3A_1313, %swap3A_1314], %mul3A_1312 {strides = array<i32>} : memref<128x128xf32, #tpu.memory_space<vmem>>, vector<16xf32>,
          %scan3A_1316 = arith.constant 0 : i32
          scf.yield %scan3A_1316 : i32
        }
        %scan3A_1197 = arith.constant 128 : i32
        "tpu.region"() ({
          %run_scoped3A_1224 = tpu.sem_alloc : memref<!tpu.dma_semaphore, #tpu.memory_space<semaphore_mem>>
          %dma_start3A_1225 = arith.constant 0 : i32
          %dma_start3A_1226 = arith.constant 0 : i32
          %dma_start3A_1227 = tpu.memref_slice %arg27[%dma_start3A_1225, %dma_start3A_1226] : memref<1024x128xf32, #tpu.memory_space<vmem_shared>> -> memref<1024x128xf32, #tpu.memory_space<vmem_shared>>
          tpu.enqueue_indirect_dma source(%arg24 : memref<128x128xf32, #tpu.memory_space<vmem>>) target(%dma_start3A_1227 : memref<1024x128xf32, #tpu.memory_space<vmem_shared>>) offsets(%arg14 : memref<128xi32, #tpu.memory_space<vmem>>) semaphore(%run_scoped3A_1224 : memref<!tpu.dma_semaphore, #tpu.memory_space<semaphore_mem>>) {add = true}
          %dma_wait3A_1228 = arith.constant 0 : i32
          %dma_wait3A_1229 = arith.constant 0 : i32
          %dma_wait3A_1230 = tpu.memref_slice %arg27[%dma_wait3A_1228, %dma_wait3A_1229] : memref<1024x128xf32, #tpu.memory_space<vmem_shared>> -> memref<1024x128xf32, #tpu.memory_space<vmem_shared>>
          tpu.wait_indirect_dma semaphore(%run_scoped3A_1224 : memref<!tpu.dma_semaphore, #tpu.memory_space<semaphore_mem>>) src(%arg24 : memref<128x128xf32, #tpu.memory_space<vmem>>) dst(%dma_wait3A_1230 : memref<1024x128xf32, #tpu.memory_space<vmem_shared>>)
          tpu.yield
        }) : () -> ()
        %lt3A_1198 = arith.constant 7 : i32
        %lt3A_1199 = arith.cmpi slt, %scan3A_1063, %lt3A_1198 : i32
        %convert_element_type3A = arith.extui %lt3A_1199 : i1 to i32
        %cond3A = arith.constant 0 : i32
        %cond3A_1200 = arith.cmpi ne, %convert_element_type3A, %cond3A : i32
        scf.if %cond3A_1200 {
          %mul3A_1224 = arith.constant 2 : i32
          %mul3A_1225 = arith.muli %mul3A_1224, %scan3A_1063 : i32
          %add3A_1226 = arith.constant 2 : i32
          %add3A_1227 = arith.addi %mul3A_1225, %add3A_1226 : i32
          %get3A_1228 = arith.index_cast %add3A_1227 : i32 to index
          %get3A_1229 = arith.constant 0 : index
          %get3A_1230 = tpu.vector_load %arg10[%get3A_1228, %get3A_1229] {strides = array<i32>} : memref<16x128xi32, #tpu.memory_space<vmem>>, vector<16xi32>,
          %add3A_1231 = vector.broadcast %mul3A_44 : i32 to vector<16xi32>
          %add3A_1232 = arith.addi %get3A_1230, %add3A_1231 : vector<16xi32>
          %swap3A_1233 = arith.constant 0 : index
          %swap3A_1234 = tpu.vector_load %arg12[%swap3A_1233] {strides = array<i32>} : memref<128xi32, #tpu.memory_space<vmem>>, vector<16xi32>,
          tpu.vector_store %arg12[%swap3A_1233], %add3A_1232 {strides = array<i32>} : memref<128xi32, #tpu.memory_space<vmem>>, vector<16xi32>,
          %get3A_1235 = arith.index_cast %add3A_1227 : i32 to index
          %get3A_1236 = arith.constant 0 : index
          %get3A_1237 = tpu.vector_load %arg11[%get3A_1235, %get3A_1236] {strides = array<i32>} : memref<16x128xi32, #tpu.memory_space<vmem>>, vector<16xi32>,
          %swap3A_1238 = arith.constant 0 : index
          %swap3A_1239 = tpu.vector_load %arg14[%swap3A_1238] {strides = array<i32>} : memref<128xi32, #tpu.memory_space<vmem>>, vector<16xi32>,
          tpu.vector_store %arg14[%swap3A_1238], %get3A_1237 {strides = array<i32>} : memref<128xi32, #tpu.memory_space<vmem>>, vector<16xi32>,
          %get3A_1240 = arith.index_cast %add3A_1227 : i32 to index
          %get3A_1241 = arith.constant 16 : index
          %get3A_1242 = tpu.vector_load %arg10[%get3A_1240, %get3A_1241] {strides = array<i32>} : memref<16x128xi32, #tpu.memory_space<vmem>>, vector<16xi32>,
          %add3A_1243 = vector.broadcast %mul3A_44 : i32 to vector<16xi32>
          %add3A_1244 = arith.addi %get3A_1242, %add3A_1243 : vector<16xi32>
          %swap3A_1245 = arith.constant 16 : index
          %swap3A_1246 = tpu.vector_load %arg12[%swap3A_1245] {strides = array<i32>} : memref<128xi32, #tpu.memory_space<vmem>>, vector<16xi32>,
          tpu.vector_store %arg12[%swap3A_1245], %add3A_1244 {strides = array<i32>} : memref<128xi32, #tpu.memory_space<vmem>>, vector<16xi32>,
          %get3A_1247 = arith.index_cast %add3A_1227 : i32 to index
          %get3A_1248 = arith.constant 16 : index
          %get3A_1249 = tpu.vector_load %arg11[%get3A_1247, %get3A_1248] {strides = array<i32>} : memref<16x128xi32, #tpu.memory_space<vmem>>, vector<16xi32>,
          %swap3A_1250 = arith.constant 16 : index
          %swap3A_1251 = tpu.vector_load %arg14[%swap3A_1250] {strides = array<i32>} : memref<128xi32, #tpu.memory_space<vmem>>, vector<16xi32>,
          tpu.vector_store %arg14[%swap3A_1250], %get3A_1249 {strides = array<i32>} : memref<128xi32, #tpu.memory_space<vmem>>, vector<16xi32>,
          %get3A_1252 = arith.index_cast %add3A_1227 : i32 to index
          %get3A_1253 = arith.constant 32 : index
          %get3A_1254 = tpu.vector_load %arg10[%get3A_1252, %get3A_1253] {strides = array<i32>} : memref<16x128xi32, #tpu.memory_space<vmem>>, vector<16xi32>,
          %add3A_1255 = vector.broadcast %mul3A_44 : i32 to vector<16xi32>
          %add3A_1256 = arith.addi %get3A_1254, %add3A_1255 : vector<16xi32>
          %swap3A_1257 = arith.constant 32 : index
          %swap3A_1258 = tpu.vector_load %arg12[%swap3A_1257] {strides = array<i32>} : memref<128xi32, #tpu.memory_space<vmem>>, vector<16xi32>,
          tpu.vector_store %arg12[%swap3A_1257], %add3A_1256 {strides = array<i32>} : memref<128xi32, #tpu.memory_space<vmem>>, vector<16xi32>,
          %get3A_1259 = arith.index_cast %add3A_1227 : i32 to index
          %get3A_1260 = arith.constant 32 : index
          %get3A_1261 = tpu.vector_load %arg11[%get3A_1259, %get3A_1260] {strides = array<i32>} : memref<16x128xi32, #tpu.memory_space<vmem>>, vector<16xi32>,
          %swap3A_1262 = arith.constant 32 : index
          %swap3A_1263 = tpu.vector_load %arg14[%swap3A_1262] {strides = array<i32>} : memref<128xi32, #tpu.memory_space<vmem>>, vector<16xi32>,
          tpu.vector_store %arg14[%swap3A_1262], %get3A_1261 {strides = array<i32>} : memref<128xi32, #tpu.memory_space<vmem>>, vector<16xi32>,
          %get3A_1264 = arith.index_cast %add3A_1227 : i32 to index
          %get3A_1265 = arith.constant 48 : index
          %get3A_1266 = tpu.vector_load %arg10[%get3A_1264, %get3A_1265] {strides = array<i32>} : memref<16x128xi32, #tpu.memory_space<vmem>>, vector<16xi32>,
          %add3A_1267 = vector.broadcast %mul3A_44 : i32 to vector<16xi32>
          %add3A_1268 = arith.addi %get3A_1266, %add3A_1267 : vector<16xi32>
          %swap3A_1269 = arith.constant 48 : index
          %swap3A_1270 = tpu.vector_load %arg12[%swap3A_1269] {strides = array<i32>} : memref<128xi32, #tpu.memory_space<vmem>>, vector<16xi32>,
          tpu.vector_store %arg12[%swap3A_1269], %add3A_1268 {strides = array<i32>} : memref<128xi32, #tpu.memory_space<vmem>>, vector<16xi32>,
          %get3A_1271 = arith.index_cast %add3A_1227 : i32 to index
          %get3A_1272 = arith.constant 48 : index
          %get3A_1273 = tpu.vector_load %arg11[%get3A_1271, %get3A_1272] {strides = array<i32>} : memref<16x128xi32, #tpu.memory_space<vmem>>, vector<16xi32>,
          %swap3A_1274 = arith.constant 48 : index
          %swap3A_1275 = tpu.vector_load %arg14[%swap3A_1274] {strides = array<i32>} : memref<128xi32, #tpu.memory_space<vmem>>, vector<16xi32>,
          tpu.vector_store %arg14[%swap3A_1274], %get3A_1273 {strides = array<i32>} : memref<128xi32, #tpu.memory_space<vmem>>, vector<16xi32>,
          %get3A_1276 = arith.index_cast %add3A_1227 : i32 to index
          %get3A_1277 = arith.constant 64 : index
          %get3A_1278 = tpu.vector_load %arg10[%get3A_1276, %get3A_1277] {strides = array<i32>} : memref<16x128xi32, #tpu.memory_space<vmem>>, vector<16xi32>,
          %add3A_1279 = vector.broadcast %mul3A_44 : i32 to vector<16xi32>
          %add3A_1280 = arith.addi %get3A_1278, %add3A_1279 : vector<16xi32>
          %swap3A_1281 = arith.constant 64 : index
          %swap3A_1282 = tpu.vector_load %arg12[%swap3A_1281] {strides = array<i32>} : memref<128xi32, #tpu.memory_space<vmem>>, vector<16xi32>,
          tpu.vector_store %arg12[%swap3A_1281], %add3A_1280 {strides = array<i32>} : memref<128xi32, #tpu.memory_space<vmem>>, vector<16xi32>,
          %get3A_1283 = arith.index_cast %add3A_1227 : i32 to index
          %get3A_1284 = arith.constant 64 : index
          %get3A_1285 = tpu.vector_load %arg11[%get3A_1283, %get3A_1284] {strides = array<i32>} : memref<16x128xi32, #tpu.memory_space<vmem>>, vector<16xi32>,
          %swap3A_1286 = arith.constant 64 : index
          %swap3A_1287 = tpu.vector_load %arg14[%swap3A_1286] {strides = array<i32>} : memref<128xi32, #tpu.memory_space<vmem>>, vector<16xi32>,
          tpu.vector_store %arg14[%swap3A_1286], %get3A_1285 {strides = array<i32>} : memref<128xi32, #tpu.memory_space<vmem>>, vector<16xi32>,
          %get3A_1288 = arith.index_cast %add3A_1227 : i32 to index
          %get3A_1289 = arith.constant 80 : index
          %get3A_1290 = tpu.vector_load %arg10[%get3A_1288, %get3A_1289] {strides = array<i32>} : memref<16x128xi32, #tpu.memory_space<vmem>>, vector<16xi32>,
          %add3A_1291 = vector.broadcast %mul3A_44 : i32 to vector<16xi32>
          %add3A_1292 = arith.addi %get3A_1290, %add3A_1291 : vector<16xi32>
          %swap3A_1293 = arith.constant 80 : index
          %swap3A_1294 = tpu.vector_load %arg12[%swap3A_1293] {strides = array<i32>} : memref<128xi32, #tpu.memory_space<vmem>>, vector<16xi32>,
          tpu.vector_store %arg12[%swap3A_1293], %add3A_1292 {strides = array<i32>} : memref<128xi32, #tpu.memory_space<vmem>>, vector<16xi32>,
          %get3A_1295 = arith.index_cast %add3A_1227 : i32 to index
          %get3A_1296 = arith.constant 80 : index
          %get3A_1297 = tpu.vector_load %arg11[%get3A_1295, %get3A_1296] {strides = array<i32>} : memref<16x128xi32, #tpu.memory_space<vmem>>, vector<16xi32>,
          %swap3A_1298 = arith.constant 80 : index
          %swap3A_1299 = tpu.vector_load %arg14[%swap3A_1298] {strides = array<i32>} : memref<128xi32, #tpu.memory_space<vmem>>, vector<16xi32>,
          tpu.vector_store %arg14[%swap3A_1298], %get3A_1297 {strides = array<i32>} : memref<128xi32, #tpu.memory_space<vmem>>, vector<16xi32>,
          %get3A_1300 = arith.index_cast %add3A_1227 : i32 to index
          %get3A_1301 = arith.constant 96 : index
          %get3A_1302 = tpu.vector_load %arg10[%get3A_1300, %get3A_1301] {strides = array<i32>} : memref<16x128xi32, #tpu.memory_space<vmem>>, vector<16xi32>,
          %add3A_1303 = vector.broadcast %mul3A_44 : i32 to vector<16xi32>
          %add3A_1304 = arith.addi %get3A_1302, %add3A_1303 : vector<16xi32>
          %swap3A_1305 = arith.constant 96 : index
          %swap3A_1306 = tpu.vector_load %arg12[%swap3A_1305] {strides = array<i32>} : memref<128xi32, #tpu.memory_space<vmem>>, vector<16xi32>,
          tpu.vector_store %arg12[%swap3A_1305], %add3A_1304 {strides = array<i32>} : memref<128xi32, #tpu.memory_space<vmem>>, vector<16xi32>,
          %get3A_1307 = arith.index_cast %add3A_1227 : i32 to index
          %get3A_1308 = arith.constant 96 : index
          %get3A_1309 = tpu.vector_load %arg11[%get3A_1307, %get3A_1308] {strides = array<i32>} : memref<16x128xi32, #tpu.memory_space<vmem>>, vector<16xi32>,
          %swap3A_1310 = arith.constant 96 : index
          %swap3A_1311 = tpu.vector_load %arg14[%swap3A_1310] {strides = array<i32>} : memref<128xi32, #tpu.memory_space<vmem>>, vector<16xi32>,
          tpu.vector_store %arg14[%swap3A_1310], %get3A_1309 {strides = array<i32>} : memref<128xi32, #tpu.memory_space<vmem>>, vector<16xi32>,
          %get3A_1312 = arith.index_cast %add3A_1227 : i32 to index
          %get3A_1313 = arith.constant 112 : index
          %get3A_1314 = tpu.vector_load %arg10[%get3A_1312, %get3A_1313] {strides = array<i32>} : memref<16x128xi32, #tpu.memory_space<vmem>>, vector<16xi32>,
          %add3A_1315 = vector.broadcast %mul3A_44 : i32 to vector<16xi32>
          %add3A_1316 = arith.addi %get3A_1314, %add3A_1315 : vector<16xi32>
          %swap3A_1317 = arith.constant 112 : index
          %swap3A_1318 = tpu.vector_load %arg12[%swap3A_1317] {strides = array<i32>} : memref<128xi32, #tpu.memory_space<vmem>>, vector<16xi32>,
          tpu.vector_store %arg12[%swap3A_1317], %add3A_1316 {strides = array<i32>} : memref<128xi32, #tpu.memory_space<vmem>>, vector<16xi32>,
          %get3A_1319 = arith.index_cast %add3A_1227 : i32 to index
          %get3A_1320 = arith.constant 112 : index
          %get3A_1321 = tpu.vector_load %arg11[%get3A_1319, %get3A_1320] {strides = array<i32>} : memref<16x128xi32, #tpu.memory_space<vmem>>, vector<16xi32>,
          %swap3A_1322 = arith.constant 112 : index
          %swap3A_1323 = tpu.vector_load %arg14[%swap3A_1322] {strides = array<i32>} : memref<128xi32, #tpu.memory_space<vmem>>, vector<16xi32>,
          tpu.vector_store %arg14[%swap3A_1322], %get3A_1321 {strides = array<i32>} : memref<128xi32, #tpu.memory_space<vmem>>, vector<16xi32>,
          %mul3A_1324 = arith.constant 2048 : i32
          %mul3A_1325 = arith.muli %arg1, %mul3A_1324 : i32
          %mul3A_1326 = arith.constant 128 : i32
          %mul3A_1327 = arith.muli %add3A_1227, %mul3A_1326 : i32
          %add3A_1328 = arith.addi %mul3A_1325, %mul3A_1327 : i32
          %dma_start3A_1329 = arith.constant 0 : i32
          %dma_start3A_1330 = tpu.memref_slice %arg4[%add3A, %add3A_1328, %dma_start3A_1329] : memref<8x32768x64xi32, #tpu.memory_space<hbm>> -> memref<1x128x64xi32, #tpu.memory_space<hbm>>
          %dma_start3A_1331 = tpu.memref_squeeze %dma_start3A_1330 : memref<1x128x64xi32, #tpu.memory_space<hbm>> -> memref<128x64xi32, #tpu.memory_space<hbm>>
          %dma_start3A_1332 = arith.constant 0 : i32
          %dma_start3A_1333 = tpu.memref_slice %arg4[%add3A, %add3A_1328, %dma_start3A_1332] : memref<8x32768x64xi32, #tpu.memory_space<hbm>> -> memref<1x128x64xi32, #tpu.memory_space<hbm>>
          %dma_start3A_1334 = tpu.memref_squeeze %dma_start3A_1333 : memref<1x128x64xi32, #tpu.memory_space<hbm>> -> memref<128x64xi32, #tpu.memory_space<hbm>>
          tpu.enqueue_dma source(%dma_start3A_1334 : memref<128x64xi32, #tpu.memory_space<hbm>>) target(%arg22 : memref<128x64xi32, #tpu.memory_space<vmem>>) target_semaphore(%arg29 : memref<!tpu.dma_semaphore, #tpu.memory_space<semaphore_mem>>)
          %dma_start3A_1335 = arith.constant 0 : i32
          %dma_start3A_1336 = arith.constant 0 : i32
          %dma_start3A_1337 = tpu.memref_slice %arg2[%dma_start3A_1335, %dma_start3A_1336] : memref<8192x128xf32, #tpu.memory_space<hbm>> -> memref<8192x128xf32, #tpu.memory_space<hbm>>
          tpu.enqueue_indirect_dma source(%dma_start3A_1337 : memref<8192x128xf32, #tpu.memory_space<hbm>>) target(%arg24 : memref<128x128xf32, #tpu.memory_space<vmem>>) offsets(%arg12 : memref<128xi32, #tpu.memory_space<vmem>>) semaphore(%arg31 : memref<!tpu.dma_semaphore, #tpu.memory_space<semaphore_mem>>)
        } else {
        }
        %mul3A_1201 = arith.constant 2048 : i32
        %mul3A_1202 = arith.muli %arg1, %mul3A_1201 : i32
        %dma_wait3A_1203 = arith.constant 0 : i32
        %dma_wait3A_1204 = tpu.memref_slice %arg4[%add3A, %mul3A_1202, %dma_wait3A_1203] : memref<8x32768x64xi32, #tpu.memory_space<hbm>> -> memref<1x128x64xi32, #tpu.memory_space<hbm>>
        %dma_wait3A_1205 = tpu.memref_squeeze %dma_wait3A_1204 : memref<1x128x64xi32, #tpu.memory_space<hbm>> -> memref<128x64xi32, #tpu.memory_space<hbm>>
        %dma_wait3A_1206 = arith.constant 0 : i32
        %dma_wait3A_1207 = tpu.memref_slice %arg4[%add3A, %mul3A_1202, %dma_wait3A_1206] : memref<8x32768x64xi32, #tpu.memory_space<hbm>> -> memref<1x128x64xi32, #tpu.memory_space<hbm>>
        %dma_wait3A_1208 = tpu.memref_squeeze %dma_wait3A_1207 : memref<1x128x64xi32, #tpu.memory_space<hbm>> -> memref<128x64xi32, #tpu.memory_space<hbm>>
        tpu.wait_dma2 semaphore(%arg30 : memref<!tpu.dma_semaphore, #tpu.memory_space<semaphore_mem>>) src(%dma_wait3A_1208 : memref<128x64xi32, #tpu.memory_space<hbm>>) dst(%arg23 : memref<128x64xi32, #tpu.memory_space<vmem>>)
        %dma_wait3A_1209 = arith.constant 0 : i32
        %dma_wait3A_1210 = arith.constant 0 : i32
        %dma_wait3A_1211 = tpu.memref_slice %arg2[%dma_wait3A_1209, %dma_wait3A_1210] : memref<8192x128xf32, #tpu.memory_space<hbm>> -> memref<8192x128xf32, #tpu.memory_space<hbm>>
        tpu.wait_indirect_dma semaphore(%arg32 : memref<!tpu.dma_semaphore, #tpu.memory_space<semaphore_mem>>) src(%dma_wait3A_1211 : memref<8192x128xf32, #tpu.memory_space<hbm>>) dst(%arg25 : memref<128x128xf32, #tpu.memory_space<vmem>>)
        %mul3A_1212 = arith.constant 2 : i32
        %mul3A_1213 = arith.muli %mul3A_1212, %scan3A_1063 : i32
        %add3A_1214 = arith.constant 1 : i32
        %add3A_1215 = arith.addi %mul3A_1213, %add3A_1214 : i32
        %scan3A_1216 = arith.constant 0 : i32
        %scan3A_1217 = arith.constant 0 : i32
        %scan3A_1218 = arith.constant 128 : i32
        %scan3A_1219 = arith.addi %scan3A_1217, %scan3A_1218 : i32
        %scan3A_1220 = arith.constant 1 : i32
        %scan3A_1221 = scf.for %scan3A_1224 = %scan3A_1217 to %scan3A_1219 step %scan3A_1220 iter_args(%scan3A_1225 = %scan3A_1216) -> (i32)  : i32 {
          %mul3A_1226 = arith.constant 128 : i32
          %mul3A_1227 = arith.muli %add3A_1215, %mul3A_1226 : i32
          %add3A_1228 = arith.addi %mul3A_1227, %scan3A_1224 : i32
          %mul3A_1229 = arith.constant 4 : i32
          %mul3A_1230 = arith.muli %add3A_1228, %mul3A_1229 : i32
          %get3A_1231 = arith.index_cast %mul3A_1230 : i32 to index
          %get3A_1232 = tpu.vector_load %arg18[%get3A_1231] {strides = array<i32>} : memref<8208xf32, #tpu.memory_space<vmem>>, vector<16xf32>,
          %slice3A = vector.extract_strided_slice %get3A_1232 {offsets = [0], sizes = [1], strides = [1]} : vector<16xf32> to vector<1xf32>
          %squeeze3A = vector.extract %slice3A[0] : f32 from vector<1xf32>
          %broadcast_in_dim3A = vector.broadcast %squeeze3A : f32 to vector<16xf32>
          %slice3A_1233 = vector.extract_strided_slice %get3A_1232 {offsets = [1], sizes = [1], strides = [1]} : vector<16xf32> to vector<1xf32>
          %squeeze3A_1234 = vector.extract %slice3A_1233[0] : f32 from vector<1xf32>
          %broadcast_in_dim3A_1235 = vector.broadcast %squeeze3A_1234 : f32 to vector<16xf32>
          %slice3A_1236 = vector.extract_strided_slice %get3A_1232 {offsets = [2], sizes = [1], strides = [1]} : vector<16xf32> to vector<1xf32>
          %squeeze3A_1237 = vector.extract %slice3A_1236[0] : f32 from vector<1xf32>
          %broadcast_in_dim3A_1238 = vector.broadcast %squeeze3A_1237 : f32 to vector<16xf32>
          %slice3A_1239 = vector.extract_strided_slice %get3A_1232 {offsets = [3], sizes = [1], strides = [1]} : vector<16xf32> to vector<1xf32>
          %squeeze3A_1240 = vector.extract %slice3A_1239[0] : f32 from vector<1xf32>
          %broadcast_in_dim3A_1241 = vector.broadcast %squeeze3A_1240 : f32 to vector<16xf32>
          %get3A_1242 = arith.index_cast %scan3A_1224 : i32 to index
          %get3A_1243 = arith.constant 0 : index
          %get3A_1244 = tpu.vector_load %arg25[%get3A_1242, %get3A_1243] {strides = array<i32>} : memref<128x128xf32, #tpu.memory_space<vmem>>, vector<16xf32>,
          %bitcast3A = vector.bitcast %get3A_1244 : vector<16xf32> to vector<32xbf16>
          %get3A_1245 = arith.index_cast %scan3A_1224 : i32 to index
          %get3A_1246 = arith.constant 0 : index
          %get3A_1247 = tpu.vector_load %arg23[%get3A_1245, %get3A_1246] {strides = array<i32>} : memref<128x64xi32, #tpu.memory_space<vmem>>, vector<16xi32>,
          %bitcast3A_1248 = vector.bitcast %get3A_1247 : vector<16xi32> to vector<32xbf16>
          %add3A_1249 = arith.addf %bitcast3A, %bitcast3A_1248 : vector<32xbf16>
          %unpack3A = tpu.unpack_subelements %add3A_1249, 0 {pack_format = #tpu.pack_format<interleaved>} : vector<32xbf16> -> vector<16xf32>
          %unpack3A_1250 = tpu.unpack_subelements %add3A_1249, 1 {pack_format = #tpu.pack_format<interleaved>} : vector<32xbf16> -> vector<16xf32>
          %mul3A_1251 = arith.mulf %unpack3A, %broadcast_in_dim3A : vector<16xf32>
          %swap3A_1252 = arith.index_cast %scan3A_1224 : i32 to index
          %swap3A_1253 = arith.constant 0 : index
          %swap3A_1254 = tpu.vector_load %arg25[%swap3A_1252, %swap3A_1253] {strides = array<i32>} : memref<128x128xf32, #tpu.memory_space<vmem>>, vector<16xf32>,
          tpu.vector_store %arg25[%swap3A_1252, %swap3A_1253], %mul3A_1251 {strides = array<i32>} : memref<128x128xf32, #tpu.memory_space<vmem>>, vector<16xf32>,
          %mul3A_1255 = arith.mulf %unpack3A_1250, %broadcast_in_dim3A_1238 : vector<16xf32>
          %swap3A_1256 = arith.index_cast %scan3A_1224 : i32 to index
          %swap3A_1257 = arith.constant 64 : index
          %swap3A_1258 = tpu.vector_load %arg25[%swap3A_1256, %swap3A_1257] {strides = array<i32>} : memref<128x128xf32, #tpu.memory_space<vmem>>, vector<16xf32>,
          tpu.vector_store %arg25[%swap3A_1256, %swap3A_1257], %mul3A_1255 {strides = array<i32>} : memref<128x128xf32, #tpu.memory_space<vmem>>, vector<16xf32>,
          %get3A_1259 = arith.index_cast %scan3A_1224 : i32 to index
          %get3A_1260 = arith.constant 16 : index
          %get3A_1261 = tpu.vector_load %arg25[%get3A_1259, %get3A_1260] {strides = array<i32>} : memref<128x128xf32, #tpu.memory_space<vmem>>, vector<16xf32>,
          %bitcast3A_1262 = vector.bitcast %get3A_1261 : vector<16xf32> to vector<32xbf16>
          %get3A_1263 = arith.index_cast %scan3A_1224 : i32 to index
          %get3A_1264 = arith.constant 16 : index
          %get3A_1265 = tpu.vector_load %arg23[%get3A_1263, %get3A_1264] {strides = array<i32>} : memref<128x64xi32, #tpu.memory_space<vmem>>, vector<16xi32>,
          %bitcast3A_1266 = vector.bitcast %get3A_1265 : vector<16xi32> to vector<32xbf16>
          %add3A_1267 = arith.addf %bitcast3A_1262, %bitcast3A_1266 : vector<32xbf16>
          %unpack3A_1268 = tpu.unpack_subelements %add3A_1267, 0 {pack_format = #tpu.pack_format<interleaved>} : vector<32xbf16> -> vector<16xf32>
          %unpack3A_1269 = tpu.unpack_subelements %add3A_1267, 1 {pack_format = #tpu.pack_format<interleaved>} : vector<32xbf16> -> vector<16xf32>
          %mul3A_1270 = arith.mulf %unpack3A_1268, %broadcast_in_dim3A : vector<16xf32>
          %swap3A_1271 = arith.index_cast %scan3A_1224 : i32 to index
          %swap3A_1272 = arith.constant 16 : index
          %swap3A_1273 = tpu.vector_load %arg25[%swap3A_1271, %swap3A_1272] {strides = array<i32>} : memref<128x128xf32, #tpu.memory_space<vmem>>, vector<16xf32>,
          tpu.vector_store %arg25[%swap3A_1271, %swap3A_1272], %mul3A_1270 {strides = array<i32>} : memref<128x128xf32, #tpu.memory_space<vmem>>, vector<16xf32>,
          %mul3A_1274 = arith.mulf %unpack3A_1269, %broadcast_in_dim3A_1238 : vector<16xf32>
          %swap3A_1275 = arith.index_cast %scan3A_1224 : i32 to index
          %swap3A_1276 = arith.constant 80 : index
          %swap3A_1277 = tpu.vector_load %arg25[%swap3A_1275, %swap3A_1276] {strides = array<i32>} : memref<128x128xf32, #tpu.memory_space<vmem>>, vector<16xf32>,
          tpu.vector_store %arg25[%swap3A_1275, %swap3A_1276], %mul3A_1274 {strides = array<i32>} : memref<128x128xf32, #tpu.memory_space<vmem>>, vector<16xf32>,
          %get3A_1278 = arith.index_cast %scan3A_1224 : i32 to index
          %get3A_1279 = arith.constant 32 : index
          %get3A_1280 = tpu.vector_load %arg25[%get3A_1278, %get3A_1279] {strides = array<i32>} : memref<128x128xf32, #tpu.memory_space<vmem>>, vector<16xf32>,
          %bitcast3A_1281 = vector.bitcast %get3A_1280 : vector<16xf32> to vector<32xbf16>
          %get3A_1282 = arith.index_cast %scan3A_1224 : i32 to index
          %get3A_1283 = arith.constant 32 : index
          %get3A_1284 = tpu.vector_load %arg23[%get3A_1282, %get3A_1283] {strides = array<i32>} : memref<128x64xi32, #tpu.memory_space<vmem>>, vector<16xi32>,
          %bitcast3A_1285 = vector.bitcast %get3A_1284 : vector<16xi32> to vector<32xbf16>
          %add3A_1286 = arith.addf %bitcast3A_1281, %bitcast3A_1285 : vector<32xbf16>
          %unpack3A_1287 = tpu.unpack_subelements %add3A_1286, 0 {pack_format = #tpu.pack_format<interleaved>} : vector<32xbf16> -> vector<16xf32>
          %unpack3A_1288 = tpu.unpack_subelements %add3A_1286, 1 {pack_format = #tpu.pack_format<interleaved>} : vector<32xbf16> -> vector<16xf32>
          %mul3A_1289 = arith.mulf %unpack3A_1287, %broadcast_in_dim3A_1235 : vector<16xf32>
          %swap3A_1290 = arith.index_cast %scan3A_1224 : i32 to index
          %swap3A_1291 = arith.constant 32 : index
          %swap3A_1292 = tpu.vector_load %arg25[%swap3A_1290, %swap3A_1291] {strides = array<i32>} : memref<128x128xf32, #tpu.memory_space<vmem>>, vector<16xf32>,
          tpu.vector_store %arg25[%swap3A_1290, %swap3A_1291], %mul3A_1289 {strides = array<i32>} : memref<128x128xf32, #tpu.memory_space<vmem>>, vector<16xf32>,
          %mul3A_1293 = arith.mulf %unpack3A_1288, %broadcast_in_dim3A_1241 : vector<16xf32>
          %swap3A_1294 = arith.index_cast %scan3A_1224 : i32 to index
          %swap3A_1295 = arith.constant 96 : index
          %swap3A_1296 = tpu.vector_load %arg25[%swap3A_1294, %swap3A_1295] {strides = array<i32>} : memref<128x128xf32, #tpu.memory_space<vmem>>, vector<16xf32>,
          tpu.vector_store %arg25[%swap3A_1294, %swap3A_1295], %mul3A_1293 {strides = array<i32>} : memref<128x128xf32, #tpu.memory_space<vmem>>, vector<16xf32>,
          %get3A_1297 = arith.index_cast %scan3A_1224 : i32 to index
          %get3A_1298 = arith.constant 48 : index
          %get3A_1299 = tpu.vector_load %arg25[%get3A_1297, %get3A_1298] {strides = array<i32>} : memref<128x128xf32, #tpu.memory_space<vmem>>, vector<16xf32>,
          %bitcast3A_1300 = vector.bitcast %get3A_1299 : vector<16xf32> to vector<32xbf16>
          %get3A_1301 = arith.index_cast %scan3A_1224 : i32 to index
          %get3A_1302 = arith.constant 48 : index
          %get3A_1303 = tpu.vector_load %arg23[%get3A_1301, %get3A_1302] {strides = array<i32>} : memref<128x64xi32, #tpu.memory_space<vmem>>, vector<16xi32>,
          %bitcast3A_1304 = vector.bitcast %get3A_1303 : vector<16xi32> to vector<32xbf16>
          %add3A_1305 = arith.addf %bitcast3A_1300, %bitcast3A_1304 : vector<32xbf16>
          %unpack3A_1306 = tpu.unpack_subelements %add3A_1305, 0 {pack_format = #tpu.pack_format<interleaved>} : vector<32xbf16> -> vector<16xf32>
          %unpack3A_1307 = tpu.unpack_subelements %add3A_1305, 1 {pack_format = #tpu.pack_format<interleaved>} : vector<32xbf16> -> vector<16xf32>
          %mul3A_1308 = arith.mulf %unpack3A_1306, %broadcast_in_dim3A_1235 : vector<16xf32>
          %swap3A_1309 = arith.index_cast %scan3A_1224 : i32 to index
          %swap3A_1310 = arith.constant 48 : index
          %swap3A_1311 = tpu.vector_load %arg25[%swap3A_1309, %swap3A_1310] {strides = array<i32>} : memref<128x128xf32, #tpu.memory_space<vmem>>, vector<16xf32>,
          tpu.vector_store %arg25[%swap3A_1309, %swap3A_1310], %mul3A_1308 {strides = array<i32>} : memref<128x128xf32, #tpu.memory_space<vmem>>, vector<16xf32>,
          %mul3A_1312 = arith.mulf %unpack3A_1307, %broadcast_in_dim3A_1241 : vector<16xf32>
          %swap3A_1313 = arith.index_cast %scan3A_1224 : i32 to index
          %swap3A_1314 = arith.constant 112 : index
          %swap3A_1315 = tpu.vector_load %arg25[%swap3A_1313, %swap3A_1314] {strides = array<i32>} : memref<128x128xf32, #tpu.memory_space<vmem>>, vector<16xf32>,
          tpu.vector_store %arg25[%swap3A_1313, %swap3A_1314], %mul3A_1312 {strides = array<i32>} : memref<128x128xf32, #tpu.memory_space<vmem>>, vector<16xf32>,
          %scan3A_1316 = arith.constant 0 : i32
          scf.yield %scan3A_1316 : i32
        }
        %scan3A_1222 = arith.constant 128 : i32
        "tpu.region"() ({
          %run_scoped3A_1224 = tpu.sem_alloc : memref<!tpu.dma_semaphore, #tpu.memory_space<semaphore_mem>>
          %dma_start3A_1225 = arith.constant 0 : i32
          %dma_start3A_1226 = arith.constant 0 : i32
          %dma_start3A_1227 = tpu.memref_slice %arg27[%dma_start3A_1225, %dma_start3A_1226] : memref<1024x128xf32, #tpu.memory_space<vmem_shared>> -> memref<1024x128xf32, #tpu.memory_space<vmem_shared>>
          tpu.enqueue_indirect_dma source(%arg25 : memref<128x128xf32, #tpu.memory_space<vmem>>) target(%dma_start3A_1227 : memref<1024x128xf32, #tpu.memory_space<vmem_shared>>) offsets(%arg15 : memref<128xi32, #tpu.memory_space<vmem>>) semaphore(%run_scoped3A_1224 : memref<!tpu.dma_semaphore, #tpu.memory_space<semaphore_mem>>) {add = true}
          %dma_wait3A_1228 = arith.constant 0 : i32
          %dma_wait3A_1229 = arith.constant 0 : i32
          %dma_wait3A_1230 = tpu.memref_slice %arg27[%dma_wait3A_1228, %dma_wait3A_1229] : memref<1024x128xf32, #tpu.memory_space<vmem_shared>> -> memref<1024x128xf32, #tpu.memory_space<vmem_shared>>
          tpu.wait_indirect_dma semaphore(%run_scoped3A_1224 : memref<!tpu.dma_semaphore, #tpu.memory_space<semaphore_mem>>) src(%arg25 : memref<128x128xf32, #tpu.memory_space<vmem>>) dst(%dma_wait3A_1230 : memref<1024x128xf32, #tpu.memory_space<vmem_shared>>)
          tpu.yield
        }) : () -> ()
        %scan3A_1223 = arith.constant 0 : i32
        scf.yield %scan3A_1223 : i32
      }
      %scan3A_173 = arith.constant 8 : i32
      %mul3A_174 = arith.constant 4096 : i32
      %mul3A_175 = arith.muli %arg1, %mul3A_174 : i32
      "tpu.region"() ({
        %run_scoped3A_1063 = tpu.sem_alloc : memref<!tpu.dma_semaphore, #tpu.memory_space<semaphore_mem>>
        %dma_start3A_1064 = tpu.memref_slice %arg28[%mul3A_175] : memref<65536xf32, #tpu.memory_space<vmem_shared>> -> memref<4096xf32, #tpu.memory_space<vmem_shared>>
        %dma_start3A_1065 = tpu.memref_slice %arg28[%mul3A_175] : memref<65536xf32, #tpu.memory_space<vmem_shared>> -> memref<4096xf32, #tpu.memory_space<vmem_shared>>
        tpu.enqueue_dma source(%arg19 : memref<4096xf32, #tpu.memory_space<vmem>>) target(%dma_start3A_1065 : memref<4096xf32, #tpu.memory_space<vmem_shared>>) target_semaphore(%run_scoped3A_1063 : memref<!tpu.dma_semaphore, #tpu.memory_space<semaphore_mem>>)
        %dma_wait3A = tpu.memref_slice %arg28[%mul3A_175] : memref<65536xf32, #tpu.memory_space<vmem_shared>> -> memref<4096xf32, #tpu.memory_space<vmem_shared>>
        %dma_wait3A_1066 = tpu.memref_slice %arg28[%mul3A_175] : memref<65536xf32, #tpu.memory_space<vmem_shared>> -> memref<4096xf32, #tpu.memory_space<vmem_shared>>
        tpu.wait_dma2 semaphore(%run_scoped3A_1063 : memref<!tpu.dma_semaphore, #tpu.memory_space<semaphore_mem>>) src(%arg19 : memref<4096xf32, #tpu.memory_space<vmem>>) dst(%dma_wait3A_1066 : memref<4096xf32, #tpu.memory_space<vmem_shared>>)
        tpu.yield
      }) : () -> ()
      %barrier3A_176 = arith.constant 0 : index
      tpu.barrier barrier_id(%barrier3A_176)
      %mul3A_177 = arith.constant 64 : i32
      %mul3A_178 = arith.muli %arg1, %mul3A_177 : i32
      %mul3A_179 = arith.constant 64 : i32
      %mul3A_180 = arith.muli %arg1, %mul3A_179 : i32
      "tpu.region"() ({
        %run_scoped3A_1063 = tpu.sem_alloc : memref<!tpu.dma_semaphore, #tpu.memory_space<semaphore_mem>>
        %dma_start3A_1064 = arith.constant 0 : i32
        %dma_start3A_1065 = tpu.memref_slice %arg8[%add3A, %mul3A_180, %dma_start3A_1064] : memref<8x1024x128xf32, #tpu.memory_space<hbm>> -> memref<1x64x128xf32, #tpu.memory_space<hbm>>
        %dma_start3A_1066 = tpu.memref_squeeze %dma_start3A_1065 : memref<1x64x128xf32, #tpu.memory_space<hbm>> -> memref<64x128xf32, #tpu.memory_space<hbm>>
        %dma_start3A_1067 = arith.constant 0 : i32
        %dma_start3A_1068 = tpu.memref_slice %arg27[%mul3A_178, %dma_start3A_1067] : memref<1024x128xf32, #tpu.memory_space<vmem_shared>> -> memref<64x128xf32, #tpu.memory_space<vmem_shared>>
        tpu.enqueue_dma source(%dma_start3A_1068 : memref<64x128xf32, #tpu.memory_space<vmem_shared>>) target(%dma_start3A_1066 : memref<64x128xf32, #tpu.memory_space<hbm>>) target_semaphore(%run_scoped3A_1063 : memref<!tpu.dma_semaphore, #tpu.memory_space<semaphore_mem>>)
        %dma_wait3A = arith.constant 0 : i32
        %dma_wait3A_1069 = tpu.memref_slice %arg8[%add3A, %mul3A_180, %dma_wait3A] : memref<8x1024x128xf32, #tpu.memory_space<hbm>> -> memref<1x64x128xf32, #tpu.memory_space<hbm>>
        %dma_wait3A_1070 = tpu.memref_squeeze %dma_wait3A_1069 : memref<1x64x128xf32, #tpu.memory_space<hbm>> -> memref<64x128xf32, #tpu.memory_space<hbm>>
        %dma_wait3A_1071 = arith.constant 0 : i32
        %dma_wait3A_1072 = tpu.memref_slice %arg27[%mul3A_178, %dma_wait3A_1071] : memref<1024x128xf32, #tpu.memory_space<vmem_shared>> -> memref<64x128xf32, #tpu.memory_space<vmem_shared>>
        tpu.wait_dma2 semaphore(%run_scoped3A_1063 : memref<!tpu.dma_semaphore, #tpu.memory_space<semaphore_mem>>) src(%dma_wait3A_1072 : memref<64x128xf32, #tpu.memory_space<vmem_shared>>) dst(%dma_wait3A_1070 : memref<64x128xf32, #tpu.memory_space<hbm>>)
        tpu.yield
      }) : () -> ()
      %mul3A_181 = arith.constant 256 : i32
      %mul3A_182 = arith.muli %arg1, %mul3A_181 : i32
      %add3A_183 = arith.constant 0 : i32
      %add3A_184 = arith.addi %add3A_183, %mul3A_182 : i32
      "tpu.region"() ({
        %run_scoped3A_1063 = tpu.sem_alloc : memref<!tpu.dma_semaphore, #tpu.memory_space<semaphore_mem>>
        %dma_start3A_1064 = arith.constant 0 : i32
        %dma_start3A_1065 = tpu.memref_slice %arg20[%dma_start3A_1064] : memref<4096xf32, #tpu.memory_space<vmem>> -> memref<256xf32, #tpu.memory_space<vmem>>
        %dma_start3A_1066 = tpu.memref_slice %arg28[%add3A_184] : memref<65536xf32, #tpu.memory_space<vmem_shared>> -> memref<256xf32, #tpu.memory_space<vmem_shared>>
        %dma_start3A_1067 = arith.constant 0 : i32
        %dma_start3A_1068 = tpu.memref_slice %arg20[%dma_start3A_1067] : memref<4096xf32, #tpu.memory_space<vmem>> -> memref<256xf32, #tpu.memory_space<vmem>>
        %dma_start3A_1069 = tpu.memref_slice %arg28[%add3A_184] : memref<65536xf32, #tpu.memory_space<vmem_shared>> -> memref<256xf32, #tpu.memory_space<vmem_shared>>
        tpu.enqueue_dma source(%dma_start3A_1069 : memref<256xf32, #tpu.memory_space<vmem_shared>>) target(%dma_start3A_1068 : memref<256xf32, #tpu.memory_space<vmem>>) target_semaphore(%run_scoped3A_1063 : memref<!tpu.dma_semaphore, #tpu.memory_space<semaphore_mem>>)
        %dma_wait3A = arith.constant 0 : i32
        %dma_wait3A_1070 = tpu.memref_slice %arg20[%dma_wait3A] : memref<4096xf32, #tpu.memory_space<vmem>> -> memref<256xf32, #tpu.memory_space<vmem>>
        %dma_wait3A_1071 = tpu.memref_slice %arg28[%add3A_184] : memref<65536xf32, #tpu.memory_space<vmem_shared>> -> memref<256xf32, #tpu.memory_space<vmem_shared>>
        %dma_wait3A_1072 = arith.constant 0 : i32
        %dma_wait3A_1073 = tpu.memref_slice %arg20[%dma_wait3A_1072] : memref<4096xf32, #tpu.memory_space<vmem>> -> memref<256xf32, #tpu.memory_space<vmem>>
        %dma_wait3A_1074 = tpu.memref_slice %arg28[%add3A_184] : memref<65536xf32, #tpu.memory_space<vmem_shared>> -> memref<256xf32, #tpu.memory_space<vmem_shared>>
        tpu.wait_dma2 semaphore(%run_scoped3A_1063 : memref<!tpu.dma_semaphore, #tpu.memory_space<semaphore_mem>>) src(%dma_wait3A_1074 : memref<256xf32, #tpu.memory_space<vmem_shared>>) dst(%dma_wait3A_1073 : memref<256xf32, #tpu.memory_space<vmem>>)
        tpu.yield
      }) : () -> ()
      %mul3A_185 = arith.constant 256 : i32
      %mul3A_186 = arith.muli %arg1, %mul3A_185 : i32
      %add3A_187 = arith.constant 4096 : i32
      %add3A_188 = arith.addi %add3A_187, %mul3A_186 : i32
      "tpu.region"() ({
        %run_scoped3A_1063 = tpu.sem_alloc : memref<!tpu.dma_semaphore, #tpu.memory_space<semaphore_mem>>
        %dma_start3A_1064 = arith.constant 256 : i32
        %dma_start3A_1065 = tpu.memref_slice %arg20[%dma_start3A_1064] : memref<4096xf32, #tpu.memory_space<vmem>> -> memref<256xf32, #tpu.memory_space<vmem>>
        %dma_start3A_1066 = tpu.memref_slice %arg28[%add3A_188] : memref<65536xf32, #tpu.memory_space<vmem_shared>> -> memref<256xf32, #tpu.memory_space<vmem_shared>>
        %dma_start3A_1067 = arith.constant 256 : i32
        %dma_start3A_1068 = tpu.memref_slice %arg20[%dma_start3A_1067] : memref<4096xf32, #tpu.memory_space<vmem>> -> memref<256xf32, #tpu.memory_space<vmem>>
        %dma_start3A_1069 = tpu.memref_slice %arg28[%add3A_188] : memref<65536xf32, #tpu.memory_space<vmem_shared>> -> memref<256xf32, #tpu.memory_space<vmem_shared>>
        tpu.enqueue_dma source(%dma_start3A_1069 : memref<256xf32, #tpu.memory_space<vmem_shared>>) target(%dma_start3A_1068 : memref<256xf32, #tpu.memory_space<vmem>>) target_semaphore(%run_scoped3A_1063 : memref<!tpu.dma_semaphore, #tpu.memory_space<semaphore_mem>>)
        %dma_wait3A = arith.constant 256 : i32
        %dma_wait3A_1070 = tpu.memref_slice %arg20[%dma_wait3A] : memref<4096xf32, #tpu.memory_space<vmem>> -> memref<256xf32, #tpu.memory_space<vmem>>
        %dma_wait3A_1071 = tpu.memref_slice %arg28[%add3A_188] : memref<65536xf32, #tpu.memory_space<vmem_shared>> -> memref<256xf32, #tpu.memory_space<vmem_shared>>
        %dma_wait3A_1072 = arith.constant 256 : i32
        %dma_wait3A_1073 = tpu.memref_slice %arg20[%dma_wait3A_1072] : memref<4096xf32, #tpu.memory_space<vmem>> -> memref<256xf32, #tpu.memory_space<vmem>>
        %dma_wait3A_1074 = tpu.memref_slice %arg28[%add3A_188] : memref<65536xf32, #tpu.memory_space<vmem_shared>> -> memref<256xf32, #tpu.memory_space<vmem_shared>>
        tpu.wait_dma2 semaphore(%run_scoped3A_1063 : memref<!tpu.dma_semaphore, #tpu.memory_space<semaphore_mem>>) src(%dma_wait3A_1074 : memref<256xf32, #tpu.memory_space<vmem_shared>>) dst(%dma_wait3A_1073 : memref<256xf32, #tpu.memory_space<vmem>>)
        tpu.yield
      }) : () -> ()
      %mul3A_189 = arith.constant 256 : i32
      %mul3A_190 = arith.muli %arg1, %mul3A_189 : i32
      %add3A_191 = arith.constant 8192 : i32
      %add3A_192 = arith.addi %add3A_191, %mul3A_190 : i32
      "tpu.region"() ({
        %run_scoped3A_1063 = tpu.sem_alloc : memref<!tpu.dma_semaphore, #tpu.memory_space<semaphore_mem>>
        %dma_start3A_1064 = arith.constant 512 : i32
        %dma_start3A_1065 = tpu.memref_slice %arg20[%dma_start3A_1064] : memref<4096xf32, #tpu.memory_space<vmem>> -> memref<256xf32, #tpu.memory_space<vmem>>
        %dma_start3A_1066 = tpu.memref_slice %arg28[%add3A_192] : memref<65536xf32, #tpu.memory_space<vmem_shared>> -> memref<256xf32, #tpu.memory_space<vmem_shared>>
        %dma_start3A_1067 = arith.constant 512 : i32
        %dma_start3A_1068 = tpu.memref_slice %arg20[%dma_start3A_1067] : memref<4096xf32, #tpu.memory_space<vmem>> -> memref<256xf32, #tpu.memory_space<vmem>>
        %dma_start3A_1069 = tpu.memref_slice %arg28[%add3A_192] : memref<65536xf32, #tpu.memory_space<vmem_shared>> -> memref<256xf32, #tpu.memory_space<vmem_shared>>
        tpu.enqueue_dma source(%dma_start3A_1069 : memref<256xf32, #tpu.memory_space<vmem_shared>>) target(%dma_start3A_1068 : memref<256xf32, #tpu.memory_space<vmem>>) target_semaphore(%run_scoped3A_1063 : memref<!tpu.dma_semaphore, #tpu.memory_space<semaphore_mem>>)
        %dma_wait3A = arith.constant 512 : i32
        %dma_wait3A_1070 = tpu.memref_slice %arg20[%dma_wait3A] : memref<4096xf32, #tpu.memory_space<vmem>> -> memref<256xf32, #tpu.memory_space<vmem>>
        %dma_wait3A_1071 = tpu.memref_slice %arg28[%add3A_192] : memref<65536xf32, #tpu.memory_space<vmem_shared>> -> memref<256xf32, #tpu.memory_space<vmem_shared>>
        %dma_wait3A_1072 = arith.constant 512 : i32
        %dma_wait3A_1073 = tpu.memref_slice %arg20[%dma_wait3A_1072] : memref<4096xf32, #tpu.memory_space<vmem>> -> memref<256xf32, #tpu.memory_space<vmem>>
        %dma_wait3A_1074 = tpu.memref_slice %arg28[%add3A_192] : memref<65536xf32, #tpu.memory_space<vmem_shared>> -> memref<256xf32, #tpu.memory_space<vmem_shared>>
        tpu.wait_dma2 semaphore(%run_scoped3A_1063 : memref<!tpu.dma_semaphore, #tpu.memory_space<semaphore_mem>>) src(%dma_wait3A_1074 : memref<256xf32, #tpu.memory_space<vmem_shared>>) dst(%dma_wait3A_1073 : memref<256xf32, #tpu.memory_space<vmem>>)
        tpu.yield
      }) : () -> ()
      %mul3A_193 = arith.constant 256 : i32
      %mul3A_194 = arith.muli %arg1, %mul3A_193 : i32
      %add3A_195 = arith.constant 12288 : i32
      %add3A_196 = arith.addi %add3A_195, %mul3A_194 : i32
      "tpu.region"() ({
        %run_scoped3A_1063 = tpu.sem_alloc : memref<!tpu.dma_semaphore, #tpu.memory_space<semaphore_mem>>
        %dma_start3A_1064 = arith.constant 768 : i32
        %dma_start3A_1065 = tpu.memref_slice %arg20[%dma_start3A_1064] : memref<4096xf32, #tpu.memory_space<vmem>> -> memref<256xf32, #tpu.memory_space<vmem>>
        %dma_start3A_1066 = tpu.memref_slice %arg28[%add3A_196] : memref<65536xf32, #tpu.memory_space<vmem_shared>> -> memref<256xf32, #tpu.memory_space<vmem_shared>>
        %dma_start3A_1067 = arith.constant 768 : i32
        %dma_start3A_1068 = tpu.memref_slice %arg20[%dma_start3A_1067] : memref<4096xf32, #tpu.memory_space<vmem>> -> memref<256xf32, #tpu.memory_space<vmem>>
        %dma_start3A_1069 = tpu.memref_slice %arg28[%add3A_196] : memref<65536xf32, #tpu.memory_space<vmem_shared>> -> memref<256xf32, #tpu.memory_space<vmem_shared>>
        tpu.enqueue_dma source(%dma_start3A_1069 : memref<256xf32, #tpu.memory_space<vmem_shared>>) target(%dma_start3A_1068 : memref<256xf32, #tpu.memory_space<vmem>>) target_semaphore(%run_scoped3A_1063 : memref<!tpu.dma_semaphore, #tpu.memory_space<semaphore_mem>>)
        %dma_wait3A = arith.constant 768 : i32
        %dma_wait3A_1070 = tpu.memref_slice %arg20[%dma_wait3A] : memref<4096xf32, #tpu.memory_space<vmem>> -> memref<256xf32, #tpu.memory_space<vmem>>
        %dma_wait3A_1071 = tpu.memref_slice %arg28[%add3A_196] : memref<65536xf32, #tpu.memory_space<vmem_shared>> -> memref<256xf32, #tpu.memory_space<vmem_shared>>
        %dma_wait3A_1072 = arith.constant 768 : i32
        %dma_wait3A_1073 = tpu.memref_slice %arg20[%dma_wait3A_1072] : memref<4096xf32, #tpu.memory_space<vmem>> -> memref<256xf32, #tpu.memory_space<vmem>>
        %dma_wait3A_1074 = tpu.memref_slice %arg28[%add3A_196] : memref<65536xf32, #tpu.memory_space<vmem_shared>> -> memref<256xf32, #tpu.memory_space<vmem_shared>>
        tpu.wait_dma2 semaphore(%run_scoped3A_1063 : memref<!tpu.dma_semaphore, #tpu.memory_space<semaphore_mem>>) src(%dma_wait3A_1074 : memref<256xf32, #tpu.memory_space<vmem_shared>>) dst(%dma_wait3A_1073 : memref<256xf32, #tpu.memory_space<vmem>>)
        tpu.yield
      }) : () -> ()
      %mul3A_197 = arith.constant 256 : i32
      %mul3A_198 = arith.muli %arg1, %mul3A_197 : i32
      %add3A_199 = arith.constant 16384 : i32
      %add3A_200 = arith.addi %add3A_199, %mul3A_198 : i32
      "tpu.region"() ({
        %run_scoped3A_1063 = tpu.sem_alloc : memref<!tpu.dma_semaphore, #tpu.memory_space<semaphore_mem>>
        %dma_start3A_1064 = arith.constant 1024 : i32
        %dma_start3A_1065 = tpu.memref_slice %arg20[%dma_start3A_1064] : memref<4096xf32, #tpu.memory_space<vmem>> -> memref<256xf32, #tpu.memory_space<vmem>>
        %dma_start3A_1066 = tpu.memref_slice %arg28[%add3A_200] : memref<65536xf32, #tpu.memory_space<vmem_shared>> -> memref<256xf32, #tpu.memory_space<vmem_shared>>
        %dma_start3A_1067 = arith.constant 1024 : i32
        %dma_start3A_1068 = tpu.memref_slice %arg20[%dma_start3A_1067] : memref<4096xf32, #tpu.memory_space<vmem>> -> memref<256xf32, #tpu.memory_space<vmem>>
        %dma_start3A_1069 = tpu.memref_slice %arg28[%add3A_200] : memref<65536xf32, #tpu.memory_space<vmem_shared>> -> memref<256xf32, #tpu.memory_space<vmem_shared>>
        tpu.enqueue_dma source(%dma_start3A_1069 : memref<256xf32, #tpu.memory_space<vmem_shared>>) target(%dma_start3A_1068 : memref<256xf32, #tpu.memory_space<vmem>>) target_semaphore(%run_scoped3A_1063 : memref<!tpu.dma_semaphore, #tpu.memory_space<semaphore_mem>>)
        %dma_wait3A = arith.constant 1024 : i32
        %dma_wait3A_1070 = tpu.memref_slice %arg20[%dma_wait3A] : memref<4096xf32, #tpu.memory_space<vmem>> -> memref<256xf32, #tpu.memory_space<vmem>>
        %dma_wait3A_1071 = tpu.memref_slice %arg28[%add3A_200] : memref<65536xf32, #tpu.memory_space<vmem_shared>> -> memref<256xf32, #tpu.memory_space<vmem_shared>>
        %dma_wait3A_1072 = arith.constant 1024 : i32
        %dma_wait3A_1073 = tpu.memref_slice %arg20[%dma_wait3A_1072] : memref<4096xf32, #tpu.memory_space<vmem>> -> memref<256xf32, #tpu.memory_space<vmem>>
        %dma_wait3A_1074 = tpu.memref_slice %arg28[%add3A_200] : memref<65536xf32, #tpu.memory_space<vmem_shared>> -> memref<256xf32, #tpu.memory_space<vmem_shared>>
        tpu.wait_dma2 semaphore(%run_scoped3A_1063 : memref<!tpu.dma_semaphore, #tpu.memory_space<semaphore_mem>>) src(%dma_wait3A_1074 : memref<256xf32, #tpu.memory_space<vmem_shared>>) dst(%dma_wait3A_1073 : memref<256xf32, #tpu.memory_space<vmem>>)
        tpu.yield
      }) : () -> ()
      %mul3A_201 = arith.constant 256 : i32
      %mul3A_202 = arith.muli %arg1, %mul3A_201 : i32
      %add3A_203 = arith.constant 20480 : i32
      %add3A_204 = arith.addi %add3A_203, %mul3A_202 : i32
      "tpu.region"() ({
        %run_scoped3A_1063 = tpu.sem_alloc : memref<!tpu.dma_semaphore, #tpu.memory_space<semaphore_mem>>
        %dma_start3A_1064 = arith.constant 1280 : i32
        %dma_start3A_1065 = tpu.memref_slice %arg20[%dma_start3A_1064] : memref<4096xf32, #tpu.memory_space<vmem>> -> memref<256xf32, #tpu.memory_space<vmem>>
        %dma_start3A_1066 = tpu.memref_slice %arg28[%add3A_204] : memref<65536xf32, #tpu.memory_space<vmem_shared>> -> memref<256xf32, #tpu.memory_space<vmem_shared>>
        %dma_start3A_1067 = arith.constant 1280 : i32
        %dma_start3A_1068 = tpu.memref_slice %arg20[%dma_start3A_1067] : memref<4096xf32, #tpu.memory_space<vmem>> -> memref<256xf32, #tpu.memory_space<vmem>>
        %dma_start3A_1069 = tpu.memref_slice %arg28[%add3A_204] : memref<65536xf32, #tpu.memory_space<vmem_shared>> -> memref<256xf32, #tpu.memory_space<vmem_shared>>
        tpu.enqueue_dma source(%dma_start3A_1069 : memref<256xf32, #tpu.memory_space<vmem_shared>>) target(%dma_start3A_1068 : memref<256xf32, #tpu.memory_space<vmem>>) target_semaphore(%run_scoped3A_1063 : memref<!tpu.dma_semaphore, #tpu.memory_space<semaphore_mem>>)
        %dma_wait3A = arith.constant 1280 : i32
        %dma_wait3A_1070 = tpu.memref_slice %arg20[%dma_wait3A] : memref<4096xf32, #tpu.memory_space<vmem>> -> memref<256xf32, #tpu.memory_space<vmem>>
        %dma_wait3A_1071 = tpu.memref_slice %arg28[%add3A_204] : memref<65536xf32, #tpu.memory_space<vmem_shared>> -> memref<256xf32, #tpu.memory_space<vmem_shared>>
        %dma_wait3A_1072 = arith.constant 1280 : i32
        %dma_wait3A_1073 = tpu.memref_slice %arg20[%dma_wait3A_1072] : memref<4096xf32, #tpu.memory_space<vmem>> -> memref<256xf32, #tpu.memory_space<vmem>>
        %dma_wait3A_1074 = tpu.memref_slice %arg28[%add3A_204] : memref<65536xf32, #tpu.memory_space<vmem_shared>> -> memref<256xf32, #tpu.memory_space<vmem_shared>>
        tpu.wait_dma2 semaphore(%run_scoped3A_1063 : memref<!tpu.dma_semaphore, #tpu.memory_space<semaphore_mem>>) src(%dma_wait3A_1074 : memref<256xf32, #tpu.memory_space<vmem_shared>>) dst(%dma_wait3A_1073 : memref<256xf32, #tpu.memory_space<vmem>>)
        tpu.yield
      }) : () -> ()
      %mul3A_205 = arith.constant 256 : i32
      %mul3A_206 = arith.muli %arg1, %mul3A_205 : i32
      %add3A_207 = arith.constant 24576 : i32
      %add3A_208 = arith.addi %add3A_207, %mul3A_206 : i32
      "tpu.region"() ({
        %run_scoped3A_1063 = tpu.sem_alloc : memref<!tpu.dma_semaphore, #tpu.memory_space<semaphore_mem>>
        %dma_start3A_1064 = arith.constant 1536 : i32
        %dma_start3A_1065 = tpu.memref_slice %arg20[%dma_start3A_1064] : memref<4096xf32, #tpu.memory_space<vmem>> -> memref<256xf32, #tpu.memory_space<vmem>>
        %dma_start3A_1066 = tpu.memref_slice %arg28[%add3A_208] : memref<65536xf32, #tpu.memory_space<vmem_shared>> -> memref<256xf32, #tpu.memory_space<vmem_shared>>
        %dma_start3A_1067 = arith.constant 1536 : i32
        %dma_start3A_1068 = tpu.memref_slice %arg20[%dma_start3A_1067] : memref<4096xf32, #tpu.memory_space<vmem>> -> memref<256xf32, #tpu.memory_space<vmem>>
        %dma_start3A_1069 = tpu.memref_slice %arg28[%add3A_208] : memref<65536xf32, #tpu.memory_space<vmem_shared>> -> memref<256xf32, #tpu.memory_space<vmem_shared>>
        tpu.enqueue_dma source(%dma_start3A_1069 : memref<256xf32, #tpu.memory_space<vmem_shared>>) target(%dma_start3A_1068 : memref<256xf32, #tpu.memory_space<vmem>>) target_semaphore(%run_scoped3A_1063 : memref<!tpu.dma_semaphore, #tpu.memory_space<semaphore_mem>>)
        %dma_wait3A = arith.constant 1536 : i32
        %dma_wait3A_1070 = tpu.memref_slice %arg20[%dma_wait3A] : memref<4096xf32, #tpu.memory_space<vmem>> -> memref<256xf32, #tpu.memory_space<vmem>>
        %dma_wait3A_1071 = tpu.memref_slice %arg28[%add3A_208] : memref<65536xf32, #tpu.memory_space<vmem_shared>> -> memref<256xf32, #tpu.memory_space<vmem_shared>>
        %dma_wait3A_1072 = arith.constant 1536 : i32
        %dma_wait3A_1073 = tpu.memref_slice %arg20[%dma_wait3A_1072] : memref<4096xf32, #tpu.memory_space<vmem>> -> memref<256xf32, #tpu.memory_space<vmem>>
        %dma_wait3A_1074 = tpu.memref_slice %arg28[%add3A_208] : memref<65536xf32, #tpu.memory_space<vmem_shared>> -> memref<256xf32, #tpu.memory_space<vmem_shared>>
        tpu.wait_dma2 semaphore(%run_scoped3A_1063 : memref<!tpu.dma_semaphore, #tpu.memory_space<semaphore_mem>>) src(%dma_wait3A_1074 : memref<256xf32, #tpu.memory_space<vmem_shared>>) dst(%dma_wait3A_1073 : memref<256xf32, #tpu.memory_space<vmem>>)
        tpu.yield
      }) : () -> ()
      %mul3A_209 = arith.constant 256 : i32
      %mul3A_210 = arith.muli %arg1, %mul3A_209 : i32
      %add3A_211 = arith.constant 28672 : i32
      %add3A_212 = arith.addi %add3A_211, %mul3A_210 : i32
      "tpu.region"() ({
        %run_scoped3A_1063 = tpu.sem_alloc : memref<!tpu.dma_semaphore, #tpu.memory_space<semaphore_mem>>
        %dma_start3A_1064 = arith.constant 1792 : i32
        %dma_start3A_1065 = tpu.memref_slice %arg20[%dma_start3A_1064] : memref<4096xf32, #tpu.memory_space<vmem>> -> memref<256xf32, #tpu.memory_space<vmem>>
        %dma_start3A_1066 = tpu.memref_slice %arg28[%add3A_212] : memref<65536xf32, #tpu.memory_space<vmem_shared>> -> memref<256xf32, #tpu.memory_space<vmem_shared>>
        %dma_start3A_1067 = arith.constant 1792 : i32
        %dma_start3A_1068 = tpu.memref_slice %arg20[%dma_start3A_1067] : memref<4096xf32, #tpu.memory_space<vmem>> -> memref<256xf32, #tpu.memory_space<vmem>>
        %dma_start3A_1069 = tpu.memref_slice %arg28[%add3A_212] : memref<65536xf32, #tpu.memory_space<vmem_shared>> -> memref<256xf32, #tpu.memory_space<vmem_shared>>
        tpu.enqueue_dma source(%dma_start3A_1069 : memref<256xf32, #tpu.memory_space<vmem_shared>>) target(%dma_start3A_1068 : memref<256xf32, #tpu.memory_space<vmem>>) target_semaphore(%run_scoped3A_1063 : memref<!tpu.dma_semaphore, #tpu.memory_space<semaphore_mem>>)
        %dma_wait3A = arith.constant 1792 : i32
        %dma_wait3A_1070 = tpu.memref_slice %arg20[%dma_wait3A] : memref<4096xf32, #tpu.memory_space<vmem>> -> memref<256xf32, #tpu.memory_space<vmem>>
        %dma_wait3A_1071 = tpu.memref_slice %arg28[%add3A_212] : memref<65536xf32, #tpu.memory_space<vmem_shared>> -> memref<256xf32, #tpu.memory_space<vmem_shared>>
        %dma_wait3A_1072 = arith.constant 1792 : i32
        %dma_wait3A_1073 = tpu.memref_slice %arg20[%dma_wait3A_1072] : memref<4096xf32, #tpu.memory_space<vmem>> -> memref<256xf32, #tpu.memory_space<vmem>>
        %dma_wait3A_1074 = tpu.memref_slice %arg28[%add3A_212] : memref<65536xf32, #tpu.memory_space<vmem_shared>> -> memref<256xf32, #tpu.memory_space<vmem_shared>>
        tpu.wait_dma2 semaphore(%run_scoped3A_1063 : memref<!tpu.dma_semaphore, #tpu.memory_space<semaphore_mem>>) src(%dma_wait3A_1074 : memref<256xf32, #tpu.memory_space<vmem_shared>>) dst(%dma_wait3A_1073 : memref<256xf32, #tpu.memory_space<vmem>>)
        tpu.yield
      }) : () -> ()
      %mul3A_213 = arith.constant 256 : i32
      %mul3A_214 = arith.muli %arg1, %mul3A_213 : i32
      %add3A_215 = arith.constant 32768 : i32
      %add3A_216 = arith.addi %add3A_215, %mul3A_214 : i32
      "tpu.region"() ({
        %run_scoped3A_1063 = tpu.sem_alloc : memref<!tpu.dma_semaphore, #tpu.memory_space<semaphore_mem>>
        %dma_start3A_1064 = arith.constant 2048 : i32
        %dma_start3A_1065 = tpu.memref_slice %arg20[%dma_start3A_1064] : memref<4096xf32, #tpu.memory_space<vmem>> -> memref<256xf32, #tpu.memory_space<vmem>>
        %dma_start3A_1066 = tpu.memref_slice %arg28[%add3A_216] : memref<65536xf32, #tpu.memory_space<vmem_shared>> -> memref<256xf32, #tpu.memory_space<vmem_shared>>
        %dma_start3A_1067 = arith.constant 2048 : i32
        %dma_start3A_1068 = tpu.memref_slice %arg20[%dma_start3A_1067] : memref<4096xf32, #tpu.memory_space<vmem>> -> memref<256xf32, #tpu.memory_space<vmem>>
        %dma_start3A_1069 = tpu.memref_slice %arg28[%add3A_216] : memref<65536xf32, #tpu.memory_space<vmem_shared>> -> memref<256xf32, #tpu.memory_space<vmem_shared>>
        tpu.enqueue_dma source(%dma_start3A_1069 : memref<256xf32, #tpu.memory_space<vmem_shared>>) target(%dma_start3A_1068 : memref<256xf32, #tpu.memory_space<vmem>>) target_semaphore(%run_scoped3A_1063 : memref<!tpu.dma_semaphore, #tpu.memory_space<semaphore_mem>>)
        %dma_wait3A = arith.constant 2048 : i32
        %dma_wait3A_1070 = tpu.memref_slice %arg20[%dma_wait3A] : memref<4096xf32, #tpu.memory_space<vmem>> -> memref<256xf32, #tpu.memory_space<vmem>>
        %dma_wait3A_1071 = tpu.memref_slice %arg28[%add3A_216] : memref<65536xf32, #tpu.memory_space<vmem_shared>> -> memref<256xf32, #tpu.memory_space<vmem_shared>>
        %dma_wait3A_1072 = arith.constant 2048 : i32
        %dma_wait3A_1073 = tpu.memref_slice %arg20[%dma_wait3A_1072] : memref<4096xf32, #tpu.memory_space<vmem>> -> memref<256xf32, #tpu.memory_space<vmem>>
        %dma_wait3A_1074 = tpu.memref_slice %arg28[%add3A_216] : memref<65536xf32, #tpu.memory_space<vmem_shared>> -> memref<256xf32, #tpu.memory_space<vmem_shared>>
        tpu.wait_dma2 semaphore(%run_scoped3A_1063 : memref<!tpu.dma_semaphore, #tpu.memory_space<semaphore_mem>>) src(%dma_wait3A_1074 : memref<256xf32, #tpu.memory_space<vmem_shared>>) dst(%dma_wait3A_1073 : memref<256xf32, #tpu.memory_space<vmem>>)
        tpu.yield
      }) : () -> ()
      %mul3A_217 = arith.constant 256 : i32
      %mul3A_218 = arith.muli %arg1, %mul3A_217 : i32
      %add3A_219 = arith.constant 36864 : i32
      %add3A_220 = arith.addi %add3A_219, %mul3A_218 : i32
      "tpu.region"() ({
        %run_scoped3A_1063 = tpu.sem_alloc : memref<!tpu.dma_semaphore, #tpu.memory_space<semaphore_mem>>
        %dma_start3A_1064 = arith.constant 2304 : i32
        %dma_start3A_1065 = tpu.memref_slice %arg20[%dma_start3A_1064] : memref<4096xf32, #tpu.memory_space<vmem>> -> memref<256xf32, #tpu.memory_space<vmem>>
        %dma_start3A_1066 = tpu.memref_slice %arg28[%add3A_220] : memref<65536xf32, #tpu.memory_space<vmem_shared>> -> memref<256xf32, #tpu.memory_space<vmem_shared>>
        %dma_start3A_1067 = arith.constant 2304 : i32
        %dma_start3A_1068 = tpu.memref_slice %arg20[%dma_start3A_1067] : memref<4096xf32, #tpu.memory_space<vmem>> -> memref<256xf32, #tpu.memory_space<vmem>>
        %dma_start3A_1069 = tpu.memref_slice %arg28[%add3A_220] : memref<65536xf32, #tpu.memory_space<vmem_shared>> -> memref<256xf32, #tpu.memory_space<vmem_shared>>
        tpu.enqueue_dma source(%dma_start3A_1069 : memref<256xf32, #tpu.memory_space<vmem_shared>>) target(%dma_start3A_1068 : memref<256xf32, #tpu.memory_space<vmem>>) target_semaphore(%run_scoped3A_1063 : memref<!tpu.dma_semaphore, #tpu.memory_space<semaphore_mem>>)
        %dma_wait3A = arith.constant 2304 : i32
        %dma_wait3A_1070 = tpu.memref_slice %arg20[%dma_wait3A] : memref<4096xf32, #tpu.memory_space<vmem>> -> memref<256xf32, #tpu.memory_space<vmem>>
        %dma_wait3A_1071 = tpu.memref_slice %arg28[%add3A_220] : memref<65536xf32, #tpu.memory_space<vmem_shared>> -> memref<256xf32, #tpu.memory_space<vmem_shared>>
        %dma_wait3A_1072 = arith.constant 2304 : i32
        %dma_wait3A_1073 = tpu.memref_slice %arg20[%dma_wait3A_1072] : memref<4096xf32, #tpu.memory_space<vmem>> -> memref<256xf32, #tpu.memory_space<vmem>>
        %dma_wait3A_1074 = tpu.memref_slice %arg28[%add3A_220] : memref<65536xf32, #tpu.memory_space<vmem_shared>> -> memref<256xf32, #tpu.memory_space<vmem_shared>>
        tpu.wait_dma2 semaphore(%run_scoped3A_1063 : memref<!tpu.dma_semaphore, #tpu.memory_space<semaphore_mem>>) src(%dma_wait3A_1074 : memref<256xf32, #tpu.memory_space<vmem_shared>>) dst(%dma_wait3A_1073 : memref<256xf32, #tpu.memory_space<vmem>>)
        tpu.yield
      }) : () -> ()
      %mul3A_221 = arith.constant 256 : i32
      %mul3A_222 = arith.muli %arg1, %mul3A_221 : i32
      %add3A_223 = arith.constant 40960 : i32
      %add3A_224 = arith.addi %add3A_223, %mul3A_222 : i32
      "tpu.region"() ({
        %run_scoped3A_1063 = tpu.sem_alloc : memref<!tpu.dma_semaphore, #tpu.memory_space<semaphore_mem>>
        %dma_start3A_1064 = arith.constant 2560 : i32
        %dma_start3A_1065 = tpu.memref_slice %arg20[%dma_start3A_1064] : memref<4096xf32, #tpu.memory_space<vmem>> -> memref<256xf32, #tpu.memory_space<vmem>>
        %dma_start3A_1066 = tpu.memref_slice %arg28[%add3A_224] : memref<65536xf32, #tpu.memory_space<vmem_shared>> -> memref<256xf32, #tpu.memory_space<vmem_shared>>
        %dma_start3A_1067 = arith.constant 2560 : i32
        %dma_start3A_1068 = tpu.memref_slice %arg20[%dma_start3A_1067] : memref<4096xf32, #tpu.memory_space<vmem>> -> memref<256xf32, #tpu.memory_space<vmem>>
        %dma_start3A_1069 = tpu.memref_slice %arg28[%add3A_224] : memref<65536xf32, #tpu.memory_space<vmem_shared>> -> memref<256xf32, #tpu.memory_space<vmem_shared>>
        tpu.enqueue_dma source(%dma_start3A_1069 : memref<256xf32, #tpu.memory_space<vmem_shared>>) target(%dma_start3A_1068 : memref<256xf32, #tpu.memory_space<vmem>>) target_semaphore(%run_scoped3A_1063 : memref<!tpu.dma_semaphore, #tpu.memory_space<semaphore_mem>>)
        %dma_wait3A = arith.constant 2560 : i32
        %dma_wait3A_1070 = tpu.memref_slice %arg20[%dma_wait3A] : memref<4096xf32, #tpu.memory_space<vmem>> -> memref<256xf32, #tpu.memory_space<vmem>>
        %dma_wait3A_1071 = tpu.memref_slice %arg28[%add3A_224] : memref<65536xf32, #tpu.memory_space<vmem_shared>> -> memref<256xf32, #tpu.memory_space<vmem_shared>>
        %dma_wait3A_1072 = arith.constant 2560 : i32
        %dma_wait3A_1073 = tpu.memref_slice %arg20[%dma_wait3A_1072] : memref<4096xf32, #tpu.memory_space<vmem>> -> memref<256xf32, #tpu.memory_space<vmem>>
        %dma_wait3A_1074 = tpu.memref_slice %arg28[%add3A_224] : memref<65536xf32, #tpu.memory_space<vmem_shared>> -> memref<256xf32, #tpu.memory_space<vmem_shared>>
        tpu.wait_dma2 semaphore(%run_scoped3A_1063 : memref<!tpu.dma_semaphore, #tpu.memory_space<semaphore_mem>>) src(%dma_wait3A_1074 : memref<256xf32, #tpu.memory_space<vmem_shared>>) dst(%dma_wait3A_1073 : memref<256xf32, #tpu.memory_space<vmem>>)
        tpu.yield
      }) : () -> ()
      %mul3A_225 = arith.constant 256 : i32
      %mul3A_226 = arith.muli %arg1, %mul3A_225 : i32
      %add3A_227 = arith.constant 45056 : i32
      %add3A_228 = arith.addi %add3A_227, %mul3A_226 : i32
      "tpu.region"() ({
        %run_scoped3A_1063 = tpu.sem_alloc : memref<!tpu.dma_semaphore, #tpu.memory_space<semaphore_mem>>
        %dma_start3A_1064 = arith.constant 2816 : i32
        %dma_start3A_1065 = tpu.memref_slice %arg20[%dma_start3A_1064] : memref<4096xf32, #tpu.memory_space<vmem>> -> memref<256xf32, #tpu.memory_space<vmem>>
        %dma_start3A_1066 = tpu.memref_slice %arg28[%add3A_228] : memref<65536xf32, #tpu.memory_space<vmem_shared>> -> memref<256xf32, #tpu.memory_space<vmem_shared>>
        %dma_start3A_1067 = arith.constant 2816 : i32
        %dma_start3A_1068 = tpu.memref_slice %arg20[%dma_start3A_1067] : memref<4096xf32, #tpu.memory_space<vmem>> -> memref<256xf32, #tpu.memory_space<vmem>>
        %dma_start3A_1069 = tpu.memref_slice %arg28[%add3A_228] : memref<65536xf32, #tpu.memory_space<vmem_shared>> -> memref<256xf32, #tpu.memory_space<vmem_shared>>
        tpu.enqueue_dma source(%dma_start3A_1069 : memref<256xf32, #tpu.memory_space<vmem_shared>>) target(%dma_start3A_1068 : memref<256xf32, #tpu.memory_space<vmem>>) target_semaphore(%run_scoped3A_1063 : memref<!tpu.dma_semaphore, #tpu.memory_space<semaphore_mem>>)
        %dma_wait3A = arith.constant 2816 : i32
        %dma_wait3A_1070 = tpu.memref_slice %arg20[%dma_wait3A] : memref<4096xf32, #tpu.memory_space<vmem>> -> memref<256xf32, #tpu.memory_space<vmem>>
        %dma_wait3A_1071 = tpu.memref_slice %arg28[%add3A_228] : memref<65536xf32, #tpu.memory_space<vmem_shared>> -> memref<256xf32, #tpu.memory_space<vmem_shared>>
        %dma_wait3A_1072 = arith.constant 2816 : i32
        %dma_wait3A_1073 = tpu.memref_slice %arg20[%dma_wait3A_1072] : memref<4096xf32, #tpu.memory_space<vmem>> -> memref<256xf32, #tpu.memory_space<vmem>>
        %dma_wait3A_1074 = tpu.memref_slice %arg28[%add3A_228] : memref<65536xf32, #tpu.memory_space<vmem_shared>> -> memref<256xf32, #tpu.memory_space<vmem_shared>>
        tpu.wait_dma2 semaphore(%run_scoped3A_1063 : memref<!tpu.dma_semaphore, #tpu.memory_space<semaphore_mem>>) src(%dma_wait3A_1074 : memref<256xf32, #tpu.memory_space<vmem_shared>>) dst(%dma_wait3A_1073 : memref<256xf32, #tpu.memory_space<vmem>>)
        tpu.yield
      }) : () -> ()
      %mul3A_229 = arith.constant 256 : i32
      %mul3A_230 = arith.muli %arg1, %mul3A_229 : i32
      %add3A_231 = arith.constant 49152 : i32
      %add3A_232 = arith.addi %add3A_231, %mul3A_230 : i32
      "tpu.region"() ({
        %run_scoped3A_1063 = tpu.sem_alloc : memref<!tpu.dma_semaphore, #tpu.memory_space<semaphore_mem>>
        %dma_start3A_1064 = arith.constant 3072 : i32
        %dma_start3A_1065 = tpu.memref_slice %arg20[%dma_start3A_1064] : memref<4096xf32, #tpu.memory_space<vmem>> -> memref<256xf32, #tpu.memory_space<vmem>>
        %dma_start3A_1066 = tpu.memref_slice %arg28[%add3A_232] : memref<65536xf32, #tpu.memory_space<vmem_shared>> -> memref<256xf32, #tpu.memory_space<vmem_shared>>
        %dma_start3A_1067 = arith.constant 3072 : i32
        %dma_start3A_1068 = tpu.memref_slice %arg20[%dma_start3A_1067] : memref<4096xf32, #tpu.memory_space<vmem>> -> memref<256xf32, #tpu.memory_space<vmem>>
        %dma_start3A_1069 = tpu.memref_slice %arg28[%add3A_232] : memref<65536xf32, #tpu.memory_space<vmem_shared>> -> memref<256xf32, #tpu.memory_space<vmem_shared>>
        tpu.enqueue_dma source(%dma_start3A_1069 : memref<256xf32, #tpu.memory_space<vmem_shared>>) target(%dma_start3A_1068 : memref<256xf32, #tpu.memory_space<vmem>>) target_semaphore(%run_scoped3A_1063 : memref<!tpu.dma_semaphore, #tpu.memory_space<semaphore_mem>>)
        %dma_wait3A = arith.constant 3072 : i32
        %dma_wait3A_1070 = tpu.memref_slice %arg20[%dma_wait3A] : memref<4096xf32, #tpu.memory_space<vmem>> -> memref<256xf32, #tpu.memory_space<vmem>>
        %dma_wait3A_1071 = tpu.memref_slice %arg28[%add3A_232] : memref<65536xf32, #tpu.memory_space<vmem_shared>> -> memref<256xf32, #tpu.memory_space<vmem_shared>>
        %dma_wait3A_1072 = arith.constant 3072 : i32
        %dma_wait3A_1073 = tpu.memref_slice %arg20[%dma_wait3A_1072] : memref<4096xf32, #tpu.memory_space<vmem>> -> memref<256xf32, #tpu.memory_space<vmem>>
        %dma_wait3A_1074 = tpu.memref_slice %arg28[%add3A_232] : memref<65536xf32, #tpu.memory_space<vmem_shared>> -> memref<256xf32, #tpu.memory_space<vmem_shared>>
        tpu.wait_dma2 semaphore(%run_scoped3A_1063 : memref<!tpu.dma_semaphore, #tpu.memory_space<semaphore_mem>>) src(%dma_wait3A_1074 : memref<256xf32, #tpu.memory_space<vmem_shared>>) dst(%dma_wait3A_1073 : memref<256xf32, #tpu.memory_space<vmem>>)
        tpu.yield
      }) : () -> ()
      %mul3A_233 = arith.constant 256 : i32
      %mul3A_234 = arith.muli %arg1, %mul3A_233 : i32
      %add3A_235 = arith.constant 53248 : i32
      %add3A_236 = arith.addi %add3A_235, %mul3A_234 : i32
      "tpu.region"() ({
        %run_scoped3A_1063 = tpu.sem_alloc : memref<!tpu.dma_semaphore, #tpu.memory_space<semaphore_mem>>
        %dma_start3A_1064 = arith.constant 3328 : i32
        %dma_start3A_1065 = tpu.memref_slice %arg20[%dma_start3A_1064] : memref<4096xf32, #tpu.memory_space<vmem>> -> memref<256xf32, #tpu.memory_space<vmem>>
        %dma_start3A_1066 = tpu.memref_slice %arg28[%add3A_236] : memref<65536xf32, #tpu.memory_space<vmem_shared>> -> memref<256xf32, #tpu.memory_space<vmem_shared>>
        %dma_start3A_1067 = arith.constant 3328 : i32
        %dma_start3A_1068 = tpu.memref_slice %arg20[%dma_start3A_1067] : memref<4096xf32, #tpu.memory_space<vmem>> -> memref<256xf32, #tpu.memory_space<vmem>>
        %dma_start3A_1069 = tpu.memref_slice %arg28[%add3A_236] : memref<65536xf32, #tpu.memory_space<vmem_shared>> -> memref<256xf32, #tpu.memory_space<vmem_shared>>
        tpu.enqueue_dma source(%dma_start3A_1069 : memref<256xf32, #tpu.memory_space<vmem_shared>>) target(%dma_start3A_1068 : memref<256xf32, #tpu.memory_space<vmem>>) target_semaphore(%run_scoped3A_1063 : memref<!tpu.dma_semaphore, #tpu.memory_space<semaphore_mem>>)
        %dma_wait3A = arith.constant 3328 : i32
        %dma_wait3A_1070 = tpu.memref_slice %arg20[%dma_wait3A] : memref<4096xf32, #tpu.memory_space<vmem>> -> memref<256xf32, #tpu.memory_space<vmem>>
        %dma_wait3A_1071 = tpu.memref_slice %arg28[%add3A_236] : memref<65536xf32, #tpu.memory_space<vmem_shared>> -> memref<256xf32, #tpu.memory_space<vmem_shared>>
        %dma_wait3A_1072 = arith.constant 3328 : i32
        %dma_wait3A_1073 = tpu.memref_slice %arg20[%dma_wait3A_1072] : memref<4096xf32, #tpu.memory_space<vmem>> -> memref<256xf32, #tpu.memory_space<vmem>>
        %dma_wait3A_1074 = tpu.memref_slice %arg28[%add3A_236] : memref<65536xf32, #tpu.memory_space<vmem_shared>> -> memref<256xf32, #tpu.memory_space<vmem_shared>>
        tpu.wait_dma2 semaphore(%run_scoped3A_1063 : memref<!tpu.dma_semaphore, #tpu.memory_space<semaphore_mem>>) src(%dma_wait3A_1074 : memref<256xf32, #tpu.memory_space<vmem_shared>>) dst(%dma_wait3A_1073 : memref<256xf32, #tpu.memory_space<vmem>>)
        tpu.yield
      }) : () -> ()
      %mul3A_237 = arith.constant 256 : i32
      %mul3A_238 = arith.muli %arg1, %mul3A_237 : i32
      %add3A_239 = arith.constant 57344 : i32
      %add3A_240 = arith.addi %add3A_239, %mul3A_238 : i32
      "tpu.region"() ({
        %run_scoped3A_1063 = tpu.sem_alloc : memref<!tpu.dma_semaphore, #tpu.memory_space<semaphore_mem>>
        %dma_start3A_1064 = arith.constant 3584 : i32
        %dma_start3A_1065 = tpu.memref_slice %arg20[%dma_start3A_1064] : memref<4096xf32, #tpu.memory_space<vmem>> -> memref<256xf32, #tpu.memory_space<vmem>>
        %dma_start3A_1066 = tpu.memref_slice %arg28[%add3A_240] : memref<65536xf32, #tpu.memory_space<vmem_shared>> -> memref<256xf32, #tpu.memory_space<vmem_shared>>
        %dma_start3A_1067 = arith.constant 3584 : i32
        %dma_start3A_1068 = tpu.memref_slice %arg20[%dma_start3A_1067] : memref<4096xf32, #tpu.memory_space<vmem>> -> memref<256xf32, #tpu.memory_space<vmem>>
        %dma_start3A_1069 = tpu.memref_slice %arg28[%add3A_240] : memref<65536xf32, #tpu.memory_space<vmem_shared>> -> memref<256xf32, #tpu.memory_space<vmem_shared>>
        tpu.enqueue_dma source(%dma_start3A_1069 : memref<256xf32, #tpu.memory_space<vmem_shared>>) target(%dma_start3A_1068 : memref<256xf32, #tpu.memory_space<vmem>>) target_semaphore(%run_scoped3A_1063 : memref<!tpu.dma_semaphore, #tpu.memory_space<semaphore_mem>>)
        %dma_wait3A = arith.constant 3584 : i32
        %dma_wait3A_1070 = tpu.memref_slice %arg20[%dma_wait3A] : memref<4096xf32, #tpu.memory_space<vmem>> -> memref<256xf32, #tpu.memory_space<vmem>>
        %dma_wait3A_1071 = tpu.memref_slice %arg28[%add3A_240] : memref<65536xf32, #tpu.memory_space<vmem_shared>> -> memref<256xf32, #tpu.memory_space<vmem_shared>>
        %dma_wait3A_1072 = arith.constant 3584 : i32
        %dma_wait3A_1073 = tpu.memref_slice %arg20[%dma_wait3A_1072] : memref<4096xf32, #tpu.memory_space<vmem>> -> memref<256xf32, #tpu.memory_space<vmem>>
        %dma_wait3A_1074 = tpu.memref_slice %arg28[%add3A_240] : memref<65536xf32, #tpu.memory_space<vmem_shared>> -> memref<256xf32, #tpu.memory_space<vmem_shared>>
        tpu.wait_dma2 semaphore(%run_scoped3A_1063 : memref<!tpu.dma_semaphore, #tpu.memory_space<semaphore_mem>>) src(%dma_wait3A_1074 : memref<256xf32, #tpu.memory_space<vmem_shared>>) dst(%dma_wait3A_1073 : memref<256xf32, #tpu.memory_space<vmem>>)
        tpu.yield
      }) : () -> ()
      %mul3A_241 = arith.constant 256 : i32
      %mul3A_242 = arith.muli %arg1, %mul3A_241 : i32
      %add3A_243 = arith.constant 61440 : i32
      %add3A_244 = arith.addi %add3A_243, %mul3A_242 : i32
      "tpu.region"() ({
        %run_scoped3A_1063 = tpu.sem_alloc : memref<!tpu.dma_semaphore, #tpu.memory_space<semaphore_mem>>
        %dma_start3A_1064 = arith.constant 3840 : i32
        %dma_start3A_1065 = tpu.memref_slice %arg20[%dma_start3A_1064] : memref<4096xf32, #tpu.memory_space<vmem>> -> memref<256xf32, #tpu.memory_space<vmem>>
        %dma_start3A_1066 = tpu.memref_slice %arg28[%add3A_244] : memref<65536xf32, #tpu.memory_space<vmem_shared>> -> memref<256xf32, #tpu.memory_space<vmem_shared>>
        %dma_start3A_1067 = arith.constant 3840 : i32
        %dma_start3A_1068 = tpu.memref_slice %arg20[%dma_start3A_1067] : memref<4096xf32, #tpu.memory_space<vmem>> -> memref<256xf32, #tpu.memory_space<vmem>>
        %dma_start3A_1069 = tpu.memref_slice %arg28[%add3A_244] : memref<65536xf32, #tpu.memory_space<vmem_shared>> -> memref<256xf32, #tpu.memory_space<vmem_shared>>
        tpu.enqueue_dma source(%dma_start3A_1069 : memref<256xf32, #tpu.memory_space<vmem_shared>>) target(%dma_start3A_1068 : memref<256xf32, #tpu.memory_space<vmem>>) target_semaphore(%run_scoped3A_1063 : memref<!tpu.dma_semaphore, #tpu.memory_space<semaphore_mem>>)
        %dma_wait3A = arith.constant 3840 : i32
        %dma_wait3A_1070 = tpu.memref_slice %arg20[%dma_wait3A] : memref<4096xf32, #tpu.memory_space<vmem>> -> memref<256xf32, #tpu.memory_space<vmem>>
        %dma_wait3A_1071 = tpu.memref_slice %arg28[%add3A_244] : memref<65536xf32, #tpu.memory_space<vmem_shared>> -> memref<256xf32, #tpu.memory_space<vmem_shared>>
        %dma_wait3A_1072 = arith.constant 3840 : i32
        %dma_wait3A_1073 = tpu.memref_slice %arg20[%dma_wait3A_1072] : memref<4096xf32, #tpu.memory_space<vmem>> -> memref<256xf32, #tpu.memory_space<vmem>>
        %dma_wait3A_1074 = tpu.memref_slice %arg28[%add3A_244] : memref<65536xf32, #tpu.memory_space<vmem_shared>> -> memref<256xf32, #tpu.memory_space<vmem_shared>>
        tpu.wait_dma2 semaphore(%run_scoped3A_1063 : memref<!tpu.dma_semaphore, #tpu.memory_space<semaphore_mem>>) src(%dma_wait3A_1074 : memref<256xf32, #tpu.memory_space<vmem_shared>>) dst(%dma_wait3A_1073 : memref<256xf32, #tpu.memory_space<vmem>>)
        tpu.yield
      }) : () -> ()
      %get3A_245 = arith.constant 0 : index
      %get3A_246 = tpu.vector_load %arg20[%get3A_245] {strides = array<i32>} : memref<4096xf32, #tpu.memory_space<vmem>>, vector<16xf32>,
      %get3A_247 = arith.constant 256 : index
      %get3A_248 = tpu.vector_load %arg20[%get3A_247] {strides = array<i32>} : memref<4096xf32, #tpu.memory_space<vmem>>, vector<16xf32>,
      %add3A_249 = arith.addf %get3A_246, %get3A_248 : vector<16xf32>
      %get3A_250 = arith.constant 512 : index
      %get3A_251 = tpu.vector_load %arg20[%get3A_250] {strides = array<i32>} : memref<4096xf32, #tpu.memory_space<vmem>>, vector<16xf32>,
      %add3A_252 = arith.addf %add3A_249, %get3A_251 : vector<16xf32>
      %get3A_253 = arith.constant 768 : index
      %get3A_254 = tpu.vector_load %arg20[%get3A_253] {strides = array<i32>} : memref<4096xf32, #tpu.memory_space<vmem>>, vector<16xf32>,
      %add3A_255 = arith.addf %add3A_252, %get3A_254 : vector<16xf32>
      %get3A_256 = arith.constant 1024 : index
      %get3A_257 = tpu.vector_load %arg20[%get3A_256] {strides = array<i32>} : memref<4096xf32, #tpu.memory_space<vmem>>, vector<16xf32>,
      %add3A_258 = arith.addf %add3A_255, %get3A_257 : vector<16xf32>
      %get3A_259 = arith.constant 1280 : index
      %get3A_260 = tpu.vector_load %arg20[%get3A_259] {strides = array<i32>} : memref<4096xf32, #tpu.memory_space<vmem>>, vector<16xf32>,
      %add3A_261 = arith.addf %add3A_258, %get3A_260 : vector<16xf32>
      %get3A_262 = arith.constant 1536 : index
      %get3A_263 = tpu.vector_load %arg20[%get3A_262] {strides = array<i32>} : memref<4096xf32, #tpu.memory_space<vmem>>, vector<16xf32>,
      %add3A_264 = arith.addf %add3A_261, %get3A_263 : vector<16xf32>
      %get3A_265 = arith.constant 1792 : index
      %get3A_266 = tpu.vector_load %arg20[%get3A_265] {strides = array<i32>} : memref<4096xf32, #tpu.memory_space<vmem>>, vector<16xf32>,
      %add3A_267 = arith.addf %add3A_264, %get3A_266 : vector<16xf32>
      %get3A_268 = arith.constant 2048 : index
      %get3A_269 = tpu.vector_load %arg20[%get3A_268] {strides = array<i32>} : memref<4096xf32, #tpu.memory_space<vmem>>, vector<16xf32>,
      %add3A_270 = arith.addf %add3A_267, %get3A_269 : vector<16xf32>
      %get3A_271 = arith.constant 2304 : index
      %get3A_272 = tpu.vector_load %arg20[%get3A_271] {strides = array<i32>} : memref<4096xf32, #tpu.memory_space<vmem>>, vector<16xf32>,
      %add3A_273 = arith.addf %add3A_270, %get3A_272 : vector<16xf32>
      %get3A_274 = arith.constant 2560 : index
      %get3A_275 = tpu.vector_load %arg20[%get3A_274] {strides = array<i32>} : memref<4096xf32, #tpu.memory_space<vmem>>, vector<16xf32>,
      %add3A_276 = arith.addf %add3A_273, %get3A_275 : vector<16xf32>
      %get3A_277 = arith.constant 2816 : index
      %get3A_278 = tpu.vector_load %arg20[%get3A_277] {strides = array<i32>} : memref<4096xf32, #tpu.memory_space<vmem>>, vector<16xf32>,
      %add3A_279 = arith.addf %add3A_276, %get3A_278 : vector<16xf32>
      %get3A_280 = arith.constant 3072 : index
      %get3A_281 = tpu.vector_load %arg20[%get3A_280] {strides = array<i32>} : memref<4096xf32, #tpu.memory_space<vmem>>, vector<16xf32>,
      %add3A_282 = arith.addf %add3A_279, %get3A_281 : vector<16xf32>
      %get3A_283 = arith.constant 3328 : index
      %get3A_284 = tpu.vector_load %arg20[%get3A_283] {strides = array<i32>} : memref<4096xf32, #tpu.memory_space<vmem>>, vector<16xf32>,
      %add3A_285 = arith.addf %add3A_282, %get3A_284 : vector<16xf32>
      %get3A_286 = arith.constant 3584 : index
      %get3A_287 = tpu.vector_load %arg20[%get3A_286] {strides = array<i32>} : memref<4096xf32, #tpu.memory_space<vmem>>, vector<16xf32>,
      %add3A_288 = arith.addf %add3A_285, %get3A_287 : vector<16xf32>
      %get3A_289 = arith.constant 3840 : index
      %get3A_290 = tpu.vector_load %arg20[%get3A_289] {strides = array<i32>} : memref<4096xf32, #tpu.memory_space<vmem>>, vector<16xf32>,
      %add3A_291 = arith.addf %add3A_288, %get3A_290 : vector<16xf32>
      %swap3A_292 = arith.constant 0 : index
      %swap3A_293 = tpu.vector_load %arg21[%swap3A_292] {strides = array<i32>} : memref<256xf32, #tpu.memory_space<vmem>>, vector<16xf32>,
      tpu.vector_store %arg21[%swap3A_292], %add3A_291 {strides = array<i32>} : memref<256xf32, #tpu.memory_space<vmem>>, vector<16xf32>,
      %get3A_294 = arith.constant 16 : index
      %get3A_295 = tpu.vector_load %arg20[%get3A_294] {strides = array<i32>} : memref<4096xf32, #tpu.memory_space<vmem>>, vector<16xf32>,
      %get3A_296 = arith.constant 272 : index
      %get3A_297 = tpu.vector_load %arg20[%get3A_296] {strides = array<i32>} : memref<4096xf32, #tpu.memory_space<vmem>>, vector<16xf32>,
      %add3A_298 = arith.addf %get3A_295, %get3A_297 : vector<16xf32>
      %get3A_299 = arith.constant 528 : index
      %get3A_300 = tpu.vector_load %arg20[%get3A_299] {strides = array<i32>} : memref<4096xf32, #tpu.memory_space<vmem>>, vector<16xf32>,
      %add3A_301 = arith.addf %add3A_298, %get3A_300 : vector<16xf32>
      %get3A_302 = arith.constant 784 : index
      %get3A_303 = tpu.vector_load %arg20[%get3A_302] {strides = array<i32>} : memref<4096xf32, #tpu.memory_space<vmem>>, vector<16xf32>,
      %add3A_304 = arith.addf %add3A_301, %get3A_303 : vector<16xf32>
      %get3A_305 = arith.constant 1040 : index
      %get3A_306 = tpu.vector_load %arg20[%get3A_305] {strides = array<i32>} : memref<4096xf32, #tpu.memory_space<vmem>>, vector<16xf32>,
      %add3A_307 = arith.addf %add3A_304, %get3A_306 : vector<16xf32>
      %get3A_308 = arith.constant 1296 : index
      %get3A_309 = tpu.vector_load %arg20[%get3A_308] {strides = array<i32>} : memref<4096xf32, #tpu.memory_space<vmem>>, vector<16xf32>,
      %add3A_310 = arith.addf %add3A_307, %get3A_309 : vector<16xf32>
      %get3A_311 = arith.constant 1552 : index
      %get3A_312 = tpu.vector_load %arg20[%get3A_311] {strides = array<i32>} : memref<4096xf32, #tpu.memory_space<vmem>>, vector<16xf32>,
      %add3A_313 = arith.addf %add3A_310, %get3A_312 : vector<16xf32>
      %get3A_314 = arith.constant 1808 : index
      %get3A_315 = tpu.vector_load %arg20[%get3A_314] {strides = array<i32>} : memref<4096xf32, #tpu.memory_space<vmem>>, vector<16xf32>,
      %add3A_316 = arith.addf %add3A_313, %get3A_315 : vector<16xf32>
      %get3A_317 = arith.constant 2064 : index
      %get3A_318 = tpu.vector_load %arg20[%get3A_317] {strides = array<i32>} : memref<4096xf32, #tpu.memory_space<vmem>>, vector<16xf32>,
      %add3A_319 = arith.addf %add3A_316, %get3A_318 : vector<16xf32>
      %get3A_320 = arith.constant 2320 : index
      %get3A_321 = tpu.vector_load %arg20[%get3A_320] {strides = array<i32>} : memref<4096xf32, #tpu.memory_space<vmem>>, vector<16xf32>,
      %add3A_322 = arith.addf %add3A_319, %get3A_321 : vector<16xf32>
      %get3A_323 = arith.constant 2576 : index
      %get3A_324 = tpu.vector_load %arg20[%get3A_323] {strides = array<i32>} : memref<4096xf32, #tpu.memory_space<vmem>>, vector<16xf32>,
      %add3A_325 = arith.addf %add3A_322, %get3A_324 : vector<16xf32>
      %get3A_326 = arith.constant 2832 : index
      %get3A_327 = tpu.vector_load %arg20[%get3A_326] {strides = array<i32>} : memref<4096xf32, #tpu.memory_space<vmem>>, vector<16xf32>,
      %add3A_328 = arith.addf %add3A_325, %get3A_327 : vector<16xf32>
      %get3A_329 = arith.constant 3088 : index
      %get3A_330 = tpu.vector_load %arg20[%get3A_329] {strides = array<i32>} : memref<4096xf32, #tpu.memory_space<vmem>>, vector<16xf32>,
      %add3A_331 = arith.addf %add3A_328, %get3A_330 : vector<16xf32>
      %get3A_332 = arith.constant 3344 : index
      %get3A_333 = tpu.vector_load %arg20[%get3A_332] {strides = array<i32>} : memref<4096xf32, #tpu.memory_space<vmem>>, vector<16xf32>,
      %add3A_334 = arith.addf %add3A_331, %get3A_333 : vector<16xf32>
      %get3A_335 = arith.constant 3600 : index
      %get3A_336 = tpu.vector_load %arg20[%get3A_335] {strides = array<i32>} : memref<4096xf32, #tpu.memory_space<vmem>>, vector<16xf32>,
      %add3A_337 = arith.addf %add3A_334, %get3A_336 : vector<16xf32>
      %get3A_338 = arith.constant 3856 : index
      %get3A_339 = tpu.vector_load %arg20[%get3A_338] {strides = array<i32>} : memref<4096xf32, #tpu.memory_space<vmem>>, vector<16xf32>,
      %add3A_340 = arith.addf %add3A_337, %get3A_339 : vector<16xf32>
      %swap3A_341 = arith.constant 16 : index
      %swap3A_342 = tpu.vector_load %arg21[%swap3A_341] {strides = array<i32>} : memref<256xf32, #tpu.memory_space<vmem>>, vector<16xf32>,
      tpu.vector_store %arg21[%swap3A_341], %add3A_340 {strides = array<i32>} : memref<256xf32, #tpu.memory_space<vmem>>, vector<16xf32>,
      %get3A_343 = arith.constant 32 : index
      %get3A_344 = tpu.vector_load %arg20[%get3A_343] {strides = array<i32>} : memref<4096xf32, #tpu.memory_space<vmem>>, vector<16xf32>,
      %get3A_345 = arith.constant 288 : index
      %get3A_346 = tpu.vector_load %arg20[%get3A_345] {strides = array<i32>} : memref<4096xf32, #tpu.memory_space<vmem>>, vector<16xf32>,
      %add3A_347 = arith.addf %get3A_344, %get3A_346 : vector<16xf32>
      %get3A_348 = arith.constant 544 : index
      %get3A_349 = tpu.vector_load %arg20[%get3A_348] {strides = array<i32>} : memref<4096xf32, #tpu.memory_space<vmem>>, vector<16xf32>,
      %add3A_350 = arith.addf %add3A_347, %get3A_349 : vector<16xf32>
      %get3A_351 = arith.constant 800 : index
      %get3A_352 = tpu.vector_load %arg20[%get3A_351] {strides = array<i32>} : memref<4096xf32, #tpu.memory_space<vmem>>, vector<16xf32>,
      %add3A_353 = arith.addf %add3A_350, %get3A_352 : vector<16xf32>
      %get3A_354 = arith.constant 1056 : index
      %get3A_355 = tpu.vector_load %arg20[%get3A_354] {strides = array<i32>} : memref<4096xf32, #tpu.memory_space<vmem>>, vector<16xf32>,
      %add3A_356 = arith.addf %add3A_353, %get3A_355 : vector<16xf32>
      %get3A_357 = arith.constant 1312 : index
      %get3A_358 = tpu.vector_load %arg20[%get3A_357] {strides = array<i32>} : memref<4096xf32, #tpu.memory_space<vmem>>, vector<16xf32>,
      %add3A_359 = arith.addf %add3A_356, %get3A_358 : vector<16xf32>
      %get3A_360 = arith.constant 1568 : index
      %get3A_361 = tpu.vector_load %arg20[%get3A_360] {strides = array<i32>} : memref<4096xf32, #tpu.memory_space<vmem>>, vector<16xf32>,
      %add3A_362 = arith.addf %add3A_359, %get3A_361 : vector<16xf32>
      %get3A_363 = arith.constant 1824 : index
      %get3A_364 = tpu.vector_load %arg20[%get3A_363] {strides = array<i32>} : memref<4096xf32, #tpu.memory_space<vmem>>, vector<16xf32>,
      %add3A_365 = arith.addf %add3A_362, %get3A_364 : vector<16xf32>
      %get3A_366 = arith.constant 2080 : index
      %get3A_367 = tpu.vector_load %arg20[%get3A_366] {strides = array<i32>} : memref<4096xf32, #tpu.memory_space<vmem>>, vector<16xf32>,
      %add3A_368 = arith.addf %add3A_365, %get3A_367 : vector<16xf32>
      %get3A_369 = arith.constant 2336 : index
      %get3A_370 = tpu.vector_load %arg20[%get3A_369] {strides = array<i32>} : memref<4096xf32, #tpu.memory_space<vmem>>, vector<16xf32>,
      %add3A_371 = arith.addf %add3A_368, %get3A_370 : vector<16xf32>
      %get3A_372 = arith.constant 2592 : index
      %get3A_373 = tpu.vector_load %arg20[%get3A_372] {strides = array<i32>} : memref<4096xf32, #tpu.memory_space<vmem>>, vector<16xf32>,
      %add3A_374 = arith.addf %add3A_371, %get3A_373 : vector<16xf32>
      %get3A_375 = arith.constant 2848 : index
      %get3A_376 = tpu.vector_load %arg20[%get3A_375] {strides = array<i32>} : memref<4096xf32, #tpu.memory_space<vmem>>, vector<16xf32>,
      %add3A_377 = arith.addf %add3A_374, %get3A_376 : vector<16xf32>
      %get3A_378 = arith.constant 3104 : index
      %get3A_379 = tpu.vector_load %arg20[%get3A_378] {strides = array<i32>} : memref<4096xf32, #tpu.memory_space<vmem>>, vector<16xf32>,
      %add3A_380 = arith.addf %add3A_377, %get3A_379 : vector<16xf32>
      %get3A_381 = arith.constant 3360 : index
      %get3A_382 = tpu.vector_load %arg20[%get3A_381] {strides = array<i32>} : memref<4096xf32, #tpu.memory_space<vmem>>, vector<16xf32>,
      %add3A_383 = arith.addf %add3A_380, %get3A_382 : vector<16xf32>
      %get3A_384 = arith.constant 3616 : index
      %get3A_385 = tpu.vector_load %arg20[%get3A_384] {strides = array<i32>} : memref<4096xf32, #tpu.memory_space<vmem>>, vector<16xf32>,
      %add3A_386 = arith.addf %add3A_383, %get3A_385 : vector<16xf32>
      %get3A_387 = arith.constant 3872 : index
      %get3A_388 = tpu.vector_load %arg20[%get3A_387] {strides = array<i32>} : memref<4096xf32, #tpu.memory_space<vmem>>, vector<16xf32>,
      %add3A_389 = arith.addf %add3A_386, %get3A_388 : vector<16xf32>
      %swap3A_390 = arith.constant 32 : index
      %swap3A_391 = tpu.vector_load %arg21[%swap3A_390] {strides = array<i32>} : memref<256xf32, #tpu.memory_space<vmem>>, vector<16xf32>,
      tpu.vector_store %arg21[%swap3A_390], %add3A_389 {strides = array<i32>} : memref<256xf32, #tpu.memory_space<vmem>>, vector<16xf32>,
      %get3A_392 = arith.constant 48 : index
      %get3A_393 = tpu.vector_load %arg20[%get3A_392] {strides = array<i32>} : memref<4096xf32, #tpu.memory_space<vmem>>, vector<16xf32>,
      %get3A_394 = arith.constant 304 : index
      %get3A_395 = tpu.vector_load %arg20[%get3A_394] {strides = array<i32>} : memref<4096xf32, #tpu.memory_space<vmem>>, vector<16xf32>,
      %add3A_396 = arith.addf %get3A_393, %get3A_395 : vector<16xf32>
      %get3A_397 = arith.constant 560 : index
      %get3A_398 = tpu.vector_load %arg20[%get3A_397] {strides = array<i32>} : memref<4096xf32, #tpu.memory_space<vmem>>, vector<16xf32>,
      %add3A_399 = arith.addf %add3A_396, %get3A_398 : vector<16xf32>
      %get3A_400 = arith.constant 816 : index
      %get3A_401 = tpu.vector_load %arg20[%get3A_400] {strides = array<i32>} : memref<4096xf32, #tpu.memory_space<vmem>>, vector<16xf32>,
      %add3A_402 = arith.addf %add3A_399, %get3A_401 : vector<16xf32>
      %get3A_403 = arith.constant 1072 : index
      %get3A_404 = tpu.vector_load %arg20[%get3A_403] {strides = array<i32>} : memref<4096xf32, #tpu.memory_space<vmem>>, vector<16xf32>,
      %add3A_405 = arith.addf %add3A_402, %get3A_404 : vector<16xf32>
      %get3A_406 = arith.constant 1328 : index
      %get3A_407 = tpu.vector_load %arg20[%get3A_406] {strides = array<i32>} : memref<4096xf32, #tpu.memory_space<vmem>>, vector<16xf32>,
      %add3A_408 = arith.addf %add3A_405, %get3A_407 : vector<16xf32>
      %get3A_409 = arith.constant 1584 : index
      %get3A_410 = tpu.vector_load %arg20[%get3A_409] {strides = array<i32>} : memref<4096xf32, #tpu.memory_space<vmem>>, vector<16xf32>,
      %add3A_411 = arith.addf %add3A_408, %get3A_410 : vector<16xf32>
      %get3A_412 = arith.constant 1840 : index
      %get3A_413 = tpu.vector_load %arg20[%get3A_412] {strides = array<i32>} : memref<4096xf32, #tpu.memory_space<vmem>>, vector<16xf32>,
      %add3A_414 = arith.addf %add3A_411, %get3A_413 : vector<16xf32>
      %get3A_415 = arith.constant 2096 : index
      %get3A_416 = tpu.vector_load %arg20[%get3A_415] {strides = array<i32>} : memref<4096xf32, #tpu.memory_space<vmem>>, vector<16xf32>,
      %add3A_417 = arith.addf %add3A_414, %get3A_416 : vector<16xf32>
      %get3A_418 = arith.constant 2352 : index
      %get3A_419 = tpu.vector_load %arg20[%get3A_418] {strides = array<i32>} : memref<4096xf32, #tpu.memory_space<vmem>>, vector<16xf32>,
      %add3A_420 = arith.addf %add3A_417, %get3A_419 : vector<16xf32>
      %get3A_421 = arith.constant 2608 : index
      %get3A_422 = tpu.vector_load %arg20[%get3A_421] {strides = array<i32>} : memref<4096xf32, #tpu.memory_space<vmem>>, vector<16xf32>,
      %add3A_423 = arith.addf %add3A_420, %get3A_422 : vector<16xf32>
      %get3A_424 = arith.constant 2864 : index
      %get3A_425 = tpu.vector_load %arg20[%get3A_424] {strides = array<i32>} : memref<4096xf32, #tpu.memory_space<vmem>>, vector<16xf32>,
      %add3A_426 = arith.addf %add3A_423, %get3A_425 : vector<16xf32>
      %get3A_427 = arith.constant 3120 : index
      %get3A_428 = tpu.vector_load %arg20[%get3A_427] {strides = array<i32>} : memref<4096xf32, #tpu.memory_space<vmem>>, vector<16xf32>,
      %add3A_429 = arith.addf %add3A_426, %get3A_428 : vector<16xf32>
      %get3A_430 = arith.constant 3376 : index
      %get3A_431 = tpu.vector_load %arg20[%get3A_430] {strides = array<i32>} : memref<4096xf32, #tpu.memory_space<vmem>>, vector<16xf32>,
      %add3A_432 = arith.addf %add3A_429, %get3A_431 : vector<16xf32>
      %get3A_433 = arith.constant 3632 : index
      %get3A_434 = tpu.vector_load %arg20[%get3A_433] {strides = array<i32>} : memref<4096xf32, #tpu.memory_space<vmem>>, vector<16xf32>,
      %add3A_435 = arith.addf %add3A_432, %get3A_434 : vector<16xf32>
      %get3A_436 = arith.constant 3888 : index
      %get3A_437 = tpu.vector_load %arg20[%get3A_436] {strides = array<i32>} : memref<4096xf32, #tpu.memory_space<vmem>>, vector<16xf32>,
      %add3A_438 = arith.addf %add3A_435, %get3A_437 : vector<16xf32>
      %swap3A_439 = arith.constant 48 : index
      %swap3A_440 = tpu.vector_load %arg21[%swap3A_439] {strides = array<i32>} : memref<256xf32, #tpu.memory_space<vmem>>, vector<16xf32>,
      tpu.vector_store %arg21[%swap3A_439], %add3A_438 {strides = array<i32>} : memref<256xf32, #tpu.memory_space<vmem>>, vector<16xf32>,
      %get3A_441 = arith.constant 64 : index
      %get3A_442 = tpu.vector_load %arg20[%get3A_441] {strides = array<i32>} : memref<4096xf32, #tpu.memory_space<vmem>>, vector<16xf32>,
      %get3A_443 = arith.constant 320 : index
      %get3A_444 = tpu.vector_load %arg20[%get3A_443] {strides = array<i32>} : memref<4096xf32, #tpu.memory_space<vmem>>, vector<16xf32>,
      %add3A_445 = arith.addf %get3A_442, %get3A_444 : vector<16xf32>
      %get3A_446 = arith.constant 576 : index
      %get3A_447 = tpu.vector_load %arg20[%get3A_446] {strides = array<i32>} : memref<4096xf32, #tpu.memory_space<vmem>>, vector<16xf32>,
      %add3A_448 = arith.addf %add3A_445, %get3A_447 : vector<16xf32>
      %get3A_449 = arith.constant 832 : index
      %get3A_450 = tpu.vector_load %arg20[%get3A_449] {strides = array<i32>} : memref<4096xf32, #tpu.memory_space<vmem>>, vector<16xf32>,
      %add3A_451 = arith.addf %add3A_448, %get3A_450 : vector<16xf32>
      %get3A_452 = arith.constant 1088 : index
      %get3A_453 = tpu.vector_load %arg20[%get3A_452] {strides = array<i32>} : memref<4096xf32, #tpu.memory_space<vmem>>, vector<16xf32>,
      %add3A_454 = arith.addf %add3A_451, %get3A_453 : vector<16xf32>
      %get3A_455 = arith.constant 1344 : index
      %get3A_456 = tpu.vector_load %arg20[%get3A_455] {strides = array<i32>} : memref<4096xf32, #tpu.memory_space<vmem>>, vector<16xf32>,
      %add3A_457 = arith.addf %add3A_454, %get3A_456 : vector<16xf32>
      %get3A_458 = arith.constant 1600 : index
      %get3A_459 = tpu.vector_load %arg20[%get3A_458] {strides = array<i32>} : memref<4096xf32, #tpu.memory_space<vmem>>, vector<16xf32>,
      %add3A_460 = arith.addf %add3A_457, %get3A_459 : vector<16xf32>
      %get3A_461 = arith.constant 1856 : index
      %get3A_462 = tpu.vector_load %arg20[%get3A_461] {strides = array<i32>} : memref<4096xf32, #tpu.memory_space<vmem>>, vector<16xf32>,
      %add3A_463 = arith.addf %add3A_460, %get3A_462 : vector<16xf32>
      %get3A_464 = arith.constant 2112 : index
      %get3A_465 = tpu.vector_load %arg20[%get3A_464] {strides = array<i32>} : memref<4096xf32, #tpu.memory_space<vmem>>, vector<16xf32>,
      %add3A_466 = arith.addf %add3A_463, %get3A_465 : vector<16xf32>
      %get3A_467 = arith.constant 2368 : index
      %get3A_468 = tpu.vector_load %arg20[%get3A_467] {strides = array<i32>} : memref<4096xf32, #tpu.memory_space<vmem>>, vector<16xf32>,
      %add3A_469 = arith.addf %add3A_466, %get3A_468 : vector<16xf32>
      %get3A_470 = arith.constant 2624 : index
      %get3A_471 = tpu.vector_load %arg20[%get3A_470] {strides = array<i32>} : memref<4096xf32, #tpu.memory_space<vmem>>, vector<16xf32>,
      %add3A_472 = arith.addf %add3A_469, %get3A_471 : vector<16xf32>
      %get3A_473 = arith.constant 2880 : index
      %get3A_474 = tpu.vector_load %arg20[%get3A_473] {strides = array<i32>} : memref<4096xf32, #tpu.memory_space<vmem>>, vector<16xf32>,
      %add3A_475 = arith.addf %add3A_472, %get3A_474 : vector<16xf32>
      %get3A_476 = arith.constant 3136 : index
      %get3A_477 = tpu.vector_load %arg20[%get3A_476] {strides = array<i32>} : memref<4096xf32, #tpu.memory_space<vmem>>, vector<16xf32>,
      %add3A_478 = arith.addf %add3A_475, %get3A_477 : vector<16xf32>
      %get3A_479 = arith.constant 3392 : index
      %get3A_480 = tpu.vector_load %arg20[%get3A_479] {strides = array<i32>} : memref<4096xf32, #tpu.memory_space<vmem>>, vector<16xf32>,
      %add3A_481 = arith.addf %add3A_478, %get3A_480 : vector<16xf32>
      %get3A_482 = arith.constant 3648 : index
      %get3A_483 = tpu.vector_load %arg20[%get3A_482] {strides = array<i32>} : memref<4096xf32, #tpu.memory_space<vmem>>, vector<16xf32>,
      %add3A_484 = arith.addf %add3A_481, %get3A_483 : vector<16xf32>
      %get3A_485 = arith.constant 3904 : index
      %get3A_486 = tpu.vector_load %arg20[%get3A_485] {strides = array<i32>} : memref<4096xf32, #tpu.memory_space<vmem>>, vector<16xf32>,
      %add3A_487 = arith.addf %add3A_484, %get3A_486 : vector<16xf32>
      %swap3A_488 = arith.constant 64 : index
      %swap3A_489 = tpu.vector_load %arg21[%swap3A_488] {strides = array<i32>} : memref<256xf32, #tpu.memory_space<vmem>>, vector<16xf32>,
      tpu.vector_store %arg21[%swap3A_488], %add3A_487 {strides = array<i32>} : memref<256xf32, #tpu.memory_space<vmem>>, vector<16xf32>,
      %get3A_490 = arith.constant 80 : index
      %get3A_491 = tpu.vector_load %arg20[%get3A_490] {strides = array<i32>} : memref<4096xf32, #tpu.memory_space<vmem>>, vector<16xf32>,
      %get3A_492 = arith.constant 336 : index
      %get3A_493 = tpu.vector_load %arg20[%get3A_492] {strides = array<i32>} : memref<4096xf32, #tpu.memory_space<vmem>>, vector<16xf32>,
      %add3A_494 = arith.addf %get3A_491, %get3A_493 : vector<16xf32>
      %get3A_495 = arith.constant 592 : index
      %get3A_496 = tpu.vector_load %arg20[%get3A_495] {strides = array<i32>} : memref<4096xf32, #tpu.memory_space<vmem>>, vector<16xf32>,
      %add3A_497 = arith.addf %add3A_494, %get3A_496 : vector<16xf32>
      %get3A_498 = arith.constant 848 : index
      %get3A_499 = tpu.vector_load %arg20[%get3A_498] {strides = array<i32>} : memref<4096xf32, #tpu.memory_space<vmem>>, vector<16xf32>,
      %add3A_500 = arith.addf %add3A_497, %get3A_499 : vector<16xf32>
      %get3A_501 = arith.constant 1104 : index
      %get3A_502 = tpu.vector_load %arg20[%get3A_501] {strides = array<i32>} : memref<4096xf32, #tpu.memory_space<vmem>>, vector<16xf32>,
      %add3A_503 = arith.addf %add3A_500, %get3A_502 : vector<16xf32>
      %get3A_504 = arith.constant 1360 : index
      %get3A_505 = tpu.vector_load %arg20[%get3A_504] {strides = array<i32>} : memref<4096xf32, #tpu.memory_space<vmem>>, vector<16xf32>,
      %add3A_506 = arith.addf %add3A_503, %get3A_505 : vector<16xf32>
      %get3A_507 = arith.constant 1616 : index
      %get3A_508 = tpu.vector_load %arg20[%get3A_507] {strides = array<i32>} : memref<4096xf32, #tpu.memory_space<vmem>>, vector<16xf32>,
      %add3A_509 = arith.addf %add3A_506, %get3A_508 : vector<16xf32>
      %get3A_510 = arith.constant 1872 : index
      %get3A_511 = tpu.vector_load %arg20[%get3A_510] {strides = array<i32>} : memref<4096xf32, #tpu.memory_space<vmem>>, vector<16xf32>,
      %add3A_512 = arith.addf %add3A_509, %get3A_511 : vector<16xf32>
      %get3A_513 = arith.constant 2128 : index
      %get3A_514 = tpu.vector_load %arg20[%get3A_513] {strides = array<i32>} : memref<4096xf32, #tpu.memory_space<vmem>>, vector<16xf32>,
      %add3A_515 = arith.addf %add3A_512, %get3A_514 : vector<16xf32>
      %get3A_516 = arith.constant 2384 : index
      %get3A_517 = tpu.vector_load %arg20[%get3A_516] {strides = array<i32>} : memref<4096xf32, #tpu.memory_space<vmem>>, vector<16xf32>,
      %add3A_518 = arith.addf %add3A_515, %get3A_517 : vector<16xf32>
      %get3A_519 = arith.constant 2640 : index
      %get3A_520 = tpu.vector_load %arg20[%get3A_519] {strides = array<i32>} : memref<4096xf32, #tpu.memory_space<vmem>>, vector<16xf32>,
      %add3A_521 = arith.addf %add3A_518, %get3A_520 : vector<16xf32>
      %get3A_522 = arith.constant 2896 : index
      %get3A_523 = tpu.vector_load %arg20[%get3A_522] {strides = array<i32>} : memref<4096xf32, #tpu.memory_space<vmem>>, vector<16xf32>,
      %add3A_524 = arith.addf %add3A_521, %get3A_523 : vector<16xf32>
      %get3A_525 = arith.constant 3152 : index
      %get3A_526 = tpu.vector_load %arg20[%get3A_525] {strides = array<i32>} : memref<4096xf32, #tpu.memory_space<vmem>>, vector<16xf32>,
      %add3A_527 = arith.addf %add3A_524, %get3A_526 : vector<16xf32>
      %get3A_528 = arith.constant 3408 : index
      %get3A_529 = tpu.vector_load %arg20[%get3A_528] {strides = array<i32>} : memref<4096xf32, #tpu.memory_space<vmem>>, vector<16xf32>,
      %add3A_530 = arith.addf %add3A_527, %get3A_529 : vector<16xf32>
      %get3A_531 = arith.constant 3664 : index
      %get3A_532 = tpu.vector_load %arg20[%get3A_531] {strides = array<i32>} : memref<4096xf32, #tpu.memory_space<vmem>>, vector<16xf32>,
      %add3A_533 = arith.addf %add3A_530, %get3A_532 : vector<16xf32>
      %get3A_534 = arith.constant 3920 : index
      %get3A_535 = tpu.vector_load %arg20[%get3A_534] {strides = array<i32>} : memref<4096xf32, #tpu.memory_space<vmem>>, vector<16xf32>,
      %add3A_536 = arith.addf %add3A_533, %get3A_535 : vector<16xf32>
      %swap3A_537 = arith.constant 80 : index
      %swap3A_538 = tpu.vector_load %arg21[%swap3A_537] {strides = array<i32>} : memref<256xf32, #tpu.memory_space<vmem>>, vector<16xf32>,
      tpu.vector_store %arg21[%swap3A_537], %add3A_536 {strides = array<i32>} : memref<256xf32, #tpu.memory_space<vmem>>, vector<16xf32>,
      %get3A_539 = arith.constant 96 : index
      %get3A_540 = tpu.vector_load %arg20[%get3A_539] {strides = array<i32>} : memref<4096xf32, #tpu.memory_space<vmem>>, vector<16xf32>,
      %get3A_541 = arith.constant 352 : index
      %get3A_542 = tpu.vector_load %arg20[%get3A_541] {strides = array<i32>} : memref<4096xf32, #tpu.memory_space<vmem>>, vector<16xf32>,
      %add3A_543 = arith.addf %get3A_540, %get3A_542 : vector<16xf32>
      %get3A_544 = arith.constant 608 : index
      %get3A_545 = tpu.vector_load %arg20[%get3A_544] {strides = array<i32>} : memref<4096xf32, #tpu.memory_space<vmem>>, vector<16xf32>,
      %add3A_546 = arith.addf %add3A_543, %get3A_545 : vector<16xf32>
      %get3A_547 = arith.constant 864 : index
      %get3A_548 = tpu.vector_load %arg20[%get3A_547] {strides = array<i32>} : memref<4096xf32, #tpu.memory_space<vmem>>, vector<16xf32>,
      %add3A_549 = arith.addf %add3A_546, %get3A_548 : vector<16xf32>
      %get3A_550 = arith.constant 1120 : index
      %get3A_551 = tpu.vector_load %arg20[%get3A_550] {strides = array<i32>} : memref<4096xf32, #tpu.memory_space<vmem>>, vector<16xf32>,
      %add3A_552 = arith.addf %add3A_549, %get3A_551 : vector<16xf32>
      %get3A_553 = arith.constant 1376 : index
      %get3A_554 = tpu.vector_load %arg20[%get3A_553] {strides = array<i32>} : memref<4096xf32, #tpu.memory_space<vmem>>, vector<16xf32>,
      %add3A_555 = arith.addf %add3A_552, %get3A_554 : vector<16xf32>
      %get3A_556 = arith.constant 1632 : index
      %get3A_557 = tpu.vector_load %arg20[%get3A_556] {strides = array<i32>} : memref<4096xf32, #tpu.memory_space<vmem>>, vector<16xf32>,
      %add3A_558 = arith.addf %add3A_555, %get3A_557 : vector<16xf32>
      %get3A_559 = arith.constant 1888 : index
      %get3A_560 = tpu.vector_load %arg20[%get3A_559] {strides = array<i32>} : memref<4096xf32, #tpu.memory_space<vmem>>, vector<16xf32>,
      %add3A_561 = arith.addf %add3A_558, %get3A_560 : vector<16xf32>
      %get3A_562 = arith.constant 2144 : index
      %get3A_563 = tpu.vector_load %arg20[%get3A_562] {strides = array<i32>} : memref<4096xf32, #tpu.memory_space<vmem>>, vector<16xf32>,
      %add3A_564 = arith.addf %add3A_561, %get3A_563 : vector<16xf32>
      %get3A_565 = arith.constant 2400 : index
      %get3A_566 = tpu.vector_load %arg20[%get3A_565] {strides = array<i32>} : memref<4096xf32, #tpu.memory_space<vmem>>, vector<16xf32>,
      %add3A_567 = arith.addf %add3A_564, %get3A_566 : vector<16xf32>
      %get3A_568 = arith.constant 2656 : index
      %get3A_569 = tpu.vector_load %arg20[%get3A_568] {strides = array<i32>} : memref<4096xf32, #tpu.memory_space<vmem>>, vector<16xf32>,
      %add3A_570 = arith.addf %add3A_567, %get3A_569 : vector<16xf32>
      %get3A_571 = arith.constant 2912 : index
      %get3A_572 = tpu.vector_load %arg20[%get3A_571] {strides = array<i32>} : memref<4096xf32, #tpu.memory_space<vmem>>, vector<16xf32>,
      %add3A_573 = arith.addf %add3A_570, %get3A_572 : vector<16xf32>
      %get3A_574 = arith.constant 3168 : index
      %get3A_575 = tpu.vector_load %arg20[%get3A_574] {strides = array<i32>} : memref<4096xf32, #tpu.memory_space<vmem>>, vector<16xf32>,
      %add3A_576 = arith.addf %add3A_573, %get3A_575 : vector<16xf32>
      %get3A_577 = arith.constant 3424 : index
      %get3A_578 = tpu.vector_load %arg20[%get3A_577] {strides = array<i32>} : memref<4096xf32, #tpu.memory_space<vmem>>, vector<16xf32>,
      %add3A_579 = arith.addf %add3A_576, %get3A_578 : vector<16xf32>
      %get3A_580 = arith.constant 3680 : index
      %get3A_581 = tpu.vector_load %arg20[%get3A_580] {strides = array<i32>} : memref<4096xf32, #tpu.memory_space<vmem>>, vector<16xf32>,
      %add3A_582 = arith.addf %add3A_579, %get3A_581 : vector<16xf32>
      %get3A_583 = arith.constant 3936 : index
      %get3A_584 = tpu.vector_load %arg20[%get3A_583] {strides = array<i32>} : memref<4096xf32, #tpu.memory_space<vmem>>, vector<16xf32>,
      %add3A_585 = arith.addf %add3A_582, %get3A_584 : vector<16xf32>
      %swap3A_586 = arith.constant 96 : index
      %swap3A_587 = tpu.vector_load %arg21[%swap3A_586] {strides = array<i32>} : memref<256xf32, #tpu.memory_space<vmem>>, vector<16xf32>,
      tpu.vector_store %arg21[%swap3A_586], %add3A_585 {strides = array<i32>} : memref<256xf32, #tpu.memory_space<vmem>>, vector<16xf32>,
      %get3A_588 = arith.constant 112 : index
      %get3A_589 = tpu.vector_load %arg20[%get3A_588] {strides = array<i32>} : memref<4096xf32, #tpu.memory_space<vmem>>, vector<16xf32>,
      %get3A_590 = arith.constant 368 : index
      %get3A_591 = tpu.vector_load %arg20[%get3A_590] {strides = array<i32>} : memref<4096xf32, #tpu.memory_space<vmem>>, vector<16xf32>,
      %add3A_592 = arith.addf %get3A_589, %get3A_591 : vector<16xf32>
      %get3A_593 = arith.constant 624 : index
      %get3A_594 = tpu.vector_load %arg20[%get3A_593] {strides = array<i32>} : memref<4096xf32, #tpu.memory_space<vmem>>, vector<16xf32>,
      %add3A_595 = arith.addf %add3A_592, %get3A_594 : vector<16xf32>
      %get3A_596 = arith.constant 880 : index
      %get3A_597 = tpu.vector_load %arg20[%get3A_596] {strides = array<i32>} : memref<4096xf32, #tpu.memory_space<vmem>>, vector<16xf32>,
      %add3A_598 = arith.addf %add3A_595, %get3A_597 : vector<16xf32>
      %get3A_599 = arith.constant 1136 : index
      %get3A_600 = tpu.vector_load %arg20[%get3A_599] {strides = array<i32>} : memref<4096xf32, #tpu.memory_space<vmem>>, vector<16xf32>,
      %add3A_601 = arith.addf %add3A_598, %get3A_600 : vector<16xf32>
      %get3A_602 = arith.constant 1392 : index
      %get3A_603 = tpu.vector_load %arg20[%get3A_602] {strides = array<i32>} : memref<4096xf32, #tpu.memory_space<vmem>>, vector<16xf32>,
      %add3A_604 = arith.addf %add3A_601, %get3A_603 : vector<16xf32>
      %get3A_605 = arith.constant 1648 : index
      %get3A_606 = tpu.vector_load %arg20[%get3A_605] {strides = array<i32>} : memref<4096xf32, #tpu.memory_space<vmem>>, vector<16xf32>,
      %add3A_607 = arith.addf %add3A_604, %get3A_606 : vector<16xf32>
      %get3A_608 = arith.constant 1904 : index
      %get3A_609 = tpu.vector_load %arg20[%get3A_608] {strides = array<i32>} : memref<4096xf32, #tpu.memory_space<vmem>>, vector<16xf32>,
      %add3A_610 = arith.addf %add3A_607, %get3A_609 : vector<16xf32>
      %get3A_611 = arith.constant 2160 : index
      %get3A_612 = tpu.vector_load %arg20[%get3A_611] {strides = array<i32>} : memref<4096xf32, #tpu.memory_space<vmem>>, vector<16xf32>,
      %add3A_613 = arith.addf %add3A_610, %get3A_612 : vector<16xf32>
      %get3A_614 = arith.constant 2416 : index
      %get3A_615 = tpu.vector_load %arg20[%get3A_614] {strides = array<i32>} : memref<4096xf32, #tpu.memory_space<vmem>>, vector<16xf32>,
      %add3A_616 = arith.addf %add3A_613, %get3A_615 : vector<16xf32>
      %get3A_617 = arith.constant 2672 : index
      %get3A_618 = tpu.vector_load %arg20[%get3A_617] {strides = array<i32>} : memref<4096xf32, #tpu.memory_space<vmem>>, vector<16xf32>,
      %add3A_619 = arith.addf %add3A_616, %get3A_618 : vector<16xf32>
      %get3A_620 = arith.constant 2928 : index
      %get3A_621 = tpu.vector_load %arg20[%get3A_620] {strides = array<i32>} : memref<4096xf32, #tpu.memory_space<vmem>>, vector<16xf32>,
      %add3A_622 = arith.addf %add3A_619, %get3A_621 : vector<16xf32>
      %get3A_623 = arith.constant 3184 : index
      %get3A_624 = tpu.vector_load %arg20[%get3A_623] {strides = array<i32>} : memref<4096xf32, #tpu.memory_space<vmem>>, vector<16xf32>,
      %add3A_625 = arith.addf %add3A_622, %get3A_624 : vector<16xf32>
      %get3A_626 = arith.constant 3440 : index
      %get3A_627 = tpu.vector_load %arg20[%get3A_626] {strides = array<i32>} : memref<4096xf32, #tpu.memory_space<vmem>>, vector<16xf32>,
      %add3A_628 = arith.addf %add3A_625, %get3A_627 : vector<16xf32>
      %get3A_629 = arith.constant 3696 : index
      %get3A_630 = tpu.vector_load %arg20[%get3A_629] {strides = array<i32>} : memref<4096xf32, #tpu.memory_space<vmem>>, vector<16xf32>,
      %add3A_631 = arith.addf %add3A_628, %get3A_630 : vector<16xf32>
      %get3A_632 = arith.constant 3952 : index
      %get3A_633 = tpu.vector_load %arg20[%get3A_632] {strides = array<i32>} : memref<4096xf32, #tpu.memory_space<vmem>>, vector<16xf32>,
      %add3A_634 = arith.addf %add3A_631, %get3A_633 : vector<16xf32>
      %swap3A_635 = arith.constant 112 : index
      %swap3A_636 = tpu.vector_load %arg21[%swap3A_635] {strides = array<i32>} : memref<256xf32, #tpu.memory_space<vmem>>, vector<16xf32>,
      tpu.vector_store %arg21[%swap3A_635], %add3A_634 {strides = array<i32>} : memref<256xf32, #tpu.memory_space<vmem>>, vector<16xf32>,
      %get3A_637 = arith.constant 128 : index
      %get3A_638 = tpu.vector_load %arg20[%get3A_637] {strides = array<i32>} : memref<4096xf32, #tpu.memory_space<vmem>>, vector<16xf32>,
      %get3A_639 = arith.constant 384 : index
      %get3A_640 = tpu.vector_load %arg20[%get3A_639] {strides = array<i32>} : memref<4096xf32, #tpu.memory_space<vmem>>, vector<16xf32>,
      %add3A_641 = arith.addf %get3A_638, %get3A_640 : vector<16xf32>
      %get3A_642 = arith.constant 640 : index
      %get3A_643 = tpu.vector_load %arg20[%get3A_642] {strides = array<i32>} : memref<4096xf32, #tpu.memory_space<vmem>>, vector<16xf32>,
      %add3A_644 = arith.addf %add3A_641, %get3A_643 : vector<16xf32>
      %get3A_645 = arith.constant 896 : index
      %get3A_646 = tpu.vector_load %arg20[%get3A_645] {strides = array<i32>} : memref<4096xf32, #tpu.memory_space<vmem>>, vector<16xf32>,
      %add3A_647 = arith.addf %add3A_644, %get3A_646 : vector<16xf32>
      %get3A_648 = arith.constant 1152 : index
      %get3A_649 = tpu.vector_load %arg20[%get3A_648] {strides = array<i32>} : memref<4096xf32, #tpu.memory_space<vmem>>, vector<16xf32>,
      %add3A_650 = arith.addf %add3A_647, %get3A_649 : vector<16xf32>
      %get3A_651 = arith.constant 1408 : index
      %get3A_652 = tpu.vector_load %arg20[%get3A_651] {strides = array<i32>} : memref<4096xf32, #tpu.memory_space<vmem>>, vector<16xf32>,
      %add3A_653 = arith.addf %add3A_650, %get3A_652 : vector<16xf32>
      %get3A_654 = arith.constant 1664 : index
      %get3A_655 = tpu.vector_load %arg20[%get3A_654] {strides = array<i32>} : memref<4096xf32, #tpu.memory_space<vmem>>, vector<16xf32>,
      %add3A_656 = arith.addf %add3A_653, %get3A_655 : vector<16xf32>
      %get3A_657 = arith.constant 1920 : index
      %get3A_658 = tpu.vector_load %arg20[%get3A_657] {strides = array<i32>} : memref<4096xf32, #tpu.memory_space<vmem>>, vector<16xf32>,
      %add3A_659 = arith.addf %add3A_656, %get3A_658 : vector<16xf32>
      %get3A_660 = arith.constant 2176 : index
      %get3A_661 = tpu.vector_load %arg20[%get3A_660] {strides = array<i32>} : memref<4096xf32, #tpu.memory_space<vmem>>, vector<16xf32>,
      %add3A_662 = arith.addf %add3A_659, %get3A_661 : vector<16xf32>
      %get3A_663 = arith.constant 2432 : index
      %get3A_664 = tpu.vector_load %arg20[%get3A_663] {strides = array<i32>} : memref<4096xf32, #tpu.memory_space<vmem>>, vector<16xf32>,
      %add3A_665 = arith.addf %add3A_662, %get3A_664 : vector<16xf32>
      %get3A_666 = arith.constant 2688 : index
      %get3A_667 = tpu.vector_load %arg20[%get3A_666] {strides = array<i32>} : memref<4096xf32, #tpu.memory_space<vmem>>, vector<16xf32>,
      %add3A_668 = arith.addf %add3A_665, %get3A_667 : vector<16xf32>
      %get3A_669 = arith.constant 2944 : index
      %get3A_670 = tpu.vector_load %arg20[%get3A_669] {strides = array<i32>} : memref<4096xf32, #tpu.memory_space<vmem>>, vector<16xf32>,
      %add3A_671 = arith.addf %add3A_668, %get3A_670 : vector<16xf32>
      %get3A_672 = arith.constant 3200 : index
      %get3A_673 = tpu.vector_load %arg20[%get3A_672] {strides = array<i32>} : memref<4096xf32, #tpu.memory_space<vmem>>, vector<16xf32>,
      %add3A_674 = arith.addf %add3A_671, %get3A_673 : vector<16xf32>
      %get3A_675 = arith.constant 3456 : index
      %get3A_676 = tpu.vector_load %arg20[%get3A_675] {strides = array<i32>} : memref<4096xf32, #tpu.memory_space<vmem>>, vector<16xf32>,
      %add3A_677 = arith.addf %add3A_674, %get3A_676 : vector<16xf32>
      %get3A_678 = arith.constant 3712 : index
      %get3A_679 = tpu.vector_load %arg20[%get3A_678] {strides = array<i32>} : memref<4096xf32, #tpu.memory_space<vmem>>, vector<16xf32>,
      %add3A_680 = arith.addf %add3A_677, %get3A_679 : vector<16xf32>
      %get3A_681 = arith.constant 3968 : index
      %get3A_682 = tpu.vector_load %arg20[%get3A_681] {strides = array<i32>} : memref<4096xf32, #tpu.memory_space<vmem>>, vector<16xf32>,
      %add3A_683 = arith.addf %add3A_680, %get3A_682 : vector<16xf32>
      %swap3A_684 = arith.constant 128 : index
      %swap3A_685 = tpu.vector_load %arg21[%swap3A_684] {strides = array<i32>} : memref<256xf32, #tpu.memory_space<vmem>>, vector<16xf32>,
      tpu.vector_store %arg21[%swap3A_684], %add3A_683 {strides = array<i32>} : memref<256xf32, #tpu.memory_space<vmem>>, vector<16xf32>,
      %get3A_686 = arith.constant 144 : index
      %get3A_687 = tpu.vector_load %arg20[%get3A_686] {strides = array<i32>} : memref<4096xf32, #tpu.memory_space<vmem>>, vector<16xf32>,
      %get3A_688 = arith.constant 400 : index
      %get3A_689 = tpu.vector_load %arg20[%get3A_688] {strides = array<i32>} : memref<4096xf32, #tpu.memory_space<vmem>>, vector<16xf32>,
      %add3A_690 = arith.addf %get3A_687, %get3A_689 : vector<16xf32>
      %get3A_691 = arith.constant 656 : index
      %get3A_692 = tpu.vector_load %arg20[%get3A_691] {strides = array<i32>} : memref<4096xf32, #tpu.memory_space<vmem>>, vector<16xf32>,
      %add3A_693 = arith.addf %add3A_690, %get3A_692 : vector<16xf32>
      %get3A_694 = arith.constant 912 : index
      %get3A_695 = tpu.vector_load %arg20[%get3A_694] {strides = array<i32>} : memref<4096xf32, #tpu.memory_space<vmem>>, vector<16xf32>,
      %add3A_696 = arith.addf %add3A_693, %get3A_695 : vector<16xf32>
      %get3A_697 = arith.constant 1168 : index
      %get3A_698 = tpu.vector_load %arg20[%get3A_697] {strides = array<i32>} : memref<4096xf32, #tpu.memory_space<vmem>>, vector<16xf32>,
      %add3A_699 = arith.addf %add3A_696, %get3A_698 : vector<16xf32>
      %get3A_700 = arith.constant 1424 : index
      %get3A_701 = tpu.vector_load %arg20[%get3A_700] {strides = array<i32>} : memref<4096xf32, #tpu.memory_space<vmem>>, vector<16xf32>,
      %add3A_702 = arith.addf %add3A_699, %get3A_701 : vector<16xf32>
      %get3A_703 = arith.constant 1680 : index
      %get3A_704 = tpu.vector_load %arg20[%get3A_703] {strides = array<i32>} : memref<4096xf32, #tpu.memory_space<vmem>>, vector<16xf32>,
      %add3A_705 = arith.addf %add3A_702, %get3A_704 : vector<16xf32>
      %get3A_706 = arith.constant 1936 : index
      %get3A_707 = tpu.vector_load %arg20[%get3A_706] {strides = array<i32>} : memref<4096xf32, #tpu.memory_space<vmem>>, vector<16xf32>,
      %add3A_708 = arith.addf %add3A_705, %get3A_707 : vector<16xf32>
      %get3A_709 = arith.constant 2192 : index
      %get3A_710 = tpu.vector_load %arg20[%get3A_709] {strides = array<i32>} : memref<4096xf32, #tpu.memory_space<vmem>>, vector<16xf32>,
      %add3A_711 = arith.addf %add3A_708, %get3A_710 : vector<16xf32>
      %get3A_712 = arith.constant 2448 : index
      %get3A_713 = tpu.vector_load %arg20[%get3A_712] {strides = array<i32>} : memref<4096xf32, #tpu.memory_space<vmem>>, vector<16xf32>,
      %add3A_714 = arith.addf %add3A_711, %get3A_713 : vector<16xf32>
      %get3A_715 = arith.constant 2704 : index
      %get3A_716 = tpu.vector_load %arg20[%get3A_715] {strides = array<i32>} : memref<4096xf32, #tpu.memory_space<vmem>>, vector<16xf32>,
      %add3A_717 = arith.addf %add3A_714, %get3A_716 : vector<16xf32>
      %get3A_718 = arith.constant 2960 : index
      %get3A_719 = tpu.vector_load %arg20[%get3A_718] {strides = array<i32>} : memref<4096xf32, #tpu.memory_space<vmem>>, vector<16xf32>,
      %add3A_720 = arith.addf %add3A_717, %get3A_719 : vector<16xf32>
      %get3A_721 = arith.constant 3216 : index
      %get3A_722 = tpu.vector_load %arg20[%get3A_721] {strides = array<i32>} : memref<4096xf32, #tpu.memory_space<vmem>>, vector<16xf32>,
      %add3A_723 = arith.addf %add3A_720, %get3A_722 : vector<16xf32>
      %get3A_724 = arith.constant 3472 : index
      %get3A_725 = tpu.vector_load %arg20[%get3A_724] {strides = array<i32>} : memref<4096xf32, #tpu.memory_space<vmem>>, vector<16xf32>,
      %add3A_726 = arith.addf %add3A_723, %get3A_725 : vector<16xf32>
      %get3A_727 = arith.constant 3728 : index
      %get3A_728 = tpu.vector_load %arg20[%get3A_727] {strides = array<i32>} : memref<4096xf32, #tpu.memory_space<vmem>>, vector<16xf32>,
      %add3A_729 = arith.addf %add3A_726, %get3A_728 : vector<16xf32>
      %get3A_730 = arith.constant 3984 : index
      %get3A_731 = tpu.vector_load %arg20[%get3A_730] {strides = array<i32>} : memref<4096xf32, #tpu.memory_space<vmem>>, vector<16xf32>,
      %add3A_732 = arith.addf %add3A_729, %get3A_731 : vector<16xf32>
      %swap3A_733 = arith.constant 144 : index
      %swap3A_734 = tpu.vector_load %arg21[%swap3A_733] {strides = array<i32>} : memref<256xf32, #tpu.memory_space<vmem>>, vector<16xf32>,
      tpu.vector_store %arg21[%swap3A_733], %add3A_732 {strides = array<i32>} : memref<256xf32, #tpu.memory_space<vmem>>, vector<16xf32>,
      %get3A_735 = arith.constant 160 : index
      %get3A_736 = tpu.vector_load %arg20[%get3A_735] {strides = array<i32>} : memref<4096xf32, #tpu.memory_space<vmem>>, vector<16xf32>,
      %get3A_737 = arith.constant 416 : index
      %get3A_738 = tpu.vector_load %arg20[%get3A_737] {strides = array<i32>} : memref<4096xf32, #tpu.memory_space<vmem>>, vector<16xf32>,
      %add3A_739 = arith.addf %get3A_736, %get3A_738 : vector<16xf32>
      %get3A_740 = arith.constant 672 : index
      %get3A_741 = tpu.vector_load %arg20[%get3A_740] {strides = array<i32>} : memref<4096xf32, #tpu.memory_space<vmem>>, vector<16xf32>,
      %add3A_742 = arith.addf %add3A_739, %get3A_741 : vector<16xf32>
      %get3A_743 = arith.constant 928 : index
      %get3A_744 = tpu.vector_load %arg20[%get3A_743] {strides = array<i32>} : memref<4096xf32, #tpu.memory_space<vmem>>, vector<16xf32>,
      %add3A_745 = arith.addf %add3A_742, %get3A_744 : vector<16xf32>
      %get3A_746 = arith.constant 1184 : index
      %get3A_747 = tpu.vector_load %arg20[%get3A_746] {strides = array<i32>} : memref<4096xf32, #tpu.memory_space<vmem>>, vector<16xf32>,
      %add3A_748 = arith.addf %add3A_745, %get3A_747 : vector<16xf32>
      %get3A_749 = arith.constant 1440 : index
      %get3A_750 = tpu.vector_load %arg20[%get3A_749] {strides = array<i32>} : memref<4096xf32, #tpu.memory_space<vmem>>, vector<16xf32>,
      %add3A_751 = arith.addf %add3A_748, %get3A_750 : vector<16xf32>
      %get3A_752 = arith.constant 1696 : index
      %get3A_753 = tpu.vector_load %arg20[%get3A_752] {strides = array<i32>} : memref<4096xf32, #tpu.memory_space<vmem>>, vector<16xf32>,
      %add3A_754 = arith.addf %add3A_751, %get3A_753 : vector<16xf32>
      %get3A_755 = arith.constant 1952 : index
      %get3A_756 = tpu.vector_load %arg20[%get3A_755] {strides = array<i32>} : memref<4096xf32, #tpu.memory_space<vmem>>, vector<16xf32>,
      %add3A_757 = arith.addf %add3A_754, %get3A_756 : vector<16xf32>
      %get3A_758 = arith.constant 2208 : index
      %get3A_759 = tpu.vector_load %arg20[%get3A_758] {strides = array<i32>} : memref<4096xf32, #tpu.memory_space<vmem>>, vector<16xf32>,
      %add3A_760 = arith.addf %add3A_757, %get3A_759 : vector<16xf32>
      %get3A_761 = arith.constant 2464 : index
      %get3A_762 = tpu.vector_load %arg20[%get3A_761] {strides = array<i32>} : memref<4096xf32, #tpu.memory_space<vmem>>, vector<16xf32>,
      %add3A_763 = arith.addf %add3A_760, %get3A_762 : vector<16xf32>
      %get3A_764 = arith.constant 2720 : index
      %get3A_765 = tpu.vector_load %arg20[%get3A_764] {strides = array<i32>} : memref<4096xf32, #tpu.memory_space<vmem>>, vector<16xf32>,
      %add3A_766 = arith.addf %add3A_763, %get3A_765 : vector<16xf32>
      %get3A_767 = arith.constant 2976 : index
      %get3A_768 = tpu.vector_load %arg20[%get3A_767] {strides = array<i32>} : memref<4096xf32, #tpu.memory_space<vmem>>, vector<16xf32>,
      %add3A_769 = arith.addf %add3A_766, %get3A_768 : vector<16xf32>
      %get3A_770 = arith.constant 3232 : index
      %get3A_771 = tpu.vector_load %arg20[%get3A_770] {strides = array<i32>} : memref<4096xf32, #tpu.memory_space<vmem>>, vector<16xf32>,
      %add3A_772 = arith.addf %add3A_769, %get3A_771 : vector<16xf32>
      %get3A_773 = arith.constant 3488 : index
      %get3A_774 = tpu.vector_load %arg20[%get3A_773] {strides = array<i32>} : memref<4096xf32, #tpu.memory_space<vmem>>, vector<16xf32>,
      %add3A_775 = arith.addf %add3A_772, %get3A_774 : vector<16xf32>
      %get3A_776 = arith.constant 3744 : index
      %get3A_777 = tpu.vector_load %arg20[%get3A_776] {strides = array<i32>} : memref<4096xf32, #tpu.memory_space<vmem>>, vector<16xf32>,
      %add3A_778 = arith.addf %add3A_775, %get3A_777 : vector<16xf32>
      %get3A_779 = arith.constant 4000 : index
      %get3A_780 = tpu.vector_load %arg20[%get3A_779] {strides = array<i32>} : memref<4096xf32, #tpu.memory_space<vmem>>, vector<16xf32>,
      %add3A_781 = arith.addf %add3A_778, %get3A_780 : vector<16xf32>
      %swap3A_782 = arith.constant 160 : index
      %swap3A_783 = tpu.vector_load %arg21[%swap3A_782] {strides = array<i32>} : memref<256xf32, #tpu.memory_space<vmem>>, vector<16xf32>,
      tpu.vector_store %arg21[%swap3A_782], %add3A_781 {strides = array<i32>} : memref<256xf32, #tpu.memory_space<vmem>>, vector<16xf32>,
      %get3A_784 = arith.constant 176 : index
      %get3A_785 = tpu.vector_load %arg20[%get3A_784] {strides = array<i32>} : memref<4096xf32, #tpu.memory_space<vmem>>, vector<16xf32>,
      %get3A_786 = arith.constant 432 : index
      %get3A_787 = tpu.vector_load %arg20[%get3A_786] {strides = array<i32>} : memref<4096xf32, #tpu.memory_space<vmem>>, vector<16xf32>,
      %add3A_788 = arith.addf %get3A_785, %get3A_787 : vector<16xf32>
      %get3A_789 = arith.constant 688 : index
      %get3A_790 = tpu.vector_load %arg20[%get3A_789] {strides = array<i32>} : memref<4096xf32, #tpu.memory_space<vmem>>, vector<16xf32>,
      %add3A_791 = arith.addf %add3A_788, %get3A_790 : vector<16xf32>
      %get3A_792 = arith.constant 944 : index
      %get3A_793 = tpu.vector_load %arg20[%get3A_792] {strides = array<i32>} : memref<4096xf32, #tpu.memory_space<vmem>>, vector<16xf32>,
      %add3A_794 = arith.addf %add3A_791, %get3A_793 : vector<16xf32>
      %get3A_795 = arith.constant 1200 : index
      %get3A_796 = tpu.vector_load %arg20[%get3A_795] {strides = array<i32>} : memref<4096xf32, #tpu.memory_space<vmem>>, vector<16xf32>,
      %add3A_797 = arith.addf %add3A_794, %get3A_796 : vector<16xf32>
      %get3A_798 = arith.constant 1456 : index
      %get3A_799 = tpu.vector_load %arg20[%get3A_798] {strides = array<i32>} : memref<4096xf32, #tpu.memory_space<vmem>>, vector<16xf32>,
      %add3A_800 = arith.addf %add3A_797, %get3A_799 : vector<16xf32>
      %get3A_801 = arith.constant 1712 : index
      %get3A_802 = tpu.vector_load %arg20[%get3A_801] {strides = array<i32>} : memref<4096xf32, #tpu.memory_space<vmem>>, vector<16xf32>,
      %add3A_803 = arith.addf %add3A_800, %get3A_802 : vector<16xf32>
      %get3A_804 = arith.constant 1968 : index
      %get3A_805 = tpu.vector_load %arg20[%get3A_804] {strides = array<i32>} : memref<4096xf32, #tpu.memory_space<vmem>>, vector<16xf32>,
      %add3A_806 = arith.addf %add3A_803, %get3A_805 : vector<16xf32>
      %get3A_807 = arith.constant 2224 : index
      %get3A_808 = tpu.vector_load %arg20[%get3A_807] {strides = array<i32>} : memref<4096xf32, #tpu.memory_space<vmem>>, vector<16xf32>,
      %add3A_809 = arith.addf %add3A_806, %get3A_808 : vector<16xf32>
      %get3A_810 = arith.constant 2480 : index
      %get3A_811 = tpu.vector_load %arg20[%get3A_810] {strides = array<i32>} : memref<4096xf32, #tpu.memory_space<vmem>>, vector<16xf32>,
      %add3A_812 = arith.addf %add3A_809, %get3A_811 : vector<16xf32>
      %get3A_813 = arith.constant 2736 : index
      %get3A_814 = tpu.vector_load %arg20[%get3A_813] {strides = array<i32>} : memref<4096xf32, #tpu.memory_space<vmem>>, vector<16xf32>,
      %add3A_815 = arith.addf %add3A_812, %get3A_814 : vector<16xf32>
      %get3A_816 = arith.constant 2992 : index
      %get3A_817 = tpu.vector_load %arg20[%get3A_816] {strides = array<i32>} : memref<4096xf32, #tpu.memory_space<vmem>>, vector<16xf32>,
      %add3A_818 = arith.addf %add3A_815, %get3A_817 : vector<16xf32>
      %get3A_819 = arith.constant 3248 : index
      %get3A_820 = tpu.vector_load %arg20[%get3A_819] {strides = array<i32>} : memref<4096xf32, #tpu.memory_space<vmem>>, vector<16xf32>,
      %add3A_821 = arith.addf %add3A_818, %get3A_820 : vector<16xf32>
      %get3A_822 = arith.constant 3504 : index
      %get3A_823 = tpu.vector_load %arg20[%get3A_822] {strides = array<i32>} : memref<4096xf32, #tpu.memory_space<vmem>>, vector<16xf32>,
      %add3A_824 = arith.addf %add3A_821, %get3A_823 : vector<16xf32>
      %get3A_825 = arith.constant 3760 : index
      %get3A_826 = tpu.vector_load %arg20[%get3A_825] {strides = array<i32>} : memref<4096xf32, #tpu.memory_space<vmem>>, vector<16xf32>,
      %add3A_827 = arith.addf %add3A_824, %get3A_826 : vector<16xf32>
      %get3A_828 = arith.constant 4016 : index
      %get3A_829 = tpu.vector_load %arg20[%get3A_828] {strides = array<i32>} : memref<4096xf32, #tpu.memory_space<vmem>>, vector<16xf32>,
      %add3A_830 = arith.addf %add3A_827, %get3A_829 : vector<16xf32>
      %swap3A_831 = arith.constant 176 : index
      %swap3A_832 = tpu.vector_load %arg21[%swap3A_831] {strides = array<i32>} : memref<256xf32, #tpu.memory_space<vmem>>, vector<16xf32>,
      tpu.vector_store %arg21[%swap3A_831], %add3A_830 {strides = array<i32>} : memref<256xf32, #tpu.memory_space<vmem>>, vector<16xf32>,
      %get3A_833 = arith.constant 192 : index
      %get3A_834 = tpu.vector_load %arg20[%get3A_833] {strides = array<i32>} : memref<4096xf32, #tpu.memory_space<vmem>>, vector<16xf32>,
      %get3A_835 = arith.constant 448 : index
      %get3A_836 = tpu.vector_load %arg20[%get3A_835] {strides = array<i32>} : memref<4096xf32, #tpu.memory_space<vmem>>, vector<16xf32>,
      %add3A_837 = arith.addf %get3A_834, %get3A_836 : vector<16xf32>
      %get3A_838 = arith.constant 704 : index
      %get3A_839 = tpu.vector_load %arg20[%get3A_838] {strides = array<i32>} : memref<4096xf32, #tpu.memory_space<vmem>>, vector<16xf32>,
      %add3A_840 = arith.addf %add3A_837, %get3A_839 : vector<16xf32>
      %get3A_841 = arith.constant 960 : index
      %get3A_842 = tpu.vector_load %arg20[%get3A_841] {strides = array<i32>} : memref<4096xf32, #tpu.memory_space<vmem>>, vector<16xf32>,
      %add3A_843 = arith.addf %add3A_840, %get3A_842 : vector<16xf32>
      %get3A_844 = arith.constant 1216 : index
      %get3A_845 = tpu.vector_load %arg20[%get3A_844] {strides = array<i32>} : memref<4096xf32, #tpu.memory_space<vmem>>, vector<16xf32>,
      %add3A_846 = arith.addf %add3A_843, %get3A_845 : vector<16xf32>
      %get3A_847 = arith.constant 1472 : index
      %get3A_848 = tpu.vector_load %arg20[%get3A_847] {strides = array<i32>} : memref<4096xf32, #tpu.memory_space<vmem>>, vector<16xf32>,
      %add3A_849 = arith.addf %add3A_846, %get3A_848 : vector<16xf32>
      %get3A_850 = arith.constant 1728 : index
      %get3A_851 = tpu.vector_load %arg20[%get3A_850] {strides = array<i32>} : memref<4096xf32, #tpu.memory_space<vmem>>, vector<16xf32>,
      %add3A_852 = arith.addf %add3A_849, %get3A_851 : vector<16xf32>
      %get3A_853 = arith.constant 1984 : index
      %get3A_854 = tpu.vector_load %arg20[%get3A_853] {strides = array<i32>} : memref<4096xf32, #tpu.memory_space<vmem>>, vector<16xf32>,
      %add3A_855 = arith.addf %add3A_852, %get3A_854 : vector<16xf32>
      %get3A_856 = arith.constant 2240 : index
      %get3A_857 = tpu.vector_load %arg20[%get3A_856] {strides = array<i32>} : memref<4096xf32, #tpu.memory_space<vmem>>, vector<16xf32>,
      %add3A_858 = arith.addf %add3A_855, %get3A_857 : vector<16xf32>
      %get3A_859 = arith.constant 2496 : index
      %get3A_860 = tpu.vector_load %arg20[%get3A_859] {strides = array<i32>} : memref<4096xf32, #tpu.memory_space<vmem>>, vector<16xf32>,
      %add3A_861 = arith.addf %add3A_858, %get3A_860 : vector<16xf32>
      %get3A_862 = arith.constant 2752 : index
      %get3A_863 = tpu.vector_load %arg20[%get3A_862] {strides = array<i32>} : memref<4096xf32, #tpu.memory_space<vmem>>, vector<16xf32>,
      %add3A_864 = arith.addf %add3A_861, %get3A_863 : vector<16xf32>
      %get3A_865 = arith.constant 3008 : index
      %get3A_866 = tpu.vector_load %arg20[%get3A_865] {strides = array<i32>} : memref<4096xf32, #tpu.memory_space<vmem>>, vector<16xf32>,
      %add3A_867 = arith.addf %add3A_864, %get3A_866 : vector<16xf32>
      %get3A_868 = arith.constant 3264 : index
      %get3A_869 = tpu.vector_load %arg20[%get3A_868] {strides = array<i32>} : memref<4096xf32, #tpu.memory_space<vmem>>, vector<16xf32>,
      %add3A_870 = arith.addf %add3A_867, %get3A_869 : vector<16xf32>
      %get3A_871 = arith.constant 3520 : index
      %get3A_872 = tpu.vector_load %arg20[%get3A_871] {strides = array<i32>} : memref<4096xf32, #tpu.memory_space<vmem>>, vector<16xf32>,
      %add3A_873 = arith.addf %add3A_870, %get3A_872 : vector<16xf32>
      %get3A_874 = arith.constant 3776 : index
      %get3A_875 = tpu.vector_load %arg20[%get3A_874] {strides = array<i32>} : memref<4096xf32, #tpu.memory_space<vmem>>, vector<16xf32>,
      %add3A_876 = arith.addf %add3A_873, %get3A_875 : vector<16xf32>
      %get3A_877 = arith.constant 4032 : index
      %get3A_878 = tpu.vector_load %arg20[%get3A_877] {strides = array<i32>} : memref<4096xf32, #tpu.memory_space<vmem>>, vector<16xf32>,
      %add3A_879 = arith.addf %add3A_876, %get3A_878 : vector<16xf32>
      %swap3A_880 = arith.constant 192 : index
      %swap3A_881 = tpu.vector_load %arg21[%swap3A_880] {strides = array<i32>} : memref<256xf32, #tpu.memory_space<vmem>>, vector<16xf32>,
      tpu.vector_store %arg21[%swap3A_880], %add3A_879 {strides = array<i32>} : memref<256xf32, #tpu.memory_space<vmem>>, vector<16xf32>,
      %get3A_882 = arith.constant 208 : index
      %get3A_883 = tpu.vector_load %arg20[%get3A_882] {strides = array<i32>} : memref<4096xf32, #tpu.memory_space<vmem>>, vector<16xf32>,
      %get3A_884 = arith.constant 464 : index
      %get3A_885 = tpu.vector_load %arg20[%get3A_884] {strides = array<i32>} : memref<4096xf32, #tpu.memory_space<vmem>>, vector<16xf32>,
      %add3A_886 = arith.addf %get3A_883, %get3A_885 : vector<16xf32>
      %get3A_887 = arith.constant 720 : index
      %get3A_888 = tpu.vector_load %arg20[%get3A_887] {strides = array<i32>} : memref<4096xf32, #tpu.memory_space<vmem>>, vector<16xf32>,
      %add3A_889 = arith.addf %add3A_886, %get3A_888 : vector<16xf32>
      %get3A_890 = arith.constant 976 : index
      %get3A_891 = tpu.vector_load %arg20[%get3A_890] {strides = array<i32>} : memref<4096xf32, #tpu.memory_space<vmem>>, vector<16xf32>,
      %add3A_892 = arith.addf %add3A_889, %get3A_891 : vector<16xf32>
      %get3A_893 = arith.constant 1232 : index
      %get3A_894 = tpu.vector_load %arg20[%get3A_893] {strides = array<i32>} : memref<4096xf32, #tpu.memory_space<vmem>>, vector<16xf32>,
      %add3A_895 = arith.addf %add3A_892, %get3A_894 : vector<16xf32>
      %get3A_896 = arith.constant 1488 : index
      %get3A_897 = tpu.vector_load %arg20[%get3A_896] {strides = array<i32>} : memref<4096xf32, #tpu.memory_space<vmem>>, vector<16xf32>,
      %add3A_898 = arith.addf %add3A_895, %get3A_897 : vector<16xf32>
      %get3A_899 = arith.constant 1744 : index
      %get3A_900 = tpu.vector_load %arg20[%get3A_899] {strides = array<i32>} : memref<4096xf32, #tpu.memory_space<vmem>>, vector<16xf32>,
      %add3A_901 = arith.addf %add3A_898, %get3A_900 : vector<16xf32>
      %get3A_902 = arith.constant 2000 : index
      %get3A_903 = tpu.vector_load %arg20[%get3A_902] {strides = array<i32>} : memref<4096xf32, #tpu.memory_space<vmem>>, vector<16xf32>,
      %add3A_904 = arith.addf %add3A_901, %get3A_903 : vector<16xf32>
      %get3A_905 = arith.constant 2256 : index
      %get3A_906 = tpu.vector_load %arg20[%get3A_905] {strides = array<i32>} : memref<4096xf32, #tpu.memory_space<vmem>>, vector<16xf32>,
      %add3A_907 = arith.addf %add3A_904, %get3A_906 : vector<16xf32>
      %get3A_908 = arith.constant 2512 : index
      %get3A_909 = tpu.vector_load %arg20[%get3A_908] {strides = array<i32>} : memref<4096xf32, #tpu.memory_space<vmem>>, vector<16xf32>,
      %add3A_910 = arith.addf %add3A_907, %get3A_909 : vector<16xf32>
      %get3A_911 = arith.constant 2768 : index
      %get3A_912 = tpu.vector_load %arg20[%get3A_911] {strides = array<i32>} : memref<4096xf32, #tpu.memory_space<vmem>>, vector<16xf32>,
      %add3A_913 = arith.addf %add3A_910, %get3A_912 : vector<16xf32>
      %get3A_914 = arith.constant 3024 : index
      %get3A_915 = tpu.vector_load %arg20[%get3A_914] {strides = array<i32>} : memref<4096xf32, #tpu.memory_space<vmem>>, vector<16xf32>,
      %add3A_916 = arith.addf %add3A_913, %get3A_915 : vector<16xf32>
      %get3A_917 = arith.constant 3280 : index
      %get3A_918 = tpu.vector_load %arg20[%get3A_917] {strides = array<i32>} : memref<4096xf32, #tpu.memory_space<vmem>>, vector<16xf32>,
      %add3A_919 = arith.addf %add3A_916, %get3A_918 : vector<16xf32>
      %get3A_920 = arith.constant 3536 : index
      %get3A_921 = tpu.vector_load %arg20[%get3A_920] {strides = array<i32>} : memref<4096xf32, #tpu.memory_space<vmem>>, vector<16xf32>,
      %add3A_922 = arith.addf %add3A_919, %get3A_921 : vector<16xf32>
      %get3A_923 = arith.constant 3792 : index
      %get3A_924 = tpu.vector_load %arg20[%get3A_923] {strides = array<i32>} : memref<4096xf32, #tpu.memory_space<vmem>>, vector<16xf32>,
      %add3A_925 = arith.addf %add3A_922, %get3A_924 : vector<16xf32>
      %get3A_926 = arith.constant 4048 : index
      %get3A_927 = tpu.vector_load %arg20[%get3A_926] {strides = array<i32>} : memref<4096xf32, #tpu.memory_space<vmem>>, vector<16xf32>,
      %add3A_928 = arith.addf %add3A_925, %get3A_927 : vector<16xf32>
      %swap3A_929 = arith.constant 208 : index
      %swap3A_930 = tpu.vector_load %arg21[%swap3A_929] {strides = array<i32>} : memref<256xf32, #tpu.memory_space<vmem>>, vector<16xf32>,
      tpu.vector_store %arg21[%swap3A_929], %add3A_928 {strides = array<i32>} : memref<256xf32, #tpu.memory_space<vmem>>, vector<16xf32>,
      %get3A_931 = arith.constant 224 : index
      %get3A_932 = tpu.vector_load %arg20[%get3A_931] {strides = array<i32>} : memref<4096xf32, #tpu.memory_space<vmem>>, vector<16xf32>,
      %get3A_933 = arith.constant 480 : index
      %get3A_934 = tpu.vector_load %arg20[%get3A_933] {strides = array<i32>} : memref<4096xf32, #tpu.memory_space<vmem>>, vector<16xf32>,
      %add3A_935 = arith.addf %get3A_932, %get3A_934 : vector<16xf32>
      %get3A_936 = arith.constant 736 : index
      %get3A_937 = tpu.vector_load %arg20[%get3A_936] {strides = array<i32>} : memref<4096xf32, #tpu.memory_space<vmem>>, vector<16xf32>,
      %add3A_938 = arith.addf %add3A_935, %get3A_937 : vector<16xf32>
      %get3A_939 = arith.constant 992 : index
      %get3A_940 = tpu.vector_load %arg20[%get3A_939] {strides = array<i32>} : memref<4096xf32, #tpu.memory_space<vmem>>, vector<16xf32>,
      %add3A_941 = arith.addf %add3A_938, %get3A_940 : vector<16xf32>
      %get3A_942 = arith.constant 1248 : index
      %get3A_943 = tpu.vector_load %arg20[%get3A_942] {strides = array<i32>} : memref<4096xf32, #tpu.memory_space<vmem>>, vector<16xf32>,
      %add3A_944 = arith.addf %add3A_941, %get3A_943 : vector<16xf32>
      %get3A_945 = arith.constant 1504 : index
      %get3A_946 = tpu.vector_load %arg20[%get3A_945] {strides = array<i32>} : memref<4096xf32, #tpu.memory_space<vmem>>, vector<16xf32>,
      %add3A_947 = arith.addf %add3A_944, %get3A_946 : vector<16xf32>
      %get3A_948 = arith.constant 1760 : index
      %get3A_949 = tpu.vector_load %arg20[%get3A_948] {strides = array<i32>} : memref<4096xf32, #tpu.memory_space<vmem>>, vector<16xf32>,
      %add3A_950 = arith.addf %add3A_947, %get3A_949 : vector<16xf32>
      %get3A_951 = arith.constant 2016 : index
      %get3A_952 = tpu.vector_load %arg20[%get3A_951] {strides = array<i32>} : memref<4096xf32, #tpu.memory_space<vmem>>, vector<16xf32>,
      %add3A_953 = arith.addf %add3A_950, %get3A_952 : vector<16xf32>
      %get3A_954 = arith.constant 2272 : index
      %get3A_955 = tpu.vector_load %arg20[%get3A_954] {strides = array<i32>} : memref<4096xf32, #tpu.memory_space<vmem>>, vector<16xf32>,
      %add3A_956 = arith.addf %add3A_953, %get3A_955 : vector<16xf32>
      %get3A_957 = arith.constant 2528 : index
      %get3A_958 = tpu.vector_load %arg20[%get3A_957] {strides = array<i32>} : memref<4096xf32, #tpu.memory_space<vmem>>, vector<16xf32>,
      %add3A_959 = arith.addf %add3A_956, %get3A_958 : vector<16xf32>
      %get3A_960 = arith.constant 2784 : index
      %get3A_961 = tpu.vector_load %arg20[%get3A_960] {strides = array<i32>} : memref<4096xf32, #tpu.memory_space<vmem>>, vector<16xf32>,
      %add3A_962 = arith.addf %add3A_959, %get3A_961 : vector<16xf32>
      %get3A_963 = arith.constant 3040 : index
      %get3A_964 = tpu.vector_load %arg20[%get3A_963] {strides = array<i32>} : memref<4096xf32, #tpu.memory_space<vmem>>, vector<16xf32>,
      %add3A_965 = arith.addf %add3A_962, %get3A_964 : vector<16xf32>
      %get3A_966 = arith.constant 3296 : index
      %get3A_967 = tpu.vector_load %arg20[%get3A_966] {strides = array<i32>} : memref<4096xf32, #tpu.memory_space<vmem>>, vector<16xf32>,
      %add3A_968 = arith.addf %add3A_965, %get3A_967 : vector<16xf32>
      %get3A_969 = arith.constant 3552 : index
      %get3A_970 = tpu.vector_load %arg20[%get3A_969] {strides = array<i32>} : memref<4096xf32, #tpu.memory_space<vmem>>, vector<16xf32>,
      %add3A_971 = arith.addf %add3A_968, %get3A_970 : vector<16xf32>
      %get3A_972 = arith.constant 3808 : index
      %get3A_973 = tpu.vector_load %arg20[%get3A_972] {strides = array<i32>} : memref<4096xf32, #tpu.memory_space<vmem>>, vector<16xf32>,
      %add3A_974 = arith.addf %add3A_971, %get3A_973 : vector<16xf32>
      %get3A_975 = arith.constant 4064 : index
      %get3A_976 = tpu.vector_load %arg20[%get3A_975] {strides = array<i32>} : memref<4096xf32, #tpu.memory_space<vmem>>, vector<16xf32>,
      %add3A_977 = arith.addf %add3A_974, %get3A_976 : vector<16xf32>
      %swap3A_978 = arith.constant 224 : index
      %swap3A_979 = tpu.vector_load %arg21[%swap3A_978] {strides = array<i32>} : memref<256xf32, #tpu.memory_space<vmem>>, vector<16xf32>,
      tpu.vector_store %arg21[%swap3A_978], %add3A_977 {strides = array<i32>} : memref<256xf32, #tpu.memory_space<vmem>>, vector<16xf32>,
      %get3A_980 = arith.constant 240 : index
      %get3A_981 = tpu.vector_load %arg20[%get3A_980] {strides = array<i32>} : memref<4096xf32, #tpu.memory_space<vmem>>, vector<16xf32>,
      %get3A_982 = arith.constant 496 : index
      %get3A_983 = tpu.vector_load %arg20[%get3A_982] {strides = array<i32>} : memref<4096xf32, #tpu.memory_space<vmem>>, vector<16xf32>,
      %add3A_984 = arith.addf %get3A_981, %get3A_983 : vector<16xf32>
      %get3A_985 = arith.constant 752 : index
      %get3A_986 = tpu.vector_load %arg20[%get3A_985] {strides = array<i32>} : memref<4096xf32, #tpu.memory_space<vmem>>, vector<16xf32>,
      %add3A_987 = arith.addf %add3A_984, %get3A_986 : vector<16xf32>
      %get3A_988 = arith.constant 1008 : index
      %get3A_989 = tpu.vector_load %arg20[%get3A_988] {strides = array<i32>} : memref<4096xf32, #tpu.memory_space<vmem>>, vector<16xf32>,
      %add3A_990 = arith.addf %add3A_987, %get3A_989 : vector<16xf32>
      %get3A_991 = arith.constant 1264 : index
      %get3A_992 = tpu.vector_load %arg20[%get3A_991] {strides = array<i32>} : memref<4096xf32, #tpu.memory_space<vmem>>, vector<16xf32>,
      %add3A_993 = arith.addf %add3A_990, %get3A_992 : vector<16xf32>
      %get3A_994 = arith.constant 1520 : index
      %get3A_995 = tpu.vector_load %arg20[%get3A_994] {strides = array<i32>} : memref<4096xf32, #tpu.memory_space<vmem>>, vector<16xf32>,
      %add3A_996 = arith.addf %add3A_993, %get3A_995 : vector<16xf32>
      %get3A_997 = arith.constant 1776 : index
      %get3A_998 = tpu.vector_load %arg20[%get3A_997] {strides = array<i32>} : memref<4096xf32, #tpu.memory_space<vmem>>, vector<16xf32>,
      %add3A_999 = arith.addf %add3A_996, %get3A_998 : vector<16xf32>
      %get3A_1000 = arith.constant 2032 : index
      %get3A_1001 = tpu.vector_load %arg20[%get3A_1000] {strides = array<i32>} : memref<4096xf32, #tpu.memory_space<vmem>>, vector<16xf32>,
      %add3A_1002 = arith.addf %add3A_999, %get3A_1001 : vector<16xf32>
      %get3A_1003 = arith.constant 2288 : index
      %get3A_1004 = tpu.vector_load %arg20[%get3A_1003] {strides = array<i32>} : memref<4096xf32, #tpu.memory_space<vmem>>, vector<16xf32>,
      %add3A_1005 = arith.addf %add3A_1002, %get3A_1004 : vector<16xf32>
      %get3A_1006 = arith.constant 2544 : index
      %get3A_1007 = tpu.vector_load %arg20[%get3A_1006] {strides = array<i32>} : memref<4096xf32, #tpu.memory_space<vmem>>, vector<16xf32>,
      %add3A_1008 = arith.addf %add3A_1005, %get3A_1007 : vector<16xf32>
      %get3A_1009 = arith.constant 2800 : index
      %get3A_1010 = tpu.vector_load %arg20[%get3A_1009] {strides = array<i32>} : memref<4096xf32, #tpu.memory_space<vmem>>, vector<16xf32>,
      %add3A_1011 = arith.addf %add3A_1008, %get3A_1010 : vector<16xf32>
      %get3A_1012 = arith.constant 3056 : index
      %get3A_1013 = tpu.vector_load %arg20[%get3A_1012] {strides = array<i32>} : memref<4096xf32, #tpu.memory_space<vmem>>, vector<16xf32>,
      %add3A_1014 = arith.addf %add3A_1011, %get3A_1013 : vector<16xf32>
      %get3A_1015 = arith.constant 3312 : index
      %get3A_1016 = tpu.vector_load %arg20[%get3A_1015] {strides = array<i32>} : memref<4096xf32, #tpu.memory_space<vmem>>, vector<16xf32>,
      %add3A_1017 = arith.addf %add3A_1014, %get3A_1016 : vector<16xf32>
      %get3A_1018 = arith.constant 3568 : index
      %get3A_1019 = tpu.vector_load %arg20[%get3A_1018] {strides = array<i32>} : memref<4096xf32, #tpu.memory_space<vmem>>, vector<16xf32>,
      %add3A_1020 = arith.addf %add3A_1017, %get3A_1019 : vector<16xf32>
      %get3A_1021 = arith.constant 3824 : index
      %get3A_1022 = tpu.vector_load %arg20[%get3A_1021] {strides = array<i32>} : memref<4096xf32, #tpu.memory_space<vmem>>, vector<16xf32>,
      %add3A_1023 = arith.addf %add3A_1020, %get3A_1022 : vector<16xf32>
      %get3A_1024 = arith.constant 4080 : index
      %get3A_1025 = tpu.vector_load %arg20[%get3A_1024] {strides = array<i32>} : memref<4096xf32, #tpu.memory_space<vmem>>, vector<16xf32>,
      %add3A_1026 = arith.addf %add3A_1023, %get3A_1025 : vector<16xf32>
      %swap3A_1027 = arith.constant 240 : index
      %swap3A_1028 = tpu.vector_load %arg21[%swap3A_1027] {strides = array<i32>} : memref<256xf32, #tpu.memory_space<vmem>>, vector<16xf32>,
      tpu.vector_store %arg21[%swap3A_1027], %add3A_1026 {strides = array<i32>} : memref<256xf32, #tpu.memory_space<vmem>>, vector<16xf32>,
      %jit3A = arith.constant 4 : i32
      %div3A = arith.divsi %arg1, %jit3A : i32
      %sign3A = arith.constant 0 : i32
      %sign3A_1029 = arith.cmpi sgt, %arg1, %sign3A : i32
      %sign3A_1030 = arith.extui %sign3A_1029 : i1 to i32
      %sign3A_1031 = arith.constant 0 : i32
      %sign3A_1032 = arith.cmpi slt, %arg1, %sign3A_1031 : i32
      %sign3A_1033 = arith.extui %sign3A_1032 : i1 to i32
      %sign3A_1034 = arith.subi %sign3A_1030, %sign3A_1033 : i32
      %sign3A_1035 = arith.constant 0 : i32
      %sign3A_1036 = arith.cmpi sgt, %jit3A, %sign3A_1035 : i32
      %sign3A_1037 = arith.extui %sign3A_1036 : i1 to i32
      %sign3A_1038 = arith.constant 0 : i32
      %sign3A_1039 = arith.cmpi slt, %jit3A, %sign3A_1038 : i32
      %sign3A_1040 = arith.extui %sign3A_1039 : i1 to i32
      %sign3A_1041 = arith.subi %sign3A_1037, %sign3A_1040 : i32
      %ne3A = arith.cmpi ne, %sign3A_1034, %sign3A_1041 : i32
      %rem3A = arith.remsi %arg1, %jit3A : i32
      %ne3A_1042 = arith.constant 0 : i32
      %ne3A_1043 = arith.cmpi ne, %rem3A, %ne3A_1042 : i32
      %and3A = arith.andi %ne3A, %ne3A_1043 : i1
      %sub3A = arith.constant 1 : i32
      %sub3A_1044 = arith.subi %div3A, %sub3A : i32
      %select_n3A = arith.select %and3A, %sub3A_1044, %div3A : i32
      %jit3A_1045 = arith.constant 4 : i32
      %eq3A = arith.constant 0 : i32
      %eq3A_1046 = arith.cmpi eq, %jit3A_1045, %eq3A : i32
      %jit3A_1047 = arith.constant 1 : i32
      %select_n3A_1048 = arith.select %eq3A_1046, %jit3A_1047, %jit3A_1045 : i32
      %rem3A_1049 = arith.remsi %arg1, %select_n3A_1048 : i32
      %ne3A_1050 = arith.constant 0 : i32
      %ne3A_1051 = arith.cmpi ne, %rem3A_1049, %ne3A_1050 : i32
      %lt3A = arith.constant 0 : i32
      %lt3A_1052 = arith.cmpi slt, %rem3A_1049, %lt3A : i32
      %lt3A_1053 = arith.constant 0 : i32
      %lt3A_1054 = arith.cmpi slt, %select_n3A_1048, %lt3A_1053 : i32
      %ne3A_1055 = arith.xori %lt3A_1052, %lt3A_1054 : i1
      %and3A_1056 = arith.andi %ne3A_1055, %ne3A_1051 : i1
      %add3A_1057 = arith.addi %rem3A_1049, %select_n3A_1048 : i32
      %select_n3A_1058 = arith.select %and3A_1056, %add3A_1057, %rem3A_1049 : i32
      %mul3A_1059 = arith.constant 256 : i32
      %mul3A_1060 = arith.muli %select_n3A_1058, %mul3A_1059 : i32
      "tpu.region"() ({
        %run_scoped3A_1063 = tpu.sem_alloc : memref<!tpu.dma_semaphore, #tpu.memory_space<semaphore_mem>>
        %dma_start3A_1064 = tpu.memref_slice %arg9[%add3A, %select_n3A, %mul3A_1060] : memref<8x8x1024xf32, #tpu.memory_space<hbm>> -> memref<1x1x256xf32, #tpu.memory_space<hbm>>
        %dma_start3A_1065 = tpu.memref_squeeze %dma_start3A_1064 : memref<1x1x256xf32, #tpu.memory_space<hbm>> -> memref<256xf32, #tpu.memory_space<hbm>>
        %dma_start3A_1066 = tpu.memref_slice %arg9[%add3A, %select_n3A, %mul3A_1060] : memref<8x8x1024xf32, #tpu.memory_space<hbm>> -> memref<1x1x256xf32, #tpu.memory_space<hbm>>
        %dma_start3A_1067 = tpu.memref_squeeze %dma_start3A_1066 : memref<1x1x256xf32, #tpu.memory_space<hbm>> -> memref<256xf32, #tpu.memory_space<hbm>>
        tpu.enqueue_dma source(%arg21 : memref<256xf32, #tpu.memory_space<vmem>>) target(%dma_start3A_1067 : memref<256xf32, #tpu.memory_space<hbm>>) target_semaphore(%run_scoped3A_1063 : memref<!tpu.dma_semaphore, #tpu.memory_space<semaphore_mem>>)
        %dma_wait3A = tpu.memref_slice %arg9[%add3A, %select_n3A, %mul3A_1060] : memref<8x8x1024xf32, #tpu.memory_space<hbm>> -> memref<1x1x256xf32, #tpu.memory_space<hbm>>
        %dma_wait3A_1068 = tpu.memref_squeeze %dma_wait3A : memref<1x1x256xf32, #tpu.memory_space<hbm>> -> memref<256xf32, #tpu.memory_space<hbm>>
        %dma_wait3A_1069 = tpu.memref_slice %arg9[%add3A, %select_n3A, %mul3A_1060] : memref<8x8x1024xf32, #tpu.memory_space<hbm>> -> memref<1x1x256xf32, #tpu.memory_space<hbm>>
        %dma_wait3A_1070 = tpu.memref_squeeze %dma_wait3A_1069 : memref<1x1x256xf32, #tpu.memory_space<hbm>> -> memref<256xf32, #tpu.memory_space<hbm>>
        tpu.wait_dma2 semaphore(%run_scoped3A_1063 : memref<!tpu.dma_semaphore, #tpu.memory_space<semaphore_mem>>) src(%arg21 : memref<256xf32, #tpu.memory_space<vmem>>) dst(%dma_wait3A_1070 : memref<256xf32, #tpu.memory_space<hbm>>)
        tpu.yield
      }) : () -> ()
      %barrier3A_1061 = arith.constant 0 : index
      tpu.barrier barrier_id(%barrier3A_1061)
      %scan3A_1062 = arith.constant 0 : i32
      scf.yield %scan3A_1062 : i32
    }
    %scan3A_12 = arith.constant 4 : i32
    return
  }
}

module attributes {stable_mosaic.version = 14 : i64} {
  func.func @_prep_nodes_body(%arg0: i32, %arg1: memref<1x1024x128xf32, #tpu.memory_space<vmem>>, %arg2: memref<128x128xf32, #tpu.memory_space<vmem>>, %arg3: memref<128x8xf32, #tpu.memory_space<vmem>>, %arg4: memref<1024x128xf32, #tpu.memory_space<vmem>>, %arg5: memref<1x8x1024xf32, #tpu.memory_space<vmem>>) attributes {dimension_semantics = [#tpu.dimension_semantics<arbitrary>], iteration_bounds = array<i64: 8>, scalar_prefetch = 0 : i64, scratch_operands = 0 : i64, tpu.core_type = #tpu.core_type<tc>, window_params = [{transform_indices = @transform_0, window_bounds = array<i64: 1, 1024, 128>}, {pipeline_mode = #tpu.pipeline_mode<synchronous>, transform_indices = @transform_1, window_bounds = array<i64: 128, 128>}, {pipeline_mode = #tpu.pipeline_mode<synchronous>, transform_indices = @transform_2, window_bounds = array<i64: 128, 8>}, {transform_indices = @transform_3, window_bounds = array<i64: 1024, 128>}, {transform_indices = @transform_4, window_bounds = array<i64: 1, 8, 1024>}]} {
    %get3A = arith.constant 0 : index
    %get3A_0 = arith.constant 0 : index
    %get3A_1 = arith.constant 0 : index
    %get3A_2 = vector.load %arg1[%get3A, %get3A_0, %get3A_1] : memref<1x1024x128xf32, #tpu.memory_space<vmem>>, vector<1x1024x128xf32>
    %get3A_3 = vector.shape_cast %get3A_2 : vector<1x1024x128xf32> to vector<1024x128xf32>
    %get3A_4 = arith.constant 0 : index
    %get3A_5 = arith.constant 0 : index
    %get3A_6 = vector.load %arg2[%get3A_4, %get3A_5] : memref<128x128xf32, #tpu.memory_space<vmem>>, vector<128x128xf32>
    %dot_general3A = arith.constant dense<0.000000e+00> : vector<1024x128xf32>
    %dot_general3A_7 = tpu.matmul %get3A_3, %get3A_6, %dot_general3A {dimension_numbers = #tpu.dot_dimension_numbers<[1], [0], [0], [1], [0, 0, 1, 1], [], []>, transpose_lhs_hint = false} : vector<1024x128xf32>, vector<128x128xf32>, vector<1024x128xf32> -> vector<1024x128xf32>
    %bitcast_convert_type3A = tpu.bitcast %dot_general3A_7 : vector<1024x128xf32> -> vector<1024x128xi32>
    %add3A = arith.constant 32767 : i32
    %add3A_8 = vector.broadcast %add3A : i32 to vector<1024x128xi32>
    %add3A_9 = arith.addi %bitcast_convert_type3A, %add3A_8 : vector<1024x128xi32>
    %shift_right_logical3A = arith.constant 16 : i32
    %shift_right_logical3A_10 = vector.broadcast %shift_right_logical3A : i32 to vector<1024x128xi32>
    %shift_right_logical3A_11 = arith.shrui %bitcast_convert_type3A, %shift_right_logical3A_10 : vector<1024x128xi32>
    %and3A = arith.constant 1 : i32
    %and3A_12 = vector.broadcast %and3A : i32 to vector<1024x128xi32>
    %and3A_13 = arith.andi %shift_right_logical3A_11, %and3A_12 : vector<1024x128xi32>
    %add3A_14 = arith.addi %add3A_9, %and3A_13 : vector<1024x128xi32>
    %shift_right_logical3A_15 = arith.constant 16 : i32
    %shift_right_logical3A_16 = vector.broadcast %shift_right_logical3A_15 : i32 to vector<1024x128xi32>
    %shift_right_logical3A_17 = arith.shrui %add3A_14, %shift_right_logical3A_16 : vector<1024x128xi32>
    %slice3A = vector.extract_strided_slice %shift_right_logical3A_17 {offsets = [0, 0], sizes = [1024, 64], strides = [1, 1]} : vector<1024x128xi32> to vector<1024x64xi32>
    %slice3A_18 = vector.extract_strided_slice %shift_right_logical3A_17 {offsets = [0, 64], sizes = [1024, 64], strides = [1, 1]} : vector<1024x128xi32> to vector<1024x64xi32>
    %shift_left3A = arith.constant 16 : i32
    %shift_left3A_19 = vector.broadcast %shift_left3A : i32 to vector<1024x64xi32>
    %shift_left3A_20 = arith.shli %slice3A_18, %shift_left3A_19 : vector<1024x64xi32>
    %or3A = arith.ori %slice3A, %shift_left3A_20 : vector<1024x64xi32>
    %bitcast_convert_type3A_21 = tpu.bitcast %or3A : vector<1024x64xi32> -> vector<1024x64xf32>
    %swap3A = arith.constant 0 : index
    %swap3A_22 = arith.constant 0 : index
    %swap3A_23 = vector.load %arg4[%swap3A, %swap3A_22] : memref<1024x128xf32, #tpu.memory_space<vmem>>, vector<1024x64xf32>
    tpu.vector_store %arg4[%swap3A, %swap3A_22], %bitcast_convert_type3A_21 {strides = array<i32>} : memref<1024x128xf32, #tpu.memory_space<vmem>>, vector<1024x64xf32>,
    %get3A_24 = arith.constant 0 : index
    %get3A_25 = arith.constant 0 : index
    %get3A_26 = vector.load %arg3[%get3A_24, %get3A_25] : memref<128x8xf32, #tpu.memory_space<vmem>>, vector<128x8xf32>
    %dot_general3A_27 = arith.constant dense<0.000000e+00> : vector<8x1024xf32>
    %dot_general3A_28 = tpu.matmul %get3A_26, %dot_general3A_7, %dot_general3A_27 {dimension_numbers = #tpu.dot_dimension_numbers<[0], [1], [1], [0], [0, 1, 1, 0], [], []>, transpose_lhs_hint = false} : vector<128x8xf32>, vector<1024x128xf32>, vector<8x1024xf32> -> vector<8x1024xf32>
    %swap3A_29 = arith.constant 0 : index
    %swap3A_30 = arith.constant 0 : index
    %swap3A_31 = arith.constant 0 : index
    %swap3A_32 = vector.load %arg5[%swap3A_29, %swap3A_30, %swap3A_31] : memref<1x8x1024xf32, #tpu.memory_space<vmem>>, vector<1x8x1024xf32>
    %swap3A_33 = vector.shape_cast %swap3A_32 : vector<1x8x1024xf32> to vector<8x1024xf32>
    %swap3A_34 = vector.shape_cast %dot_general3A_28 : vector<8x1024xf32> to vector<1x8x1024xf32>
    tpu.vector_store %arg5[%swap3A_29, %swap3A_30, %swap3A_31], %swap3A_34 {strides = array<i32>} : memref<1x8x1024xf32, #tpu.memory_space<vmem>>, vector<1x8x1024xf32>,
    return
  }
  func.func @transform_0(%arg0: i32) -> (i32, i32, i32) {
    %c0_i32 = arith.constant 0 : i32
    %c0_i32_0 = arith.constant 0 : i32
    %c0_i32_1 = arith.constant 0 : i32
    return %arg0, %c0_i32, %c0_i32_0 : i32, i32, i32
  }
  func.func @transform_1(%arg0: i32) -> (i32, i32) {
    %c0_i32 = arith.constant 0 : i32
    %c0_i32_0 = arith.constant 0 : i32
    %c0_i32_1 = arith.constant 0 : i32
    return %c0_i32, %c0_i32_0 : i32, i32
  }
  func.func @transform_2(%arg0: i32) -> (i32, i32) {
    %c0_i32 = arith.constant 0 : i32
    %c0_i32_0 = arith.constant 0 : i32
    %c0_i32_1 = arith.constant 0 : i32
    return %c0_i32, %c0_i32_0 : i32, i32
  }
  func.func @transform_3(%arg0: i32) -> (i32, i32) {
    %c0_i32 = arith.constant 0 : i32
    %c0_i32_0 = arith.constant 0 : i32
    return %arg0, %c0_i32 : i32, i32
  }
  func.func @transform_4(%arg0: i32) -> (i32, i32, i32) {
    %c0_i32 = arith.constant 0 : i32
    %c0_i32_0 = arith.constant 0 : i32
    %c0_i32_1 = arith.constant 0 : i32
    return %arg0, %c0_i32, %c0_i32_0 : i32, i32, i32
  }
}

module attributes {stable_mosaic.version = 14 : i64} {
  func.func @_prep_edges_body(%arg0: i32, %arg1: i32, %arg2: memref<1x16x4096xf32, #tpu.memory_space<vmem>>, %arg3: memref<16x128xf32, #tpu.memory_space<vmem>>, %arg4: memref<128x8xf32, #tpu.memory_space<vmem>>, %arg5: memref<1x4096x64xi32, #tpu.memory_space<vmem>>, %arg6: memref<1x8x4096xf32, #tpu.memory_space<vmem>>) attributes {dimension_semantics = [#tpu.dimension_semantics<arbitrary>, #tpu.dimension_semantics<arbitrary>], iteration_bounds = array<i64: 8, 8>, scalar_prefetch = 0 : i64, scratch_operands = 0 : i64, tpu.core_type = #tpu.core_type<tc>, window_params = [{transform_indices = @transform_0, window_bounds = array<i64: 1, 16, 4096>}, {pipeline_mode = #tpu.pipeline_mode<synchronous>, transform_indices = @transform_1, window_bounds = array<i64: 16, 128>}, {pipeline_mode = #tpu.pipeline_mode<synchronous>, transform_indices = @transform_2, window_bounds = array<i64: 128, 8>}, {transform_indices = @transform_3, window_bounds = array<i64: 1, 4096, 64>}, {transform_indices = @transform_4, window_bounds = array<i64: 1, 8, 4096>}]} {
    %get3A = arith.constant 0 : index
    %get3A_0 = arith.constant 0 : index
    %get3A_1 = arith.constant 0 : index
    %get3A_2 = vector.load %arg2[%get3A, %get3A_0, %get3A_1] : memref<1x16x4096xf32, #tpu.memory_space<vmem>>, vector<1x16x4096xf32>
    %get3A_3 = vector.shape_cast %get3A_2 : vector<1x16x4096xf32> to vector<16x4096xf32>
    %get3A_4 = arith.constant 0 : index
    %get3A_5 = arith.constant 0 : index
    %get3A_6 = vector.load %arg3[%get3A_4, %get3A_5] : memref<16x128xf32, #tpu.memory_space<vmem>>, vector<16x128xf32>
    %dot_general3A = arith.constant dense<0.000000e+00> : vector<4096x128xf32>
    %dot_general3A_7 = tpu.matmul %get3A_3, %get3A_6, %dot_general3A {dimension_numbers = #tpu.dot_dimension_numbers<[0], [0], [1], [1], [0, 1, 1, 1], [], []>, transpose_lhs_hint = false} : vector<16x4096xf32>, vector<16x128xf32>, vector<4096x128xf32> -> vector<4096x128xf32>
    %bitcast_convert_type3A = tpu.bitcast %dot_general3A_7 : vector<4096x128xf32> -> vector<4096x128xi32>
    %add3A = arith.constant 32767 : i32
    %add3A_8 = vector.broadcast %add3A : i32 to vector<4096x128xi32>
    %add3A_9 = arith.addi %bitcast_convert_type3A, %add3A_8 : vector<4096x128xi32>
    %shift_right_logical3A = arith.constant 16 : i32
    %shift_right_logical3A_10 = vector.broadcast %shift_right_logical3A : i32 to vector<4096x128xi32>
    %shift_right_logical3A_11 = arith.shrui %bitcast_convert_type3A, %shift_right_logical3A_10 : vector<4096x128xi32>
    %and3A = arith.constant 1 : i32
    %and3A_12 = vector.broadcast %and3A : i32 to vector<4096x128xi32>
    %and3A_13 = arith.andi %shift_right_logical3A_11, %and3A_12 : vector<4096x128xi32>
    %add3A_14 = arith.addi %add3A_9, %and3A_13 : vector<4096x128xi32>
    %shift_right_logical3A_15 = arith.constant 16 : i32
    %shift_right_logical3A_16 = vector.broadcast %shift_right_logical3A_15 : i32 to vector<4096x128xi32>
    %shift_right_logical3A_17 = arith.shrui %add3A_14, %shift_right_logical3A_16 : vector<4096x128xi32>
    %slice3A = vector.extract_strided_slice %shift_right_logical3A_17 {offsets = [0, 0], sizes = [4096, 64], strides = [1, 1]} : vector<4096x128xi32> to vector<4096x64xi32>
    %slice3A_18 = vector.extract_strided_slice %shift_right_logical3A_17 {offsets = [0, 64], sizes = [4096, 64], strides = [1, 1]} : vector<4096x128xi32> to vector<4096x64xi32>
    %shift_left3A = arith.constant 16 : i32
    %shift_left3A_19 = vector.broadcast %shift_left3A : i32 to vector<4096x64xi32>
    %shift_left3A_20 = arith.shli %slice3A_18, %shift_left3A_19 : vector<4096x64xi32>
    %or3A = arith.ori %slice3A, %shift_left3A_20 : vector<4096x64xi32>
    %bitcast_convert_type3A_21 = tpu.bitcast %or3A : vector<4096x64xi32> -> vector<4096x64xi32>
    %swap3A = arith.constant 0 : index
    %swap3A_22 = arith.constant 0 : index
    %swap3A_23 = arith.constant 0 : index
    %swap3A_24 = vector.load %arg5[%swap3A, %swap3A_22, %swap3A_23] : memref<1x4096x64xi32, #tpu.memory_space<vmem>>, vector<1x4096x64xi32>
    %swap3A_25 = vector.shape_cast %swap3A_24 : vector<1x4096x64xi32> to vector<4096x64xi32>
    %swap3A_26 = vector.shape_cast %bitcast_convert_type3A_21 : vector<4096x64xi32> to vector<1x4096x64xi32>
    tpu.vector_store %arg5[%swap3A, %swap3A_22, %swap3A_23], %swap3A_26 {strides = array<i32>} : memref<1x4096x64xi32, #tpu.memory_space<vmem>>, vector<1x4096x64xi32>,
    %get3A_27 = arith.constant 0 : index
    %get3A_28 = arith.constant 0 : index
    %get3A_29 = vector.load %arg4[%get3A_27, %get3A_28] : memref<128x8xf32, #tpu.memory_space<vmem>>, vector<128x8xf32>
    %dot_general3A_30 = arith.constant dense<0.000000e+00> : vector<8x4096xf32>
    %dot_general3A_31 = tpu.matmul %get3A_29, %dot_general3A_7, %dot_general3A_30 {dimension_numbers = #tpu.dot_dimension_numbers<[0], [1], [1], [0], [0, 1, 1, 0], [], []>, transpose_lhs_hint = false} : vector<128x8xf32>, vector<4096x128xf32>, vector<8x4096xf32> -> vector<8x4096xf32>
    %swap3A_32 = arith.constant 0 : index
    %swap3A_33 = arith.constant 0 : index
    %swap3A_34 = arith.constant 0 : index
    %swap3A_35 = vector.load %arg6[%swap3A_32, %swap3A_33, %swap3A_34] : memref<1x8x4096xf32, #tpu.memory_space<vmem>>, vector<1x8x4096xf32>
    %swap3A_36 = vector.shape_cast %swap3A_35 : vector<1x8x4096xf32> to vector<8x4096xf32>
    %swap3A_37 = vector.shape_cast %dot_general3A_31 : vector<8x4096xf32> to vector<1x8x4096xf32>
    tpu.vector_store %arg6[%swap3A_32, %swap3A_33, %swap3A_34], %swap3A_37 {strides = array<i32>} : memref<1x8x4096xf32, #tpu.memory_space<vmem>>, vector<1x8x4096xf32>,
    return
  }
  func.func @transform_0(%arg0: i32, %arg1: i32) -> (i32, i32, i32) {
    %c0_i32 = arith.constant 0 : i32
    %c0_i32_0 = arith.constant 0 : i32
    return %arg0, %c0_i32, %arg1 : i32, i32, i32
  }
  func.func @transform_1(%arg0: i32, %arg1: i32) -> (i32, i32) {
    %c0_i32 = arith.constant 0 : i32
    %c0_i32_0 = arith.constant 0 : i32
    %c0_i32_1 = arith.constant 0 : i32
    return %c0_i32, %c0_i32_0 : i32, i32
  }
  func.func @transform_2(%arg0: i32, %arg1: i32) -> (i32, i32) {
    %c0_i32 = arith.constant 0 : i32
    %c0_i32_0 = arith.constant 0 : i32
    %c0_i32_1 = arith.constant 0 : i32
    return %c0_i32, %c0_i32_0 : i32, i32
  }
  func.func @transform_3(%arg0: i32, %arg1: i32) -> (i32, i32, i32) {
    %c0_i32 = arith.constant 0 : i32
    %c0_i32_0 = arith.constant 0 : i32
    return %arg0, %arg1, %c0_i32 : i32, i32, i32
  }
  func.func @transform_4(%arg0: i32, %arg1: i32) -> (i32, i32, i32) {
    %c0_i32 = arith.constant 0 : i32
    %c0_i32_0 = arith.constant 0 : i32
    return %arg0, %c0_i32, %arg1 : i32, i32, i32
  }
}

module attributes {stable_mosaic.version = 14 : i64} {
  func.func @_finish_body(%arg0: i32, %arg1: memref<1x1024x128xf32, #tpu.memory_space<vmem>>, %arg2: memref<1x8x1024xf32, #tpu.memory_space<vmem>>, %arg3: memref<1x1024x128xf32, #tpu.memory_space<vmem>>, %arg4: memref<1x128xf32, #tpu.memory_space<vmem>>, %arg5: memref<1x128xf32, #tpu.memory_space<vmem>>, %arg6: memref<1x1024x128xf32, #tpu.memory_space<vmem>>) attributes {dimension_semantics = [#tpu.dimension_semantics<arbitrary>], iteration_bounds = array<i64: 8>, scalar_prefetch = 0 : i64, scratch_operands = 0 : i64, tpu.core_type = #tpu.core_type<tc>, window_params = [{transform_indices = @transform_0, window_bounds = array<i64: 1, 1024, 128>}, {transform_indices = @transform_1, window_bounds = array<i64: 1, 8, 1024>}, {transform_indices = @transform_2, window_bounds = array<i64: 1, 1024, 128>}, {pipeline_mode = #tpu.pipeline_mode<synchronous>, transform_indices = @transform_3, window_bounds = array<i64: 1, 128>}, {pipeline_mode = #tpu.pipeline_mode<synchronous>, transform_indices = @transform_4, window_bounds = array<i64: 1, 128>}, {transform_indices = @transform_5, window_bounds = array<i64: 1, 1024, 128>}]} {
    %get3A = arith.constant 0 : index
    %get3A_0 = arith.constant 0 : index
    %get3A_1 = arith.constant 0 : index
    %get3A_2 = vector.load %arg2[%get3A, %get3A_0, %get3A_1] : memref<1x8x1024xf32, #tpu.memory_space<vmem>>, vector<1x4x1024xf32>
    %get3A_3 = vector.shape_cast %get3A_2 : vector<1x4x1024xf32> to vector<4x1024xf32>
    %transpose3A = tpu.transpose %get3A_3, [1, 0] : vector<4x1024xf32> -> vector<1024x4xf32>
    %gt3A = arith.constant 0.000000e+00 : f32
    %gt3A_4 = vector.broadcast %gt3A : f32 to vector<1024x4xf32>
    %gt3A_5 = arith.cmpf ogt, %transpose3A, %gt3A_4 : vector<1024x4xf32>
    %jit3A = arith.constant 1.000000e+00 : f32
    %broadcast_in_dim3A = vector.broadcast %jit3A : f32 to vector<1024x4xf32>
    %select_n3A = arith.select %gt3A_5, %transpose3A, %broadcast_in_dim3A : vector<1024x4xi1>, vector<1024x4xf32>
    %div3A = arith.constant 1.000000e+00 : f32
    %div3A_6 = vector.broadcast %div3A : f32 to vector<1024x4xf32>
    %div3A_7 = arith.divf %div3A_6, %select_n3A : vector<1024x4xf32>
    %broadcast_in_dim3A_8 = vector.shape_cast %div3A_7 : vector<1024x4xf32> to vector<1024x4x1xf32>
    %broadcast_in_dim3A_9 = vector.shape_cast %broadcast_in_dim3A_8 : vector<1024x4x1xf32> to vector<1024x4x1xf32>
    %broadcast_in_dim3A_10 = vector.broadcast %broadcast_in_dim3A_9 : vector<1024x4x1xf32> to vector<1024x4x32xf32>
    %reshape3A = vector.shape_cast %broadcast_in_dim3A_10 : vector<1024x4x32xf32> to vector<1024x128xf32>
    %get3A_11 = arith.constant 0 : index
    %get3A_12 = arith.constant 0 : index
    %get3A_13 = arith.constant 0 : index
    %get3A_14 = vector.load %arg1[%get3A_11, %get3A_12, %get3A_13] : memref<1x1024x128xf32, #tpu.memory_space<vmem>>, vector<1x1024x128xf32>
    %get3A_15 = vector.shape_cast %get3A_14 : vector<1x1024x128xf32> to vector<1024x128xf32>
    %mul3A = arith.mulf %get3A_15, %reshape3A : vector<1024x128xf32>
    %get3A_16 = arith.constant 0 : index
    %get3A_17 = arith.constant 0 : index
    %get3A_18 = arith.constant 0 : index
    %get3A_19 = vector.load %arg3[%get3A_16, %get3A_17, %get3A_18] : memref<1x1024x128xf32, #tpu.memory_space<vmem>>, vector<1x1024x128xf32>
    %get3A_20 = vector.shape_cast %get3A_19 : vector<1x1024x128xf32> to vector<1024x128xf32>
    %add3A = arith.addf %mul3A, %get3A_20 : vector<1024x128xf32>
    %reduce_sum3A = arith.constant dense<0.000000e+00> : vector<1024xf32>
    %reduce_sum3A_21 = vector.multi_reduction <add>, %add3A, %reduce_sum3A [1] : vector<1024x128xf32> to vector<1024xf32>
    %broadcast_in_dim3A_22 = vector.shape_cast %reduce_sum3A_21 : vector<1024xf32> to vector<1024x1xf32>
    %div3A_23 = arith.constant 1.280000e+02 : f32
    %div3A_24 = vector.broadcast %div3A_23 : f32 to vector<1024x1xf32>
    %div3A_25 = arith.divf %broadcast_in_dim3A_22, %div3A_24 : vector<1024x1xf32>
    %sub3A = vector.broadcast %div3A_25 : vector<1024x1xf32> to vector<1024x128xf32>
    %sub3A_26 = arith.subf %add3A, %sub3A : vector<1024x128xf32>
    %mul3A_27 = arith.mulf %sub3A_26, %sub3A_26 : vector<1024x128xf32>
    %reduce_sum3A_28 = arith.constant dense<0.000000e+00> : vector<1024xf32>
    %reduce_sum3A_29 = vector.multi_reduction <add>, %mul3A_27, %reduce_sum3A_28 [1] : vector<1024x128xf32> to vector<1024xf32>
    %broadcast_in_dim3A_30 = vector.shape_cast %reduce_sum3A_29 : vector<1024xf32> to vector<1024x1xf32>
    %div3A_31 = arith.constant 1.280000e+02 : f32
    %div3A_32 = vector.broadcast %div3A_31 : f32 to vector<1024x1xf32>
    %div3A_33 = arith.divf %broadcast_in_dim3A_30, %div3A_32 : vector<1024x1xf32>
    %add3A_34 = arith.constant 9.99999974E-6 : f32
    %add3A_35 = vector.broadcast %add3A_34 : f32 to vector<1024x1xf32>
    %add3A_36 = arith.addf %div3A_33, %add3A_35 : vector<1024x1xf32>
    %rsqrt3A = math.rsqrt %add3A_36 : vector<1024x1xf32>
    %mul3A_37 = vector.broadcast %rsqrt3A : vector<1024x1xf32> to vector<1024x128xf32>
    %mul3A_38 = arith.mulf %sub3A_26, %mul3A_37 : vector<1024x128xf32>
    %get3A_39 = arith.constant 0 : index
    %get3A_40 = arith.constant 0 : index
    %get3A_41 = vector.load %arg4[%get3A_39, %get3A_40] : memref<1x128xf32, #tpu.memory_space<vmem>>, vector<1x128xf32>
    %mul3A_42 = vector.broadcast %get3A_41 : vector<1x128xf32> to vector<1024x128xf32>
    %mul3A_43 = arith.mulf %mul3A_38, %mul3A_42 : vector<1024x128xf32>
    %get3A_44 = arith.constant 0 : index
    %get3A_45 = arith.constant 0 : index
    %get3A_46 = vector.load %arg5[%get3A_44, %get3A_45] : memref<1x128xf32, #tpu.memory_space<vmem>>, vector<1x128xf32>
    %add3A_47 = vector.broadcast %get3A_46 : vector<1x128xf32> to vector<1024x128xf32>
    %add3A_48 = arith.addf %mul3A_43, %add3A_47 : vector<1024x128xf32>
    %gt3A_49 = arith.constant 0.000000e+00 : f32
    %gt3A_50 = vector.broadcast %gt3A_49 : f32 to vector<1024x128xf32>
    %gt3A_51 = arith.cmpf ogt, %add3A_48, %gt3A_50 : vector<1024x128xf32>
    %exp3A = math.exp %add3A_48 : vector<1024x128xf32>
    %sub3A_52 = arith.constant 1.000000e+00 : f32
    %sub3A_53 = vector.broadcast %sub3A_52 : f32 to vector<1024x128xf32>
    %sub3A_54 = arith.subf %exp3A, %sub3A_53 : vector<1024x128xf32>
    %select_n3A_55 = arith.select %gt3A_51, %add3A_48, %sub3A_54 : vector<1024x128xi1>, vector<1024x128xf32>
    %swap3A = arith.constant 0 : index
    %swap3A_56 = arith.constant 0 : index
    %swap3A_57 = arith.constant 0 : index
    %swap3A_58 = vector.load %arg6[%swap3A, %swap3A_56, %swap3A_57] : memref<1x1024x128xf32, #tpu.memory_space<vmem>>, vector<1x1024x128xf32>
    %swap3A_59 = vector.shape_cast %swap3A_58 : vector<1x1024x128xf32> to vector<1024x128xf32>
    %swap3A_60 = vector.shape_cast %select_n3A_55 : vector<1024x128xf32> to vector<1x1024x128xf32>
    tpu.vector_store %arg6[%swap3A, %swap3A_56, %swap3A_57], %swap3A_60 {strides = array<i32>} : memref<1x1024x128xf32, #tpu.memory_space<vmem>>, vector<1x1024x128xf32>,
    return
  }
  func.func @transform_0(%arg0: i32) -> (i32, i32, i32) {
    %c0_i32 = arith.constant 0 : i32
    %c0_i32_0 = arith.constant 0 : i32
    %c0_i32_1 = arith.constant 0 : i32
    return %arg0, %c0_i32, %c0_i32_0 : i32, i32, i32
  }
  func.func @transform_1(%arg0: i32) -> (i32, i32, i32) {
    %c0_i32 = arith.constant 0 : i32
    %c0_i32_0 = arith.constant 0 : i32
    %c0_i32_1 = arith.constant 0 : i32
    return %arg0, %c0_i32, %c0_i32_0 : i32, i32, i32
  }
  func.func @transform_2(%arg0: i32) -> (i32, i32, i32) {
    %c0_i32 = arith.constant 0 : i32
    %c0_i32_0 = arith.constant 0 : i32
    %c0_i32_1 = arith.constant 0 : i32
    return %arg0, %c0_i32, %c0_i32_0 : i32, i32, i32
  }
  func.func @transform_3(%arg0: i32) -> (i32, i32) {
    %c0_i32 = arith.constant 0 : i32
    %c0_i32_0 = arith.constant 0 : i32
    %c0_i32_1 = arith.constant 0 : i32
    return %c0_i32, %c0_i32_0 : i32, i32
  }
  func.func @transform_4(%arg0: i32) -> (i32, i32) {
    %c0_i32 = arith.constant 0 : i32
    %c0_i32_0 = arith.constant 0 : i32
    %c0_i32_1 = arith.constant 0 : i32
    return %c0_i32, %c0_i32_0 : i32, i32
  }
  func.func @transform_5(%arg0: i32) -> (i32, i32, i32) {
    %c0_i32 = arith.constant 0 : i32
    %c0_i32_0 = arith.constant 0 : i32
    %c0_i32_1 = arith.constant 0 : i32
    return %arg0, %c0_i32, %c0_i32_0 : i32, i32, i32
  }
}

</mosaic_0001>

<sc_bundles>
// kernel: kernel.6.cloned.1.call-start
scs
__scs_entry_jumppad:
0x0: {  	(pc) =	sbr.rel $0x88, $3  }
0x1: {  	(tag) =	ssettag $0x0;
	lr =	simm.s32 $0x1  }
0x2: {  	[smem:$0x3F97] =	sst lr;
	_ =	strace $0xD0000000  }
0x3: {  	_ = 	snop  }
0x4: {  	_ = 	snop  }
0x5: {  	_ = 	snop  }
0x6: {  	_ = 	snop  }
0x7: {  	_ = 	snop  }
__scs_overlays_trampoline_lowered:
0x8: {  	[smem:$0x3FA6] =	sst s0  }
0x9: {  	[smem:$0x3FA7] =	sst s1  }
0xa: {  	[smem:$0x3FA8] =	sst s2  }
0xb: {  	[smem:$0x3FA9] =	sst s3  }
0xc: {  	[smem:$0x3FAA] =	sst s4  }
0xd: {  	[smem:$0x3FAB] =	sst s5  }
0xe: {  	[smem:$0x3FAC] =	sst s6  }
0xf: {  	[smem:$0x3FAD] =	sst s7  }
0x10: {  	[smem:$0x3FAE] =	sst s8  }
0x11: {  	[smem:$0x3FAF] =	sst s9;
	s0 =	simm.s32 @!p0 $0x0  }
0x12: {  	s1 =	sld [smem:$0x3F95];
	s0 =	simm.s32 @p0 $0x1  }
0x13: {  	[smem:$0x3FB0] =	sst s0;
	s0 =	simm.s32 @!p1 $0x0  }
0x14: {  	s2 =	sld [smem:$0x3F94];
	s0 =	simm.s32 @p1 $0x1  }
0x15: {  	[smem:$0x3FB1] =	sst s0;
	s0 =	simm.s32 @!p2 $0x0  }
0x16: {  	s3 =	sld [smem:$0x3FDB];
	s0 =	simm.s32 @p2 $0x1  }
0x17: {  	s4 =	simm.s32 $0x1BF5;
	[smem:$0x3FB3] =	sst s0  }
0x18: {  	s0 =	sld [smem:$0x3F96];
	_ =	swait.ge [sflag:s4], $0x0  }
0x19: {  	s7 =	sld [smem:$0x3F97]  }
0x1a: {  	s8 =	sadd.s32 $0xFFFFE003, lr  }
0x1b: {  	s9 =	sadd.s32 $0xFFFFFEF7, lr;
	s5 =	simm.s32 $0xFFFFFFFF;
	p2 =	slt.u32 s8, $0xFFFFF086  }
0x1c: {  	p1 =	slt.u32 s9, $0xF7A;
	s5 =	simm.s32 @!p2 $0x0  }
0x1d: {  	s5 =	simm.s32 @p1 $0x1;
	p0 =	seq.s32 s7, s2  }
0x1e: {  	s7 =	smul.u32 @!p0 $0xF7A, s2;
	p2 =	seq.s32 @!p0 s5, $0x0  }
0x1f: {  	s9 =	smul.u32 $0xF7A, s1;
	s8 =	simm.s32 @!p0 $0x1BF5;
	p2 =	por !p2, p0  }
0x20: {  	[sflag:s8] =	ssyncset.s32 @!p0 $0xFFFFF086;
	s6 =	sadd.s32 @!p0 s3, s7;
	s7 =	simm.s32 @!p0 $0x108  }
0x21: {  	s3 =	sadd.s32 s3, s9;
	s6 =	sadd.s32 @!p0 $0x88, s6;
	s7 =	simm.s32 @p2 $0x1082  }
0x22: {  	[simem:s7], [sflag:s8] =	dma.local @!p0 [hbm:s6], $0xF7A  }
0x23: {  	s9 =	sor.u32 $0xD0000000, s2;
	s6 =	simm.s32 $0x108;
	_ =	swait.ge @!p0 [sflag:s8], $0x0  }
0x24: {  	s3 =	sadd.s32 $0x88, s3;
	s6 =	simm.s32 @!p1 $0x1082;
	[sflag:s4] =	ssyncset.s32 $0xFFFFF086  }
0x25: {  	[simem:s6], [sflag:s4] =	dma.local [hbm:s3], $0xF7A  }
0x26: {  	[smem:$0x3F97] =	sst s1;
	(tag) =	ssettag s2;
	_ =	strace s9  }
0x27: {  	s1 =	sld [smem:$0x3FA7]  }
0x28: {  	s2 =	sld [smem:$0x3FA8]  }
0x29: {  	s4 =	sld [smem:$0x3FAA]  }
0x2a: {  	p0 =	seq.s32 s5, $0x0;
	s5 =	sld [smem:$0x3FAB]  }
0x2b: {  	s6 =	sld [smem:$0x3FAC]  }
0x2c: {  	s7 =	sld [smem:$0x3FAD]  }
0x2d: {  	s3 =	simm.s32 $0x108;
	s8 =	sld [smem:$0x3FAE]  }
0x2e: {  	s3 =	simm.s32 @!p0 $0x1082;
	s9 =	sld [smem:$0x3FAF]  }
0x2f: {  	lr =	sadd.s32 s0, s3;
	s0 =	sld [smem:$0x3FA6]  }
0x30: {  	s3 =	sld [smem:$0x3FA9]  }
0x31: {  	[smem:$0x3FB2] =	sst s10  }
0x32: {  	s10 =	sld [smem:$0x3FB0];
	_ =	sdelay $0x3  }
0x33: {  	p0 =	seq.s32 s10, $0x1;
	s10 =	sld [smem:$0x3FB2];
	_ =	sdelay $0x3  }
0x34: {  	[smem:$0x3FB2] =	sst s10  }
0x35: {  	s10 =	sld [smem:$0x3FB1];
	_ =	sdelay $0x3  }
0x36: {  	p1 =	seq.s32 s10, $0x1;
	s10 =	sld [smem:$0x3FB2];
	_ =	sdelay $0x3  }
0x37: {  	[smem:$0x3FB2] =	sst s10  }
0x38: {  	s10 =	sld [smem:$0x3FB3]  }
0x39: {  	_ = 	snop;
	(pc) =	sbr.ind lr, $3  }
0x3a: {  	_ = 	snop  }
0x3b: {  	_ = 	snop  }
0x3c: {  	p2 =	seq.s32 s10, $0x1;
	s10 =	sld [smem:$0x3FB2]  }
0x3d: {  	_ =	shalt  }
0x3e: {  	_ =	shalt  }
0x3f: {  	_ =	shalt  }
0x40: {  	_ =	shalt  }
0x41: {  	_ =	shalt  }
0x42: {  	_ =	shalt  }
0x43: {  	_ =	shalt  }
0x44: {  	_ =	shalt  }
0x45: {  	_ =	shalt  }
0x46: {  	_ =	shalt  }
0x47: {  	_ =	shalt  }
0x48: {  	_ =	shalt  }
0x49: {  	_ =	shalt  }
0x4a: {  	_ =	shalt  }
0x4b: {  	_ =	shalt  }
0x4c: {  	_ =	shalt  }
0x4d: {  	_ =	shalt  }
0x4e: {  	_ =	shalt  }
0x4f: {  	_ =	shalt  }
0x50: {  	_ =	shalt  }
0x51: {  	_ =	shalt  }
0x52: {  	_ =	shalt  }
0x53: {  	_ =	shalt  }
0x54: {  	_ =	shalt  }
0x55: {  	_ =	shalt  }
0x56: {  	_ =	shalt  }
0x57: {  	_ =	shalt  }
0x58: {  	_ =	shalt  }
0x59: {  	_ =	shalt  }
0x5a: {  	_ =	shalt  }
0x5b: {  	_ =	shalt  }
0x5c: {  	_ =	shalt  }
0x5d: {  	_ =	shalt  }
0x5e: {  	_ =	shalt  }
0x5f: {  	_ =	shalt  }
0x60: {  	_ =	shalt  }
0x61: {  	_ =	shalt  }
0x62: {  	_ =	shalt  }
0x63: {  	_ =	shalt  }
0x64: {  	_ =	shalt  }
0x65: {  	_ =	shalt  }
0x66: {  	_ =	shalt  }
0x67: {  	_ =	shalt  }
0x68: {  	_ =	shalt  }
0x69: {  	_ =	shalt  }
0x6a: {  	_ =	shalt  }
0x6b: {  	_ =	shalt  }
0x6c: {  	_ =	shalt  }
0x6d: {  	_ =	shalt  }
0x6e: {  	_ =	shalt  }
0x6f: {  	_ =	shalt  }
0x70: {  	_ =	shalt  }
0x71: {  	_ =	shalt  }
0x72: {  	_ =	shalt  }
0x73: {  	_ =	shalt  }
0x74: {  	_ =	shalt  }
0x75: {  	_ =	shalt  }
0x76: {  	_ =	shalt  }
0x77: {  	_ =	shalt  }
0x78: {  	_ =	shalt  }
0x79: {  	_ =	shalt  }
0x7a: {  	_ =	shalt  }
0x7b: {  	_ =	shalt  }
0x7c: {  	_ =	shalt  }
0x7d: {  	_ =	shalt  }
0x7e: {  	_ =	shalt  }
0x7f: {  	_ =	shalt  }
0x80: {  	_ =	shalt  }
0x81: {  	_ =	shalt  }
0x82: {  	_ =	shalt  }
0x83: {  	_ =	shalt  }
0x84: {  	_ =	shalt  }
0x85: {  	_ =	shalt  }
0x86: {  	_ =	shalt  }
0x87: {  	_ =	shalt  }
.Lfunc_end0:
.L_simem_size_0:
called_computation_lowered:
.L_overlay_start_0:
0x88: {  	s2 =	sld [smem:$0x3FD9]  }
0x89: {  	s3 =	sld [smem:$0x3FFE];
	_ =	sdelay $0x1  }
0x8a: {  	s1 =	srdreg.scid  }
0x8b: {  	s0 =	sand.u32 $0x1, s1  }
0x8c: {  	s17 =	sshll.u32 s0, $0xA;
	s2 =	sadd.s32 s3, s2  }
0x8d: {  	s2 =	sadd.s32 s2, s17  }
0x8e: {  	[smem:$0x3FBE] =	sst s2  }
0x8f: {  	_ = 	snop  }
0x90: {  	s2 =	sld [smem:$0x3FD0];
	(tm) =	ssettm $0x1  }
0x91: {  	s18 =	sld [smem:$0x3FFB];
	_ =	sdelay $0x3  }
0x92: {  	_ =	strace s18  }
0x93: {  	s3 =	sld [smem:$0x3FFC];
	_ =	sdelay $0x3  }
0x94: {  	_ =	strace s3  }
0x95: {  	s3 =	sld [smem:$0x3FFD];
	_ =	sdelay $0x3  }
0x96: {  	_ =	strace s3  }
0x97: {  	_ =	strace $0x8FFFFFFF  }
0x98: {  	s19 =	sld [smem:$0x3FDB];
	_ =	sdelay $0x1  }
0x99: {  	s4 =	simm.s32 $_scs_section_size  }
0x9a: {  	s5 =	simm.s32 $_size__tile_overlayer_lowered;
	s6 =	simm.s32 $_tile_overlayer_lowered  }
0x9b: {  	s22 =	simm.s32 $0x1BFF;
	s21 =	sshll.u32 s6, $0x1;
	s3 =	sadd.s32 s4, s19  }
0x9c: {  	s7 =	simm.s32 $0x0;
	s20 =	sshll.u32 s5, $0x1;
	s5 =	sadd.s32 s21, s3  }
0x9d: {  	[timem:s7], [sflag:s22] =	dma.local [hbm:s5], s20  }
0x9e: {  	_ =	swait.ge [sflag:s22], s20  }
0x9f: {  	s4 =	ssub.s32 $0x0, s20;
	[sflag:s22] =	ssyncset.done $0x0  }
0xa0: {  	[sflag:s22] =	ssyncadd.s32 s4;
	_ =	sdelay $0x1  }
0xa1: {  	s23 =	simm.s32 $0x1B8B  }
0xa2: {  	_ =	swait.ge [sflag:s23], $0x1  }
0xa3: {  	[sflag:s23] =	ssyncset.done $0x0  }
0xa4: {  	s25 =	simm.s32 $0x1B8E;
	s24 =	sld [smem:$0x3FFE];
	[sflag:s23] =	ssyncadd.s32 $0xFFFFFFFF  }
0xa5: {  	s26 =	simm.s32 $execute0_lowered;
	[smem:$0x3FD2] =	sst s25  }
0xa6: {  	s5 =	sshll.u32 s26, $0x1;
	_ =	strace $0x80000046;
	[dreg:$0x1] =	wrdreg $0xFFFFFFFF  }
0xa7: {  	s28 =	simm.s32 $_size_execute0_lowered;
	s3 =	sadd.s32 s3, s5;
	[dreg:$0x0] =	wrdreg $0x0  }
0xa8: {  	s5 =	sshll.u32 s28, $0x1;
	[dreg:$0x2] =	wrdreg s3  }
0xa9: {  	[dreg:$0x3] =	wrdreg s5  }
0xaa: {  	[dreg:$0x4] =	wrdreg $0xC0  }
0xab: {  	_ =	task [dreg:s7], $0x5FFFF  }
0xac: {  	[dreg:$0x1] =	wrdreg $0xFFFFFFFF  }
0xad: {  	[dreg:$0x0] =	wrdreg $0x60  }
0xae: {  	[dreg:$0x2] =	wrdreg s2  }
0xaf: {  	[dreg:$0x3] =	wrdreg s24  }
0xb0: {  	[dreg:$0x4] =	wrdreg $0x1B3800  }
0xb1: {  	[dreg:$0x5] =	wrdreg $0x1D3800  }
0xb2: {  	[dreg:$0x6] =	wrdreg $0x9  }
0xb3: {  	_ =	task.clear_ibuf [dreg:s7], $0x7FFFF;
	_ =	strace $0x90000046  }
0xb4: {  	s29 =	simm.s32 $0x9;
	_ =	strace $0x80000048  }
0xb5: {  	_ =	swait.ge [sflag:s29], $0x1  }
0xb6: {  	[sflag:s29] =	ssyncadd.s32 $0xFFFFFFFF  }
0xb7: {  	_ =	strace $0x90000048  }
0xb8: {  	_ =	sfence  }
0xb9: {  	s30 =	sld [smem:$0x0];
	_ =	sdelay $0x2  }
0xba: {  	s31 =	sshll.u32 s1, $0xD;
	s1 =	sshrl.u32 s1, $0x2  }
0xbb: {  	s3 =	sand.u32 $0x4000, s31;
	s1 =	sadd.s32 s1, s30  }
0xbc: {  	s0 =	sor.u32 s3, s0;
	s1 =	sshll.u32 s1, $0x11  }
0xbd: {  	s0 =	sor.u32 s1, s0  }
0xbe: {  	s0 =	sadd.s32 $0x8F2B, s0  }
0xbf: {  	[sflag:s0] =	ssyncadd.remote.s32 $0x1  }
0xc0: {  	_ =	sfence.sel $0xFFFF  }
0xc1: {  	[dreg:$0x0] =	wrdreg $0xFFFFFFFF;
	(pc) =	sbr.abs _section_cstart, $3  }
0xc2: {  	[dreg:$0x1] =	wrdreg $0xFFFFFFFF  }
0xc3: {  	_ =	task.clear_ibuf [dreg:s7], $0x2FFFF;
	_ =	strace $0x9FFFFFFF  }
0xc4: {  	(tm) =	ssettm $0x7FFFFFFF  }
0xc5: {  	_ =	shalt  }
tec
execute0_lowered:
.L_overlay_start_1:
0x0: {  	(tag) =	ssettag $0x1  }
0x1: {  	s1 =	rddreg [dreg:$0x0]  }
0x2: {  	s0 =	rddreg [dreg:$0x1]  }
0x3: {  	s2 =	rddreg [dreg:$0x2]  }
0x4: {  	s3 =	rddreg [dreg:$0x3];
	s4 =	simm.s32 $0x0;
	s12 =	stileid.u32  }
0x5: {  	s7 =	srdreg.scid;
	[smem:$0x7FF] =	sst s4  }
0x6: {  	s19 =	sadd.s32 $0x4200, s0;
	s6 =	sadd.s32 $0x6200, s0;
	s20 =	sadd.s32 $0x406200, s0  }
0x7: {  	s21 =	sshll.u32 s12, $0x8;
	_ =	strace $0x80000047;
	[dreg:$0x5] =	wrdreg s19  }
0x8: {  	s5 =	sshll.u32 s12, $0x2;
	s23 =	sadd.s32 $0x406210, s0;
	[dreg:$0x6] =	wrdreg s20  }
0x9: {  	s7 =	sand.u32 $0x1, s7;
	s25 =	sadd.s32 $0x406220, s0;
	[dreg:$0xa] =	wrdreg s23  }
0xa: {  	s8 =	sshll.u32 s12, $0xA;
	s24 =	sshll.u32 s12, $0xE;
	[dreg:$0xc] =	wrdreg s25  }
0xb: {  	s26 =	sshll.u32 s12, $0xD;
	s31 =	sshll.u32 s12, $0x12;
	[dreg:$0xb] =	wrdreg s24  }
0xc: {  	s10 =	ssub.s32 $0x2, s7;
	s7 =	sshll.u32 s7, $0x2;
	[dreg:$0xf] =	wrdreg s31  }
0xd: {  	s9 =	sadd.s32 s21, s0;
	s16 =	sadd.s32 s26, s2;
	[dreg:$0x9] =	wrdreg s7  }
0xe: {  	s5 =	sor.u32 s5, s21;
	s13 =	sadd.s32 $0x3200, s9;
	[dreg:$0xe] =	wrdreg s16  }
0xf: {  	s11 =	sadd.s32 s8, s0;
	s9 =	sadd.s32 $0x2200, s9;
	[dreg:$0x7] =	wrdreg s13  }
0x10: {  	s5 =	sand.u32 $0x330, s5;
	s11 =	sadd.s32 $0x446200, s11;
	[dreg:$0x8] =	wrdreg s9  }
0x11: {  	s5 =	sadd.s32 s5, s0;
	s0 =	sadd.s32 $0x406230, s0;
	[dreg:$0x12] =	wrdreg s11  }
0x12: {  	s30 =	sshrl.u32 s24, $0x2;
	s9 =	sadd.s32 s21, s3;
	[dreg:$0xd] =	wrdreg s0  }
0x13: {  	s0 =	sadd.s32 s30, s3;
	[dreg:$0x11] =	wrdreg s9  }
0x14: {  	s8 =	sshll.u32 s12, $0xB;
	s12 =	sadd.s32 $0x1000, s9;
	[dreg:$0x10] =	wrdreg s0  }
0x15: {  	s13 =	sadd.s32 $0x2000, s9;
	[dreg:$0x13] =	wrdreg s12  }
0x16: {  	s22 =	sshrl.u32 s10, $0x1;
	s14 =	sadd.s32 $0x3000, s9;
	[dreg:$0x14] =	wrdreg s13  }
0x17: {  	s10 =	ssub.s32 s10, s22;
	s15 =	sadd.s32 $0x466200, s5;
	[dreg:$0x15] =	wrdreg s14  }
0x18: {  	s17 =	smax.u32 s10, $0x1;
	[dreg:$0x16] =	wrdreg s15  }
0x19: {  	s18 =	sadd.s32 $0x4000, s9;
	[dreg:$0x17] =	wrdreg s17  }
0x1a: {  	s19 =	sadd.s32 $0x5000, s9;
	[dreg:$0x18] =	wrdreg s18  }
0x1b: {  	s20 =	sadd.s32 $0x6000, s9;
	[dreg:$0x19] =	wrdreg s19  }
0x1c: {  	s21 =	sadd.s32 $0x7000, s9;
	[dreg:$0x1a] =	wrdreg s20  }
0x1d: {  	s22 =	sadd.s32 $0x8000, s9;
	[dreg:$0x1b] =	wrdreg s21  }
0x1e: {  	s23 =	sadd.s32 $0x9000, s9;
	[dreg:$0x1c] =	wrdreg s22  }
0x1f: {  	s28 =	simm.s32 $0x4;
	s24 =	sadd.s32 $0xA000, s9;
	[dreg:$0x1d] =	wrdreg s23  }
0x20: {  	s29 =	simm.s32 $0x1180;
	s25 =	sadd.s32 $0xB000, s9;
	[dreg:$0x1e] =	wrdreg s24  }
0x21: {  	s7 =	simm.s32 $0x5;
	s26 =	sadd.s32 $0xC000, s9;
	[dreg:$0x1f] =	wrdreg s25  }
0x22: {  	s11 =	simm.s32 $0x80;
	s30 =	sadd.s32 $0xD000, s9;
	[smem:$0x7FA] =	sst s26  }
0x23: {  	s31 =	sadd.s32 $0xE000, s9;
	s5 =	simm.s32 $0x400;
	[smem:$0x7FB] =	sst s30  }
0x24: {  	s3 =	simm.s32 $0x0;
	[smem:$0x7FC] =	sst s31;
	s0 =	sadd.s32 $0xF000, s9  }
0x25: {  	s14 =	simm.s32 $0x1200;
	s13 =	simm.s32 $0x5200;
	s15 =	simm.s32 $0x7280  }
0x26: {  	s17 =	simm.s32 $0x11380;
	s18 =	simm.s32 $0xD380;
	s20 =	simm.s32 $0x1080  }
0x27: {  	v1 =	vlaneseq.u32;
	s21 =	simm.s32 $0x15380;
	s22 =	simm.s32 $0x1;
	s23 =	simm.s32 $0x3  }
0x28: {  	v0 =	vimm.f32 $0.0e+00;
	v1 =	vmul.u32 $0x4, v1;
	s24 =	simm.s32 $0x1100;
	s26 =	simm.s32 $0x2;
	[smem:$0x7FD] =	sst s0  }
.LBB2_1:
0x29: {  	[smem:$0x7F9] =	sst s3  }
0x2a: {  	s0 =	simm.s32 $0x0;
	s30 =	rddreg [dreg:$0x7]  }
0x2b: {  	[tilespmem:s0], [sflag:$0x5] =	stream.linear.gather [hbm4b:s30+s0], $0x800, $0x38;
	[tilespmem:$0x1E380] =	vst v63  }
0x2c: {  	_ =	swait.ge [sflag:s7], $0x800  }
0x2d: {  	[sflag:s7] =	ssyncset.done $0x0  }
0x2e: {  	s4 =	simm.s32 $0x800;
	s31 =	rddreg [dreg:$0x8];
	[sflag:s7] =	ssyncadd.s32 $0xFFFFF800  }
0x2f: {  	[tilespmem:s4], [sflag:$0x5] =	stream.linear.gather [hbm4b:s31+s0], $0x800, $0x38;
	[tilespmem:$0x1E380] =	vst v63  }
0x30: {  	_ =	swait.ge [sflag:s7], $0x800  }
0x31: {  	[sflag:s7] =	ssyncset.done $0x0  }
0x32: {  	s3 =	simm.s32 $0x200;
	s0 =	simm.s32 $0x0;
	[sflag:s7] =	ssyncadd.s32 $0xFFFFF800  }
.LBB2_2:
0x33: {  	p0 =	sne.s32 s3, $0x7E00;
	[tilespmem:s0+$0x193F0] =	vst v0  }
0x34: {  	[tilespmem:s0+$0x19380] =	vst v0  }
0x35: {  	[tilespmem:s0+$0x19390] =	vst v0  }
.Ltmp0:
0x36: {  	[tilespmem:s0+$0x193A0] =	vst v0;
	(pc) =	sbr.rel @p0 .LBB2_2-.Ltmp0, $4  }
0x37: {  	[tilespmem:s0+$0x193B0] =	vst v0  }
0x38: {  	[tilespmem:s0+$0x193C0] =	vst v0  }
0x39: {  	[tilespmem:s0+$0x193D0] =	vst v0  }
0x3a: {  	[tilespmem:s0+$0x193E0] =	vst v0;
	s0 =	sshra.s32 s3, $0x2;
	s3 =	sadd.s32 $0x200, s3  }
0x3b: {  	[tilespmem:s0+$0x193F0] =	vst v0  }
0x3c: {  	[tilespmem:s0+$0x19380] =	vst v0  }
0x3d: {  	[tilespmem:s0+$0x19390] =	vst v0  }
0x3e: {  	[tilespmem:s0+$0x193A0] =	vst v0  }
0x3f: {  	[tilespmem:s0+$0x193B0] =	vst v0  }
0x40: {  	[tilespmem:s0+$0x193C0] =	vst v0  }
0x41: {  	[tilespmem:s0+$0x193D0] =	vst v0  }
0x42: {  	s3 =	simm.s32 $0x0;
	[tilespmem:s0+$0x193E0] =	vst v0  }
.LBB2_4:
0x43: {  	s0 =	rddreg [dreg:$0x9]  }
0x44: {  	[smem:$0x7F8] =	sst s3;
	s12 =	sadd.s32 s0, s3  }
0x45: {  	s9 =	rddreg [dreg:$0x5];
	s3 =	sshll.u32 s12, $0x4  }
0x46: {  	s3 =	sadd.s32 s9, s3  }
0x47: {  	[tilespmem:s14], [sflag:$0x5] =	stream.strided.gather [hbm4b:s3+s11], $0x2000, s5, s11, $0x38;
	[tilespmem:$0x1E380] =	vst v63  }
0x48: {  	_ =	swait.ge [sflag:s7], $0x2000  }
0x49: {  	s10 =	sshll.u32 s12, $0x12;
	s19 =	rddreg [dreg:$0xb]  }
0x4a: {  	s3 =	sor.u32 s19, s10  }
0x4b: {  	[sflag:s7] =	ssyncset.done $0x0;
	s25 =	rddreg [dreg:$0x6];
	s3 =	sshrl.u32 s3, $0x3  }
0x4c: {  	s30 =	simm.s32 $0x3200;
	[sflag:s7] =	ssyncadd.s32 $0xFFFFE000;
	s4 =	sadd.s32 s25, s3  }
0x4d: {  	[tilespmem:s30], [sflag:$0x5] =	stream.strided.gather [hbm4b:s4+s11], $0x800, s5, s11, $0x38;
	[tilespmem:$0x1E380] =	vst v63  }
0x4e: {  	_ =	swait.ge [sflag:s7], $0x800  }
0x4f: {  	[sflag:s7] =	ssyncset.done $0x0;
	s31 =	rddreg [dreg:$0xa]  }
0x50: {  	s9 =	simm.s32 $0x3A00;
	[sflag:s7] =	ssyncadd.s32 $0xFFFFF800;
	s0 =	sadd.s32 s3, s31  }
0x51: {  	[tilespmem:s9], [sflag:$0x5] =	stream.strided.gather [hbm4b:s0+s11], $0x800, s5, s11, $0x38;
	[tilespmem:$0x1E380] =	vst v63  }
0x52: {  	_ =	swait.ge [sflag:s7], $0x800  }
0x53: {  	[sflag:s7] =	ssyncset.done $0x0;
	s10 =	rddreg [dreg:$0xc]  }
0x54: {  	s25 =	simm.s32 $0x4200;
	[sflag:s7] =	ssyncadd.s32 $0xFFFFF800;
	s19 =	sadd.s32 s3, s10  }
0x55: {  	[tilespmem:s25], [sflag:$0x5] =	stream.strided.gather [hbm4b:s19+s11], $0x800, s5, s11, $0x38;
	[tilespmem:$0x1E380] =	vst v63  }
0x56: {  	_ =	swait.ge [sflag:s7], $0x800  }
0x57: {  	[sflag:s7] =	ssyncset.done $0x0;
	s30 =	rddreg [dreg:$0xd]  }
0x58: {  	s31 =	simm.s32 $0x4A00;
	[sflag:s7] =	ssyncadd.s32 $0xFFFFF800;
	s3 =	sadd.s32 s3, s30  }
0x59: {  	[tilespmem:s31], [sflag:$0x5] =	stream.strided.gather [hbm4b:s3+s11], $0x800, s5, s11, $0x38;
	[tilespmem:$0x1E380] =	vst v63  }
0x5a: {  	_ =	swait.ge [sflag:s7], $0x800  }
0x5b: {  	[sflag:s7] =	ssyncset.done $0x0  }
0x5c: {  	s4 =	simm.s32 $0x0;
	s3 =	simm.s32 $0x40;
	[sflag:s7] =	ssyncadd.s32 $0xFFFFF800  }
.LBB2_5:
0x5d: {  	p0 =	sne.s32 s3, $0x3FC0;
	[tilespmem:s4+$0x7280] =	vst v0;
	s4 =	smov.u32 s3;
	s3 =	sadd.s32 $0x40, s3  }
.Ltmp1:
0x5e: {  	(pc) =	sbr.rel @p0 .LBB2_5-.Ltmp1, $2  }
0x5f: {  	_ =	sdelay $0x2  }
0x60: {  	s4 =	sshra.s32 s4, $0x2  }
0x61: {  	[tilespmem:s4+$0x7280] =	vst v0;
	s0 =	simm.s32 $0x19380  }
0x62: {  	[spmem:s16] =	stream.linear.scatter [tilespmem:s0], [sflag:$0x5], $0x2000, $0x38;
	[tilespmem:$0x1E380] =	vst v63  }
0x63: {  	_ =	swait.ge [sflag:s7], $0x2000  }
0x64: {  	[sflag:s7] =	ssyncset.done $0x0  }
0x65: {  	[sflag:s7] =	ssyncadd.s32 $0xFFFFE000  }
0x66: {  	s3 =	simm.s32 $0x800;
	[bflag:$0x0] =	sbarrier.arrive $0xFFFF  }
0x67: {  	s9 =	simm.s32 $0x0;
	v2 =	vld [tilespmem:s3+$0x0]  }
0x68: {  	v3 =	vld [tilespmem:s9+$0x0];
	_ =	sdelay $0x3  }
0x69: {  	v4 =	vadd.s32 $0x1000, v2;
	_ =	sdelay $0x3  }
0x6a: {  	v5 =	vld.idx.msk [tilespmem:v3+s14+$0x0], $0xffff  }
0x6b: {  	v4 =	vld.idx.msk [tilespmem:v4+s14+$0x0], $0xffff  }
0x6c: {  	s10 =	simm.s32 $0x3200  }
0x6d: {  	v6 =	vld [tilespmem:s10+$0x0];
	_ =	sdelay $0x2  }
0x6e: {  	v4 =	vadd.f32 v4, v5;
	_ =	sdelay $0x1  }
0x6f: {  	v4 =	vadd.f32 v6, v4;
	_ =	sdelay $0x1  }
0x70: {  	v5 =	vmul.f32 $2.000000030e-01, v4  }
0x71: {  	vm0 =	vge.f32 v4, $0.0e+00  }
0x72: {  	v4 =	vsel vm0, v4, v5  }
0x73: {  	v4 =	vmul.f32 $1.442695020e+00, v4;
	_ =	sdelay $0x1  }
0x74: {  	(erf) = vpow2.f32 v4;
	_ =	sdelay $0x2  }
0x75: {  	v4 =	vmov s9  }
0x76: {  	v4 =	vshll.u32 v4, $0x2  }
0x77: {  	v4 =	vor.u32 v1, v4;
	_ =	sdelay $0x1  }
0x78: {  	v5 =	vadd.s32 $0x400, v3  }
0x79: {  	v55 =	vadd.s32 $0x1400, v2  }
0x7a: {  	v7 =	vpop (erf)  }
0x7b: {  	[tilespmem:v4+s13+$0x0] =	vst.idx.msk $0xffff, v7  }
0x7c: {  	[tilespmem:v2+s15+$0x0] =	vst.idx.add.f32.msk $0xffff, v7  }
0x7d: {  	v5 =	vld.idx.msk [tilespmem:v5+s14+$0x0], $0xffff  }
0x7e: {  	v6 =	vld.idx.msk [tilespmem:v55+s14+$0x0], $0xffff  }
0x7f: {  	s31 =	sand.u32 $0x7F0, s9  }
0x80: {  	v7 =	vld [tilespmem:s31+$0x3A00];
	_ =	sdelay $0x2  }
0x81: {  	v5 =	vadd.f32 v6, v5;
	_ =	sdelay $0x1  }
0x82: {  	v5 =	vadd.f32 v7, v5;
	_ =	sdelay $0x1  }
0x83: {  	v56 =	vmul.f32 $2.000000030e-01, v5  }
0x84: {  	vm13 =	vge.f32 v5, $0.0e+00  }
0x85: {  	v5 =	vsel vm13, v5, v56  }
0x86: {  	v5 =	vmul.f32 $1.442695020e+00, v5;
	_ =	sdelay $0x1  }
0x87: {  	(erf) = vpow2.f32 v5;
	_ =	sdelay $0x4  }
0x88: {  	v5 =	vor.u32 $0x1, v4  }
0x89: {  	v57 =	vadd.s32 $0x400, v2  }
0x8a: {  	v58 =	vadd.s32 $0x800, v3  }
0x8b: {  	v8 =	vadd.s32 $0x1800, v2  }
0x8c: {  	v9 =	vpop (erf)  }
0x8d: {  	[tilespmem:v5+s13+$0x0] =	vst.idx.msk $0xffff, v9  }
0x8e: {  	[tilespmem:v57+s15+$0x0] =	vst.idx.add.f32.msk $0xffff, v9  }
0x8f: {  	v5 =	vld.idx.msk [tilespmem:v58+s14+$0x0], $0xffff  }
0x90: {  	v6 =	vld.idx.msk [tilespmem:v8+s14+$0x0], $0xffff;
	_ =	sdelay $0x1  }
0x91: {  	v59 =	vld [tilespmem:s31+$0x4200];
	_ =	sdelay $0x2  }
0x92: {  	v5 =	vadd.f32 v6, v5;
	_ =	sdelay $0x1  }
0x93: {  	v5 =	vadd.f32 v59, v5;
	_ =	sdelay $0x1  }
0x94: {  	v60 =	vmul.f32 $2.000000030e-01, v5  }
0x95: {  	vm14 =	vge.f32 v5, $0.0e+00  }
0x96: {  	v5 =	vsel vm14, v5, v60  }
0x97: {  	v5 =	vmul.f32 $1.442695020e+00, v5;
	_ =	sdelay $0x1  }
0x98: {  	(erf) = vpow2.f32 v5;
	_ =	sdelay $0x4  }
0x99: {  	v5 =	vor.u32 $0x2, v4  }
0x9a: {  	v61 =	vadd.s32 $0x800, v2  }
0x9b: {  	v3 =	vadd.s32 $0xC00, v3  }
0x9c: {  	v62 =	vadd.s32 $0x1C00, v2  }
0x9d: {  	v63 =	vpop (erf)  }
0x9e: {  	[tilespmem:v5+s13+$0x0] =	vst.idx.msk $0xffff, v63  }
0x9f: {  	[tilespmem:v61+s15+$0x0] =	vst.idx.add.f32.msk $0xffff, v63  }
0xa0: {  	v3 =	vld.idx.msk [tilespmem:v3+s14+$0x0], $0xffff  }
0xa1: {  	v5 =	vld.idx.msk [tilespmem:v62+s14+$0x0], $0xffff;
	_ =	sdelay $0x1  }
0xa2: {  	v6 =	vld [tilespmem:s31+$0x4A00];
	_ =	sdelay $0x2  }
0xa3: {  	v3 =	vadd.f32 v5, v3;
	_ =	sdelay $0x1  }
0xa4: {  	v3 =	vadd.f32 v6, v3;
	_ =	sdelay $0x1  }
0xa5: {  	v5 =	vmul.f32 $2.000000030e-01, v3  }
0xa6: {  	vm15 =	vge.f32 v3, $0.0e+00  }
0xa7: {  	v3 =	vsel vm15, v3, v5  }
0xa8: {  	v3 =	vmul.f32 $1.442695020e+00, v3;
	_ =	sdelay $0x1  }
0xa9: {  	(erf) = vpow2.f32 v3;
	_ =	sdelay $0x3  }
0xaa: {  	s4 =	simm.s32 $0x10;
	v2 =	vadd.s32 $0xC00, v2;
	v3 =	vor.u32 $0x3, v4  }
.LBB2_7:
0xab: {  	_ = 	snop  }
0xac: {  	s9 =	sadd.s32 $0x10, s9;
	s3 =	sadd.s32 $0x10, s3;
	s10 =	sadd.s32 $0x10, s10  }
0xad: {  	p0 =	sne.s32 s4, $0x7F0;
	s5 =	smov.u32 s4;
	s4 =	sadd.s32 $0x10, s4  }
0xae: {  	_ = 	snop  }
0xaf: {  	v4 =	vpop (erf)  }
0xb0: {  	[tilespmem:v3+s13+$0x0] =	vst.idx.msk $0xffff, v4  }
0xb1: {  	[tilespmem:v2+s15+$0x0] =	vst.idx.add.f32.msk $0xffff, v4  }
0xb2: {  	v2 =	vld [tilespmem:s3+$0x0]  }
0xb3: {  	v3 =	vld [tilespmem:s9+$0x0];
	_ =	sdelay $0x3  }
0xb4: {  	v4 =	vadd.s32 $0x1000, v2;
	_ =	sdelay $0x3  }
0xb5: {  	v5 =	vld.idx.msk [tilespmem:v3+s14+$0x0], $0xffff  }
0xb6: {  	v4 =	vld.idx.msk [tilespmem:v4+s14+$0x0], $0xffff;
	_ =	sdelay $0x2  }
0xb7: {  	v6 =	vld [tilespmem:s10+$0x0];
	_ =	sdelay $0x2  }
0xb8: {  	v4 =	vadd.f32 v4, v5;
	_ =	sdelay $0x1  }
0xb9: {  	v4 =	vadd.f32 v6, v4;
	_ =	sdelay $0x1  }
0xba: {  	v5 =	vmul.f32 $2.000000030e-01, v4  }
0xbb: {  	vm0 =	vge.f32 v4, $0.0e+00  }
0xbc: {  	v4 =	vsel vm0, v4, v5  }
0xbd: {  	v4 =	vmul.f32 $1.442695020e+00, v4;
	_ =	sdelay $0x1  }
0xbe: {  	(erf) = vpow2.f32 v4;
	_ =	sdelay $0x2  }
0xbf: {  	v4 =	vmov s5  }
0xc0: {  	v4 =	vshll.u32 v4, $0x2  }
0xc1: {  	v4 =	vor.u32 v1, v4;
	_ =	sdelay $0x1  }
0xc2: {  	v5 =	vadd.s32 $0x400, v3  }
0xc3: {  	v6 =	vadd.s32 $0x1400, v2  }
0xc4: {  	v7 =	vpop (erf)  }
0xc5: {  	[tilespmem:v4+s13+$0x0] =	vst.idx.msk $0xffff, v7  }
0xc6: {  	[tilespmem:v2+s15+$0x0] =	vst.idx.add.f32.msk $0xffff, v7  }
0xc7: {  	v5 =	vld.idx.msk [tilespmem:v5+s14+$0x0], $0xffff  }
0xc8: {  	v6 =	vld.idx.msk [tilespmem:v6+s14+$0x0], $0xffff;
	_ =	sdelay $0x1  }
0xc9: {  	s5 =	sand.u32 $0x7F0, s5  }
0xca: {  	v7 =	vld [tilespmem:s5+$0x3A00];
	_ =	sdelay $0x2  }
0xcb: {  	v5 =	vadd.f32 v6, v5;
	_ =	sdelay $0x1  }
0xcc: {  	v5 =	vadd.f32 v7, v5;
	_ =	sdelay $0x1  }
0xcd: {  	v6 =	vmul.f32 $2.000000030e-01, v5  }
0xce: {  	vm0 =	vge.f32 v5, $0.0e+00  }
0xcf: {  	v5 =	vsel vm0, v5, v6  }
0xd0: {  	v5 =	vmul.f32 $1.442695020e+00, v5;
	_ =	sdelay $0x1  }
0xd1: {  	(erf) = vpow2.f32 v5;
	_ =	sdelay $0x4  }
0xd2: {  	v5 =	vor.u32 $0x1, v4  }
0xd3: {  	v6 =	vadd.s32 $0x400, v2  }
0xd4: {  	v7 =	vadd.s32 $0x800, v3  }
0xd5: {  	v8 =	vadd.s32 $0x1800, v2  }
0xd6: {  	v9 =	vpop (erf)  }
0xd7: {  	[tilespmem:v5+s13+$0x0] =	vst.idx.msk $0xffff, v9  }
0xd8: {  	[tilespmem:v6+s15+$0x0] =	vst.idx.add.f32.msk $0xffff, v9  }
0xd9: {  	v5 =	vld.idx.msk [tilespmem:v7+s14+$0x0], $0xffff  }
0xda: {  	v6 =	vld.idx.msk [tilespmem:v8+s14+$0x0], $0xffff;
	_ =	sdelay $0x2  }
0xdb: {  	v7 =	vld [tilespmem:s5+$0x4200];
	_ =	sdelay $0x2  }
0xdc: {  	v5 =	vadd.f32 v6, v5;
	_ =	sdelay $0x1  }
0xdd: {  	v5 =	vadd.f32 v7, v5;
	_ =	sdelay $0x1  }
0xde: {  	v6 =	vmul.f32 $2.000000030e-01, v5  }
0xdf: {  	vm0 =	vge.f32 v5, $0.0e+00  }
0xe0: {  	v5 =	vsel vm0, v5, v6  }
0xe1: {  	v5 =	vmul.f32 $1.442695020e+00, v5;
	_ =	sdelay $0x1  }
0xe2: {  	(erf) = vpow2.f32 v5;
	_ =	sdelay $0x4  }
0xe3: {  	v5 =	vor.u32 $0x2, v4  }
0xe4: {  	v6 =	vadd.s32 $0x800, v2  }
0xe5: {  	v3 =	vadd.s32 $0xC00, v3;
	v7 =	vadd.s32 $0x1C00, v2;
	_ =	sdelay $0x1  }
0xe6: {  	v8 =	vpop (erf)  }
0xe7: {  	[tilespmem:v5+s13+$0x0] =	vst.idx.msk $0xffff, v8  }
0xe8: {  	[tilespmem:v6+s15+$0x0] =	vst.idx.add.f32.msk $0xffff, v8  }
0xe9: {  	v3 =	vld.idx.msk [tilespmem:v3+s14+$0x0], $0xffff  }
0xea: {  	v5 =	vld.idx.msk [tilespmem:v7+s14+$0x0], $0xffff  }
0xeb: {  	v6 =	vld [tilespmem:s5+$0x4A00];
	_ =	sdelay $0x4  }
0xec: {  	v3 =	vadd.f32 v5, v3;
	_ =	sdelay $0x1  }
0xed: {  	v3 =	vadd.f32 v6, v3;
	_ =	sdelay $0x1  }
0xee: {  	vm0 =	vge.f32 v3, $0.0e+00;
	v5 =	vmul.f32 $2.000000030e-01, v3;
	_ =	sdelay $0x1  }
0xef: {  	v3 =	vsel vm0, v3, v5  }
0xf0: {  	v3 =	vmul.f32 $1.442695020e+00, v3;
	_ =	sdelay $0x1  }
.Ltmp2:
0xf1: {  	(erf) = vpow2.f32 v3;
	(pc) =	sbr.rel @p0 .LBB2_7-.Ltmp2, $3  }
0xf2: {  	_ =	sdelay $0x1  }
0xf3: {  	v3 =	vor.u32 $0x3, v4  }
0xf4: {  	v2 =	vadd.s32 $0xC00, v2  }
0xf5: {  	_ =	sdelay $0x3  }
0xf6: {  	v4 =	vpop (erf)  }
0xf7: {  	[tilespmem:v3+s13+$0x0] =	vst.idx.msk $0xffff, v4  }
0xf8: {  	[tilespmem:v2+s15+$0x0] =	vst.idx.add.f32.msk $0xffff, v4  }
0xf9: {  	v2 =	vld [tilespmem:$0x0]  }
0xfa: {  	v3 =	vld [tilespmem:$0x800]  }
0xfb: {  	v5 =	vld [tilespmem:$0x810]  }
0xfc: {  	v4 =	vld [tilespmem:$0x10]  }
0xfd: {  	v7 =	vld [tilespmem:$0x820]  }
0xfe: {  	v57 =	vld [tilespmem:$0x830]  }
0xff: {  	s5 =	sshll.u32 s12, $0xA;
	v59 =	vld [tilespmem:$0x840];
	[tilespmem:$0x1100] =	vst v3  }
0x100: {  	v61 =	vld [tilespmem:$0x850];
	v2 =	vadd.s32 s5, v2;
	[tilespmem:$0x1110] =	vst v5  }
0x101: {  	v3 =	vadd.s32 s5, v4;
	[tilespmem:$0x1000] =	vst v2;
	v2 =	vld [tilespmem:$0x30]  }
0x102: {  	[tilespmem:$0x1010] =	vst v3;
	v3 =	vld [tilespmem:$0x40]  }
0x103: {  	v6 =	vld [tilespmem:$0x20];
	[tilespmem:$0x1120] =	vst v7  }
0x104: {  	v62 =	vld [tilespmem:$0x860];
	[tilespmem:$0x1130] =	vst v57  }
0x105: {  	v63 =	vld [tilespmem:$0x870];
	[tilespmem:$0x1140] =	vst v59  }
0x106: {  	v60 =	vld [tilespmem:$0x50];
	[tilespmem:$0x1150] =	vst v61;
	v2 =	vadd.s32 s5, v2  }
0x107: {  	v3 =	vadd.s32 s5, v3;
	[tilespmem:$0x1030] =	vst v2;
	v2 =	vld [tilespmem:$0x60]  }
0x108: {  	[tilespmem:$0x1040] =	vst v3;
	v3 =	vld [tilespmem:$0x70]  }
0x109: {  	[tilespmem:$0x1160] =	vst v62  }
0x10a: {  	v58 =	vadd.s32 s5, v6;
	[tilespmem:$0x1170] =	vst v63  }
0x10b: {  	s3 =	sshll.u32 s12, $0x16;
	s0 =	rddreg [dreg:$0xf];
	v5 =	vadd.s32 s5, v60;
	[tilespmem:$0x1020] =	vst v58  }
0x10c: {  	s4 =	sor.u32 s0, s3;
	[tilespmem:$0x1050] =	vst v5;
	v2 =	vadd.s32 s5, v2  }
0x10d: {  	[smem:$0x7F6] =	sst s12;
	s9 =	simm.s32 $0x0;
	s4 =	sshrl.u32 s4, $0x3;
	[tilespmem:$0x1060] =	vst v2;
	v2 =	vadd.s32 s5, v3  }
0x10e: {  	s30 =	simm.s32 $0x9380;
	s31 =	simm.s32 $0x1000;
	s4 =	sadd.s32 s6, s4;
	[tilespmem:$0x1070] =	vst v2  }
0x10f: {  	[tilespmem:s30], [sflag:$0x1] =	stream.linear.gather [hbm4b:s4+s9], $0x4000, $0x38;
	[tilespmem:$0x1E380] =	vst v63  }
0x110: {  	s10 =	simm.s32 $0x5400;
	s25 =	simm.s32 $0x0;
	[smem:$0x7F7] =	sst s5  }
0x111: {  	v2 =	vmov s5;
	[tilespmem:s17], [sflag:$0x3] =	stream.indirect.gather [hbm4b:s1+s11], $0x80, s31, s11, $0xb8;
	[tilespmem:$0x1E380] =	vst v63  }
.LBB2_9:
0x112: {  	s4 =	sshll.u32 s25, $0x8  }
0x113: {  	v3 =	vld [tilespmem:s4+$0x80];
	_ =	sdelay $0x4  }
0x114: {  	v3 =	vadd.s32 v2, v3  }
0x115: {  	[tilespmem:$0x1080] =	vst v3  }
0x116: {  	v3 =	vld [tilespmem:s4+$0x880];
	_ =	sdelay $0x4  }
0x117: {  	[tilespmem:$0x1180] =	vst v3  }
0x118: {  	v3 =	vld [tilespmem:s4+$0x90];
	_ =	sdelay $0x4  }
0x119: {  	v3 =	vadd.s32 v2, v3  }
0x11a: {  	[tilespmem:$0x1090] =	vst v3  }
0x11b: {  	v3 =	vld [tilespmem:s4+$0x890];
	_ =	sdelay $0x4  }
0x11c: {  	[tilespmem:$0x1190] =	vst v3  }
0x11d: {  	v3 =	vld [tilespmem:s4+$0xA0];
	_ =	sdelay $0x4  }
0x11e: {  	v3 =	vadd.s32 v2, v3  }
0x11f: {  	[tilespmem:$0x10A0] =	vst v3  }
0x120: {  	v3 =	vld [tilespmem:s4+$0x8A0];
	_ =	sdelay $0x4  }
0x121: {  	[tilespmem:$0x11A0] =	vst v3  }
0x122: {  	v3 =	vld [tilespmem:s4+$0xB0];
	_ =	sdelay $0x4  }
0x123: {  	v3 =	vadd.s32 v2, v3  }
0x124: {  	[tilespmem:$0x10B0] =	vst v3  }
0x125: {  	v3 =	vld [tilespmem:s4+$0x8B0];
	_ =	sdelay $0x4  }
0x126: {  	[tilespmem:$0x11B0] =	vst v3  }
0x127: {  	v3 =	vld [tilespmem:s4+$0xC0];
	_ =	sdelay $0x4  }
0x128: {  	v3 =	vadd.s32 v2, v3  }
0x129: {  	[tilespmem:$0x10C0] =	vst v3  }
0x12a: {  	v3 =	vld [tilespmem:s4+$0x8C0];
	_ =	sdelay $0x4  }
0x12b: {  	[tilespmem:$0x11C0] =	vst v3  }
0x12c: {  	v3 =	vld [tilespmem:s4+$0xD0];
	_ =	sdelay $0x4  }
0x12d: {  	v3 =	vadd.s32 v2, v3  }
0x12e: {  	[tilespmem:$0x10D0] =	vst v3  }
0x12f: {  	v3 =	vld [tilespmem:s4+$0x8D0];
	_ =	sdelay $0x4  }
0x130: {  	[tilespmem:$0x11D0] =	vst v3  }
0x131: {  	v3 =	vld [tilespmem:s4+$0xE0];
	_ =	sdelay $0x4  }
0x132: {  	v3 =	vadd.s32 v2, v3  }
0x133: {  	[tilespmem:$0x10E0] =	vst v3  }
0x134: {  	v3 =	vld [tilespmem:s4+$0x8E0];
	_ =	sdelay $0x4  }
0x135: {  	[tilespmem:$0x11E0] =	vst v3  }
0x136: {  	v3 =	vld [tilespmem:s4+$0xF0];
	_ =	sdelay $0x4  }
0x137: {  	v3 =	vadd.s32 v2, v3  }
0x138: {  	[tilespmem:$0x10F0] =	vst v3  }
0x139: {  	s5 =	sor.u32 $0x80, s4;
	v3 =	vld [tilespmem:s4+$0x8F0]  }
0x13a: {  	s5 =	sadd.s32 s8, s5  }
0x13b: {  	s5 =	sshll.u32 s5, $0x7  }
0x13c: {  	s5 =	sadd.s32 s3, s5  }
0x13d: {  	s5 =	sshrl.u32 s5, $0x3  }
0x13e: {  	s5 =	sadd.s32 s6, s5;
	[tilespmem:$0x11F0] =	vst v3  }
0x13f: {  	[tilespmem:s18], [sflag:$0x2] =	stream.linear.gather [hbm4b:s5+s9], $0x4000, $0x38;
	[tilespmem:$0x1E380] =	vst v63  }
0x140: {  	_ = 	snop  }
0x141: {  	[tilespmem:s21], [sflag:$0x4] =	stream.indirect.gather [hbm4b:s1+s11], $0x80, s20, s11, $0xb8;
	[tilespmem:$0x1E380] =	vst v63  }
0x142: {  	_ =	swait.ge [sflag:s22], $0x4000  }
0x143: {  	[sflag:s22] =	ssyncset.done $0x0  }
0x144: {  	[sflag:s22] =	ssyncadd.s32 $0xFFFFC000  }
0x145: {  	s31 =	sshll.u32 s25, $0xA;
	_ =	swait.ge [sflag:s23], $0x4000  }
0x146: {  	s19 =	simm.s32 $0x11380;
	s5 =	sand.u32 $0x3FFFFC00, s31;
	[sflag:s23] =	ssyncset.done $0x0  }
0x147: {  	s12 =	sand.u32 $0x180, s9;
	s5 =	sadd.s32 $0x5200, s5;
	[sflag:s23] =	ssyncadd.s32 $0xFFFFC000  }
0x148: {  	s16 =	simm.s32 $0x93A0;
	s30 =	sand.u32 $0x7C, s9;
	s12 =	sadd.s32 s12, s5;
	v3 =	vld [tilespmem:s19+$0x0]  }
0x149: {  	s12 =	sadd.s32 s30, s12;
	v4 =	vld [tilespmem:s16+$0xFFFFFFE0]  }
0x14a: {  	v5 =	vld [tilespmem:s12+$0x0];
	_ =	sdelay $0x3  }
0x14b: {  	v3 =	vadd.bf16 v4, v3  }
0x14c: {  	v4 =	vbroadcast v5, $0x0  }
0x14d: {  	v6 =	vbroadcast v5, $0x2;
	v7 =	vunpack.i.l.bf16.f32 v3  }
0x14e: {  	v3 =	vunpack.i.u.bf16.f32 v3;
	v7 =	vmul.f32 v7, v4  }
0x14f: {  	v3 =	vmul.f32 v3, v6  }
0x150: {  	[tilespmem:s19+$0x0] =	vst v7  }
0x151: {  	[tilespmem:s19+$0x40] =	vst v3;
	v3 =	vld [tilespmem:s19+$0x10]  }
0x152: {  	v7 =	vld [tilespmem:s16+$0xFFFFFFF0];
	_ =	sdelay $0x4  }
0x153: {  	v3 =	vadd.bf16 v7, v3;
	_ =	sdelay $0x1  }
0x154: {  	v7 =	vunpack.i.l.bf16.f32 v3  }
0x155: {  	v3 =	vunpack.i.u.bf16.f32 v3;
	v4 =	vmul.f32 v7, v4  }
0x156: {  	v3 =	vmul.f32 v3, v6  }
0x157: {  	[tilespmem:s19+$0x10] =	vst v4  }
0x158: {  	[tilespmem:s19+$0x50] =	vst v3;
	v3 =	vld [tilespmem:s19+$0x20]  }
0x159: {  	v4 =	vld [tilespmem:s16+$0x0];
	_ =	sdelay $0x4  }
0x15a: {  	v6 =	vadd.bf16 v4, v3  }
0x15b: {  	v3 =	vbroadcast v5, $0x1  }
0x15c: {  	v4 =	vbroadcast v5, $0x3;
	v5 =	vunpack.i.l.bf16.f32 v6  }
0x15d: {  	v6 =	vunpack.i.u.bf16.f32 v6;
	v5 =	vmul.f32 v5, v3  }
0x15e: {  	v6 =	vmul.f32 v6, v4  }
0x15f: {  	[tilespmem:s19+$0x20] =	vst v5  }
0x160: {  	[tilespmem:s19+$0x60] =	vst v6;
	v5 =	vld [tilespmem:s19+$0x30]  }
0x161: {  	v6 =	vld [tilespmem:s16+$0x10];
	_ =	sdelay $0x4  }
0x162: {  	s30 =	simm.s32 $0x4;
	s12 =	simm.s32 $0x11380;
	v5 =	vadd.bf16 v6, v5  }
.LBB2_10:
0x163: {  	_ = 	snop  }
0x164: {  	p0 =	sne.s32 s30, $0x1FC;
	s19 =	sadd.s32 $0x80, s19;
	s16 =	sadd.s32 $0x80, s16;
	v6 =	vunpack.i.u.bf16.f32 v5;
	v5 =	vunpack.i.l.bf16.f32 v5  }
0x165: {  	s0 =	smov.u32 s30;
	s30 =	sadd.s32 $0x4, s30;
	v3 =	vmul.f32 v5, v3;
	v4 =	vmul.f32 v6, v4;
	_ =	sdelay $0x1  }
0x166: {  	s31 =	sand.u32 $0x180, s0;
	[tilespmem:s12+$0x30] =	vst v3  }
0x167: {  	s0 =	sand.u32 $0x7C, s0;
	s31 =	sadd.s32 s31, s5;
	v3 =	vld [tilespmem:s19+$0x0];
	[tilespmem:s12+$0x70] =	vst v4;
	s12 =	smov.u32 s19  }
0x168: {  	s0 =	sadd.s32 s0, s31;
	v4 =	vld [tilespmem:s16+$0xFFFFFFE0]  }
0x169: {  	v5 =	vld [tilespmem:s0+$0x0];
	_ =	sdelay $0x3  }
0x16a: {  	v3 =	vadd.bf16 v4, v3  }
0x16b: {  	v4 =	vbroadcast v5, $0x0;
	v6 =	vbroadcast v5, $0x2  }
0x16c: {  	v7 =	vunpack.i.u.bf16.f32 v3;
	v3 =	vunpack.i.l.bf16.f32 v3  }
0x16d: {  	v3 =	vmul.f32 v3, v4;
	v7 =	vmul.f32 v7, v6;
	_ =	sdelay $0x1  }
0x16e: {  	[tilespmem:s19+$0x0] =	vst v3  }
0x16f: {  	[tilespmem:s19+$0x40] =	vst v7;
	v3 =	vld [tilespmem:s19+$0x10]  }
0x170: {  	v7 =	vld [tilespmem:s16+$0xFFFFFFF0];
	_ =	sdelay $0x4  }
0x171: {  	v3 =	vadd.bf16 v7, v3;
	_ =	sdelay $0x1  }
0x172: {  	v7 =	vunpack.i.u.bf16.f32 v3;
	v3 =	vunpack.i.l.bf16.f32 v3  }
0x173: {  	v3 =	vmul.f32 v3, v4;
	v4 =	vmul.f32 v7, v6;
	_ =	sdelay $0x1  }
0x174: {  	[tilespmem:s19+$0x10] =	vst v3  }
0x175: {  	[tilespmem:s19+$0x50] =	vst v4;
	v6 =	vld [tilespmem:s19+$0x20]  }
0x176: {  	v7 =	vld [tilespmem:s16+$0x0];
	_ =	sdelay $0x3  }
0x177: {  	v3 =	vbroadcast v5, $0x1;
	v4 =	vbroadcast v5, $0x3  }
0x178: {  	v5 =	vadd.bf16 v7, v6;
	_ =	sdelay $0x1  }
0x179: {  	v6 =	vunpack.i.u.bf16.f32 v5;
	v5 =	vunpack.i.l.bf16.f32 v5  }
0x17a: {  	v5 =	vmul.f32 v5, v3;
	v6 =	vmul.f32 v6, v4;
	_ =	sdelay $0x1  }
0x17b: {  	[tilespmem:s19+$0x20] =	vst v5  }
0x17c: {  	[tilespmem:s19+$0x60] =	vst v6;
	v5 =	vld [tilespmem:s19+$0x30]  }
0x17d: {  	v6 =	vld [tilespmem:s16+$0x10]  }
.Ltmp3:
0x17e: {  	(pc) =	sbr.rel @p0 .LBB2_10-.Ltmp3, $2  }
0x17f: {  	_ =	sdelay $0x2  }
0x180: {  	v5 =	vadd.bf16 v6, v5  }
0x181: {  	_ = 	snop  }
0x182: {  	v6 =	vunpack.i.l.bf16.f32 v5  }
0x183: {  	v5 =	vunpack.i.u.bf16.f32 v5;
	v3 =	vmul.f32 v6, v3  }
0x184: {  	v4 =	vmul.f32 v5, v4  }
0x185: {  	[tilespmem:s12+$0x30] =	vst v3  }
0x186: {  	[tilespmem:s12+$0x70] =	vst v4  }
0x187: {  	[spmem:s2] =	stream.indirect.scatter.add.f32 [tilespmem:s17], [sflag:$0x5], $0x80, s24, s11, $0xb8;
	[tilespmem:$0x1E380] =	vst v63  }
0x188: {  	_ =	swait.ge [sflag:s7], $0x4000  }
0x189: {  	[sflag:s7] =	ssyncset.done $0x0  }
0x18a: {  	p0 =	seq.s32 s25, $0x7;
	[sflag:s7] =	ssyncadd.s32 $0xFFFFC000  }
0x18b: {  	v3 =	vld @!p0 [tilespmem:s4+$0x100];
	_ =	sdelay $0x4  }
0x18c: {  	v3 =	vadd.s32 @!p0 v2, v3  }
0x18d: {  	[tilespmem:$0x1000] =	vst @!p0 v3  }
0x18e: {  	v3 =	vld @!p0 [tilespmem:s4+$0x900];
	_ =	sdelay $0x4  }
0x18f: {  	[tilespmem:$0x1100] =	vst @!p0 v3  }
0x190: {  	v3 =	vld @!p0 [tilespmem:s4+$0x110];
	_ =	sdelay $0x4  }
0x191: {  	v3 =	vadd.s32 @!p0 v2, v3  }
0x192: {  	[tilespmem:$0x1010] =	vst @!p0 v3  }
0x193: {  	v3 =	vld @!p0 [tilespmem:s4+$0x910];
	_ =	sdelay $0x4  }
0x194: {  	[tilespmem:$0x1110] =	vst @!p0 v3  }
0x195: {  	v3 =	vld @!p0 [tilespmem:s4+$0x120];
	_ =	sdelay $0x4  }
0x196: {  	v3 =	vadd.s32 @!p0 v2, v3  }
0x197: {  	[tilespmem:$0x1020] =	vst @!p0 v3  }
0x198: {  	v3 =	vld @!p0 [tilespmem:s4+$0x920];
	_ =	sdelay $0x4  }
0x199: {  	[tilespmem:$0x1120] =	vst @!p0 v3  }
0x19a: {  	v3 =	vld @!p0 [tilespmem:s4+$0x130];
	_ =	sdelay $0x4  }
0x19b: {  	v3 =	vadd.s32 @!p0 v2, v3  }
0x19c: {  	[tilespmem:$0x1030] =	vst @!p0 v3  }
0x19d: {  	v3 =	vld @!p0 [tilespmem:s4+$0x930];
	_ =	sdelay $0x4  }
0x19e: {  	[tilespmem:$0x1130] =	vst @!p0 v3  }
0x19f: {  	v3 =	vld @!p0 [tilespmem:s4+$0x140];
	_ =	sdelay $0x4  }
0x1a0: {  	v3 =	vadd.s32 @!p0 v2, v3  }
0x1a1: {  	[tilespmem:$0x1040] =	vst @!p0 v3  }
0x1a2: {  	v3 =	vld @!p0 [tilespmem:s4+$0x940];
	_ =	sdelay $0x4  }
0x1a3: {  	[tilespmem:$0x1140] =	vst @!p0 v3  }
0x1a4: {  	v3 =	vld @!p0 [tilespmem:s4+$0x150];
	_ =	sdelay $0x4  }
0x1a5: {  	v3 =	vadd.s32 @!p0 v2, v3  }
0x1a6: {  	[tilespmem:$0x1050] =	vst @!p0 v3  }
0x1a7: {  	v3 =	vld @!p0 [tilespmem:s4+$0x950];
	_ =	sdelay $0x4  }
0x1a8: {  	[tilespmem:$0x1150] =	vst @!p0 v3  }
0x1a9: {  	v3 =	vld @!p0 [tilespmem:s4+$0x160];
	_ =	sdelay $0x4  }
0x1aa: {  	v3 =	vadd.s32 @!p0 v2, v3  }
0x1ab: {  	[tilespmem:$0x1060] =	vst @!p0 v3  }
0x1ac: {  	v3 =	vld @!p0 [tilespmem:s4+$0x960];
	_ =	sdelay $0x4  }
0x1ad: {  	[tilespmem:$0x1160] =	vst @!p0 v3  }
0x1ae: {  	v3 =	vld @!p0 [tilespmem:s4+$0x170];
	_ =	sdelay $0x4  }
0x1af: {  	v3 =	vadd.s32 @!p0 v2, v3  }
0x1b0: {  	[tilespmem:$0x1070] =	vst @!p0 v3  }
0x1b1: {  	s0 =	sadd.s32 @!p0 $0x100, s4;
	v3 =	vld @!p0 [tilespmem:s4+$0x970]  }
0x1b2: {  	s0 =	sadd.s32 @!p0 s8, s0  }
0x1b3: {  	s0 =	sshll.u32 @!p0 s0, $0x7  }
0x1b4: {  	s0 =	sadd.s32 @!p0 s3, s0  }
0x1b5: {  	s0 =	sshrl.u32 @!p0 s0, $0x3  }
0x1b6: {  	s5 =	simm.s32 @!p0 $0x9380;
	s0 =	sadd.s32 @!p0 s6, s0;
	s4 =	simm.s32 @!p0 $0x0;
	[tilespmem:$0x1170] =	vst @!p0 v3  }
0x1b7: {  	[tilespmem:s5], [sflag:$0x1] =	stream.linear.gather @!p0 [hbm4b:s0+s4], $0x4000, $0x38;
	[tilespmem:$0x1E380] =	vst v63  }
0x1b8: {  	s0 =	simm.s32 @!p0 $0x80;
	s4 =	simm.s32 @!p0 $0x1000;
	s5 =	simm.s32 @!p0 $0x11380  }
0x1b9: {  	[tilespmem:s5], [sflag:$0x3] =	stream.indirect.gather @!p0 [hbm4b:s1+s0], $0x80, s4, s0, $0xb8;
	[tilespmem:$0x1E380] =	vst v63  }
0x1ba: {  	_ =	swait.ge [sflag:s26], $0x4000  }
0x1bb: {  	[sflag:s26] =	ssyncset.done $0x0  }
0x1bc: {  	[sflag:s26] =	ssyncadd.s32 $0xFFFFC000  }
0x1bd: {  	_ =	swait.ge [sflag:s28], $0x4000  }
0x1be: {  	[sflag:s28] =	ssyncset.done $0x0  }
0x1bf: {  	s4 =	simm.s32 $0x0;
	[sflag:s28] =	ssyncadd.s32 $0xFFFFC000  }
0x1c0: {  	v3 =	vld [tilespmem:s4+$0xD3B0]  }
0x1c1: {  	v4 =	vld [tilespmem:s4+$0xD3A0]  }
0x1c2: {  	v7 =	vld [tilespmem:s4+$0xD390]  }
0x1c3: {  	v5 =	vld [tilespmem:s4+$0xD380]  }
0x1c4: {  	v9 =	vld [tilespmem:s4+$0x15390]  }
0x1c5: {  	v10 =	vld [tilespmem:s4+$0x153B0]  }
0x1c6: {  	v8 =	vld [tilespmem:s4+$0x15380]  }
0x1c7: {  	v11 =	vld [tilespmem:s4+$0x153A0]  }
0x1c8: {  	s12 =	smov.u32 s10;
	s5 =	simm.s32 $0x200;
	v6 =	vld [tilespmem:s10+$0x0]  }
.LBB2_12:
0x1c9: {  	p0 =	sne.s32 s5, $0xFE00  }
0x1ca: {  	v7 =	vadd.bf16 v7, v9;
	s12 =	sadd.s32 $0x4, s12;
	s0 =	smov.u32 s5;
	s5 =	sadd.s32 $0x200, s5  }
0x1cb: {  	v9 =	vadd.bf16 v3, v10  }
0x1cc: {  	v10 =	vunpack.i.l.bf16.f32 v7  }
0x1cd: {  	v7 =	vunpack.i.u.bf16.f32 v7;
	v3 =	vadd.bf16 v4, v11  }
0x1ce: {  	v5 =	vadd.bf16 v5, v8;
	v11 =	vbroadcast v6, $0x0;
	v4 =	vbroadcast v6, $0x1  }
0x1cf: {  	v8 =	vbroadcast v6, $0x3;
	v12 =	vunpack.i.u.bf16.f32 v3;
	v3 =	vunpack.i.l.bf16.f32 v3  }
0x1d0: {  	s0 =	sshra.s32 s0, $0x2;
	v14 =	vunpack.i.l.bf16.f32 v9;
	v6 =	vbroadcast v6, $0x2;
	v13 =	vmul.f32 v3, v4  }
0x1d1: {  	v15 =	vunpack.i.u.bf16.f32 v5;
	v5 =	vunpack.i.l.bf16.f32 v5;
	v14 =	vmul.f32 v14, v4;
	v3 =	vld [tilespmem:s0+$0xD3B0]  }
0x1d2: {  	v9 =	vunpack.i.u.bf16.f32 v9;
	v15 =	vmul.f32 v15, v6;
	v6 =	vmul.f32 v7, v6;
	v4 =	vld [tilespmem:s0+$0xD3A0];
	[tilespmem:s4+$0x153A0] =	vst v13  }
0x1d3: {  	v10 =	vmul.f32 v10, v11;
	v13 =	vmul.f32 v9, v8;
	v7 =	vld [tilespmem:s0+$0xD390];
	[tilespmem:s4+$0x153B0] =	vst v14  }
0x1d4: {  	v11 =	vmul.f32 v5, v11;
	v12 =	vmul.f32 v12, v8;
	[tilespmem:s4+$0x153C0] =	vst v15  }
0x1d5: {  	v5 =	vld [tilespmem:s0+$0xD380];
	[tilespmem:s4+$0x15390] =	vst v10  }
.Ltmp4:
0x1d6: {  	v9 =	vld [tilespmem:s0+$0x15390];
	[tilespmem:s4+$0x153D0] =	vst v6;
	(pc) =	sbr.rel @p0 .LBB2_12-.Ltmp4, $4  }
0x1d7: {  	v10 =	vld [tilespmem:s0+$0x153B0];
	[tilespmem:s4+$0x15380] =	vst v11  }
0x1d8: {  	v8 =	vld [tilespmem:s0+$0x15380];
	[tilespmem:s4+$0x153E0] =	vst v12  }
0x1d9: {  	v11 =	vld [tilespmem:s0+$0x153A0];
	[tilespmem:s4+$0x153F0] =	vst v13;
	s4 =	smov.u32 s0  }
0x1da: {  	v6 =	vld [tilespmem:s12+$0x0]  }
0x1db: {  	_ =	sdelay $0x2  }
0x1dc: {  	v4 =	vadd.bf16 v4, v11  }
0x1dd: {  	v3 =	vadd.bf16 v3, v10;
	v57 =	vbroadcast v6, $0x1  }
0x1de: {  	v7 =	vadd.bf16 v7, v9;
	v5 =	vadd.bf16 v5, v8;
	v58 =	vunpack.i.l.bf16.f32 v4  }
0x1df: {  	v60 =	vunpack.i.l.bf16.f32 v3;
	v59 =	vbroadcast v6, $0x2;
	v8 =	vmul.f32 v58, v57  }
0x1e0: {  	v12 =	vbroadcast v6, $0x0;
	v13 =	vunpack.i.u.bf16.f32 v5;
	v10 =	vmul.f32 v60, v57  }
0x1e1: {  	v61 =	vunpack.i.l.bf16.f32 v7;
	v13 =	vmul.f32 v13, v59;
	[tilespmem:s4+$0x153A0] =	vst v8  }
0x1e2: {  	v7 =	vunpack.i.u.bf16.f32 v7;
	v62 =	vmul.f32 v61, v12;
	[tilespmem:s4+$0x153B0] =	vst v10  }
0x1e3: {  	v63 =	vbroadcast v6, $0x3;
	v5 =	vunpack.i.l.bf16.f32 v5;
	v7 =	vmul.f32 v7, v59;
	[tilespmem:s4+$0x153C0] =	vst v13  }
0x1e4: {  	v4 =	vunpack.i.u.bf16.f32 v4;
	v5 =	vmul.f32 v5, v12;
	[tilespmem:s4+$0x15390] =	vst v62  }
0x1e5: {  	v3 =	vunpack.i.u.bf16.f32 v3;
	v4 =	vmul.f32 v4, v63;
	[tilespmem:s4+$0x153D0] =	vst v7  }
0x1e6: {  	s25 =	sadd.s32 $0x1, s25;
	v3 =	vmul.f32 v3, v63;
	[tilespmem:s4+$0x15380] =	vst v5  }
0x1e7: {  	p0 =	sne.s32 s25, $0x8;
	[tilespmem:s4+$0x153E0] =	vst v4  }
.Ltmp5:
0x1e8: {  	[tilespmem:s4+$0x153F0] =	vst v3;
	(pc) =	sbr.rel @p0 .LBB2_9-.Ltmp5, $4  }
0x1e9: {  	[spmem:s2] =	stream.indirect.scatter.add.f32 [tilespmem:s21], [sflag:$0x5], $0x80, s29, s11, $0xb8;
	[tilespmem:$0x1E380] =	vst v63  }
0x1ea: {  	_ =	swait.ge [sflag:s7], $0x4000  }
0x1eb: {  	[sflag:s7] =	ssyncset.done $0x0  }
0x1ec: {  	s10 =	sadd.s32 $0x400, s10;
	[sflag:s7] =	ssyncadd.s32 $0xFFFFC000  }
0x1ed: {  	s0 =	rddreg [dreg:$0x10]  }
0x1ee: {  	[spmem:s0] =	stream.linear.scatter [tilespmem:s15], [sflag:$0x5], $0x1000, $0x38;
	[tilespmem:$0x1E380] =	vst v63  }
0x1ef: {  	_ =	swait.ge [sflag:s7], $0x1000  }
0x1f0: {  	[sflag:s7] =	ssyncset.done $0x0  }
0x1f1: {  	[sflag:s7] =	ssyncadd.s32 $0xFFFFF000  }
0x1f2: {  	[bflag:$0x0] =	sbarrier.arrive $0xFFFF  }
0x1f3: {  	s5 =	sld [smem:$0x7F6];
	_ =	sdelay $0x1  }
0x1f4: {  	s3 =	stileid.u32;
	s4 =	rddreg [dreg:$0x12]  }
0x1f5: {  	s3 =	sshll.u32 s3, $0x6;
	s16 =	rddreg [dreg:$0xe];
	s0 =	sshll.u32 s5, $0xE  }
0x1f6: {  	s3 =	sor.u32 $0x1C05, s3;
	s9 =	sshrl.u32 s16, $0x3;
	s0 =	sadd.s32 s0, s4  }
0x1f7: {  	[hbm:s0], [sflag:s3] =	dma.local [spmem:s9], $0x400  }
0x1f8: {  	_ =	swait.ge [sflag:s7], $0x400  }
0x1f9: {  	[sflag:s7] =	ssyncset.done $0x0  }
0x1fa: {  	s12 =	simm.s32 $0x8280;
	s10 =	rddreg [dreg:$0x11];
	[sflag:s7] =	ssyncadd.s32 $0xFFFFFC00  }
0x1fb: {  	[tilespmem:s12], [sflag:$0x5] =	stream.linear.gather [spmem:s10], $0x100, $0x38;
	[tilespmem:$0x1E380] =	vst v63  }
0x1fc: {  	_ =	swait.ge [sflag:s7], $0x100  }
0x1fd: {  	[sflag:s7] =	ssyncset.done $0x0  }
0x1fe: {  	s25 =	simm.s32 $0x8380;
	s19 =	rddreg [dreg:$0x13];
	[sflag:s7] =	ssyncadd.s32 $0xFFFFFF00  }
0x1ff: {  	[tilespmem:s25], [sflag:$0x5] =	stream.linear.gather [spmem:s19], $0x100, $0x38;
	[tilespmem:$0x1E380] =	vst v63  }
0x200: {  	_ =	swait.ge [sflag:s7], $0x100  }
0x201: {  	[sflag:s7] =	ssyncset.done $0x0  }
0x202: {  	s31 =	simm.s32 $0x8480;
	s30 =	rddreg [dreg:$0x14];
	[sflag:s7] =	ssyncadd.s32 $0xFFFFFF00  }
0x203: {  	[tilespmem:s31], [sflag:$0x5] =	stream.linear.gather [spmem:s30], $0x100, $0x38;
	[tilespmem:$0x1E380] =	vst v63  }
0x204: {  	_ =	swait.ge [sflag:s7], $0x100  }
0x205: {  	[sflag:s7] =	ssyncset.done $0x0  }
0x206: {  	s4 =	simm.s32 $0x8580;
	s3 =	rddreg [dreg:$0x15];
	[sflag:s7] =	ssyncadd.s32 $0xFFFFFF00  }
0x207: {  	[tilespmem:s4], [sflag:$0x5] =	stream.linear.gather [spmem:s3], $0x100, $0x38;
	[tilespmem:$0x1E380] =	vst v63  }
0x208: {  	_ =	swait.ge [sflag:s7], $0x100  }
0x209: {  	[sflag:s7] =	ssyncset.done $0x0  }
0x20a: {  	s9 =	simm.s32 $0x8680;
	s5 =	rddreg [dreg:$0x18];
	[sflag:s7] =	ssyncadd.s32 $0xFFFFFF00  }
0x20b: {  	[tilespmem:s9], [sflag:$0x5] =	stream.linear.gather [spmem:s5], $0x100, $0x38;
	[tilespmem:$0x1E380] =	vst v63  }
0x20c: {  	_ =	swait.ge [sflag:s7], $0x100  }
0x20d: {  	[sflag:s7] =	ssyncset.done $0x0  }
0x20e: {  	s12 =	simm.s32 $0x8780;
	[sflag:s7] =	ssyncadd.s32 $0xFFFFFF00;
	s10 =	rddreg [dreg:$0x19]  }
0x20f: {  	[tilespmem:s12], [sflag:$0x5] =	stream.linear.gather [spmem:s10], $0x100, $0x38;
	[tilespmem:$0x1E380] =	vst v63  }
0x210: {  	_ =	swait.ge [sflag:s7], $0x100  }
0x211: {  	[sflag:s7] =	ssyncset.done $0x0  }
0x212: {  	s25 =	simm.s32 $0x8880;
	s19 =	rddreg [dreg:$0x1a];
	[sflag:s7] =	ssyncadd.s32 $0xFFFFFF00  }
0x213: {  	[tilespmem:s25], [sflag:$0x5] =	stream.linear.gather [spmem:s19], $0x100, $0x38;
	[tilespmem:$0x1E380] =	vst v63  }
0x214: {  	_ =	swait.ge [sflag:s7], $0x100  }
0x215: {  	[sflag:s7] =	ssyncset.done $0x0  }
0x216: {  	s31 =	simm.s32 $0x8980;
	s30 =	rddreg [dreg:$0x1b];
	[sflag:s7] =	ssyncadd.s32 $0xFFFFFF00  }
0x217: {  	[tilespmem:s31], [sflag:$0x5] =	stream.linear.gather [spmem:s30], $0x100, $0x38;
	[tilespmem:$0x1E380] =	vst v63  }
0x218: {  	_ =	swait.ge [sflag:s7], $0x100  }
0x219: {  	[sflag:s7] =	ssyncset.done $0x0  }
0x21a: {  	s4 =	simm.s32 $0x8A80;
	s3 =	rddreg [dreg:$0x1c];
	[sflag:s7] =	ssyncadd.s32 $0xFFFFFF00  }
0x21b: {  	[tilespmem:s4], [sflag:$0x5] =	stream.linear.gather [spmem:s3], $0x100, $0x38;
	[tilespmem:$0x1E380] =	vst v63  }
0x21c: {  	_ =	swait.ge [sflag:s7], $0x100  }
0x21d: {  	[sflag:s7] =	ssyncset.done $0x0  }
0x21e: {  	s9 =	simm.s32 $0x8B80;
	s5 =	rddreg [dreg:$0x1d];
	[sflag:s7] =	ssyncadd.s32 $0xFFFFFF00  }
0x21f: {  	[tilespmem:s9], [sflag:$0x5] =	stream.linear.gather [spmem:s5], $0x100, $0x38;
	[tilespmem:$0x1E380] =	vst v63  }
0x220: {  	_ =	swait.ge [sflag:s7], $0x100  }
0x221: {  	[sflag:s7] =	ssyncset.done $0x0  }
0x222: {  	s12 =	simm.s32 $0x8C80;
	s10 =	rddreg [dreg:$0x1e];
	[sflag:s7] =	ssyncadd.s32 $0xFFFFFF00  }
0x223: {  	[tilespmem:s12], [sflag:$0x5] =	stream.linear.gather [spmem:s10], $0x100, $0x38;
	[tilespmem:$0x1E380] =	vst v63  }
0x224: {  	_ =	swait.ge [sflag:s7], $0x100  }
0x225: {  	[sflag:s7] =	ssyncset.done $0x0  }
0x226: {  	s25 =	simm.s32 $0x8D80;
	s19 =	rddreg [dreg:$0x1f];
	[sflag:s7] =	ssyncadd.s32 $0xFFFFFF00  }
0x227: {  	[tilespmem:s25], [sflag:$0x5] =	stream.linear.gather [spmem:s19], $0x100, $0x38;
	[tilespmem:$0x1E380] =	vst v63  }
0x228: {  	_ =	swait.ge [sflag:s7], $0x100  }
0x229: {  	s30 =	sld [smem:$0x7FA]  }
0x22a: {  	[sflag:s7] =	ssyncset.done $0x0  }
0x22b: {  	s31 =	simm.s32 $0x8E80;
	[sflag:s7] =	ssyncadd.s32 $0xFFFFFF00  }
0x22c: {  	[tilespmem:s31], [sflag:$0x5] =	stream.linear.gather [spmem:s30], $0x100, $0x38;
	[tilespmem:$0x1E380] =	vst v63  }
0x22d: {  	_ =	swait.ge [sflag:s7], $0x100  }
0x22e: {  	s3 =	sld [smem:$0x7FB]  }
0x22f: {  	[sflag:s7] =	ssyncset.done $0x0  }
0x230: {  	s4 =	simm.s32 $0x8F80;
	[sflag:s7] =	ssyncadd.s32 $0xFFFFFF00  }
0x231: {  	[tilespmem:s4], [sflag:$0x5] =	stream.linear.gather [spmem:s3], $0x100, $0x38;
	[tilespmem:$0x1E380] =	vst v63  }
0x232: {  	_ =	swait.ge [sflag:s7], $0x100  }
0x233: {  	s5 =	sld [smem:$0x7FC]  }
0x234: {  	[sflag:s7] =	ssyncset.done $0x0  }
0x235: {  	s9 =	simm.s32 $0x9080;
	[sflag:s7] =	ssyncadd.s32 $0xFFFFFF00  }
0x236: {  	[tilespmem:s9], [sflag:$0x5] =	stream.linear.gather [spmem:s5], $0x100, $0x38;
	[tilespmem:$0x1E380] =	vst v63  }
0x237: {  	_ =	swait.ge [sflag:s7], $0x100  }
0x238: {  	s10 =	sld [smem:$0x7FD]  }
0x239: {  	[sflag:s7] =	ssyncset.done $0x0  }
0x23a: {  	s12 =	simm.s32 $0x9180;
	[sflag:s7] =	ssyncadd.s32 $0xFFFFFF00  }
0x23b: {  	[tilespmem:s12], [sflag:$0x5] =	stream.linear.gather [spmem:s10], $0x100, $0x38;
	[tilespmem:$0x1E380] =	vst v63  }
0x23c: {  	_ =	swait.ge [sflag:s7], $0x100  }
0x23d: {  	[sflag:s7] =	ssyncset.done $0x0  }
0x23e: {  	[sflag:s7] =	ssyncadd.s32 $0xFFFFFF00  }
0x23f: {  	v31 =	vld [tilespmem:$0x8280]  }
0x240: {  	v30 =	vld [tilespmem:$0x8380]  }
0x241: {  	v34 =	vld [tilespmem:$0x8480]  }
0x242: {  	v38 =	vld [tilespmem:$0x8580]  }
0x243: {  	v47 =	vld [tilespmem:$0x8680]  }
0x244: {  	v53 =	vld [tilespmem:$0x8780]  }
0x245: {  	v62 =	vld [tilespmem:$0x8880]  }
0x246: {  	v2 =	vld [tilespmem:$0x8980]  }
0x247: {  	v16 =	vld [tilespmem:$0x8290]  }
0x248: {  	v13 =	vld [tilespmem:$0x8390]  }
0x249: {  	v18 =	vld [tilespmem:$0x8490]  }
0x24a: {  	v22 =	vld [tilespmem:$0x8590]  }
0x24b: {  	v27 =	vld [tilespmem:$0x8690]  }
0x24c: {  	v41 =	vld [tilespmem:$0x8790]  }
0x24d: {  	v48 =	vld [tilespmem:$0x8890]  }
0x24e: {  	v57 =	vld [tilespmem:$0x8990]  }
0x24f: {  	v56 =	vld [tilespmem:$0x8A90]  }
0x250: {  	v7 =	vld [tilespmem:$0x82A0]  }
0x251: {  	v6 =	vld [tilespmem:$0x83A0]  }
0x252: {  	v9 =	vld [tilespmem:$0x84A0]  }
0x253: {  	v11 =	vld [tilespmem:$0x85A0]  }
0x254: {  	v17 =	vld [tilespmem:$0x86A0]  }
0x255: {  	v21 =	vld [tilespmem:$0x87A0]  }
0x256: {  	v25 =	vld [tilespmem:$0x88A0]  }
0x257: {  	v33 =	vld [tilespmem:$0x89A0]  }
0x258: {  	v39 =	vld [tilespmem:$0x8AA0]  }
0x259: {  	v45 =	vld [tilespmem:$0x8BA0]  }
0x25a: {  	v54 =	vld [tilespmem:$0x8CA0]  }
0x25b: {  	v61 =	vld [tilespmem:$0x8DA0]  }
0x25c: {  	v3 =	vld [tilespmem:$0x82B0]  }
0x25d: {  	v4 =	vld [tilespmem:$0x84B0]  }
0x25e: {  	v5 =	vld [tilespmem:$0x85B0]  }
0x25f: {  	v8 =	vld [tilespmem:$0x86B0]  }
0x260: {  	v10 =	vld [tilespmem:$0x87B0]  }
0x261: {  	v12 =	vld [tilespmem:$0x88B0]  }
0x262: {  	v19 =	vld [tilespmem:$0x89B0]  }
0x263: {  	v23 =	vld [tilespmem:$0x8AB0]  }
0x264: {  	v28 =	vld [tilespmem:$0x8BB0]  }
0x265: {  	v36 =	vld [tilespmem:$0x8CB0]  }
0x266: {  	v42 =	vld [tilespmem:$0x8DB0]  }
0x267: {  	v49 =	vld [tilespmem:$0x8EB0]  }
0x268: {  	v58 =	vld [tilespmem:$0x8FB0]  }
0x269: {  	v14 =	vld [tilespmem:$0x90B0]  }
0x26a: {  	v63 =	vld [tilespmem:$0x82C0]  }
0x26b: {  	v60 =	vld [tilespmem:$0x91B0]  }
0x26c: {  	v20 =	vld [tilespmem:$0x83C0]  }
0x26d: {  	v24 =	vld [tilespmem:$0x84C0]  }
0x26e: {  	[tilespmem:$0x1FA80] =	vst v2;
	v2 =	vld [tilespmem:$0x8A80]  }
0x26f: {  	[tilespmem:$0x1FBD0] =	vst v63;
	v63 =	vld [tilespmem:$0x87D0]  }
0x270: {  	v26 =	vld [tilespmem:$0x85C0]  }
0x271: {  	v29 =	vld [tilespmem:$0x86C0]  }
0x272: {  	v32 =	vld [tilespmem:$0x87C0]  }
0x273: {  	[tilespmem:$0x1FA90] =	vst v2;
	v2 =	vld [tilespmem:$0x8B80]  }
0x274: {  	[tilespmem:$0x1FC50] =	vst v63;
	v63 =	vld [tilespmem:$0x8AE0]  }
0x275: {  	v35 =	vld [tilespmem:$0x88C0]  }
0x276: {  	v37 =	vld [tilespmem:$0x89C0]  }
0x277: {  	v40 =	vld [tilespmem:$0x8AC0]  }
0x278: {  	[tilespmem:$0x1FAA0] =	vst v2;
	v2 =	vld [tilespmem:$0x8C80]  }
0x279: {  	[tilespmem:$0x1FCF0] =	vst v63;
	v63 =	vld [tilespmem:$0x8BF0]  }
0x27a: {  	v43 =	vld [tilespmem:$0x8BC0]  }
0x27b: {  	v44 =	vld [tilespmem:$0x8CC0]  }
0x27c: {  	v46 =	vld [tilespmem:$0x8DC0]  }
0x27d: {  	[tilespmem:$0x1FAC0] =	vst v2;
	v2 =	vld [tilespmem:$0x8D80]  }
0x27e: {  	[tilespmem:$0x1FD40] =	vst v63;
	v63 =	vld [tilespmem:$0x8CF0]  }
0x27f: {  	v50 =	vld [tilespmem:$0x8EC0]  }
0x280: {  	v51 =	vld [tilespmem:$0x8FC0]  }
0x281: {  	v52 =	vld [tilespmem:$0x90C0]  }
0x282: {  	[tilespmem:$0x1FAE0] =	vst v2;
	v2 =	vld [tilespmem:$0x8E80]  }
0x283: {  	[tilespmem:$0x1FD80] =	vst v63;
	v63 =	vld [tilespmem:$0x8DF0]  }
0x284: {  	v55 =	vld [tilespmem:$0x91C0]  }
0x285: {  	v59 =	vld [tilespmem:$0x86D0]  }
0x286: {  	v15 =	vld [tilespmem:$0x82F0]  }
0x287: {  	[tilespmem:$0x1FB00] =	vst v2;
	v2 =	vld [tilespmem:$0x8F80]  }
0x288: {  	[tilespmem:$0x1FDC0] =	vst v63;
	v63 =	vld [tilespmem:$0x8EF0]  }
0x289: {  	[tilespmem:$0x1FD50] =	vst v46;
	v46 =	vld [tilespmem:$0x82D0]  }
0x28a: {  	[tilespmem:$0x1FD10] =	vst v44;
	v44 =	vld [tilespmem:$0x83D0]  }
0x28b: {  	[tilespmem:$0x1FE10] =	vst v52;
	v52 =	vld [tilespmem:$0x84D0]  }
0x28c: {  	[tilespmem:$0x1FB20] =	vst v2;
	v2 =	vld [tilespmem:$0x9080]  }
0x28d: {  	[tilespmem:$0x1FE00] =	vst v63;
	v63 =	vld [tilespmem:$0x8FF0]  }
0x28e: {  	[tilespmem:$0x1FBF0] =	vst v60;
	v60 =	vld [tilespmem:$0x85D0]  }
0x28f: {  	[tilespmem:$0x1FBE0] =	vst v20;
	v20 =	vld [tilespmem:$0x88D0]  }
0x290: {  	[tilespmem:$0x1FC00] =	vst v24;
	v24 =	vld [tilespmem:$0x89D0]  }
0x291: {  	[tilespmem:$0x1FB50] =	vst v2;
	v2 =	vld [tilespmem:$0x9180]  }
0x292: {  	[tilespmem:$0x1FE40] =	vst v63;
	v63 =	vld [tilespmem:$0x90F0]  }
0x293: {  	[tilespmem:$0x1FC10] =	vst v26;
	v26 =	vld [tilespmem:$0x8AD0]  }
0x294: {  	[tilespmem:$0x1FC20] =	vst v29;
	v29 =	vld [tilespmem:$0x8BD0]  }
0x295: {  	[tilespmem:$0x1FC40] =	vst v32;
	v32 =	vld [tilespmem:$0x8CD0]  }
0x296: {  	[tilespmem:$0x1FB80] =	vst v2;
	v2 =	vld [tilespmem:$0x8B90]  }
0x297: {  	[tilespmem:$0x1FE80] =	vst v63;
	v63 =	vld [tilespmem:$0x91F0]  }
0x298: {  	[tilespmem:$0x1FC60] =	vst v35;
	v35 =	vld [tilespmem:$0x8DD0]  }
0x299: {  	[tilespmem:$0x1FC80] =	vst v37;
	v37 =	vld [tilespmem:$0x8ED0]  }
0x29a: {  	[tilespmem:$0x1FCB0] =	vst v40;
	v40 =	vld [tilespmem:$0x8FD0]  }
0x29b: {  	[tilespmem:$0x1FAB0] =	vst v2;
	v2 =	vld [tilespmem:$0x8C90]  }
0x29c: {  	[tilespmem:$0x1FEC0] =	vst v63;
	v63 =	vld [tilespmem:$0x8300]  }
0x29d: {  	[tilespmem:$0x1FCE0] =	vst v43;
	v43 =	vld [tilespmem:$0x90D0]  }
0x29e: {  	[tilespmem:$0x1FD90] =	vst v50;
	v50 =	vld [tilespmem:$0x91D0]  }
0x29f: {  	[tilespmem:$0x1FE50] =	vst v55;
	v55 =	vld [tilespmem:$0x87E0]  }
0x2a0: {  	[tilespmem:$0x1FAD0] =	vst v2;
	v2 =	vld [tilespmem:$0x8D90]  }
0x2a1: {  	[tilespmem:$0x1FEA0] =	vst v63;
	v63 =	vld [tilespmem:$0x8400]  }
0x2a2: {  	[tilespmem:$0x1FDD0] =	vst v51;
	v51 =	vld [tilespmem:$0x88E0]  }
0x2a3: {  	[tilespmem:$0x1FC30] =	vst v59;
	v59 =	vld [tilespmem:$0x89E0]  }
0x2a4: {  	[tilespmem:$0x1FBB0] =	vst v14;
	v14 =	vld [tilespmem:$0x83F0]  }
0x2a5: {  	[tilespmem:$0x1FAF0] =	vst v2;
	v2 =	vld [tilespmem:$0x8E90]  }
0x2a6: {  	[tilespmem:$0x1FEB0] =	vst v63;
	v63 =	vld [tilespmem:$0x8500]  }
0x2a7: {  	v30 =	vadd.f32 v30, v31;
	v31 =	vld [tilespmem:$0x9000]  }
0x2a8: {  	v6 =	vadd.f32 v6, v7;
	v7 =	vld [tilespmem:$0x8310]  }
0x2a9: {  	v13 =	vadd.f32 v13, v16;
	v16 =	vld [tilespmem:$0x1FA80]  }
0x2aa: {  	[tilespmem:$0x1FB10] =	vst v2;
	v2 =	vld [tilespmem:$0x8F90]  }
0x2ab: {  	[tilespmem:$0x1FED0] =	vst v63;
	v63 =	vld [tilespmem:$0x8600]  }
0x2ac: {  	v30 =	vadd.f32 v34, v30;
	v34 =	vadd.f32 v18, v13;
	v18 =	vld [tilespmem:$0x8C10]  }
0x2ad: {  	[tilespmem:$0x1FD00] =	vst v29;
	v29 =	vld [tilespmem:$0x82E0]  }
0x2ae: {  	[tilespmem:$0x1FCD0] =	vst v26;
	v26 =	vld [tilespmem:$0x83E0]  }
0x2af: {  	[tilespmem:$0x1FB40] =	vst v2;
	v2 =	vld [tilespmem:$0x9090]  }
0x2b0: {  	[tilespmem:$0x1FEE0] =	vst v63;
	v63 =	vld [tilespmem:$0x8700]  }
0x2b1: {  	[tilespmem:$0x1FD70] =	vst v35;
	v35 =	vld [tilespmem:$0x84E0]  }
0x2b2: {  	[tilespmem:$0x1FDF0] =	vst v40;
	v40 =	vld [tilespmem:$0x85E0]  }
0x2b3: {  	[tilespmem:$0x1FE70] =	vst v50;
	v50 =	vld [tilespmem:$0x86E0]  }
0x2b4: {  	[tilespmem:$0x1FB70] =	vst v2;
	v2 =	vld [tilespmem:$0x9190]  }
0x2b5: {  	[tilespmem:$0x1FEF0] =	vst v63;
	v63 =	vld [tilespmem:$0x8800]  }
0x2b6: {  	[tilespmem:$0x1FC70] =	vst v20;
	v20 =	vld [tilespmem:$0x8BE0]  }
0x2b7: {  	[tilespmem:$0x1FCA0] =	vst v24;
	v24 =	vld [tilespmem:$0x8CE0]  }
0x2b8: {  	[tilespmem:$0x1FD30] =	vst v32;
	v32 =	vld [tilespmem:$0x8DE0]  }
0x2b9: {  	[tilespmem:$0x1FBA0] =	vst v2;
	v2 =	vld [tilespmem:$0x8EA0]  }
0x2ba: {  	[tilespmem:$0x1FF00] =	vst v63;
	v63 =	vld [tilespmem:$0x8900]  }
0x2bb: {  	[tilespmem:$0x1FDB0] =	vst v37;
	v37 =	vld [tilespmem:$0x8EE0]  }
0x2bc: {  	[tilespmem:$0x1FE30] =	vst v43;
	v43 =	vld [tilespmem:$0x8FE0]  }
0x2bd: {  	[tilespmem:$0x1FC90] =	vst v51;
	v51 =	vld [tilespmem:$0x90E0]  }
0x2be: {  	v6 =	vadd.f32 v9, v6;
	[tilespmem:$0x1FB30] =	vst v2;
	v2 =	vld [tilespmem:$0x8FA0]  }
0x2bf: {  	[tilespmem:$0x1FF10] =	vst v63;
	v63 =	vld [tilespmem:$0x8A00]  }
0x2c0: {  	v6 =	vadd.f32 v11, v6;
	[tilespmem:$0x1FCC0] =	vst v59;
	v59 =	vld [tilespmem:$0x91E0]  }
0x2c1: {  	[tilespmem:$0x1FFB0] =	vst v31;
	v31 =	vld [tilespmem:$0x8A10]  }
0x2c2: {  	v11 =	vadd.f32 v17, v6;
	v6 =	vld [tilespmem:$0x8610]  }
0x2c3: {  	[tilespmem:$0x1FB60] =	vst v2;
	v2 =	vld [tilespmem:$0x90A0]  }
0x2c4: {  	[tilespmem:$0x1FF20] =	vst v63;
	v63 =	vld [tilespmem:$0x8B00]  }
0x2c5: {  	v17 =	vld [tilespmem:$0x1FA90]  }
0x2c6: {  	v13 =	vadd.f32 v21, v11;
	v11 =	vld [tilespmem:$0x8420]  }
0x2c7: {  	[tilespmem:$0x1FD20] =	vst v20;
	v20 =	vld [tilespmem:$0x84F0]  }
0x2c8: {  	[tilespmem:$0x1FB90] =	vst v2;
	v2 =	vld [tilespmem:$0x91A0]  }
0x2c9: {  	[tilespmem:$0x1FF30] =	vst v63;
	v63 =	vld [tilespmem:$0x8C00]  }
0x2ca: {  	[tilespmem:$0x1FD60] =	vst v24;
	v24 =	vld [tilespmem:$0x85F0]  }
0x2cb: {  	[tilespmem:$0x1FDA0] =	vst v32;
	v32 =	vld [tilespmem:$0x86F0]  }
0x2cc: {  	[tilespmem:$0x1FDE0] =	vst v37;
	v37 =	vld [tilespmem:$0x87F0]  }
0x2cd: {  	[tilespmem:$0x1FBC0] =	vst v2;
	v2 =	vld [tilespmem:$0x83B0]  }
0x2ce: {  	[tilespmem:$0x1FF40] =	vst v63;
	v63 =	vld [tilespmem:$0x8D00]  }
0x2cf: {  	[tilespmem:$0x1FE20] =	vst v43;
	v43 =	vld [tilespmem:$0x88F0]  }
0x2d0: {  	[tilespmem:$0x1FE60] =	vst v51;
	v51 =	vld [tilespmem:$0x89F0]  }
0x2d1: {  	[tilespmem:$0x1FE90] =	vst v59;
	v59 =	vld [tilespmem:$0x8AF0]  }
0x2d2: {  	v21 =	vld [tilespmem:$0x1FAA0]  }
0x2d3: {  	[tilespmem:$0x1FF60] =	vst v63;
	v63 =	vld [tilespmem:$0x8E00];
	v2 =	vadd.f32 v2, v3  }
0x2d4: {  	v3 =	vld [tilespmem:$0x9100]  }
0x2d5: {  	[tilespmem:$0x1FF50] =	vst v18;
	v18 =	vld [tilespmem:$0x1FB60];
	v4 =	vadd.f32 v4, v2  }
0x2d6: {  	v2 =	vld [tilespmem:$0x8410]  }
0x2d7: {  	v4 =	vadd.f32 v5, v4;
	v5 =	vld [tilespmem:$0x8510]  }
0x2d8: {  	[tilespmem:$0x1FF70] =	vst v63;
	v63 =	vld [tilespmem:$0x8F00]  }
0x2d9: {  	[tilespmem:$0x1FFD0] =	vst v3;
	v3 =	vadd.f32 v38, v30;
	v38 =	vld [tilespmem:$0x9200]  }
0x2da: {  	v30 =	vld [tilespmem:$0x8D10]  }
0x2db: {  	v4 =	vadd.f32 v8, v4;
	v8 =	vadd.f32 v25, v13;
	v25 =	vld [tilespmem:$0x1FAB0]  }
0x2dc: {  	v3 =	vadd.f32 v47, v3;
	v47 =	vld [tilespmem:$0x1FAE0]  }
0x2dd: {  	v8 =	vadd.f32 v33, v8;
	v33 =	vld [tilespmem:$0x1FAC0]  }
0x2de: {  	v4 =	vadd.f32 v10, v4;
	v10 =	vld [tilespmem:$0x8320]  }
0x2df: {  	v3 =	vadd.f32 v53, v3;
	v53 =	vld [tilespmem:$0x1FAF0]  }
0x2e0: {  	[tilespmem:$0x1FFF0] =	vst v38;
	v38 =	vld [tilespmem:$0x8810]  }
0x2e1: {  	[tilespmem:$0x1FF90] =	vst v63;
	v63 =	vadd.f32 v22, v34;
	v22 =	vld [tilespmem:$0x8E10]  }
0x2e2: {  	v34 =	vld [tilespmem:$0x9010]  }
0x2e3: {  	v8 =	vadd.f32 v39, v8;
	v39 =	vld [tilespmem:$0x1FAD0]  }
0x2e4: {  	v4 =	vadd.f32 v12, v4;
	v12 =	vld [tilespmem:$0x9220]  }
0x2e5: {  	v3 =	vadd.f32 v62, v3;
	v62 =	vld [tilespmem:$0x1FB30]  }
0x2e6: {  	v9 =	vadd.f32 v27, v63;
	v27 =	vld [tilespmem:$0x8F10]  }
0x2e7: {  	v8 =	vadd.f32 v45, v8;
	v45 =	vld [tilespmem:$0x9110]  }
0x2e8: {  	v63 =	vld [tilespmem:$0x9210]  }
0x2e9: {  	v4 =	vadd.f32 v19, v4;
	v19 =	vld [tilespmem:$0x1FB70]  }
0x2ea: {  	v3 =	vadd.f32 v16, v3;
	v16 =	vld [tilespmem:$0x1FB40]  }
0x2eb: {  	v10 =	vadd.f32 v11, v10;
	v11 =	vld [tilespmem:$0x8E40]  }
0x2ec: {  	v9 =	vadd.f32 v41, v9;
	v41 =	vld [tilespmem:$0x8710]  }
0x2ed: {  	v8 =	vadd.f32 v54, v8;
	v54 =	vld [tilespmem:$0x1FB00]  }
0x2ee: {  	v4 =	vadd.f32 v23, v4;
	v23 =	vld [tilespmem:$0x1FBB0]  }
0x2ef: {  	[tilespmem:$0x1FFC0] =	vst v34;
	v34 =	vld [tilespmem:$0x8520]  }
0x2f0: {  	v3 =	vadd.f32 v17, v3;
	v17 =	vld [tilespmem:$0x1FB50]  }
0x2f1: {  	[tilespmem:$0x1FF80] =	vst v22;
	v22 =	vld [tilespmem:$0x1FBA0]  }
0x2f2: {  	v9 =	vadd.f32 v48, v9;
	v48 =	vld [tilespmem:$0x8910]  }
0x2f3: {  	v8 =	vadd.f32 v61, v8;
	v61 =	vld [tilespmem:$0x1FB20]  }
0x2f4: {  	[tilespmem:$0x1FFA0] =	vst v27;
	v27 =	vld [tilespmem:$0x8920]  }
0x2f5: {  	v2 =	vadd.f32 v2, v7;
	v3 =	vadd.f32 v21, v3;
	v21 =	vld [tilespmem:$0x1FB80]  }
0x2f6: {  	v4 =	vadd.f32 v28, v4;
	[tilespmem:$0x1FFE0] =	vst v45;
	v45 =	vld [tilespmem:$0x1FBE0]  }
0x2f7: {  	v2 =	vadd.f32 v5, v2;
	v9 =	vadd.f32 v57, v9;
	v57 =	vld [tilespmem:$0x8B10]  }
0x2f8: {  	v4 =	vadd.f32 v36, v4;
	v36 =	vld [tilespmem:$0x8620]  }
0x2f9: {  	v2 =	vadd.f32 v6, v2;
	v8 =	vadd.f32 v62, v8;
	v62 =	vld [tilespmem:$0x1FC20]  }
0x2fa: {  	v3 =	vadd.f32 v33, v3;
	v33 =	vld [tilespmem:$0x8B20]  }
0x2fb: {  	v2 =	vadd.f32 v41, v2;
	v41 =	vld [tilespmem:$0x1FF10]  }
0x2fc: {  	v9 =	vadd.f32 v56, v9;
	v56 =	vld [tilespmem:$0x1FB10]  }
0x2fd: {  	v4 =	vadd.f32 v42, v4;
	v42 =	vld [tilespmem:$0x8720]  }
0x2fe: {  	v3 =	vadd.f32 v47, v3;
	v47 =	vld [tilespmem:$0x1FBF0]  }
0x2ff: {  	v2 =	vadd.f32 v38, v2;
	v38 =	vld [tilespmem:$0x8F50]  }
0x300: {  	v4 =	vadd.f32 v49, v4;
	v49 =	vld [tilespmem:$0x8820]  }
0x301: {  	v9 =	vadd.f32 v25, v9;
	v25 =	vld [tilespmem:$0x1FBC0]  }
0x302: {  	v3 =	vadd.f32 v54, v3;
	v54 =	vld [tilespmem:$0x1FC00]  }
0x303: {  	v2 =	vadd.f32 v48, v2;
	v48 =	vld [tilespmem:$0x1FF30]  }
0x304: {  	v9 =	vadd.f32 v39, v9;
	v39 =	vld [tilespmem:$0x8A20]  }
0x305: {  	v4 =	vadd.f32 v58, v4;
	v58 =	vadd.f32 v14, v15;
	v14 =	vld [tilespmem:$0x9120]  }
0x306: {  	v3 =	vadd.f32 v61, v3;
	v61 =	vld [tilespmem:$0x1FC10]  }
0x307: {  	v2 =	vadd.f32 v31, v2;
	v31 =	vld [tilespmem:$0x8750]  }
0x308: {  	v9 =	vadd.f32 v53, v9;
	v53 =	vadd.f32 v44, v46;
	v44 =	vld [tilespmem:$0x1FCA0]  }
0x309: {  	v46 =	vld [tilespmem:$0x1FCC0]  }
0x30a: {  	v3 =	vadd.f32 v17, v3;
	v17 =	vld [tilespmem:$0x8F20]  }
0x30b: {  	v4 =	vadd.f32 v23, v4;
	v2 =	vadd.f32 v57, v2;
	v57 =	vld [tilespmem:$0x1FF50]  }
0x30c: {  	v9 =	vadd.f32 v56, v9;
	v56 =	vadd.f32 v26, v29;
	v26 =	vld [tilespmem:$0x1FC40]  }
0x30d: {  	v29 =	vld [tilespmem:$0x1FC50]  }
0x30e: {  	v23 =	vadd.f32 v47, v4;
	v47 =	vld [tilespmem:$0x1FCD0]  }
0x30f: {  	v4 =	vadd.f32 v52, v53;
	v52 =	vld [tilespmem:$0x1FD00]  }
0x310: {  	v53 =	vld [tilespmem:$0x1FD10]  }
0x311: {  	v28 =	vadd.f32 v21, v3;
	v3 =	vld [tilespmem:$0x1FB90]  }
0x312: {  	v21 =	vld [tilespmem:$0x8D20]  }
0x313: {  	v9 =	vadd.f32 v16, v9;
	v16 =	vld [tilespmem:$0x8C20]  }
0x314: {  	v4 =	vadd.f32 v60, v4;
	v60 =	vld [tilespmem:$0x1FD70]  }
0x315: {  	v9 =	vadd.f32 v19, v9;
	v19 =	vld [tilespmem:$0x9020]  }
0x316: {  	v8 =	vadd.f32 v18, v8;
	v2 =	vadd.f32 v57, v2;
	v57 =	vld [tilespmem:$0x8370]  }
0x317: {  	v18 =	vadd.f32 v22, v9;
	v9 =	vadd.f32 v20, v58;
	v20 =	vld [tilespmem:$0x1FC30]  }
0x318: {  	v3 =	vadd.f32 v3, v8;
	v8 =	vadd.f32 v35, v56;
	v35 =	vld [tilespmem:$0x1FC70]  }
0x319: {  	v56 =	vld [tilespmem:$0x1FD40]  }
0x31a: {  	v58 =	vld [tilespmem:$0x1FD50]  }
0x31b: {  	v2 =	vadd.f32 v30, v2;
	v30 =	vld [tilespmem:$0x8D50]  }
0x31c: {  	v22 =	vadd.f32 v25, v3;
	v3 =	vld [tilespmem:$0x1FBD0]  }
0x31d: {  	v25 =	vld [tilespmem:$0x8E20]  }
0x31e: {  	v9 =	vadd.f32 v24, v9;
	v24 =	vld [tilespmem:$0x8430]  }
0x31f: {  	v8 =	vadd.f32 v40, v8;
	v40 =	vld [tilespmem:$0x1FC90]  }
0x320: {  	v9 =	vadd.f32 v32, v9;
	v32 =	vld [tilespmem:$0x1FC60]  }
0x321: {  	v8 =	vadd.f32 v50, v8;
	v50 =	vld [tilespmem:$0x1FCE0]  }
0x322: {  	v4 =	vadd.f32 v20, v4;
	v20 =	vld [tilespmem:$0x8330]  }
0x323: {  	v9 =	vadd.f32 v37, v9;
	v37 =	vld [tilespmem:$0x1FC80]  }
0x324: {  	v8 =	vadd.f32 v55, v8;
	v55 =	vld [tilespmem:$0x1FD30]  }
0x325: {  	v4 =	vadd.f32 v29, v4;
	v29 =	vld [tilespmem:$0x8630]  }
0x326: {  	v3 =	vadd.f32 v45, v3;
	v45 =	vld [tilespmem:$0x1FCB0]  }
0x327: {  	v8 =	vadd.f32 v40, v8;
	v40 =	vld [tilespmem:$0x8A30]  }
0x328: {  	v9 =	vadd.f32 v43, v9;
	v43 =	vld [tilespmem:$0x8B30]  }
0x329: {  	v4 =	vadd.f32 v35, v4;
	v35 =	vld [tilespmem:$0x8830]  }
0x32a: {  	v3 =	vadd.f32 v54, v3;
	v54 =	vld [tilespmem:$0x1FD20]  }
0x32b: {  	v9 =	vadd.f32 v51, v9;
	v51 =	vld [tilespmem:$0x1FCF0]  }
0x32c: {  	v8 =	vadd.f32 v46, v8;
	v46 =	vld [tilespmem:$0x8E30]  }
0x32d: {  	v5 =	vadd.f32 v24, v20;
	v20 =	vld [tilespmem:$0x1FEE0];
	v3 =	vadd.f32 v61, v3  }
0x32e: {  	v24 =	vadd.f32 v34, v10;
	v10 =	vld [tilespmem:$0x8F40]  }
0x32f: {  	v4 =	vadd.f32 v44, v4;
	v44 =	vld [tilespmem:$0x8C30];
	v3 =	vadd.f32 v62, v3  }
0x330: {  	v61 =	vld [tilespmem:$0x1FD80]  }
0x331: {  	v9 =	vadd.f32 v59, v9;
	v59 =	vld [tilespmem:$0x1FD60];
	v3 =	vadd.f32 v26, v3  }
0x332: {  	v4 =	vadd.f32 v47, v4;
	v47 =	vld [tilespmem:$0x8F30]  }
0x333: {  	v62 =	vld [tilespmem:$0x1FD90];
	v3 =	vadd.f32 v32, v3  }
0x334: {  	v9 =	vadd.f32 v56, v9;
	v56 =	vld [tilespmem:$0x1FDE0]  }
0x335: {  	v26 =	vld [tilespmem:$0x8530];
	v3 =	vadd.f32 v37, v3  }
0x336: {  	v8 =	vadd.f32 v51, v8;
	v51 =	vld [tilespmem:$0x9130]  }
0x337: {  	v4 =	vadd.f32 v52, v4;
	v52 =	vld [tilespmem:$0x1FDA0];
	v3 =	vadd.f32 v45, v3  }
0x338: {  	v8 =	vadd.f32 v54, v8;
	v54 =	vld [tilespmem:$0x1FDC0]  }
0x339: {  	v9 =	vadd.f32 v61, v9;
	v61 =	vld [tilespmem:$0x1FE20];
	v3 =	vadd.f32 v50, v3  }
0x33a: {  	v4 =	vadd.f32 v55, v4;
	v8 =	vadd.f32 v59, v8;
	v59 =	vld [tilespmem:$0x1FE00]  }
0x33b: {  	v55 =	vld [tilespmem:$0x1FDD0];
	v3 =	vadd.f32 v53, v3  }
0x33c: {  	v4 =	vadd.f32 v60, v4;
	v53 =	vld [tilespmem:$0x1FDB0]  }
0x33d: {  	v60 =	vld [tilespmem:$0x1FE10];
	v9 =	vadd.f32 v54, v9;
	v3 =	vadd.f32 v58, v3  }
0x33e: {  	v58 =	vld [tilespmem:$0x1FDF0]  }
0x33f: {  	v9 =	vadd.f32 v59, v9;
	v59 =	vld [tilespmem:$0x1FE50];
	v3 =	vadd.f32 v62, v3  }
0x340: {  	v62 =	vld [tilespmem:$0x1FE30]  }
0x341: {  	v32 =	vld [tilespmem:$0x8730];
	v4 =	vadd.f32 v53, v4;
	v3 =	vadd.f32 v55, v3  }
0x342: {  	v37 =	vld [tilespmem:$0x8930];
	v5 =	vadd.f32 v26, v5;
	v8 =	vadd.f32 v52, v8  }
0x343: {  	v26 =	vld [tilespmem:$0x1FEF0];
	v4 =	vadd.f32 v58, v4;
	v3 =	vadd.f32 v60, v3  }
0x344: {  	v45 =	vld [tilespmem:$0x8D30];
	v8 =	vadd.f32 v56, v8  }
0x345: {  	v13 =	vadd.f32 v62, v4;
	v4 =	vadd.f32 v59, v3;
	v3 =	vld [tilespmem:$0x1FE60]  }
0x346: {  	v52 =	vld [tilespmem:$0x9230]  }
0x347: {  	v8 =	vadd.f32 v61, v8;
	v61 =	vld [tilespmem:$0x1FE90]  }
0x348: {  	v54 =	vld [tilespmem:$0x8440]  }
0x349: {  	v34 =	vadd.f32 v29, v5;
	v5 =	vld [tilespmem:$0x9140]  }
0x34a: {  	v62 =	vld [tilespmem:$0x1FEA0];
	v8 =	vadd.f32 v3, v8  }
0x34b: {  	v3 =	vld [tilespmem:$0x1FE70]  }
0x34c: {  	v8 =	vadd.f32 v61, v8;
	v61 =	vld [tilespmem:$0x1FEB0]  }
0x34d: {  	v58 =	vld [tilespmem:$0x1FE40]  }
0x34e: {  	v29 =	vld [tilespmem:$0x8350]  }
0x34f: {  	v60 =	vld [tilespmem:$0x1FE80]  }
0x350: {  	v50 =	vld [tilespmem:$0x9030]  }
0x351: {  	v3 =	vadd.f32 v3, v13;
	v13 =	vadd.f32 v61, v62;
	v62 =	vld [tilespmem:$0x1FEC0]  }
0x352: {  	v56 =	vld [tilespmem:$0x8640];
	v9 =	vadd.f32 v58, v9  }
0x353: {  	v53 =	vld [tilespmem:$0x8340]  }
0x354: {  	v55 =	vld [tilespmem:$0x8540];
	v9 =	vadd.f32 v60, v9  }
0x355: {  	v59 =	vld [tilespmem:$0x8840]  }
0x356: {  	v15 =	vadd.f32 v62, v9;
	v9 =	vld [tilespmem:$0x1FED0]  }
0x357: {  	v58 =	vld [tilespmem:$0x8740]  }
0x358: {  	v60 =	vld [tilespmem:$0x8940]  }
0x359: {  	v61 =	vld [tilespmem:$0x8A40]  }
0x35a: {  	v62 =	vld [tilespmem:$0x8B40]  }
0x35b: {  	v7 =	vadd.f32 v9, v13;
	v13 =	vld [tilespmem:$0x8C40]  }
0x35c: {  	v9 =	vld [tilespmem:$0x8D40]  }
0x35d: {  	v7 =	vadd.f32 v20, v7;
	v20 =	vadd.f32 v36, v24;
	v36 =	vld [tilespmem:$0x1FF00]  }
0x35e: {  	v24 =	vadd.f32 v32, v34;
	v32 =	vld [tilespmem:$0x8450]  }
0x35f: {  	v34 =	vld [tilespmem:$0x8550]  }
0x360: {  	v6 =	vadd.f32 v26, v7;
	v7 =	vld [tilespmem:$0x9040]  }
0x361: {  	v20 =	vadd.f32 v42, v20;
	v42 =	vld [tilespmem:$0x1FF20]  }
0x362: {  	v24 =	vadd.f32 v35, v24;
	v35 =	vld [tilespmem:$0x8850]  }
0x363: {  	v20 =	vadd.f32 v49, v20;
	v49 =	vld [tilespmem:$0x1FF40]  }
0x364: {  	v24 =	vadd.f32 v37, v24;
	v37 =	vld [tilespmem:$0x8B50]  }
0x365: {  	v26 =	vadd.f32 v36, v6;
	v6 =	vld [tilespmem:$0x9240]  }
0x366: {  	v36 =	vld [tilespmem:$0x8950]  }
0x367: {  	v20 =	vadd.f32 v27, v20;
	v27 =	vld [tilespmem:$0x8650]  }
0x368: {  	v24 =	vadd.f32 v40, v24;
	v40 =	vld [tilespmem:$0x1FF60]  }
0x369: {  	v26 =	vadd.f32 v41, v26;
	v41 =	vld [tilespmem:$0x1FF70]  }
0x36a: {  	v24 =	vadd.f32 v43, v24;
	v43 =	vld [tilespmem:$0x1FF90]  }
0x36b: {  	v20 =	vadd.f32 v39, v20;
	v39 =	vld [tilespmem:$0x9150]  }
0x36c: {  	v26 =	vadd.f32 v42, v26;
	v42 =	vld [tilespmem:$0x1FF80]  }
0x36d: {  	v20 =	vadd.f32 v33, v20;
	v33 =	vld [tilespmem:$0x8A50]  }
0x36e: {  	v24 =	vadd.f32 v44, v24;
	v44 =	vld [tilespmem:$0x1FFA0]  }
0x36f: {  	v29 =	vadd.f32 v32, v29;
	v26 =	vadd.f32 v48, v26;
	v48 =	vld [tilespmem:$0x1FFD0]  }
0x370: {  	v16 =	vadd.f32 v16, v20;
	v20 =	vld [tilespmem:$0x8C50]  }
0x371: {  	v29 =	vadd.f32 v34, v29;
	v24 =	vadd.f32 v45, v24;
	v45 =	vld [tilespmem:$0x1FFB0]  }
0x372: {  	v26 =	vadd.f32 v49, v26;
	v49 =	vld [tilespmem:$0x1FFE0]  }
0x373: {  	v27 =	vadd.f32 v27, v29;
	v16 =	vadd.f32 v21, v16;
	v21 =	vld [tilespmem:$0x8E50]  }
0x374: {  	v2 =	vadd.f32 v42, v2;
	v24 =	vadd.f32 v46, v24;
	v46 =	vld [tilespmem:$0x1FFC0]  }
0x375: {  	v27 =	vadd.f32 v31, v27;
	v26 =	vadd.f32 v40, v26;
	v40 =	vld [tilespmem:$0x8360]  }
0x376: {  	v16 =	vadd.f32 v25, v16;
	v25 =	vld [tilespmem:$0x9050];
	v2 =	vadd.f32 v44, v2  }
0x377: {  	v24 =	vadd.f32 v47, v24;
	v47 =	vld [tilespmem:$0x8560];
	v26 =	vadd.f32 v41, v26  }
0x378: {  	v27 =	vadd.f32 v35, v27;
	v44 =	vld [tilespmem:$0x8E60];
	v16 =	vadd.f32 v17, v16  }
0x379: {  	v26 =	vadd.f32 v43, v26;
	v2 =	vadd.f32 v46, v2;
	v46 =	vld [tilespmem:$0x8470]  }
0x37a: {  	v24 =	vadd.f32 v50, v24;
	v16 =	vadd.f32 v19, v16;
	v19 =	vld [tilespmem:$0x8460]  }
0x37b: {  	v26 =	vadd.f32 v45, v26;
	v2 =	vadd.f32 v49, v2;
	v49 =	vld [tilespmem:$0x8570]  }
0x37c: {  	v50 =	vld [tilespmem:$0x8660];
	v24 =	vadd.f32 v51, v24;
	v14 =	vadd.f32 v14, v16  }
0x37d: {  	v51 =	vld [tilespmem:$0x8670];
	v26 =	vadd.f32 v48, v26;
	v48 =	vadd.f32 v54, v53  }
0x37e: {  	v45 =	vld [tilespmem:$0x1FFF0];
	v12 =	vadd.f32 v12, v14;
	v16 =	vadd.f32 v46, v57  }
0x37f: {  	v53 =	vld [tilespmem:$0x8770];
	v14 =	vadd.f32 v55, v48;
	v19 =	vadd.f32 v19, v40  }
0x380: {  	v24 =	vadd.f32 v52, v24;
	v52 =	vld [tilespmem:$0x8760];
	v16 =	vadd.f32 v49, v16  }
0x381: {  	v55 =	vld [tilespmem:$0x8870];
	v14 =	vadd.f32 v56, v14;
	v19 =	vadd.f32 v47, v19  }
0x382: {  	v27 =	vadd.f32 v36, v27;
	v54 =	vld [tilespmem:$0x8860];
	v16 =	vadd.f32 v51, v16  }
0x383: {  	v57 =	vld [tilespmem:$0x8970];
	v14 =	vadd.f32 v58, v14;
	v19 =	vadd.f32 v50, v19  }
0x384: {  	v27 =	vadd.f32 v33, v27;
	v56 =	vld [tilespmem:$0x8960];
	v16 =	vadd.f32 v53, v16  }
0x385: {  	v14 =	vadd.f32 v59, v14;
	v19 =	vadd.f32 v52, v19;
	v59 =	vld [tilespmem:$0x8A70]  }
0x386: {  	v2 =	vadd.f32 v63, v2;
	v58 =	vld [tilespmem:$0x8A60];
	v16 =	vadd.f32 v55, v16  }
0x387: {  	v63 =	vld [tilespmem:$0x8B70];
	v14 =	vadd.f32 v60, v14;
	v19 =	vadd.f32 v54, v19  }
0x388: {  	v27 =	vadd.f32 v37, v27;
	v60 =	vld [tilespmem:$0x8B60];
	v16 =	vadd.f32 v57, v16  }
0x389: {  	v40 =	vld [tilespmem:$0x8C70];
	v14 =	vadd.f32 v61, v14;
	v19 =	vadd.f32 v56, v19  }
0x38a: {  	v36 =	vld [tilespmem:$0x8C60];
	v20 =	vadd.f32 v20, v27;
	v16 =	vadd.f32 v59, v16  }
0x38b: {  	v43 =	vld [tilespmem:$0x8D70];
	v14 =	vadd.f32 v62, v14;
	v19 =	vadd.f32 v58, v19  }
0x38c: {  	v41 =	vld [tilespmem:$0x8D60];
	v26 =	vadd.f32 v45, v26;
	v16 =	vadd.f32 v63, v16  }
0x38d: {  	v46 =	vld [tilespmem:$0x8E70];
	v13 =	vadd.f32 v13, v14;
	v42 =	vadd.f32 v60, v19  }
0x38e: {  	[tilespmem:$0x92B0] =	vst v23;
	v17 =	vld [tilespmem:$0x9250];
	v47 =	vadd.f32 v30, v20;
	v16 =	vadd.f32 v40, v16  }
0x38f: {  	[tilespmem:$0x9280] =	vst v28;
	v50 =	vld [tilespmem:$0x8F70];
	v9 =	vadd.f32 v9, v13;
	v45 =	vadd.f32 v36, v42  }
0x390: {  	[tilespmem:$0x9290] =	vst v18;
	v48 =	vld [tilespmem:$0x8F60];
	v18 =	vadd.f32 v21, v47;
	v16 =	vadd.f32 v43, v16  }
0x391: {  	[tilespmem:$0x92A0] =	vst v22;
	v54 =	vld [tilespmem:$0x9070];
	v9 =	vadd.f32 v11, v9;
	v49 =	vadd.f32 v41, v45  }
0x392: {  	[tilespmem:$0x92D0] =	vst v3;
	v51 =	vld [tilespmem:$0x9060];
	v3 =	vadd.f32 v38, v18;
	v55 =	vadd.f32 v46, v16  }
0x393: {  	[tilespmem:$0x92C0] =	vst v4;
	v58 =	vld [tilespmem:$0x9170];
	v52 =	vadd.f32 v10, v9;
	v53 =	vadd.f32 v44, v49  }
0x394: {  	[tilespmem:$0x92E0] =	vst v8;
	v3 =	vadd.f32 v25, v3;
	v56 =	vld [tilespmem:$0x9160];
	v59 =	vadd.f32 v50, v55  }
0x395: {  	[tilespmem:$0x92F0] =	vst v15;
	v62 =	vld [tilespmem:$0x9270];
	v4 =	vadd.f32 v7, v52;
	v57 =	vadd.f32 v48, v53  }
0x396: {  	[tilespmem:$0x9310] =	vst v2;
	v2 =	vadd.f32 v39, v3;
	v60 =	vld [tilespmem:$0x9260];
	v3 =	vadd.f32 v54, v59  }
0x397: {  	[tilespmem:$0x9330] =	vst v24;
	v4 =	vadd.f32 v5, v4;
	v61 =	vadd.f32 v51, v57  }
0x398: {  	[tilespmem:$0x9320] =	vst v12;
	v2 =	vadd.f32 v17, v2;
	v3 =	vadd.f32 v58, v3  }
0x399: {  	[tilespmem:$0x9300] =	vst v26;
	v4 =	vadd.f32 v6, v4;
	v5 =	vadd.f32 v56, v61  }
0x39a: {  	s25 =	sld [smem:$0x7F7];
	[tilespmem:$0x9350] =	vst v2;
	v2 =	vadd.f32 v62, v3  }
0x39b: {  	[tilespmem:$0x9340] =	vst v4;
	v63 =	vadd.f32 v60, v5  }
0x39c: {  	s19 =	rddreg [dreg:$0x16];
	[tilespmem:$0x9370] =	vst v2  }
0x39d: {  	s30 =	simm.s32 $0x9280;
	s5 =	simm.s32 $0x400;
	s0 =	sadd.s32 s25, s19;
	[tilespmem:$0x9360] =	vst v63  }
0x39e: {  	[hbm4b:s0+s11] =	stream.strided.scatter [tilespmem:s30], [sflag:$0x5], $0x100, s5, s11, $0x38;
	[tilespmem:$0x1E380] =	vst v63  }
0x39f: {  	_ =	swait.ge [sflag:s7], $0x100  }
0x3a0: {  	s31 =	sld [smem:$0x7F8];
	_ =	sdelay $0x2  }
0x3a1: {  	s3 =	sadd.s32 $0x1, s31  }
0x3a2: {  	p0 =	sne.s32 s3, $0x4  }
.Ltmp6:
0x3a3: {  	_ = 	snop;
	(pc) =	sbr.rel @p0 .LBB2_4-.Ltmp6, $3  }
0x3a4: {  	[sflag:s7] =	ssyncset.done $0x0  }
0x3a5: {  	[sflag:s7] =	ssyncadd.s32 $0xFFFFFF00  }
0x3a6: {  	[bflag:$0x0] =	sbarrier.arrive $0xFFFF;
	_ =	sdelay $0x1  }
0x3a7: {  	s3 =	sld [smem:$0x7F9];
	_ =	sdelay $0x2  }
0x3a8: {  	s0 =	rddreg [dreg:$0x17];
	s3 =	sadd.s32 $0x1, s3  }
0x3a9: {  	p0 =	sne.s32 s3, s0  }
.Ltmp7:
0x3aa: {  	_ = 	snop;
	(pc) =	sbr.rel @p0 .LBB2_1-.Ltmp7, $1  }
0x3ab: {  	_ =	sdelay $0x3  }
0x3ac: {  	_ =	sfence.sel $0x180000  }
0x3ad: {  	[bflag:$0x0] =	sbarrier.arrive $0xFFFF  }
0x3ae: {  	_ =	strace $0x90000047  }
0x3af: {  	s0 =	stileid.u32;
	[bflag:$0x2] =	sbarrier.arrive $0xFFFF  }
0x3b0: {  	p0 =	sne.s32 s0, $0x0;
	s0 =	rddreg [dreg:$0x4]  }
0x3b1: {  	s0 =	sadd.s32 @!p0 $0x100000, s0  }
0x3b2: {  	[sflag:s0] =	ssyncadd.tile.s32 @!p0 $0x1;
	_ =	shalt  }
.Lfunc_end2:
_tile_overlayer_lowered:
.L_overlay_start_2:
0x3b3: {  	(tag) =	ssettag $0x2  }
0x3b4: {  	s0 =	rddreg [dreg:$0x0];
	s2 =	stileid.u32  }
0x3b5: {  	s1 =	rddreg [dreg:$0x1];
	p0 =	sne.s32 s2, $0x0  }
0x3b6: {  	s3 =	rddreg [dreg:$0x2];
	[bflag:$0x3] =	sbarrier.arrive $0xFFFF;
	s2 =	simm.s32 @!p0 $0x1C05  }
0x3b7: {  	[timem:s3], [sflag:s2] =	dma.local @!p0 [hbm:s0], s1  }
0x3b8: {  	s0 =	simm.s32 @!p0 $0x5  }
0x3b9: {  	_ =	swait.ge @!p0 [sflag:s0], s1  }
0x3ba: {  	s1 =	ssub.s32 @!p0 $0x0, s1;
	[sflag:s0] =	ssyncset.done @!p0 $0x0  }
0x3bb: {  	[sflag:s0] =	ssyncadd.s32 @!p0 s1  }
0x3bc: {  	[bflag:$0x3] =	sbarrier.arrive $0xFFFF  }
0x3bd: {  	_ =	shalt  }

</sc_bundles>
